<compile_context>
chip_gen: v7x
topology: tpu7x:2x2x1
jax: 0.10.2.dev20260603
libtpu: 0.0.44.dev20260713+nightly
codegen_flags: <defaults>
</compile_context>

<pallas_src>
import dataclasses

import jax
import jax.numpy as jnp
from jax import lax
from jax.experimental import pallas as pl
from jax.experimental.pallas import tpu as pltpu
from jax.experimental.pallas import tpu_sc as plsc

EMBED_DIM = 64
MAX_TOKENS = 16
LANES = 16
NC, NS = 2, 16
NW = NC * NS
IDX_PER_DMA = 128
Q = 80


def _encoder_kernel(flat_ids, word_embeds16, tokens_by_entity, counts_by_entity):
    n = flat_ids.shape[0]
    n_per_w = n // NW
    n_chunks = n_per_w // Q
    n_gathers = Q * MAX_TOKENS // IDX_PER_DMA
    mesh = plsc.VectorSubcoreMesh(core_axis_name="c", subcore_axis_name="s")
    cp = pltpu.CompilerParams()
    if "needs_layout_passes" in pltpu.CompilerParams.__dataclass_fields__:
        cp = dataclasses.replace(cp, needs_layout_passes=False)
    if "use_tc_tiling_on_sc" in pltpu.CompilerParams.__dataclass_fields__:
        cp = dataclasses.replace(cp, use_tc_tiling_on_sc=False)

    def two(ty):
        return [ty, ty]

    @pl.kernel(
        compiler_params=cp,
        out_type=jax.ShapeDtypeStruct((n, EMBED_DIM), jnp.float32),
        mesh=mesh,
        scratch_types=[
            *two(pltpu.VMEM((Q,), jnp.int32)),
            *two(pltpu.VMEM((Q, MAX_TOKENS), jnp.int32)),
            *two(pltpu.VMEM((Q * MAX_TOKENS,), jnp.int32)),
            *two(pltpu.VMEM((Q, MAX_TOKENS), jnp.float32)),
            *two(pltpu.VMEM((Q, MAX_TOKENS), jnp.float32)),
            *two(pltpu.VMEM((Q,), jnp.float32)),
            *two(pltpu.VMEM((Q * MAX_TOKENS, EMBED_DIM), jnp.bfloat16)),
            *two(pltpu.VMEM((Q, EMBED_DIM), jnp.float32)),
            *two(pltpu.SemaphoreType.DMA),
            *two(pltpu.SemaphoreType.DMA),
            *two(pltpu.SemaphoreType.DMA),
            *two(pltpu.SemaphoreType.DMA),
        ],
    )
    def k(ids_hbm, emb_hbm, toks_hbm, cnts_hbm, out_hbm,
          eid0, eid1, toks0, toks1, tflat0, tflat1, cnts0, cnts1,
          cc0, cc1, inv0, inv1, embv0, embv1, outv0, outv1,
          sme0, sme1, smt0, smt1, smb0, smb1, smo0, smo1):
        eid = [eid0, eid1]
        toks = [toks0, toks1]
        tflat = [tflat0, tflat1]
        cnts = [cnts0, cnts1]
        cc = [cc0, cc1]
        inv = [inv0, inv1]
        embv = [embv0, embv1]
        outv = [outv0, outv1]
        sme = [sme0, sme1]
        smt = [smt0, smt1]
        smb = [smb0, smb1]
        smo = [smo0, smo1]

        wid = lax.axis_index("s") * NC + lax.axis_index("c")
        w_base = wid * n_per_w
        lanes = lax.iota(jnp.int32, LANES)
        evens = lanes * 2
        odds = evens + 1

        def chunk_base(kc):
            return w_base + kc * Q

        def issue_eid(kc, s):
            pltpu.async_copy(ids_hbm.at[pl.ds(chunk_base(kc), Q)], eid[s],
                             sme[s])

        def wait_eid(s):
            pltpu.make_async_copy(ids_hbm.at[pl.ds(0, Q)], eid[s],
                                  sme[s]).wait()

        def issue_tc(s):
            pltpu.async_copy(toks_hbm.at[eid[s]], toks[s], smt[s])
            pltpu.async_copy(cnts_hbm.at[eid[s]], cnts[s], smt[s])

        def wait_tc(s):
            pltpu.make_async_copy(toks_hbm.at[eid[s]], toks[s], smt[s]).wait()
            pltpu.make_async_copy(cnts_hbm.at[eid[s]], cnts[s], smt[s]).wait()

        def flatten(kc, s):
            cb0 = chunk_base(kc)

            @pl.loop(0, Q)
            def _(q):
                cr = cnts[s][q]
                cc[s][q] = cr
                spread = jnp.bitwise_and((cb0 + q) * MAX_TOKENS + lanes, 65535)
                tflat[s][pl.ds(q * MAX_TOKENS, MAX_TOKENS)] = jnp.where(
                    cr > 0.0, toks[s][q], spread)

            @pl.loop(0, Q // LANES)
            def _(g):
                qidx = g * LANES + lanes
                tot = jnp.zeros((LANES,), jnp.float32)
                for t in range(MAX_TOKENS):
                    tot = tot + plsc.load_gather(
                        cc[s], [qidx, jnp.full((LANES,), t, jnp.int32)])
                inv[s][pl.ds(g * LANES, LANES)] = (
                    jnp.full((LANES,), 1.0, jnp.float32) / jnp.maximum(tot, 1.0))

        def issue_emb(s):
            for g in range(n_gathers):
                pltpu.async_copy(
                    emb_hbm.at[tflat[s].at[pl.ds(g * IDX_PER_DMA, IDX_PER_DMA)]],
                    embv[s].at[pl.ds(g * IDX_PER_DMA, IDX_PER_DMA)], smb[s])

        def wait_emb(s):
            for g in range(n_gathers):
                pltpu.make_async_copy(
                    emb_hbm.at[tflat[s].at[pl.ds(g * IDX_PER_DMA, IDX_PER_DMA)]],
                    embv[s].at[pl.ds(g * IDX_PER_DMA, IDX_PER_DMA)],
                    smb[s]).wait()

        def compute(s):
            @pl.loop(0, Q)
            def _(q):
                qv = jnp.full((LANES,), q, jnp.int32)
                ib = plsc.load_gather(inv[s], [qv])
                accs = [jnp.zeros((LANES,), jnp.float32) for _ in range(4)]
                for t in range(MAX_TOKENS):
                    cb = plsc.load_gather(
                        cc[s], [qv, jnp.full((LANES,), t, jnp.int32)])
                    cb16 = plsc.pack(cb, cb, format=plsc.PackFormat.INTERLEAVED)
                    for h in range(2):
                        ev = embv[s][q * MAX_TOKENS + t, pl.ds(h * 32, 32)]
                        pe, po = plsc.unpack(
                            ev * cb16, format=plsc.PackFormat.INTERLEAVED)
                        accs[2 * h] = accs[2 * h] + pe
                        accs[2 * h + 1] = accs[2 * h + 1] + po
                for h in range(2):
                    plsc.store_scatter(
                        outv[s], [qv, h * 32 + evens], accs[2 * h] * ib)
                    plsc.store_scatter(
                        outv[s], [qv, h * 32 + odds], accs[2 * h + 1] * ib)

        def issue_out(kc, s):
            pltpu.async_copy(outv[s], out_hbm.at[pl.ds(chunk_base(kc), Q)],
                             smo[s])

        def wait_out(s):
            pltpu.make_async_copy(outv[s], out_hbm.at[pl.ds(0, Q)],
                                  smo[s]).wait()

        pltpu.sync_copy(ids_hbm.at[pl.ds(chunk_base(0), Q)], eid[0])
        issue_tc(0)
        pltpu.sync_copy(ids_hbm.at[pl.ds(chunk_base(1), Q)], eid[1])
        wait_tc(0)
        flatten(0, 0)
        issue_emb(0)
        issue_eid(2, 0)
        issue_tc(1)

        last = n_chunks - 1

        @pl.loop(0, n_chunks, step=2)
        def _(i):
            for h in range(2):
                kc = i + h
                s = h
                o = 1 - h

                @pl.when(kc + 1 <= last)
                def _():
                    wait_tc(o)

                @pl.when(kc + 3 <= last)
                def _():
                    issue_eid(kc + 3, o)

                @pl.when(kc + 1 <= last)
                def _():
                    flatten(kc + 1, o)
                    issue_emb(o)

                @pl.when(kc + 2 <= last)
                def _():
                    wait_eid(s)
                    issue_tc(s)

                wait_emb(s)

                @pl.when(kc >= 2)
                def _():
                    wait_out(s)

                compute(s)
                issue_out(kc, s)

        wait_out(0)
        wait_out(1)

    return k(flat_ids, word_embeds16, tokens_by_entity, counts_by_entity)


def kernel(entity_id, word_embeds, tokens_by_entity, counts_by_entity):
    shape = entity_id.shape
    flat = entity_id.reshape(-1)
    out = _encoder_kernel(flat, word_embeds.astype(jnp.bfloat16),
                          tokens_by_entity, counts_by_entity)
    return out.reshape(shape + (EMBED_DIM,))

# --- scband reference (transcript-rebuilt; emitter-appended) ---
"""Pipeline reference for scband-entity-sum-encoder-81836306858798 (READ-ONLY COPY).

The authoritative reference and input builder live on the scoring server;
editing this copy changes nothing except your own understanding.
"""

import jax, jax.numpy as jnp
import numpy as np

NUM_ENTITIES = 100000
VOCAB = 100000
EMBED_DIM = 64
MAX_TOKENS = 16
B, L = 4096, 20


def setup_inputs(seed: int = 0) -> dict:
    key = jax.random.key(seed)
    k1, k2, k3, k4, k5 = jax.random.split(key, 5)
    # forward arg
    entity_id = jax.random.randint(k1, (B, L), 0, NUM_ENTITIES, dtype=jnp.int32)
    # learned word embedding table (word_embeds)
    word_embeds = jax.random.normal(k2, (VOCAB, EMBED_DIM), dtype=jnp.float32) * 0.02
    # dense materialization of token_ctr_by_entity_id: per-entity bag-of-words.
    # tokens_by_entity[e, t] = token id (0 = pad), counts_by_entity[e, t] = count (0 = pad)
    tokens = jax.random.randint(k3, (NUM_ENTITIES, MAX_TOKENS), 1, VOCAB, dtype=jnp.int32)
    lengths = jax.random.randint(k4, (NUM_ENTITIES, 1), 1, MAX_TOKENS + 1, dtype=jnp.int32)
    pos = jnp.arange(MAX_TOKENS, dtype=jnp.int32)[None, :]
    mask = pos < lengths
    counts = jax.random.randint(k5, (NUM_ENTITIES, MAX_TOKENS), 1, 6).astype(jnp.float32)
    tokens_by_entity = jnp.where(mask, tokens, 0)
    counts_by_entity = jnp.where(mask, counts, 0.0)
    return {
        "entity_id": entity_id,
        "word_embeds": word_embeds,
        "tokens_by_entity": tokens_by_entity,
        "counts_by_entity": counts_by_entity,
    }


def reference(entity_id, word_embeds, tokens_by_entity, counts_by_entity):
    # collate_bow_doc: for each entity in the flattened batch, gather its
    # (token_ids, counts) bag-of-words document (padded to MAX_TOKENS).
    shape = entity_id.shape
    flat = entity_id.reshape(-1)                                  # [B*L]
    toks = jnp.take(tokens_by_entity, flat, axis=0)               # [B*L, T]
    cnts = jnp.take(counts_by_entity, flat, axis=0)               # [B*L, T]
    # WeightedSumEncoder(use_cnts=True): count-weighted average of word embeddings.
    emb = jnp.take(word_embeds, toks, axis=0)                     # [B*L, T, D]
    summed = jnp.sum(emb * cnts[..., None], axis=1)               # [B*L, D]
    total = jnp.clip(jnp.sum(cnts, axis=1, keepdims=True), 1.0, None)
    out = summed / total
    return out.reshape(shape + (EMBED_DIM,))                      # [B, L, D]

if __name__ == "__main__":
    import jax
    _d = setup_inputs()
    print(jax.jit(kernel)(*tuple(_d.values())))

</pallas_src>

<mosaic_0001>
#map = affine_map<(d0, d1) -> (0)>
#map1 = affine_map<(d0, d1) -> (0, 0)>
module attributes {stable_mosaic.version = 14 : i64} {
  func.func @k(%arg0: i32, %arg1: i32, %arg2: memref<81920xi32, #tpu.memory_space<hbm>>, %arg3: memref<100000x64xbf16, #tpu.memory_space<hbm>>, %arg4: memref<100000x16xi32, #tpu.memory_space<hbm>>, %arg5: memref<100000x16xf32, #tpu.memory_space<hbm>>, %arg6: memref<81920x64xf32, #tpu.memory_space<hbm>>, %arg7: memref<80xi32, #tpu.memory_space<vmem>>, %arg8: memref<80xi32, #tpu.memory_space<vmem>>, %arg9: memref<80x16xi32, #tpu.memory_space<vmem>>, %arg10: memref<80x16xi32, #tpu.memory_space<vmem>>, %arg11: memref<1280xi32, #tpu.memory_space<vmem>>, %arg12: memref<1280xi32, #tpu.memory_space<vmem>>, %arg13: memref<80x16xf32, #tpu.memory_space<vmem>>, %arg14: memref<80x16xf32, #tpu.memory_space<vmem>>, %arg15: memref<80x16xf32, #tpu.memory_space<vmem>>, %arg16: memref<80x16xf32, #tpu.memory_space<vmem>>, %arg17: memref<80xf32, #tpu.memory_space<vmem>>, %arg18: memref<80xf32, #tpu.memory_space<vmem>>, %arg19: memref<1280x64xbf16, #tpu.memory_space<vmem>>, %arg20: memref<1280x64xbf16, #tpu.memory_space<vmem>>, %arg21: memref<80x64xf32, #tpu.memory_space<vmem>>, %arg22: memref<80x64xf32, #tpu.memory_space<vmem>>, %arg23: memref<!tpu.dma_semaphore, #tpu.memory_space<semaphore_mem>>, %arg24: memref<!tpu.dma_semaphore, #tpu.memory_space<semaphore_mem>>, %arg25: memref<!tpu.dma_semaphore, #tpu.memory_space<semaphore_mem>>, %arg26: memref<!tpu.dma_semaphore, #tpu.memory_space<semaphore_mem>>, %arg27: memref<!tpu.dma_semaphore, #tpu.memory_space<semaphore_mem>>, %arg28: memref<!tpu.dma_semaphore, #tpu.memory_space<semaphore_mem>>, %arg29: memref<!tpu.dma_semaphore, #tpu.memory_space<semaphore_mem>>, %arg30: memref<!tpu.dma_semaphore, #tpu.memory_space<semaphore_mem>>) attributes {dimension_semantics = [#tpu.dimension_semantics<core_parallel>, #tpu.dimension_semantics<subcore_parallel>], iteration_bounds = array<i64: 2, 16>, scalar_prefetch = 0 : i64, scratch_operands = 24 : i64, tpu.core_type = #tpu.core_type<sc_vector_subcore>, window_params = [{transform_indices = #map}, {transform_indices = #map1}, {transform_indices = #map1}, {transform_indices = #map1}, {transform_indices = #map1}]} {
    %mul3A = arith.constant 2 : i32
    %mul3A_0 = arith.muli %arg1, %mul3A : i32
    %add3A = arith.addi %mul3A_0, %arg0 : i32
    %mul3A_1 = arith.constant 2560 : i32
    %mul3A_2 = arith.muli %add3A, %mul3A_1 : i32
    %iota3A = tpu.iota {dimensions = array<i32: 0>} : vector<16xi32>
    %mul3A_3 = arith.constant 2 : i32
    %mul3A_4 = vector.broadcast %mul3A_3 : i32 to vector<16xi32>
    %mul3A_5 = arith.muli %iota3A, %mul3A_4 : vector<16xi32>
    %add3A_6 = arith.constant 1 : i32
    %add3A_7 = vector.broadcast %add3A_6 : i32 to vector<16xi32>
    %add3A_8 = arith.addi %mul3A_5, %add3A_7 : vector<16xi32>
    %add3A_9 = arith.constant 0 : i32
    %add3A_10 = arith.addi %mul3A_2, %add3A_9 : i32
    "tpu.region"() ({
      %run_scoped3A = tpu.sem_alloc : memref<!tpu.dma_semaphore, #tpu.memory_space<semaphore_mem>>
      %dma_start3A_141 = tpu.memref_slice %arg2[%add3A_10] : memref<81920xi32, #tpu.memory_space<hbm>> -> memref<80xi32, #tpu.memory_space<hbm>>
      %dma_start3A_142 = tpu.memref_slice %arg2[%add3A_10] : memref<81920xi32, #tpu.memory_space<hbm>> -> memref<80xi32, #tpu.memory_space<hbm>>
      tpu.enqueue_dma source(%dma_start3A_142 : memref<80xi32, #tpu.memory_space<hbm>>) target(%arg7 : memref<80xi32, #tpu.memory_space<vmem>>) target_semaphore(%run_scoped3A : memref<!tpu.dma_semaphore, #tpu.memory_space<semaphore_mem>>)
      %dma_wait3A_143 = tpu.memref_slice %arg2[%add3A_10] : memref<81920xi32, #tpu.memory_space<hbm>> -> memref<80xi32, #tpu.memory_space<hbm>>
      %dma_wait3A_144 = tpu.memref_slice %arg2[%add3A_10] : memref<81920xi32, #tpu.memory_space<hbm>> -> memref<80xi32, #tpu.memory_space<hbm>>
      tpu.wait_dma2 semaphore(%run_scoped3A : memref<!tpu.dma_semaphore, #tpu.memory_space<semaphore_mem>>) src(%dma_wait3A_144 : memref<80xi32, #tpu.memory_space<hbm>>) dst(%arg7 : memref<80xi32, #tpu.memory_space<vmem>>)
      tpu.yield
    }) : () -> ()
    %dma_start3A = arith.constant 0 : i32
    %dma_start3A_11 = arith.constant 0 : i32
    %dma_start3A_12 = tpu.memref_slice %arg4[%dma_start3A, %dma_start3A_11] : memref<100000x16xi32, #tpu.memory_space<hbm>> -> memref<100000x16xi32, #tpu.memory_space<hbm>>
    tpu.enqueue_indirect_dma source(%dma_start3A_12 : memref<100000x16xi32, #tpu.memory_space<hbm>>) target(%arg9 : memref<80x16xi32, #tpu.memory_space<vmem>>) offsets(%arg7 : memref<80xi32, #tpu.memory_space<vmem>>) semaphore(%arg25 : memref<!tpu.dma_semaphore, #tpu.memory_space<semaphore_mem>>)
    %dma_start3A_13 = arith.constant 0 : i32
    %dma_start3A_14 = arith.constant 0 : i32
    %dma_start3A_15 = tpu.memref_slice %arg5[%dma_start3A_13, %dma_start3A_14] : memref<100000x16xf32, #tpu.memory_space<hbm>> -> memref<100000x16xf32, #tpu.memory_space<hbm>>
    tpu.enqueue_indirect_dma source(%dma_start3A_15 : memref<100000x16xf32, #tpu.memory_space<hbm>>) target(%arg13 : memref<80x16xf32, #tpu.memory_space<vmem>>) offsets(%arg7 : memref<80xi32, #tpu.memory_space<vmem>>) semaphore(%arg25 : memref<!tpu.dma_semaphore, #tpu.memory_space<semaphore_mem>>)
    %add3A_16 = arith.constant 80 : i32
    %add3A_17 = arith.addi %mul3A_2, %add3A_16 : i32
    "tpu.region"() ({
      %run_scoped3A = tpu.sem_alloc : memref<!tpu.dma_semaphore, #tpu.memory_space<semaphore_mem>>
      %dma_start3A_141 = tpu.memref_slice %arg2[%add3A_17] : memref<81920xi32, #tpu.memory_space<hbm>> -> memref<80xi32, #tpu.memory_space<hbm>>
      %dma_start3A_142 = tpu.memref_slice %arg2[%add3A_17] : memref<81920xi32, #tpu.memory_space<hbm>> -> memref<80xi32, #tpu.memory_space<hbm>>
      tpu.enqueue_dma source(%dma_start3A_142 : memref<80xi32, #tpu.memory_space<hbm>>) target(%arg8 : memref<80xi32, #tpu.memory_space<vmem>>) target_semaphore(%run_scoped3A : memref<!tpu.dma_semaphore, #tpu.memory_space<semaphore_mem>>)
      %dma_wait3A_143 = tpu.memref_slice %arg2[%add3A_17] : memref<81920xi32, #tpu.memory_space<hbm>> -> memref<80xi32, #tpu.memory_space<hbm>>
      %dma_wait3A_144 = tpu.memref_slice %arg2[%add3A_17] : memref<81920xi32, #tpu.memory_space<hbm>> -> memref<80xi32, #tpu.memory_space<hbm>>
      tpu.wait_dma2 semaphore(%run_scoped3A : memref<!tpu.dma_semaphore, #tpu.memory_space<semaphore_mem>>) src(%dma_wait3A_144 : memref<80xi32, #tpu.memory_space<hbm>>) dst(%arg8 : memref<80xi32, #tpu.memory_space<vmem>>)
      tpu.yield
    }) : () -> ()
    %dma_wait3A = arith.constant 0 : i32
    %dma_wait3A_18 = arith.constant 0 : i32
    %dma_wait3A_19 = tpu.memref_slice %arg4[%dma_wait3A, %dma_wait3A_18] : memref<100000x16xi32, #tpu.memory_space<hbm>> -> memref<100000x16xi32, #tpu.memory_space<hbm>>
    tpu.wait_indirect_dma semaphore(%arg25 : memref<!tpu.dma_semaphore, #tpu.memory_space<semaphore_mem>>) src(%dma_wait3A_19 : memref<100000x16xi32, #tpu.memory_space<hbm>>) dst(%arg9 : memref<80x16xi32, #tpu.memory_space<vmem>>)
    %dma_wait3A_20 = arith.constant 0 : i32
    %dma_wait3A_21 = arith.constant 0 : i32
    %dma_wait3A_22 = tpu.memref_slice %arg5[%dma_wait3A_20, %dma_wait3A_21] : memref<100000x16xf32, #tpu.memory_space<hbm>> -> memref<100000x16xf32, #tpu.memory_space<hbm>>
    tpu.wait_indirect_dma semaphore(%arg25 : memref<!tpu.dma_semaphore, #tpu.memory_space<semaphore_mem>>) src(%dma_wait3A_22 : memref<100000x16xf32, #tpu.memory_space<hbm>>) dst(%arg13 : memref<80x16xf32, #tpu.memory_space<vmem>>)
    %add3A_23 = arith.constant 0 : i32
    %add3A_24 = arith.addi %mul3A_2, %add3A_23 : i32
    %scan3A = arith.constant 0 : i32
    %scan3A_25 = arith.constant 80 : i32
    %scan3A_26 = arith.addi %scan3A, %scan3A_25 : i32
    %scan3A_27 = arith.constant 1 : i32
    scf.for %scan3A_141 = %scan3A to %scan3A_26 step %scan3A_27  : i32 {
      %mul3A_142 = arith.constant 1 : i32
      %mul3A_143 = arith.muli %scan3A_141, %mul3A_142 : i32
      %add3A_144 = arith.constant 0 : i32
      %add3A_145 = arith.addi %add3A_144, %mul3A_143 : i32
      %get3A = arith.index_cast %add3A_145 : i32 to index
      %get3A_146 = arith.constant 0 : index
      %get3A_147 = tpu.vector_load %arg13[%get3A, %get3A_146] {strides = array<i32>} : memref<80x16xf32, #tpu.memory_space<vmem>>, vector<16xf32>,
      %swap3A = arith.index_cast %add3A_145 : i32 to index
      %swap3A_148 = arith.constant 0 : index
      %swap3A_149 = tpu.vector_load %arg15[%swap3A, %swap3A_148] {strides = array<i32>} : memref<80x16xf32, #tpu.memory_space<vmem>>, vector<16xf32>,
      tpu.vector_store %arg15[%swap3A, %swap3A_148], %get3A_147 {strides = array<i32>} : memref<80x16xf32, #tpu.memory_space<vmem>>, vector<16xf32>,
      %add3A_150 = arith.addi %add3A_24, %add3A_145 : i32
      %mul3A_151 = arith.constant 16 : i32
      %mul3A_152 = arith.muli %add3A_150, %mul3A_151 : i32
      %add3A_153 = vector.broadcast %mul3A_152 : i32 to vector<16xi32>
      %add3A_154 = arith.addi %add3A_153, %iota3A : vector<16xi32>
      %and3A = arith.constant 65535 : i32
      %and3A_155 = vector.broadcast %and3A : i32 to vector<16xi32>
      %and3A_156 = arith.andi %add3A_154, %and3A_155 : vector<16xi32>
      %gt3A = arith.constant 0.000000e+00 : f32
      %gt3A_157 = vector.broadcast %gt3A : f32 to vector<16xf32>
      %gt3A_158 = arith.cmpf ogt, %get3A_147, %gt3A_157 : vector<16xf32>
      %get3A_159 = arith.index_cast %add3A_145 : i32 to index
      %get3A_160 = arith.constant 0 : index
      %get3A_161 = tpu.vector_load %arg9[%get3A_159, %get3A_160] {strides = array<i32>} : memref<80x16xi32, #tpu.memory_space<vmem>>, vector<16xi32>,
      %select_n3A = arith.select %gt3A_158, %get3A_161, %and3A_156 : vector<16xi1>, vector<16xi32>
      %mul3A_162 = arith.constant 16 : i32
      %mul3A_163 = arith.muli %add3A_145, %mul3A_162 : i32
      %swap3A_164 = arith.index_cast %mul3A_163 : i32 to index
      %swap3A_165 = tpu.vector_load %arg11[%swap3A_164] {strides = array<i32>} : memref<1280xi32, #tpu.memory_space<vmem>>, vector<16xi32>,
      tpu.vector_store %arg11[%swap3A_164], %select_n3A {strides = array<i32>} : memref<1280xi32, #tpu.memory_space<vmem>>, vector<16xi32>,
    }
    %scan3A_28 = arith.constant 80 : i32
    %scan3A_29 = arith.constant 0 : i32
    %scan3A_30 = arith.constant 5 : i32
    %scan3A_31 = arith.addi %scan3A_29, %scan3A_30 : i32
    %scan3A_32 = arith.constant 1 : i32
    scf.for %scan3A_141 = %scan3A_29 to %scan3A_31 step %scan3A_32  : i32 {
      %mul3A_142 = arith.constant 1 : i32
      %mul3A_143 = arith.muli %scan3A_141, %mul3A_142 : i32
      %add3A_144 = arith.constant 0 : i32
      %add3A_145 = arith.addi %add3A_144, %mul3A_143 : i32
      %mul3A_146 = arith.constant 16 : i32
      %mul3A_147 = arith.muli %add3A_145, %mul3A_146 : i32
      %add3A_148 = vector.broadcast %mul3A_147 : i32 to vector<16xi32>
      %add3A_149 = arith.addi %add3A_148, %iota3A : vector<16xi32>
      %broadcast_in_dim3A = arith.constant 0.000000e+00 : f32
      %broadcast_in_dim3A_150 = vector.broadcast %broadcast_in_dim3A : f32 to vector<16xf32>
      %broadcast_in_dim3A_151 = arith.constant 0 : i32
      %broadcast_in_dim3A_152 = vector.broadcast %broadcast_in_dim3A_151 : i32 to vector<16xi32>
      %gather3A = tpu.vector_load_idx %arg15[%add3A_149, %broadcast_in_dim3A_152] : memref<80x16xf32, #tpu.memory_space<vmem>>[vector<16xi32>, vector<16xi32>], vector<16xf32>,
      %add3A_153 = arith.addf %broadcast_in_dim3A_150, %gather3A : vector<16xf32>
      %broadcast_in_dim3A_154 = arith.constant 1 : i32
      %broadcast_in_dim3A_155 = vector.broadcast %broadcast_in_dim3A_154 : i32 to vector<16xi32>
      %gather3A_156 = tpu.vector_load_idx %arg15[%add3A_149, %broadcast_in_dim3A_155] : memref<80x16xf32, #tpu.memory_space<vmem>>[vector<16xi32>, vector<16xi32>], vector<16xf32>,
      %add3A_157 = arith.addf %add3A_153, %gather3A_156 : vector<16xf32>
      %broadcast_in_dim3A_158 = arith.constant 2 : i32
      %broadcast_in_dim3A_159 = vector.broadcast %broadcast_in_dim3A_158 : i32 to vector<16xi32>
      %gather3A_160 = tpu.vector_load_idx %arg15[%add3A_149, %broadcast_in_dim3A_159] : memref<80x16xf32, #tpu.memory_space<vmem>>[vector<16xi32>, vector<16xi32>], vector<16xf32>,
      %add3A_161 = arith.addf %add3A_157, %gather3A_160 : vector<16xf32>
      %broadcast_in_dim3A_162 = arith.constant 3 : i32
      %broadcast_in_dim3A_163 = vector.broadcast %broadcast_in_dim3A_162 : i32 to vector<16xi32>
      %gather3A_164 = tpu.vector_load_idx %arg15[%add3A_149, %broadcast_in_dim3A_163] : memref<80x16xf32, #tpu.memory_space<vmem>>[vector<16xi32>, vector<16xi32>], vector<16xf32>,
      %add3A_165 = arith.addf %add3A_161, %gather3A_164 : vector<16xf32>
      %broadcast_in_dim3A_166 = arith.constant 4 : i32
      %broadcast_in_dim3A_167 = vector.broadcast %broadcast_in_dim3A_166 : i32 to vector<16xi32>
      %gather3A_168 = tpu.vector_load_idx %arg15[%add3A_149, %broadcast_in_dim3A_167] : memref<80x16xf32, #tpu.memory_space<vmem>>[vector<16xi32>, vector<16xi32>], vector<16xf32>,
      %add3A_169 = arith.addf %add3A_165, %gather3A_168 : vector<16xf32>
      %broadcast_in_dim3A_170 = arith.constant 5 : i32
      %broadcast_in_dim3A_171 = vector.broadcast %broadcast_in_dim3A_170 : i32 to vector<16xi32>
      %gather3A_172 = tpu.vector_load_idx %arg15[%add3A_149, %broadcast_in_dim3A_171] : memref<80x16xf32, #tpu.memory_space<vmem>>[vector<16xi32>, vector<16xi32>], vector<16xf32>,
      %add3A_173 = arith.addf %add3A_169, %gather3A_172 : vector<16xf32>
      %broadcast_in_dim3A_174 = arith.constant 6 : i32
      %broadcast_in_dim3A_175 = vector.broadcast %broadcast_in_dim3A_174 : i32 to vector<16xi32>
      %gather3A_176 = tpu.vector_load_idx %arg15[%add3A_149, %broadcast_in_dim3A_175] : memref<80x16xf32, #tpu.memory_space<vmem>>[vector<16xi32>, vector<16xi32>], vector<16xf32>,
      %add3A_177 = arith.addf %add3A_173, %gather3A_176 : vector<16xf32>
      %broadcast_in_dim3A_178 = arith.constant 7 : i32
      %broadcast_in_dim3A_179 = vector.broadcast %broadcast_in_dim3A_178 : i32 to vector<16xi32>
      %gather3A_180 = tpu.vector_load_idx %arg15[%add3A_149, %broadcast_in_dim3A_179] : memref<80x16xf32, #tpu.memory_space<vmem>>[vector<16xi32>, vector<16xi32>], vector<16xf32>,
      %add3A_181 = arith.addf %add3A_177, %gather3A_180 : vector<16xf32>
      %broadcast_in_dim3A_182 = arith.constant 8 : i32
      %broadcast_in_dim3A_183 = vector.broadcast %broadcast_in_dim3A_182 : i32 to vector<16xi32>
      %gather3A_184 = tpu.vector_load_idx %arg15[%add3A_149, %broadcast_in_dim3A_183] : memref<80x16xf32, #tpu.memory_space<vmem>>[vector<16xi32>, vector<16xi32>], vector<16xf32>,
      %add3A_185 = arith.addf %add3A_181, %gather3A_184 : vector<16xf32>
      %broadcast_in_dim3A_186 = arith.constant 9 : i32
      %broadcast_in_dim3A_187 = vector.broadcast %broadcast_in_dim3A_186 : i32 to vector<16xi32>
      %gather3A_188 = tpu.vector_load_idx %arg15[%add3A_149, %broadcast_in_dim3A_187] : memref<80x16xf32, #tpu.memory_space<vmem>>[vector<16xi32>, vector<16xi32>], vector<16xf32>,
      %add3A_189 = arith.addf %add3A_185, %gather3A_188 : vector<16xf32>
      %broadcast_in_dim3A_190 = arith.constant 10 : i32
      %broadcast_in_dim3A_191 = vector.broadcast %broadcast_in_dim3A_190 : i32 to vector<16xi32>
      %gather3A_192 = tpu.vector_load_idx %arg15[%add3A_149, %broadcast_in_dim3A_191] : memref<80x16xf32, #tpu.memory_space<vmem>>[vector<16xi32>, vector<16xi32>], vector<16xf32>,
      %add3A_193 = arith.addf %add3A_189, %gather3A_192 : vector<16xf32>
      %broadcast_in_dim3A_194 = arith.constant 11 : i32
      %broadcast_in_dim3A_195 = vector.broadcast %broadcast_in_dim3A_194 : i32 to vector<16xi32>
      %gather3A_196 = tpu.vector_load_idx %arg15[%add3A_149, %broadcast_in_dim3A_195] : memref<80x16xf32, #tpu.memory_space<vmem>>[vector<16xi32>, vector<16xi32>], vector<16xf32>,
      %add3A_197 = arith.addf %add3A_193, %gather3A_196 : vector<16xf32>
      %broadcast_in_dim3A_198 = arith.constant 12 : i32
      %broadcast_in_dim3A_199 = vector.broadcast %broadcast_in_dim3A_198 : i32 to vector<16xi32>
      %gather3A_200 = tpu.vector_load_idx %arg15[%add3A_149, %broadcast_in_dim3A_199] : memref<80x16xf32, #tpu.memory_space<vmem>>[vector<16xi32>, vector<16xi32>], vector<16xf32>,
      %add3A_201 = arith.addf %add3A_197, %gather3A_200 : vector<16xf32>
      %broadcast_in_dim3A_202 = arith.constant 13 : i32
      %broadcast_in_dim3A_203 = vector.broadcast %broadcast_in_dim3A_202 : i32 to vector<16xi32>
      %gather3A_204 = tpu.vector_load_idx %arg15[%add3A_149, %broadcast_in_dim3A_203] : memref<80x16xf32, #tpu.memory_space<vmem>>[vector<16xi32>, vector<16xi32>], vector<16xf32>,
      %add3A_205 = arith.addf %add3A_201, %gather3A_204 : vector<16xf32>
      %broadcast_in_dim3A_206 = arith.constant 14 : i32
      %broadcast_in_dim3A_207 = vector.broadcast %broadcast_in_dim3A_206 : i32 to vector<16xi32>
      %gather3A_208 = tpu.vector_load_idx %arg15[%add3A_149, %broadcast_in_dim3A_207] : memref<80x16xf32, #tpu.memory_space<vmem>>[vector<16xi32>, vector<16xi32>], vector<16xf32>,
      %add3A_209 = arith.addf %add3A_205, %gather3A_208 : vector<16xf32>
      %broadcast_in_dim3A_210 = arith.constant 15 : i32
      %broadcast_in_dim3A_211 = vector.broadcast %broadcast_in_dim3A_210 : i32 to vector<16xi32>
      %gather3A_212 = tpu.vector_load_idx %arg15[%add3A_149, %broadcast_in_dim3A_211] : memref<80x16xf32, #tpu.memory_space<vmem>>[vector<16xi32>, vector<16xi32>], vector<16xf32>,
      %add3A_213 = arith.addf %add3A_209, %gather3A_212 : vector<16xf32>
      %broadcast_in_dim3A_214 = arith.constant 1.000000e+00 : f32
      %broadcast_in_dim3A_215 = vector.broadcast %broadcast_in_dim3A_214 : f32 to vector<16xf32>
      %max3A = arith.constant 1.000000e+00 : f32
      %max3A_216 = vector.broadcast %max3A : f32 to vector<16xf32>
      %max3A_217 = arith.maximumf %add3A_213, %max3A_216 : vector<16xf32>
      %div3A = arith.divf %broadcast_in_dim3A_215, %max3A_217 : vector<16xf32>
      %mul3A_218 = arith.constant 16 : i32
      %mul3A_219 = arith.muli %add3A_145, %mul3A_218 : i32
      %swap3A = arith.index_cast %mul3A_219 : i32 to index
      %swap3A_220 = tpu.vector_load %arg17[%swap3A] {strides = array<i32>} : memref<80xf32, #tpu.memory_space<vmem>>, vector<16xf32>,
      tpu.vector_store %arg17[%swap3A], %div3A {strides = array<i32>} : memref<80xf32, #tpu.memory_space<vmem>>, vector<16xf32>,
    }
    %scan3A_33 = arith.constant 5 : i32
    %dma_start3A_34 = arith.constant 0 : i32
    %dma_start3A_35 = arith.constant 0 : i32
    %dma_start3A_36 = tpu.memref_slice %arg19[%dma_start3A_34, %dma_start3A_35] : memref<1280x64xbf16, #tpu.memory_space<vmem>> -> memref<128x64xbf16, #tpu.memory_space<vmem>>
    %dma_start3A_37 = arith.constant 0 : i32
    %dma_start3A_38 = tpu.memref_slice %arg11[%dma_start3A_37] : memref<1280xi32, #tpu.memory_space<vmem>> -> memref<128xi32, #tpu.memory_space<vmem>>
    %dma_start3A_39 = arith.constant 0 : i32
    %dma_start3A_40 = arith.constant 0 : i32
    %dma_start3A_41 = tpu.memref_slice %arg3[%dma_start3A_39, %dma_start3A_40] : memref<100000x64xbf16, #tpu.memory_space<hbm>> -> memref<100000x64xbf16, #tpu.memory_space<hbm>>
    tpu.enqueue_indirect_dma source(%dma_start3A_41 : memref<100000x64xbf16, #tpu.memory_space<hbm>>) target(%dma_start3A_36 : memref<128x64xbf16, #tpu.memory_space<vmem>>) offsets(%dma_start3A_38 : memref<128xi32, #tpu.memory_space<vmem>>) semaphore(%arg27 : memref<!tpu.dma_semaphore, #tpu.memory_space<semaphore_mem>>)
    %dma_start3A_42 = arith.constant 128 : i32
    %dma_start3A_43 = arith.constant 0 : i32
    %dma_start3A_44 = tpu.memref_slice %arg19[%dma_start3A_42, %dma_start3A_43] : memref<1280x64xbf16, #tpu.memory_space<vmem>> -> memref<128x64xbf16, #tpu.memory_space<vmem>>
    %dma_start3A_45 = arith.constant 128 : i32
    %dma_start3A_46 = tpu.memref_slice %arg11[%dma_start3A_45] : memref<1280xi32, #tpu.memory_space<vmem>> -> memref<128xi32, #tpu.memory_space<vmem>>
    %dma_start3A_47 = arith.constant 0 : i32
    %dma_start3A_48 = arith.constant 0 : i32
    %dma_start3A_49 = tpu.memref_slice %arg3[%dma_start3A_47, %dma_start3A_48] : memref<100000x64xbf16, #tpu.memory_space<hbm>> -> memref<100000x64xbf16, #tpu.memory_space<hbm>>
    tpu.enqueue_indirect_dma source(%dma_start3A_49 : memref<100000x64xbf16, #tpu.memory_space<hbm>>) target(%dma_start3A_44 : memref<128x64xbf16, #tpu.memory_space<vmem>>) offsets(%dma_start3A_46 : memref<128xi32, #tpu.memory_space<vmem>>) semaphore(%arg27 : memref<!tpu.dma_semaphore, #tpu.memory_space<semaphore_mem>>)
    %dma_start3A_50 = arith.constant 256 : i32
    %dma_start3A_51 = arith.constant 0 : i32
    %dma_start3A_52 = tpu.memref_slice %arg19[%dma_start3A_50, %dma_start3A_51] : memref<1280x64xbf16, #tpu.memory_space<vmem>> -> memref<128x64xbf16, #tpu.memory_space<vmem>>
    %dma_start3A_53 = arith.constant 256 : i32
    %dma_start3A_54 = tpu.memref_slice %arg11[%dma_start3A_53] : memref<1280xi32, #tpu.memory_space<vmem>> -> memref<128xi32, #tpu.memory_space<vmem>>
    %dma_start3A_55 = arith.constant 0 : i32
    %dma_start3A_56 = arith.constant 0 : i32
    %dma_start3A_57 = tpu.memref_slice %arg3[%dma_start3A_55, %dma_start3A_56] : memref<100000x64xbf16, #tpu.memory_space<hbm>> -> memref<100000x64xbf16, #tpu.memory_space<hbm>>
    tpu.enqueue_indirect_dma source(%dma_start3A_57 : memref<100000x64xbf16, #tpu.memory_space<hbm>>) target(%dma_start3A_52 : memref<128x64xbf16, #tpu.memory_space<vmem>>) offsets(%dma_start3A_54 : memref<128xi32, #tpu.memory_space<vmem>>) semaphore(%arg27 : memref<!tpu.dma_semaphore, #tpu.memory_space<semaphore_mem>>)
    %dma_start3A_58 = arith.constant 384 : i32
    %dma_start3A_59 = arith.constant 0 : i32
    %dma_start3A_60 = tpu.memref_slice %arg19[%dma_start3A_58, %dma_start3A_59] : memref<1280x64xbf16, #tpu.memory_space<vmem>> -> memref<128x64xbf16, #tpu.memory_space<vmem>>
    %dma_start3A_61 = arith.constant 384 : i32
    %dma_start3A_62 = tpu.memref_slice %arg11[%dma_start3A_61] : memref<1280xi32, #tpu.memory_space<vmem>> -> memref<128xi32, #tpu.memory_space<vmem>>
    %dma_start3A_63 = arith.constant 0 : i32
    %dma_start3A_64 = arith.constant 0 : i32
    %dma_start3A_65 = tpu.memref_slice %arg3[%dma_start3A_63, %dma_start3A_64] : memref<100000x64xbf16, #tpu.memory_space<hbm>> -> memref<100000x64xbf16, #tpu.memory_space<hbm>>
    tpu.enqueue_indirect_dma source(%dma_start3A_65 : memref<100000x64xbf16, #tpu.memory_space<hbm>>) target(%dma_start3A_60 : memref<128x64xbf16, #tpu.memory_space<vmem>>) offsets(%dma_start3A_62 : memref<128xi32, #tpu.memory_space<vmem>>) semaphore(%arg27 : memref<!tpu.dma_semaphore, #tpu.memory_space<semaphore_mem>>)
    %dma_start3A_66 = arith.constant 512 : i32
    %dma_start3A_67 = arith.constant 0 : i32
    %dma_start3A_68 = tpu.memref_slice %arg19[%dma_start3A_66, %dma_start3A_67] : memref<1280x64xbf16, #tpu.memory_space<vmem>> -> memref<128x64xbf16, #tpu.memory_space<vmem>>
    %dma_start3A_69 = arith.constant 512 : i32
    %dma_start3A_70 = tpu.memref_slice %arg11[%dma_start3A_69] : memref<1280xi32, #tpu.memory_space<vmem>> -> memref<128xi32, #tpu.memory_space<vmem>>
    %dma_start3A_71 = arith.constant 0 : i32
    %dma_start3A_72 = arith.constant 0 : i32
    %dma_start3A_73 = tpu.memref_slice %arg3[%dma_start3A_71, %dma_start3A_72] : memref<100000x64xbf16, #tpu.memory_space<hbm>> -> memref<100000x64xbf16, #tpu.memory_space<hbm>>
    tpu.enqueue_indirect_dma source(%dma_start3A_73 : memref<100000x64xbf16, #tpu.memory_space<hbm>>) target(%dma_start3A_68 : memref<128x64xbf16, #tpu.memory_space<vmem>>) offsets(%dma_start3A_70 : memref<128xi32, #tpu.memory_space<vmem>>) semaphore(%arg27 : memref<!tpu.dma_semaphore, #tpu.memory_space<semaphore_mem>>)
    %dma_start3A_74 = arith.constant 640 : i32
    %dma_start3A_75 = arith.constant 0 : i32
    %dma_start3A_76 = tpu.memref_slice %arg19[%dma_start3A_74, %dma_start3A_75] : memref<1280x64xbf16, #tpu.memory_space<vmem>> -> memref<128x64xbf16, #tpu.memory_space<vmem>>
    %dma_start3A_77 = arith.constant 640 : i32
    %dma_start3A_78 = tpu.memref_slice %arg11[%dma_start3A_77] : memref<1280xi32, #tpu.memory_space<vmem>> -> memref<128xi32, #tpu.memory_space<vmem>>
    %dma_start3A_79 = arith.constant 0 : i32
    %dma_start3A_80 = arith.constant 0 : i32
    %dma_start3A_81 = tpu.memref_slice %arg3[%dma_start3A_79, %dma_start3A_80] : memref<100000x64xbf16, #tpu.memory_space<hbm>> -> memref<100000x64xbf16, #tpu.memory_space<hbm>>
    tpu.enqueue_indirect_dma source(%dma_start3A_81 : memref<100000x64xbf16, #tpu.memory_space<hbm>>) target(%dma_start3A_76 : memref<128x64xbf16, #tpu.memory_space<vmem>>) offsets(%dma_start3A_78 : memref<128xi32, #tpu.memory_space<vmem>>) semaphore(%arg27 : memref<!tpu.dma_semaphore, #tpu.memory_space<semaphore_mem>>)
    %dma_start3A_82 = arith.constant 768 : i32
    %dma_start3A_83 = arith.constant 0 : i32
    %dma_start3A_84 = tpu.memref_slice %arg19[%dma_start3A_82, %dma_start3A_83] : memref<1280x64xbf16, #tpu.memory_space<vmem>> -> memref<128x64xbf16, #tpu.memory_space<vmem>>
    %dma_start3A_85 = arith.constant 768 : i32
    %dma_start3A_86 = tpu.memref_slice %arg11[%dma_start3A_85] : memref<1280xi32, #tpu.memory_space<vmem>> -> memref<128xi32, #tpu.memory_space<vmem>>
    %dma_start3A_87 = arith.constant 0 : i32
    %dma_start3A_88 = arith.constant 0 : i32
    %dma_start3A_89 = tpu.memref_slice %arg3[%dma_start3A_87, %dma_start3A_88] : memref<100000x64xbf16, #tpu.memory_space<hbm>> -> memref<100000x64xbf16, #tpu.memory_space<hbm>>
    tpu.enqueue_indirect_dma source(%dma_start3A_89 : memref<100000x64xbf16, #tpu.memory_space<hbm>>) target(%dma_start3A_84 : memref<128x64xbf16, #tpu.memory_space<vmem>>) offsets(%dma_start3A_86 : memref<128xi32, #tpu.memory_space<vmem>>) semaphore(%arg27 : memref<!tpu.dma_semaphore, #tpu.memory_space<semaphore_mem>>)
    %dma_start3A_90 = arith.constant 896 : i32
    %dma_start3A_91 = arith.constant 0 : i32
    %dma_start3A_92 = tpu.memref_slice %arg19[%dma_start3A_90, %dma_start3A_91] : memref<1280x64xbf16, #tpu.memory_space<vmem>> -> memref<128x64xbf16, #tpu.memory_space<vmem>>
    %dma_start3A_93 = arith.constant 896 : i32
    %dma_start3A_94 = tpu.memref_slice %arg11[%dma_start3A_93] : memref<1280xi32, #tpu.memory_space<vmem>> -> memref<128xi32, #tpu.memory_space<vmem>>
    %dma_start3A_95 = arith.constant 0 : i32
    %dma_start3A_96 = arith.constant 0 : i32
    %dma_start3A_97 = tpu.memref_slice %arg3[%dma_start3A_95, %dma_start3A_96] : memref<100000x64xbf16, #tpu.memory_space<hbm>> -> memref<100000x64xbf16, #tpu.memory_space<hbm>>
    tpu.enqueue_indirect_dma source(%dma_start3A_97 : memref<100000x64xbf16, #tpu.memory_space<hbm>>) target(%dma_start3A_92 : memref<128x64xbf16, #tpu.memory_space<vmem>>) offsets(%dma_start3A_94 : memref<128xi32, #tpu.memory_space<vmem>>) semaphore(%arg27 : memref<!tpu.dma_semaphore, #tpu.memory_space<semaphore_mem>>)
    %dma_start3A_98 = arith.constant 1024 : i32
    %dma_start3A_99 = arith.constant 0 : i32
    %dma_start3A_100 = tpu.memref_slice %arg19[%dma_start3A_98, %dma_start3A_99] : memref<1280x64xbf16, #tpu.memory_space<vmem>> -> memref<128x64xbf16, #tpu.memory_space<vmem>>
    %dma_start3A_101 = arith.constant 1024 : i32
    %dma_start3A_102 = tpu.memref_slice %arg11[%dma_start3A_101] : memref<1280xi32, #tpu.memory_space<vmem>> -> memref<128xi32, #tpu.memory_space<vmem>>
    %dma_start3A_103 = arith.constant 0 : i32
    %dma_start3A_104 = arith.constant 0 : i32
    %dma_start3A_105 = tpu.memref_slice %arg3[%dma_start3A_103, %dma_start3A_104] : memref<100000x64xbf16, #tpu.memory_space<hbm>> -> memref<100000x64xbf16, #tpu.memory_space<hbm>>
    tpu.enqueue_indirect_dma source(%dma_start3A_105 : memref<100000x64xbf16, #tpu.memory_space<hbm>>) target(%dma_start3A_100 : memref<128x64xbf16, #tpu.memory_space<vmem>>) offsets(%dma_start3A_102 : memref<128xi32, #tpu.memory_space<vmem>>) semaphore(%arg27 : memref<!tpu.dma_semaphore, #tpu.memory_space<semaphore_mem>>)
    %dma_start3A_106 = arith.constant 1152 : i32
    %dma_start3A_107 = arith.constant 0 : i32
    %dma_start3A_108 = tpu.memref_slice %arg19[%dma_start3A_106, %dma_start3A_107] : memref<1280x64xbf16, #tpu.memory_space<vmem>> -> memref<128x64xbf16, #tpu.memory_space<vmem>>
    %dma_start3A_109 = arith.constant 1152 : i32
    %dma_start3A_110 = tpu.memref_slice %arg11[%dma_start3A_109] : memref<1280xi32, #tpu.memory_space<vmem>> -> memref<128xi32, #tpu.memory_space<vmem>>
    %dma_start3A_111 = arith.constant 0 : i32
    %dma_start3A_112 = arith.constant 0 : i32
    %dma_start3A_113 = tpu.memref_slice %arg3[%dma_start3A_111, %dma_start3A_112] : memref<100000x64xbf16, #tpu.memory_space<hbm>> -> memref<100000x64xbf16, #tpu.memory_space<hbm>>
    tpu.enqueue_indirect_dma source(%dma_start3A_113 : memref<100000x64xbf16, #tpu.memory_space<hbm>>) target(%dma_start3A_108 : memref<128x64xbf16, #tpu.memory_space<vmem>>) offsets(%dma_start3A_110 : memref<128xi32, #tpu.memory_space<vmem>>) semaphore(%arg27 : memref<!tpu.dma_semaphore, #tpu.memory_space<semaphore_mem>>)
    %add3A_114 = arith.constant 160 : i32
    %add3A_115 = arith.addi %mul3A_2, %add3A_114 : i32
    %dma_start3A_116 = tpu.memref_slice %arg2[%add3A_115] : memref<81920xi32, #tpu.memory_space<hbm>> -> memref<80xi32, #tpu.memory_space<hbm>>
    %dma_start3A_117 = tpu.memref_slice %arg2[%add3A_115] : memref<81920xi32, #tpu.memory_space<hbm>> -> memref<80xi32, #tpu.memory_space<hbm>>
    tpu.enqueue_dma source(%dma_start3A_117 : memref<80xi32, #tpu.memory_space<hbm>>) target(%arg7 : memref<80xi32, #tpu.memory_space<vmem>>) target_semaphore(%arg23 : memref<!tpu.dma_semaphore, #tpu.memory_space<semaphore_mem>>)
    %dma_start3A_118 = arith.constant 0 : i32
    %dma_start3A_119 = arith.constant 0 : i32
    %dma_start3A_120 = tpu.memref_slice %arg4[%dma_start3A_118, %dma_start3A_119] : memref<100000x16xi32, #tpu.memory_space<hbm>> -> memref<100000x16xi32, #tpu.memory_space<hbm>>
    tpu.enqueue_indirect_dma source(%dma_start3A_120 : memref<100000x16xi32, #tpu.memory_space<hbm>>) target(%arg10 : memref<80x16xi32, #tpu.memory_space<vmem>>) offsets(%arg8 : memref<80xi32, #tpu.memory_space<vmem>>) semaphore(%arg26 : memref<!tpu.dma_semaphore, #tpu.memory_space<semaphore_mem>>)
    %dma_start3A_121 = arith.constant 0 : i32
    %dma_start3A_122 = arith.constant 0 : i32
    %dma_start3A_123 = tpu.memref_slice %arg5[%dma_start3A_121, %dma_start3A_122] : memref<100000x16xf32, #tpu.memory_space<hbm>> -> memref<100000x16xf32, #tpu.memory_space<hbm>>
    tpu.enqueue_indirect_dma source(%dma_start3A_123 : memref<100000x16xf32, #tpu.memory_space<hbm>>) target(%arg14 : memref<80x16xf32, #tpu.memory_space<vmem>>) offsets(%arg8 : memref<80xi32, #tpu.memory_space<vmem>>) semaphore(%arg26 : memref<!tpu.dma_semaphore, #tpu.memory_space<semaphore_mem>>)
    %scan3A_124 = arith.constant 0 : i32
    %scan3A_125 = arith.constant 16 : i32
    %scan3A_126 = arith.addi %scan3A_124, %scan3A_125 : i32
    %scan3A_127 = arith.constant 1 : i32
    scf.for %scan3A_141 = %scan3A_124 to %scan3A_126 step %scan3A_127  : i32 {
      %mul3A_142 = arith.constant 2 : i32
      %mul3A_143 = arith.muli %scan3A_141, %mul3A_142 : i32
      %add3A_144 = arith.constant 0 : i32
      %add3A_145 = arith.addi %add3A_144, %mul3A_143 : i32
      %add3A_146 = arith.constant 0 : i32
      %add3A_147 = arith.addi %add3A_145, %add3A_146 : i32
      %add3A_148 = arith.constant 1 : i32
      %add3A_149 = arith.addi %add3A_147, %add3A_148 : i32
      %le3A = arith.constant 31 : i32
      %le3A_150 = arith.cmpi sle, %add3A_149, %le3A : i32
      %convert_element_type3A = arith.extui %le3A_150 : i1 to i32
      %cond3A = arith.constant 0 : i32
      %cond3A_151 = arith.cmpi ne, %convert_element_type3A, %cond3A : i32
      scf.if %cond3A_151 {
        %dma_wait3A_396 = arith.constant 0 : i32
        %dma_wait3A_397 = arith.constant 0 : i32
        %dma_wait3A_398 = tpu.memref_slice %arg4[%dma_wait3A_396, %dma_wait3A_397] : memref<100000x16xi32, #tpu.memory_space<hbm>> -> memref<100000x16xi32, #tpu.memory_space<hbm>>
        tpu.wait_indirect_dma semaphore(%arg26 : memref<!tpu.dma_semaphore, #tpu.memory_space<semaphore_mem>>) src(%dma_wait3A_398 : memref<100000x16xi32, #tpu.memory_space<hbm>>) dst(%arg10 : memref<80x16xi32, #tpu.memory_space<vmem>>)
        %dma_wait3A_399 = arith.constant 0 : i32
        %dma_wait3A_400 = arith.constant 0 : i32
        %dma_wait3A_401 = tpu.memref_slice %arg5[%dma_wait3A_399, %dma_wait3A_400] : memref<100000x16xf32, #tpu.memory_space<hbm>> -> memref<100000x16xf32, #tpu.memory_space<hbm>>
        tpu.wait_indirect_dma semaphore(%arg26 : memref<!tpu.dma_semaphore, #tpu.memory_space<semaphore_mem>>) src(%dma_wait3A_401 : memref<100000x16xf32, #tpu.memory_space<hbm>>) dst(%arg14 : memref<80x16xf32, #tpu.memory_space<vmem>>)
      } else {
      }
      %add3A_152 = arith.constant 3 : i32
      %add3A_153 = arith.addi %add3A_147, %add3A_152 : i32
      %le3A_154 = arith.constant 31 : i32
      %le3A_155 = arith.cmpi sle, %add3A_153, %le3A_154 : i32
      %convert_element_type3A_156 = arith.extui %le3A_155 : i1 to i32
      %cond3A_157 = arith.constant 0 : i32
      %cond3A_158 = arith.cmpi ne, %convert_element_type3A_156, %cond3A_157 : i32
      scf.if %cond3A_158 {
        %add3A_396 = arith.constant 3 : i32
        %add3A_397 = arith.addi %add3A_147, %add3A_396 : i32
        %mul3A_398 = arith.constant 80 : i32
        %mul3A_399 = arith.muli %add3A_397, %mul3A_398 : i32
        %add3A_400 = arith.addi %mul3A_2, %mul3A_399 : i32
        %dma_start3A_401 = tpu.memref_slice %arg2[%add3A_400] : memref<81920xi32, #tpu.memory_space<hbm>> -> memref<80xi32, #tpu.memory_space<hbm>>
        %dma_start3A_402 = tpu.memref_slice %arg2[%add3A_400] : memref<81920xi32, #tpu.memory_space<hbm>> -> memref<80xi32, #tpu.memory_space<hbm>>
        tpu.enqueue_dma source(%dma_start3A_402 : memref<80xi32, #tpu.memory_space<hbm>>) target(%arg8 : memref<80xi32, #tpu.memory_space<vmem>>) target_semaphore(%arg24 : memref<!tpu.dma_semaphore, #tpu.memory_space<semaphore_mem>>)
      } else {
      }
      %add3A_159 = arith.constant 1 : i32
      %add3A_160 = arith.addi %add3A_147, %add3A_159 : i32
      %le3A_161 = arith.constant 31 : i32
      %le3A_162 = arith.cmpi sle, %add3A_160, %le3A_161 : i32
      %convert_element_type3A_163 = arith.extui %le3A_162 : i1 to i32
      %cond3A_164 = arith.constant 0 : i32
      %cond3A_165 = arith.cmpi ne, %convert_element_type3A_163, %cond3A_164 : i32
      scf.if %cond3A_165 {
        %add3A_396 = arith.constant 1 : i32
        %add3A_397 = arith.addi %add3A_147, %add3A_396 : i32
        %mul3A_398 = arith.constant 80 : i32
        %mul3A_399 = arith.muli %add3A_397, %mul3A_398 : i32
        %add3A_400 = arith.addi %mul3A_2, %mul3A_399 : i32
        %scan3A_401 = arith.constant 0 : i32
        %scan3A_402 = arith.constant 80 : i32
        %scan3A_403 = arith.addi %scan3A_401, %scan3A_402 : i32
        %scan3A_404 = arith.constant 1 : i32
        scf.for %scan3A_491 = %scan3A_401 to %scan3A_403 step %scan3A_404  : i32 {
          %mul3A_492 = arith.constant 1 : i32
          %mul3A_493 = arith.muli %scan3A_491, %mul3A_492 : i32
          %add3A_494 = arith.constant 0 : i32
          %add3A_495 = arith.addi %add3A_494, %mul3A_493 : i32
          %get3A = arith.index_cast %add3A_495 : i32 to index
          %get3A_496 = arith.constant 0 : index
          %get3A_497 = tpu.vector_load %arg14[%get3A, %get3A_496] {strides = array<i32>} : memref<80x16xf32, #tpu.memory_space<vmem>>, vector<16xf32>,
          %swap3A = arith.index_cast %add3A_495 : i32 to index
          %swap3A_498 = arith.constant 0 : index
          %swap3A_499 = tpu.vector_load %arg16[%swap3A, %swap3A_498] {strides = array<i32>} : memref<80x16xf32, #tpu.memory_space<vmem>>, vector<16xf32>,
          tpu.vector_store %arg16[%swap3A, %swap3A_498], %get3A_497 {strides = array<i32>} : memref<80x16xf32, #tpu.memory_space<vmem>>, vector<16xf32>,
          %add3A_500 = arith.addi %add3A_400, %add3A_495 : i32
          %mul3A_501 = arith.constant 16 : i32
          %mul3A_502 = arith.muli %add3A_500, %mul3A_501 : i32
          %add3A_503 = vector.broadcast %mul3A_502 : i32 to vector<16xi32>
          %add3A_504 = arith.addi %add3A_503, %iota3A : vector<16xi32>
          %and3A = arith.constant 65535 : i32
          %and3A_505 = vector.broadcast %and3A : i32 to vector<16xi32>
          %and3A_506 = arith.andi %add3A_504, %and3A_505 : vector<16xi32>
          %gt3A = arith.constant 0.000000e+00 : f32
          %gt3A_507 = vector.broadcast %gt3A : f32 to vector<16xf32>
          %gt3A_508 = arith.cmpf ogt, %get3A_497, %gt3A_507 : vector<16xf32>
          %get3A_509 = arith.index_cast %add3A_495 : i32 to index
          %get3A_510 = arith.constant 0 : index
          %get3A_511 = tpu.vector_load %arg10[%get3A_509, %get3A_510] {strides = array<i32>} : memref<80x16xi32, #tpu.memory_space<vmem>>, vector<16xi32>,
          %select_n3A = arith.select %gt3A_508, %get3A_511, %and3A_506 : vector<16xi1>, vector<16xi32>
          %mul3A_512 = arith.constant 16 : i32
          %mul3A_513 = arith.muli %add3A_495, %mul3A_512 : i32
          %swap3A_514 = arith.index_cast %mul3A_513 : i32 to index
          %swap3A_515 = tpu.vector_load %arg12[%swap3A_514] {strides = array<i32>} : memref<1280xi32, #tpu.memory_space<vmem>>, vector<16xi32>,
          tpu.vector_store %arg12[%swap3A_514], %select_n3A {strides = array<i32>} : memref<1280xi32, #tpu.memory_space<vmem>>, vector<16xi32>,
        }
        %scan3A_405 = arith.constant 80 : i32
        %scan3A_406 = arith.constant 0 : i32
        %scan3A_407 = arith.constant 5 : i32
        %scan3A_408 = arith.addi %scan3A_406, %scan3A_407 : i32
        %scan3A_409 = arith.constant 1 : i32
        scf.for %scan3A_491 = %scan3A_406 to %scan3A_408 step %scan3A_409  : i32 {
          %mul3A_492 = arith.constant 1 : i32
          %mul3A_493 = arith.muli %scan3A_491, %mul3A_492 : i32
          %add3A_494 = arith.constant 0 : i32
          %add3A_495 = arith.addi %add3A_494, %mul3A_493 : i32
          %mul3A_496 = arith.constant 16 : i32
          %mul3A_497 = arith.muli %add3A_495, %mul3A_496 : i32
          %add3A_498 = vector.broadcast %mul3A_497 : i32 to vector<16xi32>
          %add3A_499 = arith.addi %add3A_498, %iota3A : vector<16xi32>
          %broadcast_in_dim3A = arith.constant 0.000000e+00 : f32
          %broadcast_in_dim3A_500 = vector.broadcast %broadcast_in_dim3A : f32 to vector<16xf32>
          %broadcast_in_dim3A_501 = arith.constant 0 : i32
          %broadcast_in_dim3A_502 = vector.broadcast %broadcast_in_dim3A_501 : i32 to vector<16xi32>
          %gather3A = tpu.vector_load_idx %arg16[%add3A_499, %broadcast_in_dim3A_502] : memref<80x16xf32, #tpu.memory_space<vmem>>[vector<16xi32>, vector<16xi32>], vector<16xf32>,
          %add3A_503 = arith.addf %broadcast_in_dim3A_500, %gather3A : vector<16xf32>
          %broadcast_in_dim3A_504 = arith.constant 1 : i32
          %broadcast_in_dim3A_505 = vector.broadcast %broadcast_in_dim3A_504 : i32 to vector<16xi32>
          %gather3A_506 = tpu.vector_load_idx %arg16[%add3A_499, %broadcast_in_dim3A_505] : memref<80x16xf32, #tpu.memory_space<vmem>>[vector<16xi32>, vector<16xi32>], vector<16xf32>,
          %add3A_507 = arith.addf %add3A_503, %gather3A_506 : vector<16xf32>
          %broadcast_in_dim3A_508 = arith.constant 2 : i32
          %broadcast_in_dim3A_509 = vector.broadcast %broadcast_in_dim3A_508 : i32 to vector<16xi32>
          %gather3A_510 = tpu.vector_load_idx %arg16[%add3A_499, %broadcast_in_dim3A_509] : memref<80x16xf32, #tpu.memory_space<vmem>>[vector<16xi32>, vector<16xi32>], vector<16xf32>,
          %add3A_511 = arith.addf %add3A_507, %gather3A_510 : vector<16xf32>
          %broadcast_in_dim3A_512 = arith.constant 3 : i32
          %broadcast_in_dim3A_513 = vector.broadcast %broadcast_in_dim3A_512 : i32 to vector<16xi32>
          %gather3A_514 = tpu.vector_load_idx %arg16[%add3A_499, %broadcast_in_dim3A_513] : memref<80x16xf32, #tpu.memory_space<vmem>>[vector<16xi32>, vector<16xi32>], vector<16xf32>,
          %add3A_515 = arith.addf %add3A_511, %gather3A_514 : vector<16xf32>
          %broadcast_in_dim3A_516 = arith.constant 4 : i32
          %broadcast_in_dim3A_517 = vector.broadcast %broadcast_in_dim3A_516 : i32 to vector<16xi32>
          %gather3A_518 = tpu.vector_load_idx %arg16[%add3A_499, %broadcast_in_dim3A_517] : memref<80x16xf32, #tpu.memory_space<vmem>>[vector<16xi32>, vector<16xi32>], vector<16xf32>,
          %add3A_519 = arith.addf %add3A_515, %gather3A_518 : vector<16xf32>
          %broadcast_in_dim3A_520 = arith.constant 5 : i32
          %broadcast_in_dim3A_521 = vector.broadcast %broadcast_in_dim3A_520 : i32 to vector<16xi32>
          %gather3A_522 = tpu.vector_load_idx %arg16[%add3A_499, %broadcast_in_dim3A_521] : memref<80x16xf32, #tpu.memory_space<vmem>>[vector<16xi32>, vector<16xi32>], vector<16xf32>,
          %add3A_523 = arith.addf %add3A_519, %gather3A_522 : vector<16xf32>
          %broadcast_in_dim3A_524 = arith.constant 6 : i32
          %broadcast_in_dim3A_525 = vector.broadcast %broadcast_in_dim3A_524 : i32 to vector<16xi32>
          %gather3A_526 = tpu.vector_load_idx %arg16[%add3A_499, %broadcast_in_dim3A_525] : memref<80x16xf32, #tpu.memory_space<vmem>>[vector<16xi32>, vector<16xi32>], vector<16xf32>,
          %add3A_527 = arith.addf %add3A_523, %gather3A_526 : vector<16xf32>
          %broadcast_in_dim3A_528 = arith.constant 7 : i32
          %broadcast_in_dim3A_529 = vector.broadcast %broadcast_in_dim3A_528 : i32 to vector<16xi32>
          %gather3A_530 = tpu.vector_load_idx %arg16[%add3A_499, %broadcast_in_dim3A_529] : memref<80x16xf32, #tpu.memory_space<vmem>>[vector<16xi32>, vector<16xi32>], vector<16xf32>,
          %add3A_531 = arith.addf %add3A_527, %gather3A_530 : vector<16xf32>
          %broadcast_in_dim3A_532 = arith.constant 8 : i32
          %broadcast_in_dim3A_533 = vector.broadcast %broadcast_in_dim3A_532 : i32 to vector<16xi32>
          %gather3A_534 = tpu.vector_load_idx %arg16[%add3A_499, %broadcast_in_dim3A_533] : memref<80x16xf32, #tpu.memory_space<vmem>>[vector<16xi32>, vector<16xi32>], vector<16xf32>,
          %add3A_535 = arith.addf %add3A_531, %gather3A_534 : vector<16xf32>
          %broadcast_in_dim3A_536 = arith.constant 9 : i32
          %broadcast_in_dim3A_537 = vector.broadcast %broadcast_in_dim3A_536 : i32 to vector<16xi32>
          %gather3A_538 = tpu.vector_load_idx %arg16[%add3A_499, %broadcast_in_dim3A_537] : memref<80x16xf32, #tpu.memory_space<vmem>>[vector<16xi32>, vector<16xi32>], vector<16xf32>,
          %add3A_539 = arith.addf %add3A_535, %gather3A_538 : vector<16xf32>
          %broadcast_in_dim3A_540 = arith.constant 10 : i32
          %broadcast_in_dim3A_541 = vector.broadcast %broadcast_in_dim3A_540 : i32 to vector<16xi32>
          %gather3A_542 = tpu.vector_load_idx %arg16[%add3A_499, %broadcast_in_dim3A_541] : memref<80x16xf32, #tpu.memory_space<vmem>>[vector<16xi32>, vector<16xi32>], vector<16xf32>,
          %add3A_543 = arith.addf %add3A_539, %gather3A_542 : vector<16xf32>
          %broadcast_in_dim3A_544 = arith.constant 11 : i32
          %broadcast_in_dim3A_545 = vector.broadcast %broadcast_in_dim3A_544 : i32 to vector<16xi32>
          %gather3A_546 = tpu.vector_load_idx %arg16[%add3A_499, %broadcast_in_dim3A_545] : memref<80x16xf32, #tpu.memory_space<vmem>>[vector<16xi32>, vector<16xi32>], vector<16xf32>,
          %add3A_547 = arith.addf %add3A_543, %gather3A_546 : vector<16xf32>
          %broadcast_in_dim3A_548 = arith.constant 12 : i32
          %broadcast_in_dim3A_549 = vector.broadcast %broadcast_in_dim3A_548 : i32 to vector<16xi32>
          %gather3A_550 = tpu.vector_load_idx %arg16[%add3A_499, %broadcast_in_dim3A_549] : memref<80x16xf32, #tpu.memory_space<vmem>>[vector<16xi32>, vector<16xi32>], vector<16xf32>,
          %add3A_551 = arith.addf %add3A_547, %gather3A_550 : vector<16xf32>
          %broadcast_in_dim3A_552 = arith.constant 13 : i32
          %broadcast_in_dim3A_553 = vector.broadcast %broadcast_in_dim3A_552 : i32 to vector<16xi32>
          %gather3A_554 = tpu.vector_load_idx %arg16[%add3A_499, %broadcast_in_dim3A_553] : memref<80x16xf32, #tpu.memory_space<vmem>>[vector<16xi32>, vector<16xi32>], vector<16xf32>,
          %add3A_555 = arith.addf %add3A_551, %gather3A_554 : vector<16xf32>
          %broadcast_in_dim3A_556 = arith.constant 14 : i32
          %broadcast_in_dim3A_557 = vector.broadcast %broadcast_in_dim3A_556 : i32 to vector<16xi32>
          %gather3A_558 = tpu.vector_load_idx %arg16[%add3A_499, %broadcast_in_dim3A_557] : memref<80x16xf32, #tpu.memory_space<vmem>>[vector<16xi32>, vector<16xi32>], vector<16xf32>,
          %add3A_559 = arith.addf %add3A_555, %gather3A_558 : vector<16xf32>
          %broadcast_in_dim3A_560 = arith.constant 15 : i32
          %broadcast_in_dim3A_561 = vector.broadcast %broadcast_in_dim3A_560 : i32 to vector<16xi32>
          %gather3A_562 = tpu.vector_load_idx %arg16[%add3A_499, %broadcast_in_dim3A_561] : memref<80x16xf32, #tpu.memory_space<vmem>>[vector<16xi32>, vector<16xi32>], vector<16xf32>,
          %add3A_563 = arith.addf %add3A_559, %gather3A_562 : vector<16xf32>
          %broadcast_in_dim3A_564 = arith.constant 1.000000e+00 : f32
          %broadcast_in_dim3A_565 = vector.broadcast %broadcast_in_dim3A_564 : f32 to vector<16xf32>
          %max3A = arith.constant 1.000000e+00 : f32
          %max3A_566 = vector.broadcast %max3A : f32 to vector<16xf32>
          %max3A_567 = arith.maximumf %add3A_563, %max3A_566 : vector<16xf32>
          %div3A = arith.divf %broadcast_in_dim3A_565, %max3A_567 : vector<16xf32>
          %mul3A_568 = arith.constant 16 : i32
          %mul3A_569 = arith.muli %add3A_495, %mul3A_568 : i32
          %swap3A = arith.index_cast %mul3A_569 : i32 to index
          %swap3A_570 = tpu.vector_load %arg18[%swap3A] {strides = array<i32>} : memref<80xf32, #tpu.memory_space<vmem>>, vector<16xf32>,
          tpu.vector_store %arg18[%swap3A], %div3A {strides = array<i32>} : memref<80xf32, #tpu.memory_space<vmem>>, vector<16xf32>,
        }
        %scan3A_410 = arith.constant 5 : i32
        %dma_start3A_411 = arith.constant 0 : i32
        %dma_start3A_412 = arith.constant 0 : i32
        %dma_start3A_413 = tpu.memref_slice %arg20[%dma_start3A_411, %dma_start3A_412] : memref<1280x64xbf16, #tpu.memory_space<vmem>> -> memref<128x64xbf16, #tpu.memory_space<vmem>>
        %dma_start3A_414 = arith.constant 0 : i32
        %dma_start3A_415 = tpu.memref_slice %arg12[%dma_start3A_414] : memref<1280xi32, #tpu.memory_space<vmem>> -> memref<128xi32, #tpu.memory_space<vmem>>
        %dma_start3A_416 = arith.constant 0 : i32
        %dma_start3A_417 = arith.constant 0 : i32
        %dma_start3A_418 = tpu.memref_slice %arg3[%dma_start3A_416, %dma_start3A_417] : memref<100000x64xbf16, #tpu.memory_space<hbm>> -> memref<100000x64xbf16, #tpu.memory_space<hbm>>
        tpu.enqueue_indirect_dma source(%dma_start3A_418 : memref<100000x64xbf16, #tpu.memory_space<hbm>>) target(%dma_start3A_413 : memref<128x64xbf16, #tpu.memory_space<vmem>>) offsets(%dma_start3A_415 : memref<128xi32, #tpu.memory_space<vmem>>) semaphore(%arg28 : memref<!tpu.dma_semaphore, #tpu.memory_space<semaphore_mem>>)
        %dma_start3A_419 = arith.constant 128 : i32
        %dma_start3A_420 = arith.constant 0 : i32
        %dma_start3A_421 = tpu.memref_slice %arg20[%dma_start3A_419, %dma_start3A_420] : memref<1280x64xbf16, #tpu.memory_space<vmem>> -> memref<128x64xbf16, #tpu.memory_space<vmem>>
        %dma_start3A_422 = arith.constant 128 : i32
        %dma_start3A_423 = tpu.memref_slice %arg12[%dma_start3A_422] : memref<1280xi32, #tpu.memory_space<vmem>> -> memref<128xi32, #tpu.memory_space<vmem>>
        %dma_start3A_424 = arith.constant 0 : i32
        %dma_start3A_425 = arith.constant 0 : i32
        %dma_start3A_426 = tpu.memref_slice %arg3[%dma_start3A_424, %dma_start3A_425] : memref<100000x64xbf16, #tpu.memory_space<hbm>> -> memref<100000x64xbf16, #tpu.memory_space<hbm>>
        tpu.enqueue_indirect_dma source(%dma_start3A_426 : memref<100000x64xbf16, #tpu.memory_space<hbm>>) target(%dma_start3A_421 : memref<128x64xbf16, #tpu.memory_space<vmem>>) offsets(%dma_start3A_423 : memref<128xi32, #tpu.memory_space<vmem>>) semaphore(%arg28 : memref<!tpu.dma_semaphore, #tpu.memory_space<semaphore_mem>>)
        %dma_start3A_427 = arith.constant 256 : i32
        %dma_start3A_428 = arith.constant 0 : i32
        %dma_start3A_429 = tpu.memref_slice %arg20[%dma_start3A_427, %dma_start3A_428] : memref<1280x64xbf16, #tpu.memory_space<vmem>> -> memref<128x64xbf16, #tpu.memory_space<vmem>>
        %dma_start3A_430 = arith.constant 256 : i32
        %dma_start3A_431 = tpu.memref_slice %arg12[%dma_start3A_430] : memref<1280xi32, #tpu.memory_space<vmem>> -> memref<128xi32, #tpu.memory_space<vmem>>
        %dma_start3A_432 = arith.constant 0 : i32
        %dma_start3A_433 = arith.constant 0 : i32
        %dma_start3A_434 = tpu.memref_slice %arg3[%dma_start3A_432, %dma_start3A_433] : memref<100000x64xbf16, #tpu.memory_space<hbm>> -> memref<100000x64xbf16, #tpu.memory_space<hbm>>
        tpu.enqueue_indirect_dma source(%dma_start3A_434 : memref<100000x64xbf16, #tpu.memory_space<hbm>>) target(%dma_start3A_429 : memref<128x64xbf16, #tpu.memory_space<vmem>>) offsets(%dma_start3A_431 : memref<128xi32, #tpu.memory_space<vmem>>) semaphore(%arg28 : memref<!tpu.dma_semaphore, #tpu.memory_space<semaphore_mem>>)
        %dma_start3A_435 = arith.constant 384 : i32
        %dma_start3A_436 = arith.constant 0 : i32
        %dma_start3A_437 = tpu.memref_slice %arg20[%dma_start3A_435, %dma_start3A_436] : memref<1280x64xbf16, #tpu.memory_space<vmem>> -> memref<128x64xbf16, #tpu.memory_space<vmem>>
        %dma_start3A_438 = arith.constant 384 : i32
        %dma_start3A_439 = tpu.memref_slice %arg12[%dma_start3A_438] : memref<1280xi32, #tpu.memory_space<vmem>> -> memref<128xi32, #tpu.memory_space<vmem>>
        %dma_start3A_440 = arith.constant 0 : i32
        %dma_start3A_441 = arith.constant 0 : i32
        %dma_start3A_442 = tpu.memref_slice %arg3[%dma_start3A_440, %dma_start3A_441] : memref<100000x64xbf16, #tpu.memory_space<hbm>> -> memref<100000x64xbf16, #tpu.memory_space<hbm>>
        tpu.enqueue_indirect_dma source(%dma_start3A_442 : memref<100000x64xbf16, #tpu.memory_space<hbm>>) target(%dma_start3A_437 : memref<128x64xbf16, #tpu.memory_space<vmem>>) offsets(%dma_start3A_439 : memref<128xi32, #tpu.memory_space<vmem>>) semaphore(%arg28 : memref<!tpu.dma_semaphore, #tpu.memory_space<semaphore_mem>>)
        %dma_start3A_443 = arith.constant 512 : i32
        %dma_start3A_444 = arith.constant 0 : i32
        %dma_start3A_445 = tpu.memref_slice %arg20[%dma_start3A_443, %dma_start3A_444] : memref<1280x64xbf16, #tpu.memory_space<vmem>> -> memref<128x64xbf16, #tpu.memory_space<vmem>>
        %dma_start3A_446 = arith.constant 512 : i32
        %dma_start3A_447 = tpu.memref_slice %arg12[%dma_start3A_446] : memref<1280xi32, #tpu.memory_space<vmem>> -> memref<128xi32, #tpu.memory_space<vmem>>
        %dma_start3A_448 = arith.constant 0 : i32
        %dma_start3A_449 = arith.constant 0 : i32
        %dma_start3A_450 = tpu.memref_slice %arg3[%dma_start3A_448, %dma_start3A_449] : memref<100000x64xbf16, #tpu.memory_space<hbm>> -> memref<100000x64xbf16, #tpu.memory_space<hbm>>
        tpu.enqueue_indirect_dma source(%dma_start3A_450 : memref<100000x64xbf16, #tpu.memory_space<hbm>>) target(%dma_start3A_445 : memref<128x64xbf16, #tpu.memory_space<vmem>>) offsets(%dma_start3A_447 : memref<128xi32, #tpu.memory_space<vmem>>) semaphore(%arg28 : memref<!tpu.dma_semaphore, #tpu.memory_space<semaphore_mem>>)
        %dma_start3A_451 = arith.constant 640 : i32
        %dma_start3A_452 = arith.constant 0 : i32
        %dma_start3A_453 = tpu.memref_slice %arg20[%dma_start3A_451, %dma_start3A_452] : memref<1280x64xbf16, #tpu.memory_space<vmem>> -> memref<128x64xbf16, #tpu.memory_space<vmem>>
        %dma_start3A_454 = arith.constant 640 : i32
        %dma_start3A_455 = tpu.memref_slice %arg12[%dma_start3A_454] : memref<1280xi32, #tpu.memory_space<vmem>> -> memref<128xi32, #tpu.memory_space<vmem>>
        %dma_start3A_456 = arith.constant 0 : i32
        %dma_start3A_457 = arith.constant 0 : i32
        %dma_start3A_458 = tpu.memref_slice %arg3[%dma_start3A_456, %dma_start3A_457] : memref<100000x64xbf16, #tpu.memory_space<hbm>> -> memref<100000x64xbf16, #tpu.memory_space<hbm>>
        tpu.enqueue_indirect_dma source(%dma_start3A_458 : memref<100000x64xbf16, #tpu.memory_space<hbm>>) target(%dma_start3A_453 : memref<128x64xbf16, #tpu.memory_space<vmem>>) offsets(%dma_start3A_455 : memref<128xi32, #tpu.memory_space<vmem>>) semaphore(%arg28 : memref<!tpu.dma_semaphore, #tpu.memory_space<semaphore_mem>>)
        %dma_start3A_459 = arith.constant 768 : i32
        %dma_start3A_460 = arith.constant 0 : i32
        %dma_start3A_461 = tpu.memref_slice %arg20[%dma_start3A_459, %dma_start3A_460] : memref<1280x64xbf16, #tpu.memory_space<vmem>> -> memref<128x64xbf16, #tpu.memory_space<vmem>>
        %dma_start3A_462 = arith.constant 768 : i32
        %dma_start3A_463 = tpu.memref_slice %arg12[%dma_start3A_462] : memref<1280xi32, #tpu.memory_space<vmem>> -> memref<128xi32, #tpu.memory_space<vmem>>
        %dma_start3A_464 = arith.constant 0 : i32
        %dma_start3A_465 = arith.constant 0 : i32
        %dma_start3A_466 = tpu.memref_slice %arg3[%dma_start3A_464, %dma_start3A_465] : memref<100000x64xbf16, #tpu.memory_space<hbm>> -> memref<100000x64xbf16, #tpu.memory_space<hbm>>
        tpu.enqueue_indirect_dma source(%dma_start3A_466 : memref<100000x64xbf16, #tpu.memory_space<hbm>>) target(%dma_start3A_461 : memref<128x64xbf16, #tpu.memory_space<vmem>>) offsets(%dma_start3A_463 : memref<128xi32, #tpu.memory_space<vmem>>) semaphore(%arg28 : memref<!tpu.dma_semaphore, #tpu.memory_space<semaphore_mem>>)
        %dma_start3A_467 = arith.constant 896 : i32
        %dma_start3A_468 = arith.constant 0 : i32
        %dma_start3A_469 = tpu.memref_slice %arg20[%dma_start3A_467, %dma_start3A_468] : memref<1280x64xbf16, #tpu.memory_space<vmem>> -> memref<128x64xbf16, #tpu.memory_space<vmem>>
        %dma_start3A_470 = arith.constant 896 : i32
        %dma_start3A_471 = tpu.memref_slice %arg12[%dma_start3A_470] : memref<1280xi32, #tpu.memory_space<vmem>> -> memref<128xi32, #tpu.memory_space<vmem>>
        %dma_start3A_472 = arith.constant 0 : i32
        %dma_start3A_473 = arith.constant 0 : i32
        %dma_start3A_474 = tpu.memref_slice %arg3[%dma_start3A_472, %dma_start3A_473] : memref<100000x64xbf16, #tpu.memory_space<hbm>> -> memref<100000x64xbf16, #tpu.memory_space<hbm>>
        tpu.enqueue_indirect_dma source(%dma_start3A_474 : memref<100000x64xbf16, #tpu.memory_space<hbm>>) target(%dma_start3A_469 : memref<128x64xbf16, #tpu.memory_space<vmem>>) offsets(%dma_start3A_471 : memref<128xi32, #tpu.memory_space<vmem>>) semaphore(%arg28 : memref<!tpu.dma_semaphore, #tpu.memory_space<semaphore_mem>>)
        %dma_start3A_475 = arith.constant 1024 : i32
        %dma_start3A_476 = arith.constant 0 : i32
        %dma_start3A_477 = tpu.memref_slice %arg20[%dma_start3A_475, %dma_start3A_476] : memref<1280x64xbf16, #tpu.memory_space<vmem>> -> memref<128x64xbf16, #tpu.memory_space<vmem>>
        %dma_start3A_478 = arith.constant 1024 : i32
        %dma_start3A_479 = tpu.memref_slice %arg12[%dma_start3A_478] : memref<1280xi32, #tpu.memory_space<vmem>> -> memref<128xi32, #tpu.memory_space<vmem>>
        %dma_start3A_480 = arith.constant 0 : i32
        %dma_start3A_481 = arith.constant 0 : i32
        %dma_start3A_482 = tpu.memref_slice %arg3[%dma_start3A_480, %dma_start3A_481] : memref<100000x64xbf16, #tpu.memory_space<hbm>> -> memref<100000x64xbf16, #tpu.memory_space<hbm>>
        tpu.enqueue_indirect_dma source(%dma_start3A_482 : memref<100000x64xbf16, #tpu.memory_space<hbm>>) target(%dma_start3A_477 : memref<128x64xbf16, #tpu.memory_space<vmem>>) offsets(%dma_start3A_479 : memref<128xi32, #tpu.memory_space<vmem>>) semaphore(%arg28 : memref<!tpu.dma_semaphore, #tpu.memory_space<semaphore_mem>>)
        %dma_start3A_483 = arith.constant 1152 : i32
        %dma_start3A_484 = arith.constant 0 : i32
        %dma_start3A_485 = tpu.memref_slice %arg20[%dma_start3A_483, %dma_start3A_484] : memref<1280x64xbf16, #tpu.memory_space<vmem>> -> memref<128x64xbf16, #tpu.memory_space<vmem>>
        %dma_start3A_486 = arith.constant 1152 : i32
        %dma_start3A_487 = tpu.memref_slice %arg12[%dma_start3A_486] : memref<1280xi32, #tpu.memory_space<vmem>> -> memref<128xi32, #tpu.memory_space<vmem>>
        %dma_start3A_488 = arith.constant 0 : i32
        %dma_start3A_489 = arith.constant 0 : i32
        %dma_start3A_490 = tpu.memref_slice %arg3[%dma_start3A_488, %dma_start3A_489] : memref<100000x64xbf16, #tpu.memory_space<hbm>> -> memref<100000x64xbf16, #tpu.memory_space<hbm>>
        tpu.enqueue_indirect_dma source(%dma_start3A_490 : memref<100000x64xbf16, #tpu.memory_space<hbm>>) target(%dma_start3A_485 : memref<128x64xbf16, #tpu.memory_space<vmem>>) offsets(%dma_start3A_487 : memref<128xi32, #tpu.memory_space<vmem>>) semaphore(%arg28 : memref<!tpu.dma_semaphore, #tpu.memory_space<semaphore_mem>>)
      } else {
      }
      %add3A_166 = arith.constant 2 : i32
      %add3A_167 = arith.addi %add3A_147, %add3A_166 : i32
      %le3A_168 = arith.constant 31 : i32
      %le3A_169 = arith.cmpi sle, %add3A_167, %le3A_168 : i32
      %convert_element_type3A_170 = arith.extui %le3A_169 : i1 to i32
      %cond3A_171 = arith.constant 0 : i32
      %cond3A_172 = arith.cmpi ne, %convert_element_type3A_170, %cond3A_171 : i32
      scf.if %cond3A_172 {
        %dma_wait3A_396 = arith.constant 0 : i32
        %dma_wait3A_397 = tpu.memref_slice %arg2[%dma_wait3A_396] : memref<81920xi32, #tpu.memory_space<hbm>> -> memref<80xi32, #tpu.memory_space<hbm>>
        %dma_wait3A_398 = arith.constant 0 : i32
        %dma_wait3A_399 = tpu.memref_slice %arg2[%dma_wait3A_398] : memref<81920xi32, #tpu.memory_space<hbm>> -> memref<80xi32, #tpu.memory_space<hbm>>
        tpu.wait_dma2 semaphore(%arg23 : memref<!tpu.dma_semaphore, #tpu.memory_space<semaphore_mem>>) src(%dma_wait3A_399 : memref<80xi32, #tpu.memory_space<hbm>>) dst(%arg7 : memref<80xi32, #tpu.memory_space<vmem>>)
        %dma_start3A_400 = arith.constant 0 : i32
        %dma_start3A_401 = arith.constant 0 : i32
        %dma_start3A_402 = tpu.memref_slice %arg4[%dma_start3A_400, %dma_start3A_401] : memref<100000x16xi32, #tpu.memory_space<hbm>> -> memref<100000x16xi32, #tpu.memory_space<hbm>>
        tpu.enqueue_indirect_dma source(%dma_start3A_402 : memref<100000x16xi32, #tpu.memory_space<hbm>>) target(%arg9 : memref<80x16xi32, #tpu.memory_space<vmem>>) offsets(%arg7 : memref<80xi32, #tpu.memory_space<vmem>>) semaphore(%arg25 : memref<!tpu.dma_semaphore, #tpu.memory_space<semaphore_mem>>)
        %dma_start3A_403 = arith.constant 0 : i32
        %dma_start3A_404 = arith.constant 0 : i32
        %dma_start3A_405 = tpu.memref_slice %arg5[%dma_start3A_403, %dma_start3A_404] : memref<100000x16xf32, #tpu.memory_space<hbm>> -> memref<100000x16xf32, #tpu.memory_space<hbm>>
        tpu.enqueue_indirect_dma source(%dma_start3A_405 : memref<100000x16xf32, #tpu.memory_space<hbm>>) target(%arg13 : memref<80x16xf32, #tpu.memory_space<vmem>>) offsets(%arg7 : memref<80xi32, #tpu.memory_space<vmem>>) semaphore(%arg25 : memref<!tpu.dma_semaphore, #tpu.memory_space<semaphore_mem>>)
      } else {
      }
      %dma_wait3A_173 = arith.constant 0 : i32
      %dma_wait3A_174 = arith.constant 0 : i32
      %dma_wait3A_175 = tpu.memref_slice %arg19[%dma_wait3A_173, %dma_wait3A_174] : memref<1280x64xbf16, #tpu.memory_space<vmem>> -> memref<128x64xbf16, #tpu.memory_space<vmem>>
      %dma_wait3A_176 = arith.constant 0 : i32
      %dma_wait3A_177 = tpu.memref_slice %arg11[%dma_wait3A_176] : memref<1280xi32, #tpu.memory_space<vmem>> -> memref<128xi32, #tpu.memory_space<vmem>>
      %dma_wait3A_178 = arith.constant 0 : i32
      %dma_wait3A_179 = arith.constant 0 : i32
      %dma_wait3A_180 = tpu.memref_slice %arg3[%dma_wait3A_178, %dma_wait3A_179] : memref<100000x64xbf16, #tpu.memory_space<hbm>> -> memref<100000x64xbf16, #tpu.memory_space<hbm>>
      tpu.wait_indirect_dma semaphore(%arg27 : memref<!tpu.dma_semaphore, #tpu.memory_space<semaphore_mem>>) src(%dma_wait3A_180 : memref<100000x64xbf16, #tpu.memory_space<hbm>>) dst(%dma_wait3A_175 : memref<128x64xbf16, #tpu.memory_space<vmem>>)
      %dma_wait3A_181 = arith.constant 128 : i32
      %dma_wait3A_182 = arith.constant 0 : i32
      %dma_wait3A_183 = tpu.memref_slice %arg19[%dma_wait3A_181, %dma_wait3A_182] : memref<1280x64xbf16, #tpu.memory_space<vmem>> -> memref<128x64xbf16, #tpu.memory_space<vmem>>
      %dma_wait3A_184 = arith.constant 128 : i32
      %dma_wait3A_185 = tpu.memref_slice %arg11[%dma_wait3A_184] : memref<1280xi32, #tpu.memory_space<vmem>> -> memref<128xi32, #tpu.memory_space<vmem>>
      %dma_wait3A_186 = arith.constant 0 : i32
      %dma_wait3A_187 = arith.constant 0 : i32
      %dma_wait3A_188 = tpu.memref_slice %arg3[%dma_wait3A_186, %dma_wait3A_187] : memref<100000x64xbf16, #tpu.memory_space<hbm>> -> memref<100000x64xbf16, #tpu.memory_space<hbm>>
      tpu.wait_indirect_dma semaphore(%arg27 : memref<!tpu.dma_semaphore, #tpu.memory_space<semaphore_mem>>) src(%dma_wait3A_188 : memref<100000x64xbf16, #tpu.memory_space<hbm>>) dst(%dma_wait3A_183 : memref<128x64xbf16, #tpu.memory_space<vmem>>)
      %dma_wait3A_189 = arith.constant 256 : i32
      %dma_wait3A_190 = arith.constant 0 : i32
      %dma_wait3A_191 = tpu.memref_slice %arg19[%dma_wait3A_189, %dma_wait3A_190] : memref<1280x64xbf16, #tpu.memory_space<vmem>> -> memref<128x64xbf16, #tpu.memory_space<vmem>>
      %dma_wait3A_192 = arith.constant 256 : i32
      %dma_wait3A_193 = tpu.memref_slice %arg11[%dma_wait3A_192] : memref<1280xi32, #tpu.memory_space<vmem>> -> memref<128xi32, #tpu.memory_space<vmem>>
      %dma_wait3A_194 = arith.constant 0 : i32
      %dma_wait3A_195 = arith.constant 0 : i32
      %dma_wait3A_196 = tpu.memref_slice %arg3[%dma_wait3A_194, %dma_wait3A_195] : memref<100000x64xbf16, #tpu.memory_space<hbm>> -> memref<100000x64xbf16, #tpu.memory_space<hbm>>
      tpu.wait_indirect_dma semaphore(%arg27 : memref<!tpu.dma_semaphore, #tpu.memory_space<semaphore_mem>>) src(%dma_wait3A_196 : memref<100000x64xbf16, #tpu.memory_space<hbm>>) dst(%dma_wait3A_191 : memref<128x64xbf16, #tpu.memory_space<vmem>>)
      %dma_wait3A_197 = arith.constant 384 : i32
      %dma_wait3A_198 = arith.constant 0 : i32
      %dma_wait3A_199 = tpu.memref_slice %arg19[%dma_wait3A_197, %dma_wait3A_198] : memref<1280x64xbf16, #tpu.memory_space<vmem>> -> memref<128x64xbf16, #tpu.memory_space<vmem>>
      %dma_wait3A_200 = arith.constant 384 : i32
      %dma_wait3A_201 = tpu.memref_slice %arg11[%dma_wait3A_200] : memref<1280xi32, #tpu.memory_space<vmem>> -> memref<128xi32, #tpu.memory_space<vmem>>
      %dma_wait3A_202 = arith.constant 0 : i32
      %dma_wait3A_203 = arith.constant 0 : i32
      %dma_wait3A_204 = tpu.memref_slice %arg3[%dma_wait3A_202, %dma_wait3A_203] : memref<100000x64xbf16, #tpu.memory_space<hbm>> -> memref<100000x64xbf16, #tpu.memory_space<hbm>>
      tpu.wait_indirect_dma semaphore(%arg27 : memref<!tpu.dma_semaphore, #tpu.memory_space<semaphore_mem>>) src(%dma_wait3A_204 : memref<100000x64xbf16, #tpu.memory_space<hbm>>) dst(%dma_wait3A_199 : memref<128x64xbf16, #tpu.memory_space<vmem>>)
      %dma_wait3A_205 = arith.constant 512 : i32
      %dma_wait3A_206 = arith.constant 0 : i32
      %dma_wait3A_207 = tpu.memref_slice %arg19[%dma_wait3A_205, %dma_wait3A_206] : memref<1280x64xbf16, #tpu.memory_space<vmem>> -> memref<128x64xbf16, #tpu.memory_space<vmem>>
      %dma_wait3A_208 = arith.constant 512 : i32
      %dma_wait3A_209 = tpu.memref_slice %arg11[%dma_wait3A_208] : memref<1280xi32, #tpu.memory_space<vmem>> -> memref<128xi32, #tpu.memory_space<vmem>>
      %dma_wait3A_210 = arith.constant 0 : i32
      %dma_wait3A_211 = arith.constant 0 : i32
      %dma_wait3A_212 = tpu.memref_slice %arg3[%dma_wait3A_210, %dma_wait3A_211] : memref<100000x64xbf16, #tpu.memory_space<hbm>> -> memref<100000x64xbf16, #tpu.memory_space<hbm>>
      tpu.wait_indirect_dma semaphore(%arg27 : memref<!tpu.dma_semaphore, #tpu.memory_space<semaphore_mem>>) src(%dma_wait3A_212 : memref<100000x64xbf16, #tpu.memory_space<hbm>>) dst(%dma_wait3A_207 : memref<128x64xbf16, #tpu.memory_space<vmem>>)
      %dma_wait3A_213 = arith.constant 640 : i32
      %dma_wait3A_214 = arith.constant 0 : i32
      %dma_wait3A_215 = tpu.memref_slice %arg19[%dma_wait3A_213, %dma_wait3A_214] : memref<1280x64xbf16, #tpu.memory_space<vmem>> -> memref<128x64xbf16, #tpu.memory_space<vmem>>
      %dma_wait3A_216 = arith.constant 640 : i32
      %dma_wait3A_217 = tpu.memref_slice %arg11[%dma_wait3A_216] : memref<1280xi32, #tpu.memory_space<vmem>> -> memref<128xi32, #tpu.memory_space<vmem>>
      %dma_wait3A_218 = arith.constant 0 : i32
      %dma_wait3A_219 = arith.constant 0 : i32
      %dma_wait3A_220 = tpu.memref_slice %arg3[%dma_wait3A_218, %dma_wait3A_219] : memref<100000x64xbf16, #tpu.memory_space<hbm>> -> memref<100000x64xbf16, #tpu.memory_space<hbm>>
      tpu.wait_indirect_dma semaphore(%arg27 : memref<!tpu.dma_semaphore, #tpu.memory_space<semaphore_mem>>) src(%dma_wait3A_220 : memref<100000x64xbf16, #tpu.memory_space<hbm>>) dst(%dma_wait3A_215 : memref<128x64xbf16, #tpu.memory_space<vmem>>)
      %dma_wait3A_221 = arith.constant 768 : i32
      %dma_wait3A_222 = arith.constant 0 : i32
      %dma_wait3A_223 = tpu.memref_slice %arg19[%dma_wait3A_221, %dma_wait3A_222] : memref<1280x64xbf16, #tpu.memory_space<vmem>> -> memref<128x64xbf16, #tpu.memory_space<vmem>>
      %dma_wait3A_224 = arith.constant 768 : i32
      %dma_wait3A_225 = tpu.memref_slice %arg11[%dma_wait3A_224] : memref<1280xi32, #tpu.memory_space<vmem>> -> memref<128xi32, #tpu.memory_space<vmem>>
      %dma_wait3A_226 = arith.constant 0 : i32
      %dma_wait3A_227 = arith.constant 0 : i32
      %dma_wait3A_228 = tpu.memref_slice %arg3[%dma_wait3A_226, %dma_wait3A_227] : memref<100000x64xbf16, #tpu.memory_space<hbm>> -> memref<100000x64xbf16, #tpu.memory_space<hbm>>
      tpu.wait_indirect_dma semaphore(%arg27 : memref<!tpu.dma_semaphore, #tpu.memory_space<semaphore_mem>>) src(%dma_wait3A_228 : memref<100000x64xbf16, #tpu.memory_space<hbm>>) dst(%dma_wait3A_223 : memref<128x64xbf16, #tpu.memory_space<vmem>>)
      %dma_wait3A_229 = arith.constant 896 : i32
      %dma_wait3A_230 = arith.constant 0 : i32
      %dma_wait3A_231 = tpu.memref_slice %arg19[%dma_wait3A_229, %dma_wait3A_230] : memref<1280x64xbf16, #tpu.memory_space<vmem>> -> memref<128x64xbf16, #tpu.memory_space<vmem>>
      %dma_wait3A_232 = arith.constant 896 : i32
      %dma_wait3A_233 = tpu.memref_slice %arg11[%dma_wait3A_232] : memref<1280xi32, #tpu.memory_space<vmem>> -> memref<128xi32, #tpu.memory_space<vmem>>
      %dma_wait3A_234 = arith.constant 0 : i32
      %dma_wait3A_235 = arith.constant 0 : i32
      %dma_wait3A_236 = tpu.memref_slice %arg3[%dma_wait3A_234, %dma_wait3A_235] : memref<100000x64xbf16, #tpu.memory_space<hbm>> -> memref<100000x64xbf16, #tpu.memory_space<hbm>>
      tpu.wait_indirect_dma semaphore(%arg27 : memref<!tpu.dma_semaphore, #tpu.memory_space<semaphore_mem>>) src(%dma_wait3A_236 : memref<100000x64xbf16, #tpu.memory_space<hbm>>) dst(%dma_wait3A_231 : memref<128x64xbf16, #tpu.memory_space<vmem>>)
      %dma_wait3A_237 = arith.constant 1024 : i32
      %dma_wait3A_238 = arith.constant 0 : i32
      %dma_wait3A_239 = tpu.memref_slice %arg19[%dma_wait3A_237, %dma_wait3A_238] : memref<1280x64xbf16, #tpu.memory_space<vmem>> -> memref<128x64xbf16, #tpu.memory_space<vmem>>
      %dma_wait3A_240 = arith.constant 1024 : i32
      %dma_wait3A_241 = tpu.memref_slice %arg11[%dma_wait3A_240] : memref<1280xi32, #tpu.memory_space<vmem>> -> memref<128xi32, #tpu.memory_space<vmem>>
      %dma_wait3A_242 = arith.constant 0 : i32
      %dma_wait3A_243 = arith.constant 0 : i32
      %dma_wait3A_244 = tpu.memref_slice %arg3[%dma_wait3A_242, %dma_wait3A_243] : memref<100000x64xbf16, #tpu.memory_space<hbm>> -> memref<100000x64xbf16, #tpu.memory_space<hbm>>
      tpu.wait_indirect_dma semaphore(%arg27 : memref<!tpu.dma_semaphore, #tpu.memory_space<semaphore_mem>>) src(%dma_wait3A_244 : memref<100000x64xbf16, #tpu.memory_space<hbm>>) dst(%dma_wait3A_239 : memref<128x64xbf16, #tpu.memory_space<vmem>>)
      %dma_wait3A_245 = arith.constant 1152 : i32
      %dma_wait3A_246 = arith.constant 0 : i32
      %dma_wait3A_247 = tpu.memref_slice %arg19[%dma_wait3A_245, %dma_wait3A_246] : memref<1280x64xbf16, #tpu.memory_space<vmem>> -> memref<128x64xbf16, #tpu.memory_space<vmem>>
      %dma_wait3A_248 = arith.constant 1152 : i32
      %dma_wait3A_249 = tpu.memref_slice %arg11[%dma_wait3A_248] : memref<1280xi32, #tpu.memory_space<vmem>> -> memref<128xi32, #tpu.memory_space<vmem>>
      %dma_wait3A_250 = arith.constant 0 : i32
      %dma_wait3A_251 = arith.constant 0 : i32
      %dma_wait3A_252 = tpu.memref_slice %arg3[%dma_wait3A_250, %dma_wait3A_251] : memref<100000x64xbf16, #tpu.memory_space<hbm>> -> memref<100000x64xbf16, #tpu.memory_space<hbm>>
      tpu.wait_indirect_dma semaphore(%arg27 : memref<!tpu.dma_semaphore, #tpu.memory_space<semaphore_mem>>) src(%dma_wait3A_252 : memref<100000x64xbf16, #tpu.memory_space<hbm>>) dst(%dma_wait3A_247 : memref<128x64xbf16, #tpu.memory_space<vmem>>)
      %ge3A = arith.constant 2 : i32
      %ge3A_253 = arith.cmpi sge, %add3A_147, %ge3A : i32
      %convert_element_type3A_254 = arith.extui %ge3A_253 : i1 to i32
      %cond3A_255 = arith.constant 0 : i32
      %cond3A_256 = arith.cmpi ne, %convert_element_type3A_254, %cond3A_255 : i32
      scf.if %cond3A_256 {
        %dma_wait3A_396 = arith.constant 0 : i32
        %dma_wait3A_397 = arith.constant 0 : i32
        %dma_wait3A_398 = tpu.memref_slice %arg6[%dma_wait3A_396, %dma_wait3A_397] : memref<81920x64xf32, #tpu.memory_space<hbm>> -> memref<80x64xf32, #tpu.memory_space<hbm>>
        %dma_wait3A_399 = arith.constant 0 : i32
        %dma_wait3A_400 = arith.constant 0 : i32
        %dma_wait3A_401 = tpu.memref_slice %arg6[%dma_wait3A_399, %dma_wait3A_400] : memref<81920x64xf32, #tpu.memory_space<hbm>> -> memref<80x64xf32, #tpu.memory_space<hbm>>
        tpu.wait_dma2 semaphore(%arg29 : memref<!tpu.dma_semaphore, #tpu.memory_space<semaphore_mem>>) src(%arg21 : memref<80x64xf32, #tpu.memory_space<vmem>>) dst(%dma_wait3A_401 : memref<80x64xf32, #tpu.memory_space<hbm>>)
      } else {
      }
      %scan3A_257 = arith.constant 0 : i32
      %scan3A_258 = arith.constant 80 : i32
      %scan3A_259 = arith.addi %scan3A_257, %scan3A_258 : i32
      %scan3A_260 = arith.constant 1 : i32
      scf.for %scan3A_396 = %scan3A_257 to %scan3A_259 step %scan3A_260  : i32 {
        %mul3A_397 = arith.constant 1 : i32
        %mul3A_398 = arith.muli %scan3A_396, %mul3A_397 : i32
        %add3A_399 = arith.constant 0 : i32
        %add3A_400 = arith.addi %add3A_399, %mul3A_398 : i32
        %broadcast_in_dim3A = vector.broadcast %add3A_400 : i32 to vector<16xi32>
        %gather3A = tpu.vector_load_idx %arg17[%broadcast_in_dim3A] : memref<80xf32, #tpu.memory_space<vmem>>[vector<16xi32>], vector<16xf32>,
        %broadcast_in_dim3A_401 = arith.constant 0.000000e+00 : f32
        %broadcast_in_dim3A_402 = vector.broadcast %broadcast_in_dim3A_401 : f32 to vector<16xf32>
        %broadcast_in_dim3A_403 = arith.constant 0.000000e+00 : f32
        %broadcast_in_dim3A_404 = vector.broadcast %broadcast_in_dim3A_403 : f32 to vector<16xf32>
        %broadcast_in_dim3A_405 = arith.constant 0.000000e+00 : f32
        %broadcast_in_dim3A_406 = vector.broadcast %broadcast_in_dim3A_405 : f32 to vector<16xf32>
        %broadcast_in_dim3A_407 = arith.constant 0.000000e+00 : f32
        %broadcast_in_dim3A_408 = vector.broadcast %broadcast_in_dim3A_407 : f32 to vector<16xf32>
        %broadcast_in_dim3A_409 = arith.constant 0 : i32
        %broadcast_in_dim3A_410 = vector.broadcast %broadcast_in_dim3A_409 : i32 to vector<16xi32>
        %gather3A_411 = tpu.vector_load_idx %arg15[%broadcast_in_dim3A, %broadcast_in_dim3A_410] : memref<80x16xf32, #tpu.memory_space<vmem>>[vector<16xi32>, vector<16xi32>], vector<16xf32>,
        %pack3A = tpu.pack_subelements %gather3A_411, %gather3A_411 {pack_format = #tpu.pack_format<interleaved>, positions = array<i32: 0, 1>} : vector<16xf32>, vector<16xf32> -> vector<32xbf16>
        %mul3A_412 = arith.constant 16 : i32
        %mul3A_413 = arith.muli %add3A_400, %mul3A_412 : i32
        %add3A_414 = arith.constant 0 : i32
        %add3A_415 = arith.addi %mul3A_413, %add3A_414 : i32
        %get3A = arith.index_cast %add3A_415 : i32 to index
        %get3A_416 = arith.constant 0 : index
        %get3A_417 = tpu.vector_load %arg19[%get3A, %get3A_416] {strides = array<i32>} : memref<1280x64xbf16, #tpu.memory_space<vmem>>, vector<32xbf16>,
        %mul3A_418 = arith.mulf %get3A_417, %pack3A : vector<32xbf16>
        %unpack3A = tpu.unpack_subelements %mul3A_418, 0 {pack_format = #tpu.pack_format<interleaved>} : vector<32xbf16> -> vector<16xf32>
        %unpack3A_419 = tpu.unpack_subelements %mul3A_418, 1 {pack_format = #tpu.pack_format<interleaved>} : vector<32xbf16> -> vector<16xf32>
        %add3A_420 = arith.addf %broadcast_in_dim3A_402, %unpack3A : vector<16xf32>
        %add3A_421 = arith.addf %broadcast_in_dim3A_404, %unpack3A_419 : vector<16xf32>
        %mul3A_422 = arith.constant 16 : i32
        %mul3A_423 = arith.muli %add3A_400, %mul3A_422 : i32
        %add3A_424 = arith.constant 0 : i32
        %add3A_425 = arith.addi %mul3A_423, %add3A_424 : i32
        %get3A_426 = arith.index_cast %add3A_425 : i32 to index
        %get3A_427 = arith.constant 32 : index
        %get3A_428 = tpu.vector_load %arg19[%get3A_426, %get3A_427] {strides = array<i32>} : memref<1280x64xbf16, #tpu.memory_space<vmem>>, vector<32xbf16>,
        %mul3A_429 = arith.mulf %get3A_428, %pack3A : vector<32xbf16>
        %unpack3A_430 = tpu.unpack_subelements %mul3A_429, 0 {pack_format = #tpu.pack_format<interleaved>} : vector<32xbf16> -> vector<16xf32>
        %unpack3A_431 = tpu.unpack_subelements %mul3A_429, 1 {pack_format = #tpu.pack_format<interleaved>} : vector<32xbf16> -> vector<16xf32>
        %add3A_432 = arith.addf %broadcast_in_dim3A_406, %unpack3A_430 : vector<16xf32>
        %add3A_433 = arith.addf %broadcast_in_dim3A_408, %unpack3A_431 : vector<16xf32>
        %broadcast_in_dim3A_434 = arith.constant 1 : i32
        %broadcast_in_dim3A_435 = vector.broadcast %broadcast_in_dim3A_434 : i32 to vector<16xi32>
        %gather3A_436 = tpu.vector_load_idx %arg15[%broadcast_in_dim3A, %broadcast_in_dim3A_435] : memref<80x16xf32, #tpu.memory_space<vmem>>[vector<16xi32>, vector<16xi32>], vector<16xf32>,
        %pack3A_437 = tpu.pack_subelements %gather3A_436, %gather3A_436 {pack_format = #tpu.pack_format<interleaved>, positions = array<i32: 0, 1>} : vector<16xf32>, vector<16xf32> -> vector<32xbf16>
        %mul3A_438 = arith.constant 16 : i32
        %mul3A_439 = arith.muli %add3A_400, %mul3A_438 : i32
        %add3A_440 = arith.constant 1 : i32
        %add3A_441 = arith.addi %mul3A_439, %add3A_440 : i32
        %get3A_442 = arith.index_cast %add3A_441 : i32 to index
        %get3A_443 = arith.constant 0 : index
        %get3A_444 = tpu.vector_load %arg19[%get3A_442, %get3A_443] {strides = array<i32>} : memref<1280x64xbf16, #tpu.memory_space<vmem>>, vector<32xbf16>,
        %mul3A_445 = arith.mulf %get3A_444, %pack3A_437 : vector<32xbf16>
        %unpack3A_446 = tpu.unpack_subelements %mul3A_445, 0 {pack_format = #tpu.pack_format<interleaved>} : vector<32xbf16> -> vector<16xf32>
        %unpack3A_447 = tpu.unpack_subelements %mul3A_445, 1 {pack_format = #tpu.pack_format<interleaved>} : vector<32xbf16> -> vector<16xf32>
        %add3A_448 = arith.addf %add3A_420, %unpack3A_446 : vector<16xf32>
        %add3A_449 = arith.addf %add3A_421, %unpack3A_447 : vector<16xf32>
        %mul3A_450 = arith.constant 16 : i32
        %mul3A_451 = arith.muli %add3A_400, %mul3A_450 : i32
        %add3A_452 = arith.constant 1 : i32
        %add3A_453 = arith.addi %mul3A_451, %add3A_452 : i32
        %get3A_454 = arith.index_cast %add3A_453 : i32 to index
        %get3A_455 = arith.constant 32 : index
        %get3A_456 = tpu.vector_load %arg19[%get3A_454, %get3A_455] {strides = array<i32>} : memref<1280x64xbf16, #tpu.memory_space<vmem>>, vector<32xbf16>,
        %mul3A_457 = arith.mulf %get3A_456, %pack3A_437 : vector<32xbf16>
        %unpack3A_458 = tpu.unpack_subelements %mul3A_457, 0 {pack_format = #tpu.pack_format<interleaved>} : vector<32xbf16> -> vector<16xf32>
        %unpack3A_459 = tpu.unpack_subelements %mul3A_457, 1 {pack_format = #tpu.pack_format<interleaved>} : vector<32xbf16> -> vector<16xf32>
        %add3A_460 = arith.addf %add3A_432, %unpack3A_458 : vector<16xf32>
        %add3A_461 = arith.addf %add3A_433, %unpack3A_459 : vector<16xf32>
        %broadcast_in_dim3A_462 = arith.constant 2 : i32
        %broadcast_in_dim3A_463 = vector.broadcast %broadcast_in_dim3A_462 : i32 to vector<16xi32>
        %gather3A_464 = tpu.vector_load_idx %arg15[%broadcast_in_dim3A, %broadcast_in_dim3A_463] : memref<80x16xf32, #tpu.memory_space<vmem>>[vector<16xi32>, vector<16xi32>], vector<16xf32>,
        %pack3A_465 = tpu.pack_subelements %gather3A_464, %gather3A_464 {pack_format = #tpu.pack_format<interleaved>, positions = array<i32: 0, 1>} : vector<16xf32>, vector<16xf32> -> vector<32xbf16>
        %mul3A_466 = arith.constant 16 : i32
        %mul3A_467 = arith.muli %add3A_400, %mul3A_466 : i32
        %add3A_468 = arith.constant 2 : i32
        %add3A_469 = arith.addi %mul3A_467, %add3A_468 : i32
        %get3A_470 = arith.index_cast %add3A_469 : i32 to index
        %get3A_471 = arith.constant 0 : index
        %get3A_472 = tpu.vector_load %arg19[%get3A_470, %get3A_471] {strides = array<i32>} : memref<1280x64xbf16, #tpu.memory_space<vmem>>, vector<32xbf16>,
        %mul3A_473 = arith.mulf %get3A_472, %pack3A_465 : vector<32xbf16>
        %unpack3A_474 = tpu.unpack_subelements %mul3A_473, 0 {pack_format = #tpu.pack_format<interleaved>} : vector<32xbf16> -> vector<16xf32>
        %unpack3A_475 = tpu.unpack_subelements %mul3A_473, 1 {pack_format = #tpu.pack_format<interleaved>} : vector<32xbf16> -> vector<16xf32>
        %add3A_476 = arith.addf %add3A_448, %unpack3A_474 : vector<16xf32>
        %add3A_477 = arith.addf %add3A_449, %unpack3A_475 : vector<16xf32>
        %mul3A_478 = arith.constant 16 : i32
        %mul3A_479 = arith.muli %add3A_400, %mul3A_478 : i32
        %add3A_480 = arith.constant 2 : i32
        %add3A_481 = arith.addi %mul3A_479, %add3A_480 : i32
        %get3A_482 = arith.index_cast %add3A_481 : i32 to index
        %get3A_483 = arith.constant 32 : index
        %get3A_484 = tpu.vector_load %arg19[%get3A_482, %get3A_483] {strides = array<i32>} : memref<1280x64xbf16, #tpu.memory_space<vmem>>, vector<32xbf16>,
        %mul3A_485 = arith.mulf %get3A_484, %pack3A_465 : vector<32xbf16>
        %unpack3A_486 = tpu.unpack_subelements %mul3A_485, 0 {pack_format = #tpu.pack_format<interleaved>} : vector<32xbf16> -> vector<16xf32>
        %unpack3A_487 = tpu.unpack_subelements %mul3A_485, 1 {pack_format = #tpu.pack_format<interleaved>} : vector<32xbf16> -> vector<16xf32>
        %add3A_488 = arith.addf %add3A_460, %unpack3A_486 : vector<16xf32>
        %add3A_489 = arith.addf %add3A_461, %unpack3A_487 : vector<16xf32>
        %broadcast_in_dim3A_490 = arith.constant 3 : i32
        %broadcast_in_dim3A_491 = vector.broadcast %broadcast_in_dim3A_490 : i32 to vector<16xi32>
        %gather3A_492 = tpu.vector_load_idx %arg15[%broadcast_in_dim3A, %broadcast_in_dim3A_491] : memref<80x16xf32, #tpu.memory_space<vmem>>[vector<16xi32>, vector<16xi32>], vector<16xf32>,
        %pack3A_493 = tpu.pack_subelements %gather3A_492, %gather3A_492 {pack_format = #tpu.pack_format<interleaved>, positions = array<i32: 0, 1>} : vector<16xf32>, vector<16xf32> -> vector<32xbf16>
        %mul3A_494 = arith.constant 16 : i32
        %mul3A_495 = arith.muli %add3A_400, %mul3A_494 : i32
        %add3A_496 = arith.constant 3 : i32
        %add3A_497 = arith.addi %mul3A_495, %add3A_496 : i32
        %get3A_498 = arith.index_cast %add3A_497 : i32 to index
        %get3A_499 = arith.constant 0 : index
        %get3A_500 = tpu.vector_load %arg19[%get3A_498, %get3A_499] {strides = array<i32>} : memref<1280x64xbf16, #tpu.memory_space<vmem>>, vector<32xbf16>,
        %mul3A_501 = arith.mulf %get3A_500, %pack3A_493 : vector<32xbf16>
        %unpack3A_502 = tpu.unpack_subelements %mul3A_501, 0 {pack_format = #tpu.pack_format<interleaved>} : vector<32xbf16> -> vector<16xf32>
        %unpack3A_503 = tpu.unpack_subelements %mul3A_501, 1 {pack_format = #tpu.pack_format<interleaved>} : vector<32xbf16> -> vector<16xf32>
        %add3A_504 = arith.addf %add3A_476, %unpack3A_502 : vector<16xf32>
        %add3A_505 = arith.addf %add3A_477, %unpack3A_503 : vector<16xf32>
        %mul3A_506 = arith.constant 16 : i32
        %mul3A_507 = arith.muli %add3A_400, %mul3A_506 : i32
        %add3A_508 = arith.constant 3 : i32
        %add3A_509 = arith.addi %mul3A_507, %add3A_508 : i32
        %get3A_510 = arith.index_cast %add3A_509 : i32 to index
        %get3A_511 = arith.constant 32 : index
        %get3A_512 = tpu.vector_load %arg19[%get3A_510, %get3A_511] {strides = array<i32>} : memref<1280x64xbf16, #tpu.memory_space<vmem>>, vector<32xbf16>,
        %mul3A_513 = arith.mulf %get3A_512, %pack3A_493 : vector<32xbf16>
        %unpack3A_514 = tpu.unpack_subelements %mul3A_513, 0 {pack_format = #tpu.pack_format<interleaved>} : vector<32xbf16> -> vector<16xf32>
        %unpack3A_515 = tpu.unpack_subelements %mul3A_513, 1 {pack_format = #tpu.pack_format<interleaved>} : vector<32xbf16> -> vector<16xf32>
        %add3A_516 = arith.addf %add3A_488, %unpack3A_514 : vector<16xf32>
        %add3A_517 = arith.addf %add3A_489, %unpack3A_515 : vector<16xf32>
        %broadcast_in_dim3A_518 = arith.constant 4 : i32
        %broadcast_in_dim3A_519 = vector.broadcast %broadcast_in_dim3A_518 : i32 to vector<16xi32>
        %gather3A_520 = tpu.vector_load_idx %arg15[%broadcast_in_dim3A, %broadcast_in_dim3A_519] : memref<80x16xf32, #tpu.memory_space<vmem>>[vector<16xi32>, vector<16xi32>], vector<16xf32>,
        %pack3A_521 = tpu.pack_subelements %gather3A_520, %gather3A_520 {pack_format = #tpu.pack_format<interleaved>, positions = array<i32: 0, 1>} : vector<16xf32>, vector<16xf32> -> vector<32xbf16>
        %mul3A_522 = arith.constant 16 : i32
        %mul3A_523 = arith.muli %add3A_400, %mul3A_522 : i32
        %add3A_524 = arith.constant 4 : i32
        %add3A_525 = arith.addi %mul3A_523, %add3A_524 : i32
        %get3A_526 = arith.index_cast %add3A_525 : i32 to index
        %get3A_527 = arith.constant 0 : index
        %get3A_528 = tpu.vector_load %arg19[%get3A_526, %get3A_527] {strides = array<i32>} : memref<1280x64xbf16, #tpu.memory_space<vmem>>, vector<32xbf16>,
        %mul3A_529 = arith.mulf %get3A_528, %pack3A_521 : vector<32xbf16>
        %unpack3A_530 = tpu.unpack_subelements %mul3A_529, 0 {pack_format = #tpu.pack_format<interleaved>} : vector<32xbf16> -> vector<16xf32>
        %unpack3A_531 = tpu.unpack_subelements %mul3A_529, 1 {pack_format = #tpu.pack_format<interleaved>} : vector<32xbf16> -> vector<16xf32>
        %add3A_532 = arith.addf %add3A_504, %unpack3A_530 : vector<16xf32>
        %add3A_533 = arith.addf %add3A_505, %unpack3A_531 : vector<16xf32>
        %mul3A_534 = arith.constant 16 : i32
        %mul3A_535 = arith.muli %add3A_400, %mul3A_534 : i32
        %add3A_536 = arith.constant 4 : i32
        %add3A_537 = arith.addi %mul3A_535, %add3A_536 : i32
        %get3A_538 = arith.index_cast %add3A_537 : i32 to index
        %get3A_539 = arith.constant 32 : index
        %get3A_540 = tpu.vector_load %arg19[%get3A_538, %get3A_539] {strides = array<i32>} : memref<1280x64xbf16, #tpu.memory_space<vmem>>, vector<32xbf16>,
        %mul3A_541 = arith.mulf %get3A_540, %pack3A_521 : vector<32xbf16>
        %unpack3A_542 = tpu.unpack_subelements %mul3A_541, 0 {pack_format = #tpu.pack_format<interleaved>} : vector<32xbf16> -> vector<16xf32>
        %unpack3A_543 = tpu.unpack_subelements %mul3A_541, 1 {pack_format = #tpu.pack_format<interleaved>} : vector<32xbf16> -> vector<16xf32>
        %add3A_544 = arith.addf %add3A_516, %unpack3A_542 : vector<16xf32>
        %add3A_545 = arith.addf %add3A_517, %unpack3A_543 : vector<16xf32>
        %broadcast_in_dim3A_546 = arith.constant 5 : i32
        %broadcast_in_dim3A_547 = vector.broadcast %broadcast_in_dim3A_546 : i32 to vector<16xi32>
        %gather3A_548 = tpu.vector_load_idx %arg15[%broadcast_in_dim3A, %broadcast_in_dim3A_547] : memref<80x16xf32, #tpu.memory_space<vmem>>[vector<16xi32>, vector<16xi32>], vector<16xf32>,
        %pack3A_549 = tpu.pack_subelements %gather3A_548, %gather3A_548 {pack_format = #tpu.pack_format<interleaved>, positions = array<i32: 0, 1>} : vector<16xf32>, vector<16xf32> -> vector<32xbf16>
        %mul3A_550 = arith.constant 16 : i32
        %mul3A_551 = arith.muli %add3A_400, %mul3A_550 : i32
        %add3A_552 = arith.constant 5 : i32
        %add3A_553 = arith.addi %mul3A_551, %add3A_552 : i32
        %get3A_554 = arith.index_cast %add3A_553 : i32 to index
        %get3A_555 = arith.constant 0 : index
        %get3A_556 = tpu.vector_load %arg19[%get3A_554, %get3A_555] {strides = array<i32>} : memref<1280x64xbf16, #tpu.memory_space<vmem>>, vector<32xbf16>,
        %mul3A_557 = arith.mulf %get3A_556, %pack3A_549 : vector<32xbf16>
        %unpack3A_558 = tpu.unpack_subelements %mul3A_557, 0 {pack_format = #tpu.pack_format<interleaved>} : vector<32xbf16> -> vector<16xf32>
        %unpack3A_559 = tpu.unpack_subelements %mul3A_557, 1 {pack_format = #tpu.pack_format<interleaved>} : vector<32xbf16> -> vector<16xf32>
        %add3A_560 = arith.addf %add3A_532, %unpack3A_558 : vector<16xf32>
        %add3A_561 = arith.addf %add3A_533, %unpack3A_559 : vector<16xf32>
        %mul3A_562 = arith.constant 16 : i32
        %mul3A_563 = arith.muli %add3A_400, %mul3A_562 : i32
        %add3A_564 = arith.constant 5 : i32
        %add3A_565 = arith.addi %mul3A_563, %add3A_564 : i32
        %get3A_566 = arith.index_cast %add3A_565 : i32 to index
        %get3A_567 = arith.constant 32 : index
        %get3A_568 = tpu.vector_load %arg19[%get3A_566, %get3A_567] {strides = array<i32>} : memref<1280x64xbf16, #tpu.memory_space<vmem>>, vector<32xbf16>,
        %mul3A_569 = arith.mulf %get3A_568, %pack3A_549 : vector<32xbf16>
        %unpack3A_570 = tpu.unpack_subelements %mul3A_569, 0 {pack_format = #tpu.pack_format<interleaved>} : vector<32xbf16> -> vector<16xf32>
        %unpack3A_571 = tpu.unpack_subelements %mul3A_569, 1 {pack_format = #tpu.pack_format<interleaved>} : vector<32xbf16> -> vector<16xf32>
        %add3A_572 = arith.addf %add3A_544, %unpack3A_570 : vector<16xf32>
        %add3A_573 = arith.addf %add3A_545, %unpack3A_571 : vector<16xf32>
        %broadcast_in_dim3A_574 = arith.constant 6 : i32
        %broadcast_in_dim3A_575 = vector.broadcast %broadcast_in_dim3A_574 : i32 to vector<16xi32>
        %gather3A_576 = tpu.vector_load_idx %arg15[%broadcast_in_dim3A, %broadcast_in_dim3A_575] : memref<80x16xf32, #tpu.memory_space<vmem>>[vector<16xi32>, vector<16xi32>], vector<16xf32>,
        %pack3A_577 = tpu.pack_subelements %gather3A_576, %gather3A_576 {pack_format = #tpu.pack_format<interleaved>, positions = array<i32: 0, 1>} : vector<16xf32>, vector<16xf32> -> vector<32xbf16>
        %mul3A_578 = arith.constant 16 : i32
        %mul3A_579 = arith.muli %add3A_400, %mul3A_578 : i32
        %add3A_580 = arith.constant 6 : i32
        %add3A_581 = arith.addi %mul3A_579, %add3A_580 : i32
        %get3A_582 = arith.index_cast %add3A_581 : i32 to index
        %get3A_583 = arith.constant 0 : index
        %get3A_584 = tpu.vector_load %arg19[%get3A_582, %get3A_583] {strides = array<i32>} : memref<1280x64xbf16, #tpu.memory_space<vmem>>, vector<32xbf16>,
        %mul3A_585 = arith.mulf %get3A_584, %pack3A_577 : vector<32xbf16>
        %unpack3A_586 = tpu.unpack_subelements %mul3A_585, 0 {pack_format = #tpu.pack_format<interleaved>} : vector<32xbf16> -> vector<16xf32>
        %unpack3A_587 = tpu.unpack_subelements %mul3A_585, 1 {pack_format = #tpu.pack_format<interleaved>} : vector<32xbf16> -> vector<16xf32>
        %add3A_588 = arith.addf %add3A_560, %unpack3A_586 : vector<16xf32>
        %add3A_589 = arith.addf %add3A_561, %unpack3A_587 : vector<16xf32>
        %mul3A_590 = arith.constant 16 : i32
        %mul3A_591 = arith.muli %add3A_400, %mul3A_590 : i32
        %add3A_592 = arith.constant 6 : i32
        %add3A_593 = arith.addi %mul3A_591, %add3A_592 : i32
        %get3A_594 = arith.index_cast %add3A_593 : i32 to index
        %get3A_595 = arith.constant 32 : index
        %get3A_596 = tpu.vector_load %arg19[%get3A_594, %get3A_595] {strides = array<i32>} : memref<1280x64xbf16, #tpu.memory_space<vmem>>, vector<32xbf16>,
        %mul3A_597 = arith.mulf %get3A_596, %pack3A_577 : vector<32xbf16>
        %unpack3A_598 = tpu.unpack_subelements %mul3A_597, 0 {pack_format = #tpu.pack_format<interleaved>} : vector<32xbf16> -> vector<16xf32>
        %unpack3A_599 = tpu.unpack_subelements %mul3A_597, 1 {pack_format = #tpu.pack_format<interleaved>} : vector<32xbf16> -> vector<16xf32>
        %add3A_600 = arith.addf %add3A_572, %unpack3A_598 : vector<16xf32>
        %add3A_601 = arith.addf %add3A_573, %unpack3A_599 : vector<16xf32>
        %broadcast_in_dim3A_602 = arith.constant 7 : i32
        %broadcast_in_dim3A_603 = vector.broadcast %broadcast_in_dim3A_602 : i32 to vector<16xi32>
        %gather3A_604 = tpu.vector_load_idx %arg15[%broadcast_in_dim3A, %broadcast_in_dim3A_603] : memref<80x16xf32, #tpu.memory_space<vmem>>[vector<16xi32>, vector<16xi32>], vector<16xf32>,
        %pack3A_605 = tpu.pack_subelements %gather3A_604, %gather3A_604 {pack_format = #tpu.pack_format<interleaved>, positions = array<i32: 0, 1>} : vector<16xf32>, vector<16xf32> -> vector<32xbf16>
        %mul3A_606 = arith.constant 16 : i32
        %mul3A_607 = arith.muli %add3A_400, %mul3A_606 : i32
        %add3A_608 = arith.constant 7 : i32
        %add3A_609 = arith.addi %mul3A_607, %add3A_608 : i32
        %get3A_610 = arith.index_cast %add3A_609 : i32 to index
        %get3A_611 = arith.constant 0 : index
        %get3A_612 = tpu.vector_load %arg19[%get3A_610, %get3A_611] {strides = array<i32>} : memref<1280x64xbf16, #tpu.memory_space<vmem>>, vector<32xbf16>,
        %mul3A_613 = arith.mulf %get3A_612, %pack3A_605 : vector<32xbf16>
        %unpack3A_614 = tpu.unpack_subelements %mul3A_613, 0 {pack_format = #tpu.pack_format<interleaved>} : vector<32xbf16> -> vector<16xf32>
        %unpack3A_615 = tpu.unpack_subelements %mul3A_613, 1 {pack_format = #tpu.pack_format<interleaved>} : vector<32xbf16> -> vector<16xf32>
        %add3A_616 = arith.addf %add3A_588, %unpack3A_614 : vector<16xf32>
        %add3A_617 = arith.addf %add3A_589, %unpack3A_615 : vector<16xf32>
        %mul3A_618 = arith.constant 16 : i32
        %mul3A_619 = arith.muli %add3A_400, %mul3A_618 : i32
        %add3A_620 = arith.constant 7 : i32
        %add3A_621 = arith.addi %mul3A_619, %add3A_620 : i32
        %get3A_622 = arith.index_cast %add3A_621 : i32 to index
        %get3A_623 = arith.constant 32 : index
        %get3A_624 = tpu.vector_load %arg19[%get3A_622, %get3A_623] {strides = array<i32>} : memref<1280x64xbf16, #tpu.memory_space<vmem>>, vector<32xbf16>,
        %mul3A_625 = arith.mulf %get3A_624, %pack3A_605 : vector<32xbf16>
        %unpack3A_626 = tpu.unpack_subelements %mul3A_625, 0 {pack_format = #tpu.pack_format<interleaved>} : vector<32xbf16> -> vector<16xf32>
        %unpack3A_627 = tpu.unpack_subelements %mul3A_625, 1 {pack_format = #tpu.pack_format<interleaved>} : vector<32xbf16> -> vector<16xf32>
        %add3A_628 = arith.addf %add3A_600, %unpack3A_626 : vector<16xf32>
        %add3A_629 = arith.addf %add3A_601, %unpack3A_627 : vector<16xf32>
        %broadcast_in_dim3A_630 = arith.constant 8 : i32
        %broadcast_in_dim3A_631 = vector.broadcast %broadcast_in_dim3A_630 : i32 to vector<16xi32>
        %gather3A_632 = tpu.vector_load_idx %arg15[%broadcast_in_dim3A, %broadcast_in_dim3A_631] : memref<80x16xf32, #tpu.memory_space<vmem>>[vector<16xi32>, vector<16xi32>], vector<16xf32>,
        %pack3A_633 = tpu.pack_subelements %gather3A_632, %gather3A_632 {pack_format = #tpu.pack_format<interleaved>, positions = array<i32: 0, 1>} : vector<16xf32>, vector<16xf32> -> vector<32xbf16>
        %mul3A_634 = arith.constant 16 : i32
        %mul3A_635 = arith.muli %add3A_400, %mul3A_634 : i32
        %add3A_636 = arith.constant 8 : i32
        %add3A_637 = arith.addi %mul3A_635, %add3A_636 : i32
        %get3A_638 = arith.index_cast %add3A_637 : i32 to index
        %get3A_639 = arith.constant 0 : index
        %get3A_640 = tpu.vector_load %arg19[%get3A_638, %get3A_639] {strides = array<i32>} : memref<1280x64xbf16, #tpu.memory_space<vmem>>, vector<32xbf16>,
        %mul3A_641 = arith.mulf %get3A_640, %pack3A_633 : vector<32xbf16>
        %unpack3A_642 = tpu.unpack_subelements %mul3A_641, 0 {pack_format = #tpu.pack_format<interleaved>} : vector<32xbf16> -> vector<16xf32>
        %unpack3A_643 = tpu.unpack_subelements %mul3A_641, 1 {pack_format = #tpu.pack_format<interleaved>} : vector<32xbf16> -> vector<16xf32>
        %add3A_644 = arith.addf %add3A_616, %unpack3A_642 : vector<16xf32>
        %add3A_645 = arith.addf %add3A_617, %unpack3A_643 : vector<16xf32>
        %mul3A_646 = arith.constant 16 : i32
        %mul3A_647 = arith.muli %add3A_400, %mul3A_646 : i32
        %add3A_648 = arith.constant 8 : i32
        %add3A_649 = arith.addi %mul3A_647, %add3A_648 : i32
        %get3A_650 = arith.index_cast %add3A_649 : i32 to index
        %get3A_651 = arith.constant 32 : index
        %get3A_652 = tpu.vector_load %arg19[%get3A_650, %get3A_651] {strides = array<i32>} : memref<1280x64xbf16, #tpu.memory_space<vmem>>, vector<32xbf16>,
        %mul3A_653 = arith.mulf %get3A_652, %pack3A_633 : vector<32xbf16>
        %unpack3A_654 = tpu.unpack_subelements %mul3A_653, 0 {pack_format = #tpu.pack_format<interleaved>} : vector<32xbf16> -> vector<16xf32>
        %unpack3A_655 = tpu.unpack_subelements %mul3A_653, 1 {pack_format = #tpu.pack_format<interleaved>} : vector<32xbf16> -> vector<16xf32>
        %add3A_656 = arith.addf %add3A_628, %unpack3A_654 : vector<16xf32>
        %add3A_657 = arith.addf %add3A_629, %unpack3A_655 : vector<16xf32>
        %broadcast_in_dim3A_658 = arith.constant 9 : i32
        %broadcast_in_dim3A_659 = vector.broadcast %broadcast_in_dim3A_658 : i32 to vector<16xi32>
        %gather3A_660 = tpu.vector_load_idx %arg15[%broadcast_in_dim3A, %broadcast_in_dim3A_659] : memref<80x16xf32, #tpu.memory_space<vmem>>[vector<16xi32>, vector<16xi32>], vector<16xf32>,
        %pack3A_661 = tpu.pack_subelements %gather3A_660, %gather3A_660 {pack_format = #tpu.pack_format<interleaved>, positions = array<i32: 0, 1>} : vector<16xf32>, vector<16xf32> -> vector<32xbf16>
        %mul3A_662 = arith.constant 16 : i32
        %mul3A_663 = arith.muli %add3A_400, %mul3A_662 : i32
        %add3A_664 = arith.constant 9 : i32
        %add3A_665 = arith.addi %mul3A_663, %add3A_664 : i32
        %get3A_666 = arith.index_cast %add3A_665 : i32 to index
        %get3A_667 = arith.constant 0 : index
        %get3A_668 = tpu.vector_load %arg19[%get3A_666, %get3A_667] {strides = array<i32>} : memref<1280x64xbf16, #tpu.memory_space<vmem>>, vector<32xbf16>,
        %mul3A_669 = arith.mulf %get3A_668, %pack3A_661 : vector<32xbf16>
        %unpack3A_670 = tpu.unpack_subelements %mul3A_669, 0 {pack_format = #tpu.pack_format<interleaved>} : vector<32xbf16> -> vector<16xf32>
        %unpack3A_671 = tpu.unpack_subelements %mul3A_669, 1 {pack_format = #tpu.pack_format<interleaved>} : vector<32xbf16> -> vector<16xf32>
        %add3A_672 = arith.addf %add3A_644, %unpack3A_670 : vector<16xf32>
        %add3A_673 = arith.addf %add3A_645, %unpack3A_671 : vector<16xf32>
        %mul3A_674 = arith.constant 16 : i32
        %mul3A_675 = arith.muli %add3A_400, %mul3A_674 : i32
        %add3A_676 = arith.constant 9 : i32
        %add3A_677 = arith.addi %mul3A_675, %add3A_676 : i32
        %get3A_678 = arith.index_cast %add3A_677 : i32 to index
        %get3A_679 = arith.constant 32 : index
        %get3A_680 = tpu.vector_load %arg19[%get3A_678, %get3A_679] {strides = array<i32>} : memref<1280x64xbf16, #tpu.memory_space<vmem>>, vector<32xbf16>,
        %mul3A_681 = arith.mulf %get3A_680, %pack3A_661 : vector<32xbf16>
        %unpack3A_682 = tpu.unpack_subelements %mul3A_681, 0 {pack_format = #tpu.pack_format<interleaved>} : vector<32xbf16> -> vector<16xf32>
        %unpack3A_683 = tpu.unpack_subelements %mul3A_681, 1 {pack_format = #tpu.pack_format<interleaved>} : vector<32xbf16> -> vector<16xf32>
        %add3A_684 = arith.addf %add3A_656, %unpack3A_682 : vector<16xf32>
        %add3A_685 = arith.addf %add3A_657, %unpack3A_683 : vector<16xf32>
        %broadcast_in_dim3A_686 = arith.constant 10 : i32
        %broadcast_in_dim3A_687 = vector.broadcast %broadcast_in_dim3A_686 : i32 to vector<16xi32>
        %gather3A_688 = tpu.vector_load_idx %arg15[%broadcast_in_dim3A, %broadcast_in_dim3A_687] : memref<80x16xf32, #tpu.memory_space<vmem>>[vector<16xi32>, vector<16xi32>], vector<16xf32>,
        %pack3A_689 = tpu.pack_subelements %gather3A_688, %gather3A_688 {pack_format = #tpu.pack_format<interleaved>, positions = array<i32: 0, 1>} : vector<16xf32>, vector<16xf32> -> vector<32xbf16>
        %mul3A_690 = arith.constant 16 : i32
        %mul3A_691 = arith.muli %add3A_400, %mul3A_690 : i32
        %add3A_692 = arith.constant 10 : i32
        %add3A_693 = arith.addi %mul3A_691, %add3A_692 : i32
        %get3A_694 = arith.index_cast %add3A_693 : i32 to index
        %get3A_695 = arith.constant 0 : index
        %get3A_696 = tpu.vector_load %arg19[%get3A_694, %get3A_695] {strides = array<i32>} : memref<1280x64xbf16, #tpu.memory_space<vmem>>, vector<32xbf16>,
        %mul3A_697 = arith.mulf %get3A_696, %pack3A_689 : vector<32xbf16>
        %unpack3A_698 = tpu.unpack_subelements %mul3A_697, 0 {pack_format = #tpu.pack_format<interleaved>} : vector<32xbf16> -> vector<16xf32>
        %unpack3A_699 = tpu.unpack_subelements %mul3A_697, 1 {pack_format = #tpu.pack_format<interleaved>} : vector<32xbf16> -> vector<16xf32>
        %add3A_700 = arith.addf %add3A_672, %unpack3A_698 : vector<16xf32>
        %add3A_701 = arith.addf %add3A_673, %unpack3A_699 : vector<16xf32>
        %mul3A_702 = arith.constant 16 : i32
        %mul3A_703 = arith.muli %add3A_400, %mul3A_702 : i32
        %add3A_704 = arith.constant 10 : i32
        %add3A_705 = arith.addi %mul3A_703, %add3A_704 : i32
        %get3A_706 = arith.index_cast %add3A_705 : i32 to index
        %get3A_707 = arith.constant 32 : index
        %get3A_708 = tpu.vector_load %arg19[%get3A_706, %get3A_707] {strides = array<i32>} : memref<1280x64xbf16, #tpu.memory_space<vmem>>, vector<32xbf16>,
        %mul3A_709 = arith.mulf %get3A_708, %pack3A_689 : vector<32xbf16>
        %unpack3A_710 = tpu.unpack_subelements %mul3A_709, 0 {pack_format = #tpu.pack_format<interleaved>} : vector<32xbf16> -> vector<16xf32>
        %unpack3A_711 = tpu.unpack_subelements %mul3A_709, 1 {pack_format = #tpu.pack_format<interleaved>} : vector<32xbf16> -> vector<16xf32>
        %add3A_712 = arith.addf %add3A_684, %unpack3A_710 : vector<16xf32>
        %add3A_713 = arith.addf %add3A_685, %unpack3A_711 : vector<16xf32>
        %broadcast_in_dim3A_714 = arith.constant 11 : i32
        %broadcast_in_dim3A_715 = vector.broadcast %broadcast_in_dim3A_714 : i32 to vector<16xi32>
        %gather3A_716 = tpu.vector_load_idx %arg15[%broadcast_in_dim3A, %broadcast_in_dim3A_715] : memref<80x16xf32, #tpu.memory_space<vmem>>[vector<16xi32>, vector<16xi32>], vector<16xf32>,
        %pack3A_717 = tpu.pack_subelements %gather3A_716, %gather3A_716 {pack_format = #tpu.pack_format<interleaved>, positions = array<i32: 0, 1>} : vector<16xf32>, vector<16xf32> -> vector<32xbf16>
        %mul3A_718 = arith.constant 16 : i32
        %mul3A_719 = arith.muli %add3A_400, %mul3A_718 : i32
        %add3A_720 = arith.constant 11 : i32
        %add3A_721 = arith.addi %mul3A_719, %add3A_720 : i32
        %get3A_722 = arith.index_cast %add3A_721 : i32 to index
        %get3A_723 = arith.constant 0 : index
        %get3A_724 = tpu.vector_load %arg19[%get3A_722, %get3A_723] {strides = array<i32>} : memref<1280x64xbf16, #tpu.memory_space<vmem>>, vector<32xbf16>,
        %mul3A_725 = arith.mulf %get3A_724, %pack3A_717 : vector<32xbf16>
        %unpack3A_726 = tpu.unpack_subelements %mul3A_725, 0 {pack_format = #tpu.pack_format<interleaved>} : vector<32xbf16> -> vector<16xf32>
        %unpack3A_727 = tpu.unpack_subelements %mul3A_725, 1 {pack_format = #tpu.pack_format<interleaved>} : vector<32xbf16> -> vector<16xf32>
        %add3A_728 = arith.addf %add3A_700, %unpack3A_726 : vector<16xf32>
        %add3A_729 = arith.addf %add3A_701, %unpack3A_727 : vector<16xf32>
        %mul3A_730 = arith.constant 16 : i32
        %mul3A_731 = arith.muli %add3A_400, %mul3A_730 : i32
        %add3A_732 = arith.constant 11 : i32
        %add3A_733 = arith.addi %mul3A_731, %add3A_732 : i32
        %get3A_734 = arith.index_cast %add3A_733 : i32 to index
        %get3A_735 = arith.constant 32 : index
        %get3A_736 = tpu.vector_load %arg19[%get3A_734, %get3A_735] {strides = array<i32>} : memref<1280x64xbf16, #tpu.memory_space<vmem>>, vector<32xbf16>,
        %mul3A_737 = arith.mulf %get3A_736, %pack3A_717 : vector<32xbf16>
        %unpack3A_738 = tpu.unpack_subelements %mul3A_737, 0 {pack_format = #tpu.pack_format<interleaved>} : vector<32xbf16> -> vector<16xf32>
        %unpack3A_739 = tpu.unpack_subelements %mul3A_737, 1 {pack_format = #tpu.pack_format<interleaved>} : vector<32xbf16> -> vector<16xf32>
        %add3A_740 = arith.addf %add3A_712, %unpack3A_738 : vector<16xf32>
        %add3A_741 = arith.addf %add3A_713, %unpack3A_739 : vector<16xf32>
        %broadcast_in_dim3A_742 = arith.constant 12 : i32
        %broadcast_in_dim3A_743 = vector.broadcast %broadcast_in_dim3A_742 : i32 to vector<16xi32>
        %gather3A_744 = tpu.vector_load_idx %arg15[%broadcast_in_dim3A, %broadcast_in_dim3A_743] : memref<80x16xf32, #tpu.memory_space<vmem>>[vector<16xi32>, vector<16xi32>], vector<16xf32>,
        %pack3A_745 = tpu.pack_subelements %gather3A_744, %gather3A_744 {pack_format = #tpu.pack_format<interleaved>, positions = array<i32: 0, 1>} : vector<16xf32>, vector<16xf32> -> vector<32xbf16>
        %mul3A_746 = arith.constant 16 : i32
        %mul3A_747 = arith.muli %add3A_400, %mul3A_746 : i32
        %add3A_748 = arith.constant 12 : i32
        %add3A_749 = arith.addi %mul3A_747, %add3A_748 : i32
        %get3A_750 = arith.index_cast %add3A_749 : i32 to index
        %get3A_751 = arith.constant 0 : index
        %get3A_752 = tpu.vector_load %arg19[%get3A_750, %get3A_751] {strides = array<i32>} : memref<1280x64xbf16, #tpu.memory_space<vmem>>, vector<32xbf16>,
        %mul3A_753 = arith.mulf %get3A_752, %pack3A_745 : vector<32xbf16>
        %unpack3A_754 = tpu.unpack_subelements %mul3A_753, 0 {pack_format = #tpu.pack_format<interleaved>} : vector<32xbf16> -> vector<16xf32>
        %unpack3A_755 = tpu.unpack_subelements %mul3A_753, 1 {pack_format = #tpu.pack_format<interleaved>} : vector<32xbf16> -> vector<16xf32>
        %add3A_756 = arith.addf %add3A_728, %unpack3A_754 : vector<16xf32>
        %add3A_757 = arith.addf %add3A_729, %unpack3A_755 : vector<16xf32>
        %mul3A_758 = arith.constant 16 : i32
        %mul3A_759 = arith.muli %add3A_400, %mul3A_758 : i32
        %add3A_760 = arith.constant 12 : i32
        %add3A_761 = arith.addi %mul3A_759, %add3A_760 : i32
        %get3A_762 = arith.index_cast %add3A_761 : i32 to index
        %get3A_763 = arith.constant 32 : index
        %get3A_764 = tpu.vector_load %arg19[%get3A_762, %get3A_763] {strides = array<i32>} : memref<1280x64xbf16, #tpu.memory_space<vmem>>, vector<32xbf16>,
        %mul3A_765 = arith.mulf %get3A_764, %pack3A_745 : vector<32xbf16>
        %unpack3A_766 = tpu.unpack_subelements %mul3A_765, 0 {pack_format = #tpu.pack_format<interleaved>} : vector<32xbf16> -> vector<16xf32>
        %unpack3A_767 = tpu.unpack_subelements %mul3A_765, 1 {pack_format = #tpu.pack_format<interleaved>} : vector<32xbf16> -> vector<16xf32>
        %add3A_768 = arith.addf %add3A_740, %unpack3A_766 : vector<16xf32>
        %add3A_769 = arith.addf %add3A_741, %unpack3A_767 : vector<16xf32>
        %broadcast_in_dim3A_770 = arith.constant 13 : i32
        %broadcast_in_dim3A_771 = vector.broadcast %broadcast_in_dim3A_770 : i32 to vector<16xi32>
        %gather3A_772 = tpu.vector_load_idx %arg15[%broadcast_in_dim3A, %broadcast_in_dim3A_771] : memref<80x16xf32, #tpu.memory_space<vmem>>[vector<16xi32>, vector<16xi32>], vector<16xf32>,
        %pack3A_773 = tpu.pack_subelements %gather3A_772, %gather3A_772 {pack_format = #tpu.pack_format<interleaved>, positions = array<i32: 0, 1>} : vector<16xf32>, vector<16xf32> -> vector<32xbf16>
        %mul3A_774 = arith.constant 16 : i32
        %mul3A_775 = arith.muli %add3A_400, %mul3A_774 : i32
        %add3A_776 = arith.constant 13 : i32
        %add3A_777 = arith.addi %mul3A_775, %add3A_776 : i32
        %get3A_778 = arith.index_cast %add3A_777 : i32 to index
        %get3A_779 = arith.constant 0 : index
        %get3A_780 = tpu.vector_load %arg19[%get3A_778, %get3A_779] {strides = array<i32>} : memref<1280x64xbf16, #tpu.memory_space<vmem>>, vector<32xbf16>,
        %mul3A_781 = arith.mulf %get3A_780, %pack3A_773 : vector<32xbf16>
        %unpack3A_782 = tpu.unpack_subelements %mul3A_781, 0 {pack_format = #tpu.pack_format<interleaved>} : vector<32xbf16> -> vector<16xf32>
        %unpack3A_783 = tpu.unpack_subelements %mul3A_781, 1 {pack_format = #tpu.pack_format<interleaved>} : vector<32xbf16> -> vector<16xf32>
        %add3A_784 = arith.addf %add3A_756, %unpack3A_782 : vector<16xf32>
        %add3A_785 = arith.addf %add3A_757, %unpack3A_783 : vector<16xf32>
        %mul3A_786 = arith.constant 16 : i32
        %mul3A_787 = arith.muli %add3A_400, %mul3A_786 : i32
        %add3A_788 = arith.constant 13 : i32
        %add3A_789 = arith.addi %mul3A_787, %add3A_788 : i32
        %get3A_790 = arith.index_cast %add3A_789 : i32 to index
        %get3A_791 = arith.constant 32 : index
        %get3A_792 = tpu.vector_load %arg19[%get3A_790, %get3A_791] {strides = array<i32>} : memref<1280x64xbf16, #tpu.memory_space<vmem>>, vector<32xbf16>,
        %mul3A_793 = arith.mulf %get3A_792, %pack3A_773 : vector<32xbf16>
        %unpack3A_794 = tpu.unpack_subelements %mul3A_793, 0 {pack_format = #tpu.pack_format<interleaved>} : vector<32xbf16> -> vector<16xf32>
        %unpack3A_795 = tpu.unpack_subelements %mul3A_793, 1 {pack_format = #tpu.pack_format<interleaved>} : vector<32xbf16> -> vector<16xf32>
        %add3A_796 = arith.addf %add3A_768, %unpack3A_794 : vector<16xf32>
        %add3A_797 = arith.addf %add3A_769, %unpack3A_795 : vector<16xf32>
        %broadcast_in_dim3A_798 = arith.constant 14 : i32
        %broadcast_in_dim3A_799 = vector.broadcast %broadcast_in_dim3A_798 : i32 to vector<16xi32>
        %gather3A_800 = tpu.vector_load_idx %arg15[%broadcast_in_dim3A, %broadcast_in_dim3A_799] : memref<80x16xf32, #tpu.memory_space<vmem>>[vector<16xi32>, vector<16xi32>], vector<16xf32>,
        %pack3A_801 = tpu.pack_subelements %gather3A_800, %gather3A_800 {pack_format = #tpu.pack_format<interleaved>, positions = array<i32: 0, 1>} : vector<16xf32>, vector<16xf32> -> vector<32xbf16>
        %mul3A_802 = arith.constant 16 : i32
        %mul3A_803 = arith.muli %add3A_400, %mul3A_802 : i32
        %add3A_804 = arith.constant 14 : i32
        %add3A_805 = arith.addi %mul3A_803, %add3A_804 : i32
        %get3A_806 = arith.index_cast %add3A_805 : i32 to index
        %get3A_807 = arith.constant 0 : index
        %get3A_808 = tpu.vector_load %arg19[%get3A_806, %get3A_807] {strides = array<i32>} : memref<1280x64xbf16, #tpu.memory_space<vmem>>, vector<32xbf16>,
        %mul3A_809 = arith.mulf %get3A_808, %pack3A_801 : vector<32xbf16>
        %unpack3A_810 = tpu.unpack_subelements %mul3A_809, 0 {pack_format = #tpu.pack_format<interleaved>} : vector<32xbf16> -> vector<16xf32>
        %unpack3A_811 = tpu.unpack_subelements %mul3A_809, 1 {pack_format = #tpu.pack_format<interleaved>} : vector<32xbf16> -> vector<16xf32>
        %add3A_812 = arith.addf %add3A_784, %unpack3A_810 : vector<16xf32>
        %add3A_813 = arith.addf %add3A_785, %unpack3A_811 : vector<16xf32>
        %mul3A_814 = arith.constant 16 : i32
        %mul3A_815 = arith.muli %add3A_400, %mul3A_814 : i32
        %add3A_816 = arith.constant 14 : i32
        %add3A_817 = arith.addi %mul3A_815, %add3A_816 : i32
        %get3A_818 = arith.index_cast %add3A_817 : i32 to index
        %get3A_819 = arith.constant 32 : index
        %get3A_820 = tpu.vector_load %arg19[%get3A_818, %get3A_819] {strides = array<i32>} : memref<1280x64xbf16, #tpu.memory_space<vmem>>, vector<32xbf16>,
        %mul3A_821 = arith.mulf %get3A_820, %pack3A_801 : vector<32xbf16>
        %unpack3A_822 = tpu.unpack_subelements %mul3A_821, 0 {pack_format = #tpu.pack_format<interleaved>} : vector<32xbf16> -> vector<16xf32>
        %unpack3A_823 = tpu.unpack_subelements %mul3A_821, 1 {pack_format = #tpu.pack_format<interleaved>} : vector<32xbf16> -> vector<16xf32>
        %add3A_824 = arith.addf %add3A_796, %unpack3A_822 : vector<16xf32>
        %add3A_825 = arith.addf %add3A_797, %unpack3A_823 : vector<16xf32>
        %broadcast_in_dim3A_826 = arith.constant 15 : i32
        %broadcast_in_dim3A_827 = vector.broadcast %broadcast_in_dim3A_826 : i32 to vector<16xi32>
        %gather3A_828 = tpu.vector_load_idx %arg15[%broadcast_in_dim3A, %broadcast_in_dim3A_827] : memref<80x16xf32, #tpu.memory_space<vmem>>[vector<16xi32>, vector<16xi32>], vector<16xf32>,
        %pack3A_829 = tpu.pack_subelements %gather3A_828, %gather3A_828 {pack_format = #tpu.pack_format<interleaved>, positions = array<i32: 0, 1>} : vector<16xf32>, vector<16xf32> -> vector<32xbf16>
        %mul3A_830 = arith.constant 16 : i32
        %mul3A_831 = arith.muli %add3A_400, %mul3A_830 : i32
        %add3A_832 = arith.constant 15 : i32
        %add3A_833 = arith.addi %mul3A_831, %add3A_832 : i32
        %get3A_834 = arith.index_cast %add3A_833 : i32 to index
        %get3A_835 = arith.constant 0 : index
        %get3A_836 = tpu.vector_load %arg19[%get3A_834, %get3A_835] {strides = array<i32>} : memref<1280x64xbf16, #tpu.memory_space<vmem>>, vector<32xbf16>,
        %mul3A_837 = arith.mulf %get3A_836, %pack3A_829 : vector<32xbf16>
        %unpack3A_838 = tpu.unpack_subelements %mul3A_837, 0 {pack_format = #tpu.pack_format<interleaved>} : vector<32xbf16> -> vector<16xf32>
        %unpack3A_839 = tpu.unpack_subelements %mul3A_837, 1 {pack_format = #tpu.pack_format<interleaved>} : vector<32xbf16> -> vector<16xf32>
        %add3A_840 = arith.addf %add3A_812, %unpack3A_838 : vector<16xf32>
        %add3A_841 = arith.addf %add3A_813, %unpack3A_839 : vector<16xf32>
        %mul3A_842 = arith.constant 16 : i32
        %mul3A_843 = arith.muli %add3A_400, %mul3A_842 : i32
        %add3A_844 = arith.constant 15 : i32
        %add3A_845 = arith.addi %mul3A_843, %add3A_844 : i32
        %get3A_846 = arith.index_cast %add3A_845 : i32 to index
        %get3A_847 = arith.constant 32 : index
        %get3A_848 = tpu.vector_load %arg19[%get3A_846, %get3A_847] {strides = array<i32>} : memref<1280x64xbf16, #tpu.memory_space<vmem>>, vector<32xbf16>,
        %mul3A_849 = arith.mulf %get3A_848, %pack3A_829 : vector<32xbf16>
        %unpack3A_850 = tpu.unpack_subelements %mul3A_849, 0 {pack_format = #tpu.pack_format<interleaved>} : vector<32xbf16> -> vector<16xf32>
        %unpack3A_851 = tpu.unpack_subelements %mul3A_849, 1 {pack_format = #tpu.pack_format<interleaved>} : vector<32xbf16> -> vector<16xf32>
        %add3A_852 = arith.addf %add3A_824, %unpack3A_850 : vector<16xf32>
        %add3A_853 = arith.addf %add3A_825, %unpack3A_851 : vector<16xf32>
        %add3A_854 = arith.constant 0 : i32
        %add3A_855 = vector.broadcast %add3A_854 : i32 to vector<16xi32>
        %add3A_856 = arith.addi %add3A_855, %mul3A_5 : vector<16xi32>
        %mul3A_857 = arith.mulf %add3A_840, %gather3A : vector<16xf32>
        tpu.vector_store_idx %arg21[%broadcast_in_dim3A, %add3A_856], %mul3A_857 : memref<80x64xf32, #tpu.memory_space<vmem>>[vector<16xi32>, vector<16xi32>], vector<16xf32>,
        %add3A_858 = arith.constant 0 : i32
        %add3A_859 = vector.broadcast %add3A_858 : i32 to vector<16xi32>
        %add3A_860 = arith.addi %add3A_859, %add3A_8 : vector<16xi32>
        %mul3A_861 = arith.mulf %add3A_841, %gather3A : vector<16xf32>
        tpu.vector_store_idx %arg21[%broadcast_in_dim3A, %add3A_860], %mul3A_861 : memref<80x64xf32, #tpu.memory_space<vmem>>[vector<16xi32>, vector<16xi32>], vector<16xf32>,
        %add3A_862 = arith.constant 32 : i32
        %add3A_863 = vector.broadcast %add3A_862 : i32 to vector<16xi32>
        %add3A_864 = arith.addi %add3A_863, %mul3A_5 : vector<16xi32>
        %mul3A_865 = arith.mulf %add3A_852, %gather3A : vector<16xf32>
        tpu.vector_store_idx %arg21[%broadcast_in_dim3A, %add3A_864], %mul3A_865 : memref<80x64xf32, #tpu.memory_space<vmem>>[vector<16xi32>, vector<16xi32>], vector<16xf32>,
        %add3A_866 = arith.constant 32 : i32
        %add3A_867 = vector.broadcast %add3A_866 : i32 to vector<16xi32>
        %add3A_868 = arith.addi %add3A_867, %add3A_8 : vector<16xi32>
        %mul3A_869 = arith.mulf %add3A_853, %gather3A : vector<16xf32>
        tpu.vector_store_idx %arg21[%broadcast_in_dim3A, %add3A_868], %mul3A_869 : memref<80x64xf32, #tpu.memory_space<vmem>>[vector<16xi32>, vector<16xi32>], vector<16xf32>,
      }
      %scan3A_261 = arith.constant 80 : i32
      %mul3A_262 = arith.constant 80 : i32
      %mul3A_263 = arith.muli %add3A_147, %mul3A_262 : i32
      %add3A_264 = arith.addi %mul3A_2, %mul3A_263 : i32
      %dma_start3A_265 = arith.constant 0 : i32
      %dma_start3A_266 = tpu.memref_slice %arg6[%add3A_264, %dma_start3A_265] : memref<81920x64xf32, #tpu.memory_space<hbm>> -> memref<80x64xf32, #tpu.memory_space<hbm>>
      %dma_start3A_267 = arith.constant 0 : i32
      %dma_start3A_268 = tpu.memref_slice %arg6[%add3A_264, %dma_start3A_267] : memref<81920x64xf32, #tpu.memory_space<hbm>> -> memref<80x64xf32, #tpu.memory_space<hbm>>
      tpu.enqueue_dma source(%arg21 : memref<80x64xf32, #tpu.memory_space<vmem>>) target(%dma_start3A_268 : memref<80x64xf32, #tpu.memory_space<hbm>>) target_semaphore(%arg29 : memref<!tpu.dma_semaphore, #tpu.memory_space<semaphore_mem>>)
      %add3A_269 = arith.constant 1 : i32
      %add3A_270 = arith.addi %add3A_145, %add3A_269 : i32
      %add3A_271 = arith.constant 1 : i32
      %add3A_272 = arith.addi %add3A_270, %add3A_271 : i32
      %le3A_273 = arith.constant 31 : i32
      %le3A_274 = arith.cmpi sle, %add3A_272, %le3A_273 : i32
      %convert_element_type3A_275 = arith.extui %le3A_274 : i1 to i32
      %cond3A_276 = arith.constant 0 : i32
      %cond3A_277 = arith.cmpi ne, %convert_element_type3A_275, %cond3A_276 : i32
      scf.if %cond3A_277 {
        %dma_wait3A_396 = arith.constant 0 : i32
        %dma_wait3A_397 = arith.constant 0 : i32
        %dma_wait3A_398 = tpu.memref_slice %arg4[%dma_wait3A_396, %dma_wait3A_397] : memref<100000x16xi32, #tpu.memory_space<hbm>> -> memref<100000x16xi32, #tpu.memory_space<hbm>>
        tpu.wait_indirect_dma semaphore(%arg25 : memref<!tpu.dma_semaphore, #tpu.memory_space<semaphore_mem>>) src(%dma_wait3A_398 : memref<100000x16xi32, #tpu.memory_space<hbm>>) dst(%arg9 : memref<80x16xi32, #tpu.memory_space<vmem>>)
        %dma_wait3A_399 = arith.constant 0 : i32
        %dma_wait3A_400 = arith.constant 0 : i32
        %dma_wait3A_401 = tpu.memref_slice %arg5[%dma_wait3A_399, %dma_wait3A_400] : memref<100000x16xf32, #tpu.memory_space<hbm>> -> memref<100000x16xf32, #tpu.memory_space<hbm>>
        tpu.wait_indirect_dma semaphore(%arg25 : memref<!tpu.dma_semaphore, #tpu.memory_space<semaphore_mem>>) src(%dma_wait3A_401 : memref<100000x16xf32, #tpu.memory_space<hbm>>) dst(%arg13 : memref<80x16xf32, #tpu.memory_space<vmem>>)
      } else {
      }
      %add3A_278 = arith.constant 3 : i32
      %add3A_279 = arith.addi %add3A_270, %add3A_278 : i32
      %le3A_280 = arith.constant 31 : i32
      %le3A_281 = arith.cmpi sle, %add3A_279, %le3A_280 : i32
      %convert_element_type3A_282 = arith.extui %le3A_281 : i1 to i32
      %cond3A_283 = arith.constant 0 : i32
      %cond3A_284 = arith.cmpi ne, %convert_element_type3A_282, %cond3A_283 : i32
      scf.if %cond3A_284 {
        %add3A_396 = arith.constant 3 : i32
        %add3A_397 = arith.addi %add3A_270, %add3A_396 : i32
        %mul3A_398 = arith.constant 80 : i32
        %mul3A_399 = arith.muli %add3A_397, %mul3A_398 : i32
        %add3A_400 = arith.addi %mul3A_2, %mul3A_399 : i32
        %dma_start3A_401 = tpu.memref_slice %arg2[%add3A_400] : memref<81920xi32, #tpu.memory_space<hbm>> -> memref<80xi32, #tpu.memory_space<hbm>>
        %dma_start3A_402 = tpu.memref_slice %arg2[%add3A_400] : memref<81920xi32, #tpu.memory_space<hbm>> -> memref<80xi32, #tpu.memory_space<hbm>>
        tpu.enqueue_dma source(%dma_start3A_402 : memref<80xi32, #tpu.memory_space<hbm>>) target(%arg7 : memref<80xi32, #tpu.memory_space<vmem>>) target_semaphore(%arg23 : memref<!tpu.dma_semaphore, #tpu.memory_space<semaphore_mem>>)
      } else {
      }
      %add3A_285 = arith.constant 1 : i32
      %add3A_286 = arith.addi %add3A_270, %add3A_285 : i32
      %le3A_287 = arith.constant 31 : i32
      %le3A_288 = arith.cmpi sle, %add3A_286, %le3A_287 : i32
      %convert_element_type3A_289 = arith.extui %le3A_288 : i1 to i32
      %cond3A_290 = arith.constant 0 : i32
      %cond3A_291 = arith.cmpi ne, %convert_element_type3A_289, %cond3A_290 : i32
      scf.if %cond3A_291 {
        %add3A_396 = arith.constant 1 : i32
        %add3A_397 = arith.addi %add3A_270, %add3A_396 : i32
        %mul3A_398 = arith.constant 80 : i32
        %mul3A_399 = arith.muli %add3A_397, %mul3A_398 : i32
        %add3A_400 = arith.addi %mul3A_2, %mul3A_399 : i32
        %scan3A_401 = arith.constant 0 : i32
        %scan3A_402 = arith.constant 80 : i32
        %scan3A_403 = arith.addi %scan3A_401, %scan3A_402 : i32
        %scan3A_404 = arith.constant 1 : i32
        scf.for %scan3A_491 = %scan3A_401 to %scan3A_403 step %scan3A_404  : i32 {
          %mul3A_492 = arith.constant 1 : i32
          %mul3A_493 = arith.muli %scan3A_491, %mul3A_492 : i32
          %add3A_494 = arith.constant 0 : i32
          %add3A_495 = arith.addi %add3A_494, %mul3A_493 : i32
          %get3A = arith.index_cast %add3A_495 : i32 to index
          %get3A_496 = arith.constant 0 : index
          %get3A_497 = tpu.vector_load %arg13[%get3A, %get3A_496] {strides = array<i32>} : memref<80x16xf32, #tpu.memory_space<vmem>>, vector<16xf32>,
          %swap3A = arith.index_cast %add3A_495 : i32 to index
          %swap3A_498 = arith.constant 0 : index
          %swap3A_499 = tpu.vector_load %arg15[%swap3A, %swap3A_498] {strides = array<i32>} : memref<80x16xf32, #tpu.memory_space<vmem>>, vector<16xf32>,
          tpu.vector_store %arg15[%swap3A, %swap3A_498], %get3A_497 {strides = array<i32>} : memref<80x16xf32, #tpu.memory_space<vmem>>, vector<16xf32>,
          %add3A_500 = arith.addi %add3A_400, %add3A_495 : i32
          %mul3A_501 = arith.constant 16 : i32
          %mul3A_502 = arith.muli %add3A_500, %mul3A_501 : i32
          %add3A_503 = vector.broadcast %mul3A_502 : i32 to vector<16xi32>
          %add3A_504 = arith.addi %add3A_503, %iota3A : vector<16xi32>
          %and3A = arith.constant 65535 : i32
          %and3A_505 = vector.broadcast %and3A : i32 to vector<16xi32>
          %and3A_506 = arith.andi %add3A_504, %and3A_505 : vector<16xi32>
          %gt3A = arith.constant 0.000000e+00 : f32
          %gt3A_507 = vector.broadcast %gt3A : f32 to vector<16xf32>
          %gt3A_508 = arith.cmpf ogt, %get3A_497, %gt3A_507 : vector<16xf32>
          %get3A_509 = arith.index_cast %add3A_495 : i32 to index
          %get3A_510 = arith.constant 0 : index
          %get3A_511 = tpu.vector_load %arg9[%get3A_509, %get3A_510] {strides = array<i32>} : memref<80x16xi32, #tpu.memory_space<vmem>>, vector<16xi32>,
          %select_n3A = arith.select %gt3A_508, %get3A_511, %and3A_506 : vector<16xi1>, vector<16xi32>
          %mul3A_512 = arith.constant 16 : i32
          %mul3A_513 = arith.muli %add3A_495, %mul3A_512 : i32
          %swap3A_514 = arith.index_cast %mul3A_513 : i32 to index
          %swap3A_515 = tpu.vector_load %arg11[%swap3A_514] {strides = array<i32>} : memref<1280xi32, #tpu.memory_space<vmem>>, vector<16xi32>,
          tpu.vector_store %arg11[%swap3A_514], %select_n3A {strides = array<i32>} : memref<1280xi32, #tpu.memory_space<vmem>>, vector<16xi32>,
        }
        %scan3A_405 = arith.constant 80 : i32
        %scan3A_406 = arith.constant 0 : i32
        %scan3A_407 = arith.constant 5 : i32
        %scan3A_408 = arith.addi %scan3A_406, %scan3A_407 : i32
        %scan3A_409 = arith.constant 1 : i32
        scf.for %scan3A_491 = %scan3A_406 to %scan3A_408 step %scan3A_409  : i32 {
          %mul3A_492 = arith.constant 1 : i32
          %mul3A_493 = arith.muli %scan3A_491, %mul3A_492 : i32
          %add3A_494 = arith.constant 0 : i32
          %add3A_495 = arith.addi %add3A_494, %mul3A_493 : i32
          %mul3A_496 = arith.constant 16 : i32
          %mul3A_497 = arith.muli %add3A_495, %mul3A_496 : i32
          %add3A_498 = vector.broadcast %mul3A_497 : i32 to vector<16xi32>
          %add3A_499 = arith.addi %add3A_498, %iota3A : vector<16xi32>
          %broadcast_in_dim3A = arith.constant 0.000000e+00 : f32
          %broadcast_in_dim3A_500 = vector.broadcast %broadcast_in_dim3A : f32 to vector<16xf32>
          %broadcast_in_dim3A_501 = arith.constant 0 : i32
          %broadcast_in_dim3A_502 = vector.broadcast %broadcast_in_dim3A_501 : i32 to vector<16xi32>
          %gather3A = tpu.vector_load_idx %arg15[%add3A_499, %broadcast_in_dim3A_502] : memref<80x16xf32, #tpu.memory_space<vmem>>[vector<16xi32>, vector<16xi32>], vector<16xf32>,
          %add3A_503 = arith.addf %broadcast_in_dim3A_500, %gather3A : vector<16xf32>
          %broadcast_in_dim3A_504 = arith.constant 1 : i32
          %broadcast_in_dim3A_505 = vector.broadcast %broadcast_in_dim3A_504 : i32 to vector<16xi32>
          %gather3A_506 = tpu.vector_load_idx %arg15[%add3A_499, %broadcast_in_dim3A_505] : memref<80x16xf32, #tpu.memory_space<vmem>>[vector<16xi32>, vector<16xi32>], vector<16xf32>,
          %add3A_507 = arith.addf %add3A_503, %gather3A_506 : vector<16xf32>
          %broadcast_in_dim3A_508 = arith.constant 2 : i32
          %broadcast_in_dim3A_509 = vector.broadcast %broadcast_in_dim3A_508 : i32 to vector<16xi32>
          %gather3A_510 = tpu.vector_load_idx %arg15[%add3A_499, %broadcast_in_dim3A_509] : memref<80x16xf32, #tpu.memory_space<vmem>>[vector<16xi32>, vector<16xi32>], vector<16xf32>,
          %add3A_511 = arith.addf %add3A_507, %gather3A_510 : vector<16xf32>
          %broadcast_in_dim3A_512 = arith.constant 3 : i32
          %broadcast_in_dim3A_513 = vector.broadcast %broadcast_in_dim3A_512 : i32 to vector<16xi32>
          %gather3A_514 = tpu.vector_load_idx %arg15[%add3A_499, %broadcast_in_dim3A_513] : memref<80x16xf32, #tpu.memory_space<vmem>>[vector<16xi32>, vector<16xi32>], vector<16xf32>,
          %add3A_515 = arith.addf %add3A_511, %gather3A_514 : vector<16xf32>
          %broadcast_in_dim3A_516 = arith.constant 4 : i32
          %broadcast_in_dim3A_517 = vector.broadcast %broadcast_in_dim3A_516 : i32 to vector<16xi32>
          %gather3A_518 = tpu.vector_load_idx %arg15[%add3A_499, %broadcast_in_dim3A_517] : memref<80x16xf32, #tpu.memory_space<vmem>>[vector<16xi32>, vector<16xi32>], vector<16xf32>,
          %add3A_519 = arith.addf %add3A_515, %gather3A_518 : vector<16xf32>
          %broadcast_in_dim3A_520 = arith.constant 5 : i32
          %broadcast_in_dim3A_521 = vector.broadcast %broadcast_in_dim3A_520 : i32 to vector<16xi32>
          %gather3A_522 = tpu.vector_load_idx %arg15[%add3A_499, %broadcast_in_dim3A_521] : memref<80x16xf32, #tpu.memory_space<vmem>>[vector<16xi32>, vector<16xi32>], vector<16xf32>,
          %add3A_523 = arith.addf %add3A_519, %gather3A_522 : vector<16xf32>
          %broadcast_in_dim3A_524 = arith.constant 6 : i32
          %broadcast_in_dim3A_525 = vector.broadcast %broadcast_in_dim3A_524 : i32 to vector<16xi32>
          %gather3A_526 = tpu.vector_load_idx %arg15[%add3A_499, %broadcast_in_dim3A_525] : memref<80x16xf32, #tpu.memory_space<vmem>>[vector<16xi32>, vector<16xi32>], vector<16xf32>,
          %add3A_527 = arith.addf %add3A_523, %gather3A_526 : vector<16xf32>
          %broadcast_in_dim3A_528 = arith.constant 7 : i32
          %broadcast_in_dim3A_529 = vector.broadcast %broadcast_in_dim3A_528 : i32 to vector<16xi32>
          %gather3A_530 = tpu.vector_load_idx %arg15[%add3A_499, %broadcast_in_dim3A_529] : memref<80x16xf32, #tpu.memory_space<vmem>>[vector<16xi32>, vector<16xi32>], vector<16xf32>,
          %add3A_531 = arith.addf %add3A_527, %gather3A_530 : vector<16xf32>
          %broadcast_in_dim3A_532 = arith.constant 8 : i32
          %broadcast_in_dim3A_533 = vector.broadcast %broadcast_in_dim3A_532 : i32 to vector<16xi32>
          %gather3A_534 = tpu.vector_load_idx %arg15[%add3A_499, %broadcast_in_dim3A_533] : memref<80x16xf32, #tpu.memory_space<vmem>>[vector<16xi32>, vector<16xi32>], vector<16xf32>,
          %add3A_535 = arith.addf %add3A_531, %gather3A_534 : vector<16xf32>
          %broadcast_in_dim3A_536 = arith.constant 9 : i32
          %broadcast_in_dim3A_537 = vector.broadcast %broadcast_in_dim3A_536 : i32 to vector<16xi32>
          %gather3A_538 = tpu.vector_load_idx %arg15[%add3A_499, %broadcast_in_dim3A_537] : memref<80x16xf32, #tpu.memory_space<vmem>>[vector<16xi32>, vector<16xi32>], vector<16xf32>,
          %add3A_539 = arith.addf %add3A_535, %gather3A_538 : vector<16xf32>
          %broadcast_in_dim3A_540 = arith.constant 10 : i32
          %broadcast_in_dim3A_541 = vector.broadcast %broadcast_in_dim3A_540 : i32 to vector<16xi32>
          %gather3A_542 = tpu.vector_load_idx %arg15[%add3A_499, %broadcast_in_dim3A_541] : memref<80x16xf32, #tpu.memory_space<vmem>>[vector<16xi32>, vector<16xi32>], vector<16xf32>,
          %add3A_543 = arith.addf %add3A_539, %gather3A_542 : vector<16xf32>
          %broadcast_in_dim3A_544 = arith.constant 11 : i32
          %broadcast_in_dim3A_545 = vector.broadcast %broadcast_in_dim3A_544 : i32 to vector<16xi32>
          %gather3A_546 = tpu.vector_load_idx %arg15[%add3A_499, %broadcast_in_dim3A_545] : memref<80x16xf32, #tpu.memory_space<vmem>>[vector<16xi32>, vector<16xi32>], vector<16xf32>,
          %add3A_547 = arith.addf %add3A_543, %gather3A_546 : vector<16xf32>
          %broadcast_in_dim3A_548 = arith.constant 12 : i32
          %broadcast_in_dim3A_549 = vector.broadcast %broadcast_in_dim3A_548 : i32 to vector<16xi32>
          %gather3A_550 = tpu.vector_load_idx %arg15[%add3A_499, %broadcast_in_dim3A_549] : memref<80x16xf32, #tpu.memory_space<vmem>>[vector<16xi32>, vector<16xi32>], vector<16xf32>,
          %add3A_551 = arith.addf %add3A_547, %gather3A_550 : vector<16xf32>
          %broadcast_in_dim3A_552 = arith.constant 13 : i32
          %broadcast_in_dim3A_553 = vector.broadcast %broadcast_in_dim3A_552 : i32 to vector<16xi32>
          %gather3A_554 = tpu.vector_load_idx %arg15[%add3A_499, %broadcast_in_dim3A_553] : memref<80x16xf32, #tpu.memory_space<vmem>>[vector<16xi32>, vector<16xi32>], vector<16xf32>,
          %add3A_555 = arith.addf %add3A_551, %gather3A_554 : vector<16xf32>
          %broadcast_in_dim3A_556 = arith.constant 14 : i32
          %broadcast_in_dim3A_557 = vector.broadcast %broadcast_in_dim3A_556 : i32 to vector<16xi32>
          %gather3A_558 = tpu.vector_load_idx %arg15[%add3A_499, %broadcast_in_dim3A_557] : memref<80x16xf32, #tpu.memory_space<vmem>>[vector<16xi32>, vector<16xi32>], vector<16xf32>,
          %add3A_559 = arith.addf %add3A_555, %gather3A_558 : vector<16xf32>
          %broadcast_in_dim3A_560 = arith.constant 15 : i32
          %broadcast_in_dim3A_561 = vector.broadcast %broadcast_in_dim3A_560 : i32 to vector<16xi32>
          %gather3A_562 = tpu.vector_load_idx %arg15[%add3A_499, %broadcast_in_dim3A_561] : memref<80x16xf32, #tpu.memory_space<vmem>>[vector<16xi32>, vector<16xi32>], vector<16xf32>,
          %add3A_563 = arith.addf %add3A_559, %gather3A_562 : vector<16xf32>
          %broadcast_in_dim3A_564 = arith.constant 1.000000e+00 : f32
          %broadcast_in_dim3A_565 = vector.broadcast %broadcast_in_dim3A_564 : f32 to vector<16xf32>
          %max3A = arith.constant 1.000000e+00 : f32
          %max3A_566 = vector.broadcast %max3A : f32 to vector<16xf32>
          %max3A_567 = arith.maximumf %add3A_563, %max3A_566 : vector<16xf32>
          %div3A = arith.divf %broadcast_in_dim3A_565, %max3A_567 : vector<16xf32>
          %mul3A_568 = arith.constant 16 : i32
          %mul3A_569 = arith.muli %add3A_495, %mul3A_568 : i32
          %swap3A = arith.index_cast %mul3A_569 : i32 to index
          %swap3A_570 = tpu.vector_load %arg17[%swap3A] {strides = array<i32>} : memref<80xf32, #tpu.memory_space<vmem>>, vector<16xf32>,
          tpu.vector_store %arg17[%swap3A], %div3A {strides = array<i32>} : memref<80xf32, #tpu.memory_space<vmem>>, vector<16xf32>,
        }
        %scan3A_410 = arith.constant 5 : i32
        %dma_start3A_411 = arith.constant 0 : i32
        %dma_start3A_412 = arith.constant 0 : i32
        %dma_start3A_413 = tpu.memref_slice %arg19[%dma_start3A_411, %dma_start3A_412] : memref<1280x64xbf16, #tpu.memory_space<vmem>> -> memref<128x64xbf16, #tpu.memory_space<vmem>>
        %dma_start3A_414 = arith.constant 0 : i32
        %dma_start3A_415 = tpu.memref_slice %arg11[%dma_start3A_414] : memref<1280xi32, #tpu.memory_space<vmem>> -> memref<128xi32, #tpu.memory_space<vmem>>
        %dma_start3A_416 = arith.constant 0 : i32
        %dma_start3A_417 = arith.constant 0 : i32
        %dma_start3A_418 = tpu.memref_slice %arg3[%dma_start3A_416, %dma_start3A_417] : memref<100000x64xbf16, #tpu.memory_space<hbm>> -> memref<100000x64xbf16, #tpu.memory_space<hbm>>
        tpu.enqueue_indirect_dma source(%dma_start3A_418 : memref<100000x64xbf16, #tpu.memory_space<hbm>>) target(%dma_start3A_413 : memref<128x64xbf16, #tpu.memory_space<vmem>>) offsets(%dma_start3A_415 : memref<128xi32, #tpu.memory_space<vmem>>) semaphore(%arg27 : memref<!tpu.dma_semaphore, #tpu.memory_space<semaphore_mem>>)
        %dma_start3A_419 = arith.constant 128 : i32
        %dma_start3A_420 = arith.constant 0 : i32
        %dma_start3A_421 = tpu.memref_slice %arg19[%dma_start3A_419, %dma_start3A_420] : memref<1280x64xbf16, #tpu.memory_space<vmem>> -> memref<128x64xbf16, #tpu.memory_space<vmem>>
        %dma_start3A_422 = arith.constant 128 : i32
        %dma_start3A_423 = tpu.memref_slice %arg11[%dma_start3A_422] : memref<1280xi32, #tpu.memory_space<vmem>> -> memref<128xi32, #tpu.memory_space<vmem>>
        %dma_start3A_424 = arith.constant 0 : i32
        %dma_start3A_425 = arith.constant 0 : i32
        %dma_start3A_426 = tpu.memref_slice %arg3[%dma_start3A_424, %dma_start3A_425] : memref<100000x64xbf16, #tpu.memory_space<hbm>> -> memref<100000x64xbf16, #tpu.memory_space<hbm>>
        tpu.enqueue_indirect_dma source(%dma_start3A_426 : memref<100000x64xbf16, #tpu.memory_space<hbm>>) target(%dma_start3A_421 : memref<128x64xbf16, #tpu.memory_space<vmem>>) offsets(%dma_start3A_423 : memref<128xi32, #tpu.memory_space<vmem>>) semaphore(%arg27 : memref<!tpu.dma_semaphore, #tpu.memory_space<semaphore_mem>>)
        %dma_start3A_427 = arith.constant 256 : i32
        %dma_start3A_428 = arith.constant 0 : i32
        %dma_start3A_429 = tpu.memref_slice %arg19[%dma_start3A_427, %dma_start3A_428] : memref<1280x64xbf16, #tpu.memory_space<vmem>> -> memref<128x64xbf16, #tpu.memory_space<vmem>>
        %dma_start3A_430 = arith.constant 256 : i32
        %dma_start3A_431 = tpu.memref_slice %arg11[%dma_start3A_430] : memref<1280xi32, #tpu.memory_space<vmem>> -> memref<128xi32, #tpu.memory_space<vmem>>
        %dma_start3A_432 = arith.constant 0 : i32
        %dma_start3A_433 = arith.constant 0 : i32
        %dma_start3A_434 = tpu.memref_slice %arg3[%dma_start3A_432, %dma_start3A_433] : memref<100000x64xbf16, #tpu.memory_space<hbm>> -> memref<100000x64xbf16, #tpu.memory_space<hbm>>
        tpu.enqueue_indirect_dma source(%dma_start3A_434 : memref<100000x64xbf16, #tpu.memory_space<hbm>>) target(%dma_start3A_429 : memref<128x64xbf16, #tpu.memory_space<vmem>>) offsets(%dma_start3A_431 : memref<128xi32, #tpu.memory_space<vmem>>) semaphore(%arg27 : memref<!tpu.dma_semaphore, #tpu.memory_space<semaphore_mem>>)
        %dma_start3A_435 = arith.constant 384 : i32
        %dma_start3A_436 = arith.constant 0 : i32
        %dma_start3A_437 = tpu.memref_slice %arg19[%dma_start3A_435, %dma_start3A_436] : memref<1280x64xbf16, #tpu.memory_space<vmem>> -> memref<128x64xbf16, #tpu.memory_space<vmem>>
        %dma_start3A_438 = arith.constant 384 : i32
        %dma_start3A_439 = tpu.memref_slice %arg11[%dma_start3A_438] : memref<1280xi32, #tpu.memory_space<vmem>> -> memref<128xi32, #tpu.memory_space<vmem>>
        %dma_start3A_440 = arith.constant 0 : i32
        %dma_start3A_441 = arith.constant 0 : i32
        %dma_start3A_442 = tpu.memref_slice %arg3[%dma_start3A_440, %dma_start3A_441] : memref<100000x64xbf16, #tpu.memory_space<hbm>> -> memref<100000x64xbf16, #tpu.memory_space<hbm>>
        tpu.enqueue_indirect_dma source(%dma_start3A_442 : memref<100000x64xbf16, #tpu.memory_space<hbm>>) target(%dma_start3A_437 : memref<128x64xbf16, #tpu.memory_space<vmem>>) offsets(%dma_start3A_439 : memref<128xi32, #tpu.memory_space<vmem>>) semaphore(%arg27 : memref<!tpu.dma_semaphore, #tpu.memory_space<semaphore_mem>>)
        %dma_start3A_443 = arith.constant 512 : i32
        %dma_start3A_444 = arith.constant 0 : i32
        %dma_start3A_445 = tpu.memref_slice %arg19[%dma_start3A_443, %dma_start3A_444] : memref<1280x64xbf16, #tpu.memory_space<vmem>> -> memref<128x64xbf16, #tpu.memory_space<vmem>>
        %dma_start3A_446 = arith.constant 512 : i32
        %dma_start3A_447 = tpu.memref_slice %arg11[%dma_start3A_446] : memref<1280xi32, #tpu.memory_space<vmem>> -> memref<128xi32, #tpu.memory_space<vmem>>
        %dma_start3A_448 = arith.constant 0 : i32
        %dma_start3A_449 = arith.constant 0 : i32
        %dma_start3A_450 = tpu.memref_slice %arg3[%dma_start3A_448, %dma_start3A_449] : memref<100000x64xbf16, #tpu.memory_space<hbm>> -> memref<100000x64xbf16, #tpu.memory_space<hbm>>
        tpu.enqueue_indirect_dma source(%dma_start3A_450 : memref<100000x64xbf16, #tpu.memory_space<hbm>>) target(%dma_start3A_445 : memref<128x64xbf16, #tpu.memory_space<vmem>>) offsets(%dma_start3A_447 : memref<128xi32, #tpu.memory_space<vmem>>) semaphore(%arg27 : memref<!tpu.dma_semaphore, #tpu.memory_space<semaphore_mem>>)
        %dma_start3A_451 = arith.constant 640 : i32
        %dma_start3A_452 = arith.constant 0 : i32
        %dma_start3A_453 = tpu.memref_slice %arg19[%dma_start3A_451, %dma_start3A_452] : memref<1280x64xbf16, #tpu.memory_space<vmem>> -> memref<128x64xbf16, #tpu.memory_space<vmem>>
        %dma_start3A_454 = arith.constant 640 : i32
        %dma_start3A_455 = tpu.memref_slice %arg11[%dma_start3A_454] : memref<1280xi32, #tpu.memory_space<vmem>> -> memref<128xi32, #tpu.memory_space<vmem>>
        %dma_start3A_456 = arith.constant 0 : i32
        %dma_start3A_457 = arith.constant 0 : i32
        %dma_start3A_458 = tpu.memref_slice %arg3[%dma_start3A_456, %dma_start3A_457] : memref<100000x64xbf16, #tpu.memory_space<hbm>> -> memref<100000x64xbf16, #tpu.memory_space<hbm>>
        tpu.enqueue_indirect_dma source(%dma_start3A_458 : memref<100000x64xbf16, #tpu.memory_space<hbm>>) target(%dma_start3A_453 : memref<128x64xbf16, #tpu.memory_space<vmem>>) offsets(%dma_start3A_455 : memref<128xi32, #tpu.memory_space<vmem>>) semaphore(%arg27 : memref<!tpu.dma_semaphore, #tpu.memory_space<semaphore_mem>>)
        %dma_start3A_459 = arith.constant 768 : i32
        %dma_start3A_460 = arith.constant 0 : i32
        %dma_start3A_461 = tpu.memref_slice %arg19[%dma_start3A_459, %dma_start3A_460] : memref<1280x64xbf16, #tpu.memory_space<vmem>> -> memref<128x64xbf16, #tpu.memory_space<vmem>>
        %dma_start3A_462 = arith.constant 768 : i32
        %dma_start3A_463 = tpu.memref_slice %arg11[%dma_start3A_462] : memref<1280xi32, #tpu.memory_space<vmem>> -> memref<128xi32, #tpu.memory_space<vmem>>
        %dma_start3A_464 = arith.constant 0 : i32
        %dma_start3A_465 = arith.constant 0 : i32
        %dma_start3A_466 = tpu.memref_slice %arg3[%dma_start3A_464, %dma_start3A_465] : memref<100000x64xbf16, #tpu.memory_space<hbm>> -> memref<100000x64xbf16, #tpu.memory_space<hbm>>
        tpu.enqueue_indirect_dma source(%dma_start3A_466 : memref<100000x64xbf16, #tpu.memory_space<hbm>>) target(%dma_start3A_461 : memref<128x64xbf16, #tpu.memory_space<vmem>>) offsets(%dma_start3A_463 : memref<128xi32, #tpu.memory_space<vmem>>) semaphore(%arg27 : memref<!tpu.dma_semaphore, #tpu.memory_space<semaphore_mem>>)
        %dma_start3A_467 = arith.constant 896 : i32
        %dma_start3A_468 = arith.constant 0 : i32
        %dma_start3A_469 = tpu.memref_slice %arg19[%dma_start3A_467, %dma_start3A_468] : memref<1280x64xbf16, #tpu.memory_space<vmem>> -> memref<128x64xbf16, #tpu.memory_space<vmem>>
        %dma_start3A_470 = arith.constant 896 : i32
        %dma_start3A_471 = tpu.memref_slice %arg11[%dma_start3A_470] : memref<1280xi32, #tpu.memory_space<vmem>> -> memref<128xi32, #tpu.memory_space<vmem>>
        %dma_start3A_472 = arith.constant 0 : i32
        %dma_start3A_473 = arith.constant 0 : i32
        %dma_start3A_474 = tpu.memref_slice %arg3[%dma_start3A_472, %dma_start3A_473] : memref<100000x64xbf16, #tpu.memory_space<hbm>> -> memref<100000x64xbf16, #tpu.memory_space<hbm>>
        tpu.enqueue_indirect_dma source(%dma_start3A_474 : memref<100000x64xbf16, #tpu.memory_space<hbm>>) target(%dma_start3A_469 : memref<128x64xbf16, #tpu.memory_space<vmem>>) offsets(%dma_start3A_471 : memref<128xi32, #tpu.memory_space<vmem>>) semaphore(%arg27 : memref<!tpu.dma_semaphore, #tpu.memory_space<semaphore_mem>>)
        %dma_start3A_475 = arith.constant 1024 : i32
        %dma_start3A_476 = arith.constant 0 : i32
        %dma_start3A_477 = tpu.memref_slice %arg19[%dma_start3A_475, %dma_start3A_476] : memref<1280x64xbf16, #tpu.memory_space<vmem>> -> memref<128x64xbf16, #tpu.memory_space<vmem>>
        %dma_start3A_478 = arith.constant 1024 : i32
        %dma_start3A_479 = tpu.memref_slice %arg11[%dma_start3A_478] : memref<1280xi32, #tpu.memory_space<vmem>> -> memref<128xi32, #tpu.memory_space<vmem>>
        %dma_start3A_480 = arith.constant 0 : i32
        %dma_start3A_481 = arith.constant 0 : i32
        %dma_start3A_482 = tpu.memref_slice %arg3[%dma_start3A_480, %dma_start3A_481] : memref<100000x64xbf16, #tpu.memory_space<hbm>> -> memref<100000x64xbf16, #tpu.memory_space<hbm>>
        tpu.enqueue_indirect_dma source(%dma_start3A_482 : memref<100000x64xbf16, #tpu.memory_space<hbm>>) target(%dma_start3A_477 : memref<128x64xbf16, #tpu.memory_space<vmem>>) offsets(%dma_start3A_479 : memref<128xi32, #tpu.memory_space<vmem>>) semaphore(%arg27 : memref<!tpu.dma_semaphore, #tpu.memory_space<semaphore_mem>>)
        %dma_start3A_483 = arith.constant 1152 : i32
        %dma_start3A_484 = arith.constant 0 : i32
        %dma_start3A_485 = tpu.memref_slice %arg19[%dma_start3A_483, %dma_start3A_484] : memref<1280x64xbf16, #tpu.memory_space<vmem>> -> memref<128x64xbf16, #tpu.memory_space<vmem>>
        %dma_start3A_486 = arith.constant 1152 : i32
        %dma_start3A_487 = tpu.memref_slice %arg11[%dma_start3A_486] : memref<1280xi32, #tpu.memory_space<vmem>> -> memref<128xi32, #tpu.memory_space<vmem>>
        %dma_start3A_488 = arith.constant 0 : i32
        %dma_start3A_489 = arith.constant 0 : i32
        %dma_start3A_490 = tpu.memref_slice %arg3[%dma_start3A_488, %dma_start3A_489] : memref<100000x64xbf16, #tpu.memory_space<hbm>> -> memref<100000x64xbf16, #tpu.memory_space<hbm>>
        tpu.enqueue_indirect_dma source(%dma_start3A_490 : memref<100000x64xbf16, #tpu.memory_space<hbm>>) target(%dma_start3A_485 : memref<128x64xbf16, #tpu.memory_space<vmem>>) offsets(%dma_start3A_487 : memref<128xi32, #tpu.memory_space<vmem>>) semaphore(%arg27 : memref<!tpu.dma_semaphore, #tpu.memory_space<semaphore_mem>>)
      } else {
      }
      %add3A_292 = arith.constant 2 : i32
      %add3A_293 = arith.addi %add3A_270, %add3A_292 : i32
      %le3A_294 = arith.constant 31 : i32
      %le3A_295 = arith.cmpi sle, %add3A_293, %le3A_294 : i32
      %convert_element_type3A_296 = arith.extui %le3A_295 : i1 to i32
      %cond3A_297 = arith.constant 0 : i32
      %cond3A_298 = arith.cmpi ne, %convert_element_type3A_296, %cond3A_297 : i32
      scf.if %cond3A_298 {
        %dma_wait3A_396 = arith.constant 0 : i32
        %dma_wait3A_397 = tpu.memref_slice %arg2[%dma_wait3A_396] : memref<81920xi32, #tpu.memory_space<hbm>> -> memref<80xi32, #tpu.memory_space<hbm>>
        %dma_wait3A_398 = arith.constant 0 : i32
        %dma_wait3A_399 = tpu.memref_slice %arg2[%dma_wait3A_398] : memref<81920xi32, #tpu.memory_space<hbm>> -> memref<80xi32, #tpu.memory_space<hbm>>
        tpu.wait_dma2 semaphore(%arg24 : memref<!tpu.dma_semaphore, #tpu.memory_space<semaphore_mem>>) src(%dma_wait3A_399 : memref<80xi32, #tpu.memory_space<hbm>>) dst(%arg8 : memref<80xi32, #tpu.memory_space<vmem>>)
        %dma_start3A_400 = arith.constant 0 : i32
        %dma_start3A_401 = arith.constant 0 : i32
        %dma_start3A_402 = tpu.memref_slice %arg4[%dma_start3A_400, %dma_start3A_401] : memref<100000x16xi32, #tpu.memory_space<hbm>> -> memref<100000x16xi32, #tpu.memory_space<hbm>>
        tpu.enqueue_indirect_dma source(%dma_start3A_402 : memref<100000x16xi32, #tpu.memory_space<hbm>>) target(%arg10 : memref<80x16xi32, #tpu.memory_space<vmem>>) offsets(%arg8 : memref<80xi32, #tpu.memory_space<vmem>>) semaphore(%arg26 : memref<!tpu.dma_semaphore, #tpu.memory_space<semaphore_mem>>)
        %dma_start3A_403 = arith.constant 0 : i32
        %dma_start3A_404 = arith.constant 0 : i32
        %dma_start3A_405 = tpu.memref_slice %arg5[%dma_start3A_403, %dma_start3A_404] : memref<100000x16xf32, #tpu.memory_space<hbm>> -> memref<100000x16xf32, #tpu.memory_space<hbm>>
        tpu.enqueue_indirect_dma source(%dma_start3A_405 : memref<100000x16xf32, #tpu.memory_space<hbm>>) target(%arg14 : memref<80x16xf32, #tpu.memory_space<vmem>>) offsets(%arg8 : memref<80xi32, #tpu.memory_space<vmem>>) semaphore(%arg26 : memref<!tpu.dma_semaphore, #tpu.memory_space<semaphore_mem>>)
      } else {
      }
      %dma_wait3A_299 = arith.constant 0 : i32
      %dma_wait3A_300 = arith.constant 0 : i32
      %dma_wait3A_301 = tpu.memref_slice %arg20[%dma_wait3A_299, %dma_wait3A_300] : memref<1280x64xbf16, #tpu.memory_space<vmem>> -> memref<128x64xbf16, #tpu.memory_space<vmem>>
      %dma_wait3A_302 = arith.constant 0 : i32
      %dma_wait3A_303 = tpu.memref_slice %arg12[%dma_wait3A_302] : memref<1280xi32, #tpu.memory_space<vmem>> -> memref<128xi32, #tpu.memory_space<vmem>>
      %dma_wait3A_304 = arith.constant 0 : i32
      %dma_wait3A_305 = arith.constant 0 : i32
      %dma_wait3A_306 = tpu.memref_slice %arg3[%dma_wait3A_304, %dma_wait3A_305] : memref<100000x64xbf16, #tpu.memory_space<hbm>> -> memref<100000x64xbf16, #tpu.memory_space<hbm>>
      tpu.wait_indirect_dma semaphore(%arg28 : memref<!tpu.dma_semaphore, #tpu.memory_space<semaphore_mem>>) src(%dma_wait3A_306 : memref<100000x64xbf16, #tpu.memory_space<hbm>>) dst(%dma_wait3A_301 : memref<128x64xbf16, #tpu.memory_space<vmem>>)
      %dma_wait3A_307 = arith.constant 128 : i32
      %dma_wait3A_308 = arith.constant 0 : i32
      %dma_wait3A_309 = tpu.memref_slice %arg20[%dma_wait3A_307, %dma_wait3A_308] : memref<1280x64xbf16, #tpu.memory_space<vmem>> -> memref<128x64xbf16, #tpu.memory_space<vmem>>
      %dma_wait3A_310 = arith.constant 128 : i32
      %dma_wait3A_311 = tpu.memref_slice %arg12[%dma_wait3A_310] : memref<1280xi32, #tpu.memory_space<vmem>> -> memref<128xi32, #tpu.memory_space<vmem>>
      %dma_wait3A_312 = arith.constant 0 : i32
      %dma_wait3A_313 = arith.constant 0 : i32
      %dma_wait3A_314 = tpu.memref_slice %arg3[%dma_wait3A_312, %dma_wait3A_313] : memref<100000x64xbf16, #tpu.memory_space<hbm>> -> memref<100000x64xbf16, #tpu.memory_space<hbm>>
      tpu.wait_indirect_dma semaphore(%arg28 : memref<!tpu.dma_semaphore, #tpu.memory_space<semaphore_mem>>) src(%dma_wait3A_314 : memref<100000x64xbf16, #tpu.memory_space<hbm>>) dst(%dma_wait3A_309 : memref<128x64xbf16, #tpu.memory_space<vmem>>)
      %dma_wait3A_315 = arith.constant 256 : i32
      %dma_wait3A_316 = arith.constant 0 : i32
      %dma_wait3A_317 = tpu.memref_slice %arg20[%dma_wait3A_315, %dma_wait3A_316] : memref<1280x64xbf16, #tpu.memory_space<vmem>> -> memref<128x64xbf16, #tpu.memory_space<vmem>>
      %dma_wait3A_318 = arith.constant 256 : i32
      %dma_wait3A_319 = tpu.memref_slice %arg12[%dma_wait3A_318] : memref<1280xi32, #tpu.memory_space<vmem>> -> memref<128xi32, #tpu.memory_space<vmem>>
      %dma_wait3A_320 = arith.constant 0 : i32
      %dma_wait3A_321 = arith.constant 0 : i32
      %dma_wait3A_322 = tpu.memref_slice %arg3[%dma_wait3A_320, %dma_wait3A_321] : memref<100000x64xbf16, #tpu.memory_space<hbm>> -> memref<100000x64xbf16, #tpu.memory_space<hbm>>
      tpu.wait_indirect_dma semaphore(%arg28 : memref<!tpu.dma_semaphore, #tpu.memory_space<semaphore_mem>>) src(%dma_wait3A_322 : memref<100000x64xbf16, #tpu.memory_space<hbm>>) dst(%dma_wait3A_317 : memref<128x64xbf16, #tpu.memory_space<vmem>>)
      %dma_wait3A_323 = arith.constant 384 : i32
      %dma_wait3A_324 = arith.constant 0 : i32
      %dma_wait3A_325 = tpu.memref_slice %arg20[%dma_wait3A_323, %dma_wait3A_324] : memref<1280x64xbf16, #tpu.memory_space<vmem>> -> memref<128x64xbf16, #tpu.memory_space<vmem>>
      %dma_wait3A_326 = arith.constant 384 : i32
      %dma_wait3A_327 = tpu.memref_slice %arg12[%dma_wait3A_326] : memref<1280xi32, #tpu.memory_space<vmem>> -> memref<128xi32, #tpu.memory_space<vmem>>
      %dma_wait3A_328 = arith.constant 0 : i32
      %dma_wait3A_329 = arith.constant 0 : i32
      %dma_wait3A_330 = tpu.memref_slice %arg3[%dma_wait3A_328, %dma_wait3A_329] : memref<100000x64xbf16, #tpu.memory_space<hbm>> -> memref<100000x64xbf16, #tpu.memory_space<hbm>>
      tpu.wait_indirect_dma semaphore(%arg28 : memref<!tpu.dma_semaphore, #tpu.memory_space<semaphore_mem>>) src(%dma_wait3A_330 : memref<100000x64xbf16, #tpu.memory_space<hbm>>) dst(%dma_wait3A_325 : memref<128x64xbf16, #tpu.memory_space<vmem>>)
      %dma_wait3A_331 = arith.constant 512 : i32
      %dma_wait3A_332 = arith.constant 0 : i32
      %dma_wait3A_333 = tpu.memref_slice %arg20[%dma_wait3A_331, %dma_wait3A_332] : memref<1280x64xbf16, #tpu.memory_space<vmem>> -> memref<128x64xbf16, #tpu.memory_space<vmem>>
      %dma_wait3A_334 = arith.constant 512 : i32
      %dma_wait3A_335 = tpu.memref_slice %arg12[%dma_wait3A_334] : memref<1280xi32, #tpu.memory_space<vmem>> -> memref<128xi32, #tpu.memory_space<vmem>>
      %dma_wait3A_336 = arith.constant 0 : i32
      %dma_wait3A_337 = arith.constant 0 : i32
      %dma_wait3A_338 = tpu.memref_slice %arg3[%dma_wait3A_336, %dma_wait3A_337] : memref<100000x64xbf16, #tpu.memory_space<hbm>> -> memref<100000x64xbf16, #tpu.memory_space<hbm>>
      tpu.wait_indirect_dma semaphore(%arg28 : memref<!tpu.dma_semaphore, #tpu.memory_space<semaphore_mem>>) src(%dma_wait3A_338 : memref<100000x64xbf16, #tpu.memory_space<hbm>>) dst(%dma_wait3A_333 : memref<128x64xbf16, #tpu.memory_space<vmem>>)
      %dma_wait3A_339 = arith.constant 640 : i32
      %dma_wait3A_340 = arith.constant 0 : i32
      %dma_wait3A_341 = tpu.memref_slice %arg20[%dma_wait3A_339, %dma_wait3A_340] : memref<1280x64xbf16, #tpu.memory_space<vmem>> -> memref<128x64xbf16, #tpu.memory_space<vmem>>
      %dma_wait3A_342 = arith.constant 640 : i32
      %dma_wait3A_343 = tpu.memref_slice %arg12[%dma_wait3A_342] : memref<1280xi32, #tpu.memory_space<vmem>> -> memref<128xi32, #tpu.memory_space<vmem>>
      %dma_wait3A_344 = arith.constant 0 : i32
      %dma_wait3A_345 = arith.constant 0 : i32
      %dma_wait3A_346 = tpu.memref_slice %arg3[%dma_wait3A_344, %dma_wait3A_345] : memref<100000x64xbf16, #tpu.memory_space<hbm>> -> memref<100000x64xbf16, #tpu.memory_space<hbm>>
      tpu.wait_indirect_dma semaphore(%arg28 : memref<!tpu.dma_semaphore, #tpu.memory_space<semaphore_mem>>) src(%dma_wait3A_346 : memref<100000x64xbf16, #tpu.memory_space<hbm>>) dst(%dma_wait3A_341 : memref<128x64xbf16, #tpu.memory_space<vmem>>)
      %dma_wait3A_347 = arith.constant 768 : i32
      %dma_wait3A_348 = arith.constant 0 : i32
      %dma_wait3A_349 = tpu.memref_slice %arg20[%dma_wait3A_347, %dma_wait3A_348] : memref<1280x64xbf16, #tpu.memory_space<vmem>> -> memref<128x64xbf16, #tpu.memory_space<vmem>>
      %dma_wait3A_350 = arith.constant 768 : i32
      %dma_wait3A_351 = tpu.memref_slice %arg12[%dma_wait3A_350] : memref<1280xi32, #tpu.memory_space<vmem>> -> memref<128xi32, #tpu.memory_space<vmem>>
      %dma_wait3A_352 = arith.constant 0 : i32
      %dma_wait3A_353 = arith.constant 0 : i32
      %dma_wait3A_354 = tpu.memref_slice %arg3[%dma_wait3A_352, %dma_wait3A_353] : memref<100000x64xbf16, #tpu.memory_space<hbm>> -> memref<100000x64xbf16, #tpu.memory_space<hbm>>
      tpu.wait_indirect_dma semaphore(%arg28 : memref<!tpu.dma_semaphore, #tpu.memory_space<semaphore_mem>>) src(%dma_wait3A_354 : memref<100000x64xbf16, #tpu.memory_space<hbm>>) dst(%dma_wait3A_349 : memref<128x64xbf16, #tpu.memory_space<vmem>>)
      %dma_wait3A_355 = arith.constant 896 : i32
      %dma_wait3A_356 = arith.constant 0 : i32
      %dma_wait3A_357 = tpu.memref_slice %arg20[%dma_wait3A_355, %dma_wait3A_356] : memref<1280x64xbf16, #tpu.memory_space<vmem>> -> memref<128x64xbf16, #tpu.memory_space<vmem>>
      %dma_wait3A_358 = arith.constant 896 : i32
      %dma_wait3A_359 = tpu.memref_slice %arg12[%dma_wait3A_358] : memref<1280xi32, #tpu.memory_space<vmem>> -> memref<128xi32, #tpu.memory_space<vmem>>
      %dma_wait3A_360 = arith.constant 0 : i32
      %dma_wait3A_361 = arith.constant 0 : i32
      %dma_wait3A_362 = tpu.memref_slice %arg3[%dma_wait3A_360, %dma_wait3A_361] : memref<100000x64xbf16, #tpu.memory_space<hbm>> -> memref<100000x64xbf16, #tpu.memory_space<hbm>>
      tpu.wait_indirect_dma semaphore(%arg28 : memref<!tpu.dma_semaphore, #tpu.memory_space<semaphore_mem>>) src(%dma_wait3A_362 : memref<100000x64xbf16, #tpu.memory_space<hbm>>) dst(%dma_wait3A_357 : memref<128x64xbf16, #tpu.memory_space<vmem>>)
      %dma_wait3A_363 = arith.constant 1024 : i32
      %dma_wait3A_364 = arith.constant 0 : i32
      %dma_wait3A_365 = tpu.memref_slice %arg20[%dma_wait3A_363, %dma_wait3A_364] : memref<1280x64xbf16, #tpu.memory_space<vmem>> -> memref<128x64xbf16, #tpu.memory_space<vmem>>
      %dma_wait3A_366 = arith.constant 1024 : i32
      %dma_wait3A_367 = tpu.memref_slice %arg12[%dma_wait3A_366] : memref<1280xi32, #tpu.memory_space<vmem>> -> memref<128xi32, #tpu.memory_space<vmem>>
      %dma_wait3A_368 = arith.constant 0 : i32
      %dma_wait3A_369 = arith.constant 0 : i32
      %dma_wait3A_370 = tpu.memref_slice %arg3[%dma_wait3A_368, %dma_wait3A_369] : memref<100000x64xbf16, #tpu.memory_space<hbm>> -> memref<100000x64xbf16, #tpu.memory_space<hbm>>
      tpu.wait_indirect_dma semaphore(%arg28 : memref<!tpu.dma_semaphore, #tpu.memory_space<semaphore_mem>>) src(%dma_wait3A_370 : memref<100000x64xbf16, #tpu.memory_space<hbm>>) dst(%dma_wait3A_365 : memref<128x64xbf16, #tpu.memory_space<vmem>>)
      %dma_wait3A_371 = arith.constant 1152 : i32
      %dma_wait3A_372 = arith.constant 0 : i32
      %dma_wait3A_373 = tpu.memref_slice %arg20[%dma_wait3A_371, %dma_wait3A_372] : memref<1280x64xbf16, #tpu.memory_space<vmem>> -> memref<128x64xbf16, #tpu.memory_space<vmem>>
      %dma_wait3A_374 = arith.constant 1152 : i32
      %dma_wait3A_375 = tpu.memref_slice %arg12[%dma_wait3A_374] : memref<1280xi32, #tpu.memory_space<vmem>> -> memref<128xi32, #tpu.memory_space<vmem>>
      %dma_wait3A_376 = arith.constant 0 : i32
      %dma_wait3A_377 = arith.constant 0 : i32
      %dma_wait3A_378 = tpu.memref_slice %arg3[%dma_wait3A_376, %dma_wait3A_377] : memref<100000x64xbf16, #tpu.memory_space<hbm>> -> memref<100000x64xbf16, #tpu.memory_space<hbm>>
      tpu.wait_indirect_dma semaphore(%arg28 : memref<!tpu.dma_semaphore, #tpu.memory_space<semaphore_mem>>) src(%dma_wait3A_378 : memref<100000x64xbf16, #tpu.memory_space<hbm>>) dst(%dma_wait3A_373 : memref<128x64xbf16, #tpu.memory_space<vmem>>)
      %ge3A_379 = arith.constant 2 : i32
      %ge3A_380 = arith.cmpi sge, %add3A_270, %ge3A_379 : i32
      %convert_element_type3A_381 = arith.extui %ge3A_380 : i1 to i32
      %cond3A_382 = arith.constant 0 : i32
      %cond3A_383 = arith.cmpi ne, %convert_element_type3A_381, %cond3A_382 : i32
      scf.if %cond3A_383 {
        %dma_wait3A_396 = arith.constant 0 : i32
        %dma_wait3A_397 = arith.constant 0 : i32
        %dma_wait3A_398 = tpu.memref_slice %arg6[%dma_wait3A_396, %dma_wait3A_397] : memref<81920x64xf32, #tpu.memory_space<hbm>> -> memref<80x64xf32, #tpu.memory_space<hbm>>
        %dma_wait3A_399 = arith.constant 0 : i32
        %dma_wait3A_400 = arith.constant 0 : i32
        %dma_wait3A_401 = tpu.memref_slice %arg6[%dma_wait3A_399, %dma_wait3A_400] : memref<81920x64xf32, #tpu.memory_space<hbm>> -> memref<80x64xf32, #tpu.memory_space<hbm>>
        tpu.wait_dma2 semaphore(%arg30 : memref<!tpu.dma_semaphore, #tpu.memory_space<semaphore_mem>>) src(%arg22 : memref<80x64xf32, #tpu.memory_space<vmem>>) dst(%dma_wait3A_401 : memref<80x64xf32, #tpu.memory_space<hbm>>)
      } else {
      }
      %scan3A_384 = arith.constant 0 : i32
      %scan3A_385 = arith.constant 80 : i32
      %scan3A_386 = arith.addi %scan3A_384, %scan3A_385 : i32
      %scan3A_387 = arith.constant 1 : i32
      scf.for %scan3A_396 = %scan3A_384 to %scan3A_386 step %scan3A_387  : i32 {
        %mul3A_397 = arith.constant 1 : i32
        %mul3A_398 = arith.muli %scan3A_396, %mul3A_397 : i32
        %add3A_399 = arith.constant 0 : i32
        %add3A_400 = arith.addi %add3A_399, %mul3A_398 : i32
        %broadcast_in_dim3A = vector.broadcast %add3A_400 : i32 to vector<16xi32>
        %gather3A = tpu.vector_load_idx %arg18[%broadcast_in_dim3A] : memref<80xf32, #tpu.memory_space<vmem>>[vector<16xi32>], vector<16xf32>,
        %broadcast_in_dim3A_401 = arith.constant 0.000000e+00 : f32
        %broadcast_in_dim3A_402 = vector.broadcast %broadcast_in_dim3A_401 : f32 to vector<16xf32>
        %broadcast_in_dim3A_403 = arith.constant 0.000000e+00 : f32
        %broadcast_in_dim3A_404 = vector.broadcast %broadcast_in_dim3A_403 : f32 to vector<16xf32>
        %broadcast_in_dim3A_405 = arith.constant 0.000000e+00 : f32
        %broadcast_in_dim3A_406 = vector.broadcast %broadcast_in_dim3A_405 : f32 to vector<16xf32>
        %broadcast_in_dim3A_407 = arith.constant 0.000000e+00 : f32
        %broadcast_in_dim3A_408 = vector.broadcast %broadcast_in_dim3A_407 : f32 to vector<16xf32>
        %broadcast_in_dim3A_409 = arith.constant 0 : i32
        %broadcast_in_dim3A_410 = vector.broadcast %broadcast_in_dim3A_409 : i32 to vector<16xi32>
        %gather3A_411 = tpu.vector_load_idx %arg16[%broadcast_in_dim3A, %broadcast_in_dim3A_410] : memref<80x16xf32, #tpu.memory_space<vmem>>[vector<16xi32>, vector<16xi32>], vector<16xf32>,
        %pack3A = tpu.pack_subelements %gather3A_411, %gather3A_411 {pack_format = #tpu.pack_format<interleaved>, positions = array<i32: 0, 1>} : vector<16xf32>, vector<16xf32> -> vector<32xbf16>
        %mul3A_412 = arith.constant 16 : i32
        %mul3A_413 = arith.muli %add3A_400, %mul3A_412 : i32
        %add3A_414 = arith.constant 0 : i32
        %add3A_415 = arith.addi %mul3A_413, %add3A_414 : i32
        %get3A = arith.index_cast %add3A_415 : i32 to index
        %get3A_416 = arith.constant 0 : index
        %get3A_417 = tpu.vector_load %arg20[%get3A, %get3A_416] {strides = array<i32>} : memref<1280x64xbf16, #tpu.memory_space<vmem>>, vector<32xbf16>,
        %mul3A_418 = arith.mulf %get3A_417, %pack3A : vector<32xbf16>
        %unpack3A = tpu.unpack_subelements %mul3A_418, 0 {pack_format = #tpu.pack_format<interleaved>} : vector<32xbf16> -> vector<16xf32>
        %unpack3A_419 = tpu.unpack_subelements %mul3A_418, 1 {pack_format = #tpu.pack_format<interleaved>} : vector<32xbf16> -> vector<16xf32>
        %add3A_420 = arith.addf %broadcast_in_dim3A_402, %unpack3A : vector<16xf32>
        %add3A_421 = arith.addf %broadcast_in_dim3A_404, %unpack3A_419 : vector<16xf32>
        %mul3A_422 = arith.constant 16 : i32
        %mul3A_423 = arith.muli %add3A_400, %mul3A_422 : i32
        %add3A_424 = arith.constant 0 : i32
        %add3A_425 = arith.addi %mul3A_423, %add3A_424 : i32
        %get3A_426 = arith.index_cast %add3A_425 : i32 to index
        %get3A_427 = arith.constant 32 : index
        %get3A_428 = tpu.vector_load %arg20[%get3A_426, %get3A_427] {strides = array<i32>} : memref<1280x64xbf16, #tpu.memory_space<vmem>>, vector<32xbf16>,
        %mul3A_429 = arith.mulf %get3A_428, %pack3A : vector<32xbf16>
        %unpack3A_430 = tpu.unpack_subelements %mul3A_429, 0 {pack_format = #tpu.pack_format<interleaved>} : vector<32xbf16> -> vector<16xf32>
        %unpack3A_431 = tpu.unpack_subelements %mul3A_429, 1 {pack_format = #tpu.pack_format<interleaved>} : vector<32xbf16> -> vector<16xf32>
        %add3A_432 = arith.addf %broadcast_in_dim3A_406, %unpack3A_430 : vector<16xf32>
        %add3A_433 = arith.addf %broadcast_in_dim3A_408, %unpack3A_431 : vector<16xf32>
        %broadcast_in_dim3A_434 = arith.constant 1 : i32
        %broadcast_in_dim3A_435 = vector.broadcast %broadcast_in_dim3A_434 : i32 to vector<16xi32>
        %gather3A_436 = tpu.vector_load_idx %arg16[%broadcast_in_dim3A, %broadcast_in_dim3A_435] : memref<80x16xf32, #tpu.memory_space<vmem>>[vector<16xi32>, vector<16xi32>], vector<16xf32>,
        %pack3A_437 = tpu.pack_subelements %gather3A_436, %gather3A_436 {pack_format = #tpu.pack_format<interleaved>, positions = array<i32: 0, 1>} : vector<16xf32>, vector<16xf32> -> vector<32xbf16>
        %mul3A_438 = arith.constant 16 : i32
        %mul3A_439 = arith.muli %add3A_400, %mul3A_438 : i32
        %add3A_440 = arith.constant 1 : i32
        %add3A_441 = arith.addi %mul3A_439, %add3A_440 : i32
        %get3A_442 = arith.index_cast %add3A_441 : i32 to index
        %get3A_443 = arith.constant 0 : index
        %get3A_444 = tpu.vector_load %arg20[%get3A_442, %get3A_443] {strides = array<i32>} : memref<1280x64xbf16, #tpu.memory_space<vmem>>, vector<32xbf16>,
        %mul3A_445 = arith.mulf %get3A_444, %pack3A_437 : vector<32xbf16>
        %unpack3A_446 = tpu.unpack_subelements %mul3A_445, 0 {pack_format = #tpu.pack_format<interleaved>} : vector<32xbf16> -> vector<16xf32>
        %unpack3A_447 = tpu.unpack_subelements %mul3A_445, 1 {pack_format = #tpu.pack_format<interleaved>} : vector<32xbf16> -> vector<16xf32>
        %add3A_448 = arith.addf %add3A_420, %unpack3A_446 : vector<16xf32>
        %add3A_449 = arith.addf %add3A_421, %unpack3A_447 : vector<16xf32>
        %mul3A_450 = arith.constant 16 : i32
        %mul3A_451 = arith.muli %add3A_400, %mul3A_450 : i32
        %add3A_452 = arith.constant 1 : i32
        %add3A_453 = arith.addi %mul3A_451, %add3A_452 : i32
        %get3A_454 = arith.index_cast %add3A_453 : i32 to index
        %get3A_455 = arith.constant 32 : index
        %get3A_456 = tpu.vector_load %arg20[%get3A_454, %get3A_455] {strides = array<i32>} : memref<1280x64xbf16, #tpu.memory_space<vmem>>, vector<32xbf16>,
        %mul3A_457 = arith.mulf %get3A_456, %pack3A_437 : vector<32xbf16>
        %unpack3A_458 = tpu.unpack_subelements %mul3A_457, 0 {pack_format = #tpu.pack_format<interleaved>} : vector<32xbf16> -> vector<16xf32>
        %unpack3A_459 = tpu.unpack_subelements %mul3A_457, 1 {pack_format = #tpu.pack_format<interleaved>} : vector<32xbf16> -> vector<16xf32>
        %add3A_460 = arith.addf %add3A_432, %unpack3A_458 : vector<16xf32>
        %add3A_461 = arith.addf %add3A_433, %unpack3A_459 : vector<16xf32>
        %broadcast_in_dim3A_462 = arith.constant 2 : i32
        %broadcast_in_dim3A_463 = vector.broadcast %broadcast_in_dim3A_462 : i32 to vector<16xi32>
        %gather3A_464 = tpu.vector_load_idx %arg16[%broadcast_in_dim3A, %broadcast_in_dim3A_463] : memref<80x16xf32, #tpu.memory_space<vmem>>[vector<16xi32>, vector<16xi32>], vector<16xf32>,
        %pack3A_465 = tpu.pack_subelements %gather3A_464, %gather3A_464 {pack_format = #tpu.pack_format<interleaved>, positions = array<i32: 0, 1>} : vector<16xf32>, vector<16xf32> -> vector<32xbf16>
        %mul3A_466 = arith.constant 16 : i32
        %mul3A_467 = arith.muli %add3A_400, %mul3A_466 : i32
        %add3A_468 = arith.constant 2 : i32
        %add3A_469 = arith.addi %mul3A_467, %add3A_468 : i32
        %get3A_470 = arith.index_cast %add3A_469 : i32 to index
        %get3A_471 = arith.constant 0 : index
        %get3A_472 = tpu.vector_load %arg20[%get3A_470, %get3A_471] {strides = array<i32>} : memref<1280x64xbf16, #tpu.memory_space<vmem>>, vector<32xbf16>,
        %mul3A_473 = arith.mulf %get3A_472, %pack3A_465 : vector<32xbf16>
        %unpack3A_474 = tpu.unpack_subelements %mul3A_473, 0 {pack_format = #tpu.pack_format<interleaved>} : vector<32xbf16> -> vector<16xf32>
        %unpack3A_475 = tpu.unpack_subelements %mul3A_473, 1 {pack_format = #tpu.pack_format<interleaved>} : vector<32xbf16> -> vector<16xf32>
        %add3A_476 = arith.addf %add3A_448, %unpack3A_474 : vector<16xf32>
        %add3A_477 = arith.addf %add3A_449, %unpack3A_475 : vector<16xf32>
        %mul3A_478 = arith.constant 16 : i32
        %mul3A_479 = arith.muli %add3A_400, %mul3A_478 : i32
        %add3A_480 = arith.constant 2 : i32
        %add3A_481 = arith.addi %mul3A_479, %add3A_480 : i32
        %get3A_482 = arith.index_cast %add3A_481 : i32 to index
        %get3A_483 = arith.constant 32 : index
        %get3A_484 = tpu.vector_load %arg20[%get3A_482, %get3A_483] {strides = array<i32>} : memref<1280x64xbf16, #tpu.memory_space<vmem>>, vector<32xbf16>,
        %mul3A_485 = arith.mulf %get3A_484, %pack3A_465 : vector<32xbf16>
        %unpack3A_486 = tpu.unpack_subelements %mul3A_485, 0 {pack_format = #tpu.pack_format<interleaved>} : vector<32xbf16> -> vector<16xf32>
        %unpack3A_487 = tpu.unpack_subelements %mul3A_485, 1 {pack_format = #tpu.pack_format<interleaved>} : vector<32xbf16> -> vector<16xf32>
        %add3A_488 = arith.addf %add3A_460, %unpack3A_486 : vector<16xf32>
        %add3A_489 = arith.addf %add3A_461, %unpack3A_487 : vector<16xf32>
        %broadcast_in_dim3A_490 = arith.constant 3 : i32
        %broadcast_in_dim3A_491 = vector.broadcast %broadcast_in_dim3A_490 : i32 to vector<16xi32>
        %gather3A_492 = tpu.vector_load_idx %arg16[%broadcast_in_dim3A, %broadcast_in_dim3A_491] : memref<80x16xf32, #tpu.memory_space<vmem>>[vector<16xi32>, vector<16xi32>], vector<16xf32>,
        %pack3A_493 = tpu.pack_subelements %gather3A_492, %gather3A_492 {pack_format = #tpu.pack_format<interleaved>, positions = array<i32: 0, 1>} : vector<16xf32>, vector<16xf32> -> vector<32xbf16>
        %mul3A_494 = arith.constant 16 : i32
        %mul3A_495 = arith.muli %add3A_400, %mul3A_494 : i32
        %add3A_496 = arith.constant 3 : i32
        %add3A_497 = arith.addi %mul3A_495, %add3A_496 : i32
        %get3A_498 = arith.index_cast %add3A_497 : i32 to index
        %get3A_499 = arith.constant 0 : index
        %get3A_500 = tpu.vector_load %arg20[%get3A_498, %get3A_499] {strides = array<i32>} : memref<1280x64xbf16, #tpu.memory_space<vmem>>, vector<32xbf16>,
        %mul3A_501 = arith.mulf %get3A_500, %pack3A_493 : vector<32xbf16>
        %unpack3A_502 = tpu.unpack_subelements %mul3A_501, 0 {pack_format = #tpu.pack_format<interleaved>} : vector<32xbf16> -> vector<16xf32>
        %unpack3A_503 = tpu.unpack_subelements %mul3A_501, 1 {pack_format = #tpu.pack_format<interleaved>} : vector<32xbf16> -> vector<16xf32>
        %add3A_504 = arith.addf %add3A_476, %unpack3A_502 : vector<16xf32>
        %add3A_505 = arith.addf %add3A_477, %unpack3A_503 : vector<16xf32>
        %mul3A_506 = arith.constant 16 : i32
        %mul3A_507 = arith.muli %add3A_400, %mul3A_506 : i32
        %add3A_508 = arith.constant 3 : i32
        %add3A_509 = arith.addi %mul3A_507, %add3A_508 : i32
        %get3A_510 = arith.index_cast %add3A_509 : i32 to index
        %get3A_511 = arith.constant 32 : index
        %get3A_512 = tpu.vector_load %arg20[%get3A_510, %get3A_511] {strides = array<i32>} : memref<1280x64xbf16, #tpu.memory_space<vmem>>, vector<32xbf16>,
        %mul3A_513 = arith.mulf %get3A_512, %pack3A_493 : vector<32xbf16>
        %unpack3A_514 = tpu.unpack_subelements %mul3A_513, 0 {pack_format = #tpu.pack_format<interleaved>} : vector<32xbf16> -> vector<16xf32>
        %unpack3A_515 = tpu.unpack_subelements %mul3A_513, 1 {pack_format = #tpu.pack_format<interleaved>} : vector<32xbf16> -> vector<16xf32>
        %add3A_516 = arith.addf %add3A_488, %unpack3A_514 : vector<16xf32>
        %add3A_517 = arith.addf %add3A_489, %unpack3A_515 : vector<16xf32>
        %broadcast_in_dim3A_518 = arith.constant 4 : i32
        %broadcast_in_dim3A_519 = vector.broadcast %broadcast_in_dim3A_518 : i32 to vector<16xi32>
        %gather3A_520 = tpu.vector_load_idx %arg16[%broadcast_in_dim3A, %broadcast_in_dim3A_519] : memref<80x16xf32, #tpu.memory_space<vmem>>[vector<16xi32>, vector<16xi32>], vector<16xf32>,
        %pack3A_521 = tpu.pack_subelements %gather3A_520, %gather3A_520 {pack_format = #tpu.pack_format<interleaved>, positions = array<i32: 0, 1>} : vector<16xf32>, vector<16xf32> -> vector<32xbf16>
        %mul3A_522 = arith.constant 16 : i32
        %mul3A_523 = arith.muli %add3A_400, %mul3A_522 : i32
        %add3A_524 = arith.constant 4 : i32
        %add3A_525 = arith.addi %mul3A_523, %add3A_524 : i32
        %get3A_526 = arith.index_cast %add3A_525 : i32 to index
        %get3A_527 = arith.constant 0 : index
        %get3A_528 = tpu.vector_load %arg20[%get3A_526, %get3A_527] {strides = array<i32>} : memref<1280x64xbf16, #tpu.memory_space<vmem>>, vector<32xbf16>,
        %mul3A_529 = arith.mulf %get3A_528, %pack3A_521 : vector<32xbf16>
        %unpack3A_530 = tpu.unpack_subelements %mul3A_529, 0 {pack_format = #tpu.pack_format<interleaved>} : vector<32xbf16> -> vector<16xf32>
        %unpack3A_531 = tpu.unpack_subelements %mul3A_529, 1 {pack_format = #tpu.pack_format<interleaved>} : vector<32xbf16> -> vector<16xf32>
        %add3A_532 = arith.addf %add3A_504, %unpack3A_530 : vector<16xf32>
        %add3A_533 = arith.addf %add3A_505, %unpack3A_531 : vector<16xf32>
        %mul3A_534 = arith.constant 16 : i32
        %mul3A_535 = arith.muli %add3A_400, %mul3A_534 : i32
        %add3A_536 = arith.constant 4 : i32
        %add3A_537 = arith.addi %mul3A_535, %add3A_536 : i32
        %get3A_538 = arith.index_cast %add3A_537 : i32 to index
        %get3A_539 = arith.constant 32 : index
        %get3A_540 = tpu.vector_load %arg20[%get3A_538, %get3A_539] {strides = array<i32>} : memref<1280x64xbf16, #tpu.memory_space<vmem>>, vector<32xbf16>,
        %mul3A_541 = arith.mulf %get3A_540, %pack3A_521 : vector<32xbf16>
        %unpack3A_542 = tpu.unpack_subelements %mul3A_541, 0 {pack_format = #tpu.pack_format<interleaved>} : vector<32xbf16> -> vector<16xf32>
        %unpack3A_543 = tpu.unpack_subelements %mul3A_541, 1 {pack_format = #tpu.pack_format<interleaved>} : vector<32xbf16> -> vector<16xf32>
        %add3A_544 = arith.addf %add3A_516, %unpack3A_542 : vector<16xf32>
        %add3A_545 = arith.addf %add3A_517, %unpack3A_543 : vector<16xf32>
        %broadcast_in_dim3A_546 = arith.constant 5 : i32
        %broadcast_in_dim3A_547 = vector.broadcast %broadcast_in_dim3A_546 : i32 to vector<16xi32>
        %gather3A_548 = tpu.vector_load_idx %arg16[%broadcast_in_dim3A, %broadcast_in_dim3A_547] : memref<80x16xf32, #tpu.memory_space<vmem>>[vector<16xi32>, vector<16xi32>], vector<16xf32>,
        %pack3A_549 = tpu.pack_subelements %gather3A_548, %gather3A_548 {pack_format = #tpu.pack_format<interleaved>, positions = array<i32: 0, 1>} : vector<16xf32>, vector<16xf32> -> vector<32xbf16>
        %mul3A_550 = arith.constant 16 : i32
        %mul3A_551 = arith.muli %add3A_400, %mul3A_550 : i32
        %add3A_552 = arith.constant 5 : i32
        %add3A_553 = arith.addi %mul3A_551, %add3A_552 : i32
        %get3A_554 = arith.index_cast %add3A_553 : i32 to index
        %get3A_555 = arith.constant 0 : index
        %get3A_556 = tpu.vector_load %arg20[%get3A_554, %get3A_555] {strides = array<i32>} : memref<1280x64xbf16, #tpu.memory_space<vmem>>, vector<32xbf16>,
        %mul3A_557 = arith.mulf %get3A_556, %pack3A_549 : vector<32xbf16>
        %unpack3A_558 = tpu.unpack_subelements %mul3A_557, 0 {pack_format = #tpu.pack_format<interleaved>} : vector<32xbf16> -> vector<16xf32>
        %unpack3A_559 = tpu.unpack_subelements %mul3A_557, 1 {pack_format = #tpu.pack_format<interleaved>} : vector<32xbf16> -> vector<16xf32>
        %add3A_560 = arith.addf %add3A_532, %unpack3A_558 : vector<16xf32>
        %add3A_561 = arith.addf %add3A_533, %unpack3A_559 : vector<16xf32>
        %mul3A_562 = arith.constant 16 : i32
        %mul3A_563 = arith.muli %add3A_400, %mul3A_562 : i32
        %add3A_564 = arith.constant 5 : i32
        %add3A_565 = arith.addi %mul3A_563, %add3A_564 : i32
        %get3A_566 = arith.index_cast %add3A_565 : i32 to index
        %get3A_567 = arith.constant 32 : index
        %get3A_568 = tpu.vector_load %arg20[%get3A_566, %get3A_567] {strides = array<i32>} : memref<1280x64xbf16, #tpu.memory_space<vmem>>, vector<32xbf16>,
        %mul3A_569 = arith.mulf %get3A_568, %pack3A_549 : vector<32xbf16>
        %unpack3A_570 = tpu.unpack_subelements %mul3A_569, 0 {pack_format = #tpu.pack_format<interleaved>} : vector<32xbf16> -> vector<16xf32>
        %unpack3A_571 = tpu.unpack_subelements %mul3A_569, 1 {pack_format = #tpu.pack_format<interleaved>} : vector<32xbf16> -> vector<16xf32>
        %add3A_572 = arith.addf %add3A_544, %unpack3A_570 : vector<16xf32>
        %add3A_573 = arith.addf %add3A_545, %unpack3A_571 : vector<16xf32>
        %broadcast_in_dim3A_574 = arith.constant 6 : i32
        %broadcast_in_dim3A_575 = vector.broadcast %broadcast_in_dim3A_574 : i32 to vector<16xi32>
        %gather3A_576 = tpu.vector_load_idx %arg16[%broadcast_in_dim3A, %broadcast_in_dim3A_575] : memref<80x16xf32, #tpu.memory_space<vmem>>[vector<16xi32>, vector<16xi32>], vector<16xf32>,
        %pack3A_577 = tpu.pack_subelements %gather3A_576, %gather3A_576 {pack_format = #tpu.pack_format<interleaved>, positions = array<i32: 0, 1>} : vector<16xf32>, vector<16xf32> -> vector<32xbf16>
        %mul3A_578 = arith.constant 16 : i32
        %mul3A_579 = arith.muli %add3A_400, %mul3A_578 : i32
        %add3A_580 = arith.constant 6 : i32
        %add3A_581 = arith.addi %mul3A_579, %add3A_580 : i32
        %get3A_582 = arith.index_cast %add3A_581 : i32 to index
        %get3A_583 = arith.constant 0 : index
        %get3A_584 = tpu.vector_load %arg20[%get3A_582, %get3A_583] {strides = array<i32>} : memref<1280x64xbf16, #tpu.memory_space<vmem>>, vector<32xbf16>,
        %mul3A_585 = arith.mulf %get3A_584, %pack3A_577 : vector<32xbf16>
        %unpack3A_586 = tpu.unpack_subelements %mul3A_585, 0 {pack_format = #tpu.pack_format<interleaved>} : vector<32xbf16> -> vector<16xf32>
        %unpack3A_587 = tpu.unpack_subelements %mul3A_585, 1 {pack_format = #tpu.pack_format<interleaved>} : vector<32xbf16> -> vector<16xf32>
        %add3A_588 = arith.addf %add3A_560, %unpack3A_586 : vector<16xf32>
        %add3A_589 = arith.addf %add3A_561, %unpack3A_587 : vector<16xf32>
        %mul3A_590 = arith.constant 16 : i32
        %mul3A_591 = arith.muli %add3A_400, %mul3A_590 : i32
        %add3A_592 = arith.constant 6 : i32
        %add3A_593 = arith.addi %mul3A_591, %add3A_592 : i32
        %get3A_594 = arith.index_cast %add3A_593 : i32 to index
        %get3A_595 = arith.constant 32 : index
        %get3A_596 = tpu.vector_load %arg20[%get3A_594, %get3A_595] {strides = array<i32>} : memref<1280x64xbf16, #tpu.memory_space<vmem>>, vector<32xbf16>,
        %mul3A_597 = arith.mulf %get3A_596, %pack3A_577 : vector<32xbf16>
        %unpack3A_598 = tpu.unpack_subelements %mul3A_597, 0 {pack_format = #tpu.pack_format<interleaved>} : vector<32xbf16> -> vector<16xf32>
        %unpack3A_599 = tpu.unpack_subelements %mul3A_597, 1 {pack_format = #tpu.pack_format<interleaved>} : vector<32xbf16> -> vector<16xf32>
        %add3A_600 = arith.addf %add3A_572, %unpack3A_598 : vector<16xf32>
        %add3A_601 = arith.addf %add3A_573, %unpack3A_599 : vector<16xf32>
        %broadcast_in_dim3A_602 = arith.constant 7 : i32
        %broadcast_in_dim3A_603 = vector.broadcast %broadcast_in_dim3A_602 : i32 to vector<16xi32>
        %gather3A_604 = tpu.vector_load_idx %arg16[%broadcast_in_dim3A, %broadcast_in_dim3A_603] : memref<80x16xf32, #tpu.memory_space<vmem>>[vector<16xi32>, vector<16xi32>], vector<16xf32>,
        %pack3A_605 = tpu.pack_subelements %gather3A_604, %gather3A_604 {pack_format = #tpu.pack_format<interleaved>, positions = array<i32: 0, 1>} : vector<16xf32>, vector<16xf32> -> vector<32xbf16>
        %mul3A_606 = arith.constant 16 : i32
        %mul3A_607 = arith.muli %add3A_400, %mul3A_606 : i32
        %add3A_608 = arith.constant 7 : i32
        %add3A_609 = arith.addi %mul3A_607, %add3A_608 : i32
        %get3A_610 = arith.index_cast %add3A_609 : i32 to index
        %get3A_611 = arith.constant 0 : index
        %get3A_612 = tpu.vector_load %arg20[%get3A_610, %get3A_611] {strides = array<i32>} : memref<1280x64xbf16, #tpu.memory_space<vmem>>, vector<32xbf16>,
        %mul3A_613 = arith.mulf %get3A_612, %pack3A_605 : vector<32xbf16>
        %unpack3A_614 = tpu.unpack_subelements %mul3A_613, 0 {pack_format = #tpu.pack_format<interleaved>} : vector<32xbf16> -> vector<16xf32>
        %unpack3A_615 = tpu.unpack_subelements %mul3A_613, 1 {pack_format = #tpu.pack_format<interleaved>} : vector<32xbf16> -> vector<16xf32>
        %add3A_616 = arith.addf %add3A_588, %unpack3A_614 : vector<16xf32>
        %add3A_617 = arith.addf %add3A_589, %unpack3A_615 : vector<16xf32>
        %mul3A_618 = arith.constant 16 : i32
        %mul3A_619 = arith.muli %add3A_400, %mul3A_618 : i32
        %add3A_620 = arith.constant 7 : i32
        %add3A_621 = arith.addi %mul3A_619, %add3A_620 : i32
        %get3A_622 = arith.index_cast %add3A_621 : i32 to index
        %get3A_623 = arith.constant 32 : index
        %get3A_624 = tpu.vector_load %arg20[%get3A_622, %get3A_623] {strides = array<i32>} : memref<1280x64xbf16, #tpu.memory_space<vmem>>, vector<32xbf16>,
        %mul3A_625 = arith.mulf %get3A_624, %pack3A_605 : vector<32xbf16>
        %unpack3A_626 = tpu.unpack_subelements %mul3A_625, 0 {pack_format = #tpu.pack_format<interleaved>} : vector<32xbf16> -> vector<16xf32>
        %unpack3A_627 = tpu.unpack_subelements %mul3A_625, 1 {pack_format = #tpu.pack_format<interleaved>} : vector<32xbf16> -> vector<16xf32>
        %add3A_628 = arith.addf %add3A_600, %unpack3A_626 : vector<16xf32>
        %add3A_629 = arith.addf %add3A_601, %unpack3A_627 : vector<16xf32>
        %broadcast_in_dim3A_630 = arith.constant 8 : i32
        %broadcast_in_dim3A_631 = vector.broadcast %broadcast_in_dim3A_630 : i32 to vector<16xi32>
        %gather3A_632 = tpu.vector_load_idx %arg16[%broadcast_in_dim3A, %broadcast_in_dim3A_631] : memref<80x16xf32, #tpu.memory_space<vmem>>[vector<16xi32>, vector<16xi32>], vector<16xf32>,
        %pack3A_633 = tpu.pack_subelements %gather3A_632, %gather3A_632 {pack_format = #tpu.pack_format<interleaved>, positions = array<i32: 0, 1>} : vector<16xf32>, vector<16xf32> -> vector<32xbf16>
        %mul3A_634 = arith.constant 16 : i32
        %mul3A_635 = arith.muli %add3A_400, %mul3A_634 : i32
        %add3A_636 = arith.constant 8 : i32
        %add3A_637 = arith.addi %mul3A_635, %add3A_636 : i32
        %get3A_638 = arith.index_cast %add3A_637 : i32 to index
        %get3A_639 = arith.constant 0 : index
        %get3A_640 = tpu.vector_load %arg20[%get3A_638, %get3A_639] {strides = array<i32>} : memref<1280x64xbf16, #tpu.memory_space<vmem>>, vector<32xbf16>,
        %mul3A_641 = arith.mulf %get3A_640, %pack3A_633 : vector<32xbf16>
        %unpack3A_642 = tpu.unpack_subelements %mul3A_641, 0 {pack_format = #tpu.pack_format<interleaved>} : vector<32xbf16> -> vector<16xf32>
        %unpack3A_643 = tpu.unpack_subelements %mul3A_641, 1 {pack_format = #tpu.pack_format<interleaved>} : vector<32xbf16> -> vector<16xf32>
        %add3A_644 = arith.addf %add3A_616, %unpack3A_642 : vector<16xf32>
        %add3A_645 = arith.addf %add3A_617, %unpack3A_643 : vector<16xf32>
        %mul3A_646 = arith.constant 16 : i32
        %mul3A_647 = arith.muli %add3A_400, %mul3A_646 : i32
        %add3A_648 = arith.constant 8 : i32
        %add3A_649 = arith.addi %mul3A_647, %add3A_648 : i32
        %get3A_650 = arith.index_cast %add3A_649 : i32 to index
        %get3A_651 = arith.constant 32 : index
        %get3A_652 = tpu.vector_load %arg20[%get3A_650, %get3A_651] {strides = array<i32>} : memref<1280x64xbf16, #tpu.memory_space<vmem>>, vector<32xbf16>,
        %mul3A_653 = arith.mulf %get3A_652, %pack3A_633 : vector<32xbf16>
        %unpack3A_654 = tpu.unpack_subelements %mul3A_653, 0 {pack_format = #tpu.pack_format<interleaved>} : vector<32xbf16> -> vector<16xf32>
        %unpack3A_655 = tpu.unpack_subelements %mul3A_653, 1 {pack_format = #tpu.pack_format<interleaved>} : vector<32xbf16> -> vector<16xf32>
        %add3A_656 = arith.addf %add3A_628, %unpack3A_654 : vector<16xf32>
        %add3A_657 = arith.addf %add3A_629, %unpack3A_655 : vector<16xf32>
        %broadcast_in_dim3A_658 = arith.constant 9 : i32
        %broadcast_in_dim3A_659 = vector.broadcast %broadcast_in_dim3A_658 : i32 to vector<16xi32>
        %gather3A_660 = tpu.vector_load_idx %arg16[%broadcast_in_dim3A, %broadcast_in_dim3A_659] : memref<80x16xf32, #tpu.memory_space<vmem>>[vector<16xi32>, vector<16xi32>], vector<16xf32>,
        %pack3A_661 = tpu.pack_subelements %gather3A_660, %gather3A_660 {pack_format = #tpu.pack_format<interleaved>, positions = array<i32: 0, 1>} : vector<16xf32>, vector<16xf32> -> vector<32xbf16>
        %mul3A_662 = arith.constant 16 : i32
        %mul3A_663 = arith.muli %add3A_400, %mul3A_662 : i32
        %add3A_664 = arith.constant 9 : i32
        %add3A_665 = arith.addi %mul3A_663, %add3A_664 : i32
        %get3A_666 = arith.index_cast %add3A_665 : i32 to index
        %get3A_667 = arith.constant 0 : index
        %get3A_668 = tpu.vector_load %arg20[%get3A_666, %get3A_667] {strides = array<i32>} : memref<1280x64xbf16, #tpu.memory_space<vmem>>, vector<32xbf16>,
        %mul3A_669 = arith.mulf %get3A_668, %pack3A_661 : vector<32xbf16>
        %unpack3A_670 = tpu.unpack_subelements %mul3A_669, 0 {pack_format = #tpu.pack_format<interleaved>} : vector<32xbf16> -> vector<16xf32>
        %unpack3A_671 = tpu.unpack_subelements %mul3A_669, 1 {pack_format = #tpu.pack_format<interleaved>} : vector<32xbf16> -> vector<16xf32>
        %add3A_672 = arith.addf %add3A_644, %unpack3A_670 : vector<16xf32>
        %add3A_673 = arith.addf %add3A_645, %unpack3A_671 : vector<16xf32>
        %mul3A_674 = arith.constant 16 : i32
        %mul3A_675 = arith.muli %add3A_400, %mul3A_674 : i32
        %add3A_676 = arith.constant 9 : i32
        %add3A_677 = arith.addi %mul3A_675, %add3A_676 : i32
        %get3A_678 = arith.index_cast %add3A_677 : i32 to index
        %get3A_679 = arith.constant 32 : index
        %get3A_680 = tpu.vector_load %arg20[%get3A_678, %get3A_679] {strides = array<i32>} : memref<1280x64xbf16, #tpu.memory_space<vmem>>, vector<32xbf16>,
        %mul3A_681 = arith.mulf %get3A_680, %pack3A_661 : vector<32xbf16>
        %unpack3A_682 = tpu.unpack_subelements %mul3A_681, 0 {pack_format = #tpu.pack_format<interleaved>} : vector<32xbf16> -> vector<16xf32>
        %unpack3A_683 = tpu.unpack_subelements %mul3A_681, 1 {pack_format = #tpu.pack_format<interleaved>} : vector<32xbf16> -> vector<16xf32>
        %add3A_684 = arith.addf %add3A_656, %unpack3A_682 : vector<16xf32>
        %add3A_685 = arith.addf %add3A_657, %unpack3A_683 : vector<16xf32>
        %broadcast_in_dim3A_686 = arith.constant 10 : i32
        %broadcast_in_dim3A_687 = vector.broadcast %broadcast_in_dim3A_686 : i32 to vector<16xi32>
        %gather3A_688 = tpu.vector_load_idx %arg16[%broadcast_in_dim3A, %broadcast_in_dim3A_687] : memref<80x16xf32, #tpu.memory_space<vmem>>[vector<16xi32>, vector<16xi32>], vector<16xf32>,
        %pack3A_689 = tpu.pack_subelements %gather3A_688, %gather3A_688 {pack_format = #tpu.pack_format<interleaved>, positions = array<i32: 0, 1>} : vector<16xf32>, vector<16xf32> -> vector<32xbf16>
        %mul3A_690 = arith.constant 16 : i32
        %mul3A_691 = arith.muli %add3A_400, %mul3A_690 : i32
        %add3A_692 = arith.constant 10 : i32
        %add3A_693 = arith.addi %mul3A_691, %add3A_692 : i32
        %get3A_694 = arith.index_cast %add3A_693 : i32 to index
        %get3A_695 = arith.constant 0 : index
        %get3A_696 = tpu.vector_load %arg20[%get3A_694, %get3A_695] {strides = array<i32>} : memref<1280x64xbf16, #tpu.memory_space<vmem>>, vector<32xbf16>,
        %mul3A_697 = arith.mulf %get3A_696, %pack3A_689 : vector<32xbf16>
        %unpack3A_698 = tpu.unpack_subelements %mul3A_697, 0 {pack_format = #tpu.pack_format<interleaved>} : vector<32xbf16> -> vector<16xf32>
        %unpack3A_699 = tpu.unpack_subelements %mul3A_697, 1 {pack_format = #tpu.pack_format<interleaved>} : vector<32xbf16> -> vector<16xf32>
        %add3A_700 = arith.addf %add3A_672, %unpack3A_698 : vector<16xf32>
        %add3A_701 = arith.addf %add3A_673, %unpack3A_699 : vector<16xf32>
        %mul3A_702 = arith.constant 16 : i32
        %mul3A_703 = arith.muli %add3A_400, %mul3A_702 : i32
        %add3A_704 = arith.constant 10 : i32
        %add3A_705 = arith.addi %mul3A_703, %add3A_704 : i32
        %get3A_706 = arith.index_cast %add3A_705 : i32 to index
        %get3A_707 = arith.constant 32 : index
        %get3A_708 = tpu.vector_load %arg20[%get3A_706, %get3A_707] {strides = array<i32>} : memref<1280x64xbf16, #tpu.memory_space<vmem>>, vector<32xbf16>,
        %mul3A_709 = arith.mulf %get3A_708, %pack3A_689 : vector<32xbf16>
        %unpack3A_710 = tpu.unpack_subelements %mul3A_709, 0 {pack_format = #tpu.pack_format<interleaved>} : vector<32xbf16> -> vector<16xf32>
        %unpack3A_711 = tpu.unpack_subelements %mul3A_709, 1 {pack_format = #tpu.pack_format<interleaved>} : vector<32xbf16> -> vector<16xf32>
        %add3A_712 = arith.addf %add3A_684, %unpack3A_710 : vector<16xf32>
        %add3A_713 = arith.addf %add3A_685, %unpack3A_711 : vector<16xf32>
        %broadcast_in_dim3A_714 = arith.constant 11 : i32
        %broadcast_in_dim3A_715 = vector.broadcast %broadcast_in_dim3A_714 : i32 to vector<16xi32>
        %gather3A_716 = tpu.vector_load_idx %arg16[%broadcast_in_dim3A, %broadcast_in_dim3A_715] : memref<80x16xf32, #tpu.memory_space<vmem>>[vector<16xi32>, vector<16xi32>], vector<16xf32>,
        %pack3A_717 = tpu.pack_subelements %gather3A_716, %gather3A_716 {pack_format = #tpu.pack_format<interleaved>, positions = array<i32: 0, 1>} : vector<16xf32>, vector<16xf32> -> vector<32xbf16>
        %mul3A_718 = arith.constant 16 : i32
        %mul3A_719 = arith.muli %add3A_400, %mul3A_718 : i32
        %add3A_720 = arith.constant 11 : i32
        %add3A_721 = arith.addi %mul3A_719, %add3A_720 : i32
        %get3A_722 = arith.index_cast %add3A_721 : i32 to index
        %get3A_723 = arith.constant 0 : index
        %get3A_724 = tpu.vector_load %arg20[%get3A_722, %get3A_723] {strides = array<i32>} : memref<1280x64xbf16, #tpu.memory_space<vmem>>, vector<32xbf16>,
        %mul3A_725 = arith.mulf %get3A_724, %pack3A_717 : vector<32xbf16>
        %unpack3A_726 = tpu.unpack_subelements %mul3A_725, 0 {pack_format = #tpu.pack_format<interleaved>} : vector<32xbf16> -> vector<16xf32>
        %unpack3A_727 = tpu.unpack_subelements %mul3A_725, 1 {pack_format = #tpu.pack_format<interleaved>} : vector<32xbf16> -> vector<16xf32>
        %add3A_728 = arith.addf %add3A_700, %unpack3A_726 : vector<16xf32>
        %add3A_729 = arith.addf %add3A_701, %unpack3A_727 : vector<16xf32>
        %mul3A_730 = arith.constant 16 : i32
        %mul3A_731 = arith.muli %add3A_400, %mul3A_730 : i32
        %add3A_732 = arith.constant 11 : i32
        %add3A_733 = arith.addi %mul3A_731, %add3A_732 : i32
        %get3A_734 = arith.index_cast %add3A_733 : i32 to index
        %get3A_735 = arith.constant 32 : index
        %get3A_736 = tpu.vector_load %arg20[%get3A_734, %get3A_735] {strides = array<i32>} : memref<1280x64xbf16, #tpu.memory_space<vmem>>, vector<32xbf16>,
        %mul3A_737 = arith.mulf %get3A_736, %pack3A_717 : vector<32xbf16>
        %unpack3A_738 = tpu.unpack_subelements %mul3A_737, 0 {pack_format = #tpu.pack_format<interleaved>} : vector<32xbf16> -> vector<16xf32>
        %unpack3A_739 = tpu.unpack_subelements %mul3A_737, 1 {pack_format = #tpu.pack_format<interleaved>} : vector<32xbf16> -> vector<16xf32>
        %add3A_740 = arith.addf %add3A_712, %unpack3A_738 : vector<16xf32>
        %add3A_741 = arith.addf %add3A_713, %unpack3A_739 : vector<16xf32>
        %broadcast_in_dim3A_742 = arith.constant 12 : i32
        %broadcast_in_dim3A_743 = vector.broadcast %broadcast_in_dim3A_742 : i32 to vector<16xi32>
        %gather3A_744 = tpu.vector_load_idx %arg16[%broadcast_in_dim3A, %broadcast_in_dim3A_743] : memref<80x16xf32, #tpu.memory_space<vmem>>[vector<16xi32>, vector<16xi32>], vector<16xf32>,
        %pack3A_745 = tpu.pack_subelements %gather3A_744, %gather3A_744 {pack_format = #tpu.pack_format<interleaved>, positions = array<i32: 0, 1>} : vector<16xf32>, vector<16xf32> -> vector<32xbf16>
        %mul3A_746 = arith.constant 16 : i32
        %mul3A_747 = arith.muli %add3A_400, %mul3A_746 : i32
        %add3A_748 = arith.constant 12 : i32
        %add3A_749 = arith.addi %mul3A_747, %add3A_748 : i32
        %get3A_750 = arith.index_cast %add3A_749 : i32 to index
        %get3A_751 = arith.constant 0 : index
        %get3A_752 = tpu.vector_load %arg20[%get3A_750, %get3A_751] {strides = array<i32>} : memref<1280x64xbf16, #tpu.memory_space<vmem>>, vector<32xbf16>,
        %mul3A_753 = arith.mulf %get3A_752, %pack3A_745 : vector<32xbf16>
        %unpack3A_754 = tpu.unpack_subelements %mul3A_753, 0 {pack_format = #tpu.pack_format<interleaved>} : vector<32xbf16> -> vector<16xf32>
        %unpack3A_755 = tpu.unpack_subelements %mul3A_753, 1 {pack_format = #tpu.pack_format<interleaved>} : vector<32xbf16> -> vector<16xf32>
        %add3A_756 = arith.addf %add3A_728, %unpack3A_754 : vector<16xf32>
        %add3A_757 = arith.addf %add3A_729, %unpack3A_755 : vector<16xf32>
        %mul3A_758 = arith.constant 16 : i32
        %mul3A_759 = arith.muli %add3A_400, %mul3A_758 : i32
        %add3A_760 = arith.constant 12 : i32
        %add3A_761 = arith.addi %mul3A_759, %add3A_760 : i32
        %get3A_762 = arith.index_cast %add3A_761 : i32 to index
        %get3A_763 = arith.constant 32 : index
        %get3A_764 = tpu.vector_load %arg20[%get3A_762, %get3A_763] {strides = array<i32>} : memref<1280x64xbf16, #tpu.memory_space<vmem>>, vector<32xbf16>,
        %mul3A_765 = arith.mulf %get3A_764, %pack3A_745 : vector<32xbf16>
        %unpack3A_766 = tpu.unpack_subelements %mul3A_765, 0 {pack_format = #tpu.pack_format<interleaved>} : vector<32xbf16> -> vector<16xf32>
        %unpack3A_767 = tpu.unpack_subelements %mul3A_765, 1 {pack_format = #tpu.pack_format<interleaved>} : vector<32xbf16> -> vector<16xf32>
        %add3A_768 = arith.addf %add3A_740, %unpack3A_766 : vector<16xf32>
        %add3A_769 = arith.addf %add3A_741, %unpack3A_767 : vector<16xf32>
        %broadcast_in_dim3A_770 = arith.constant 13 : i32
        %broadcast_in_dim3A_771 = vector.broadcast %broadcast_in_dim3A_770 : i32 to vector<16xi32>
        %gather3A_772 = tpu.vector_load_idx %arg16[%broadcast_in_dim3A, %broadcast_in_dim3A_771] : memref<80x16xf32, #tpu.memory_space<vmem>>[vector<16xi32>, vector<16xi32>], vector<16xf32>,
        %pack3A_773 = tpu.pack_subelements %gather3A_772, %gather3A_772 {pack_format = #tpu.pack_format<interleaved>, positions = array<i32: 0, 1>} : vector<16xf32>, vector<16xf32> -> vector<32xbf16>
        %mul3A_774 = arith.constant 16 : i32
        %mul3A_775 = arith.muli %add3A_400, %mul3A_774 : i32
        %add3A_776 = arith.constant 13 : i32
        %add3A_777 = arith.addi %mul3A_775, %add3A_776 : i32
        %get3A_778 = arith.index_cast %add3A_777 : i32 to index
        %get3A_779 = arith.constant 0 : index
        %get3A_780 = tpu.vector_load %arg20[%get3A_778, %get3A_779] {strides = array<i32>} : memref<1280x64xbf16, #tpu.memory_space<vmem>>, vector<32xbf16>,
        %mul3A_781 = arith.mulf %get3A_780, %pack3A_773 : vector<32xbf16>
        %unpack3A_782 = tpu.unpack_subelements %mul3A_781, 0 {pack_format = #tpu.pack_format<interleaved>} : vector<32xbf16> -> vector<16xf32>
        %unpack3A_783 = tpu.unpack_subelements %mul3A_781, 1 {pack_format = #tpu.pack_format<interleaved>} : vector<32xbf16> -> vector<16xf32>
        %add3A_784 = arith.addf %add3A_756, %unpack3A_782 : vector<16xf32>
        %add3A_785 = arith.addf %add3A_757, %unpack3A_783 : vector<16xf32>
        %mul3A_786 = arith.constant 16 : i32
        %mul3A_787 = arith.muli %add3A_400, %mul3A_786 : i32
        %add3A_788 = arith.constant 13 : i32
        %add3A_789 = arith.addi %mul3A_787, %add3A_788 : i32
        %get3A_790 = arith.index_cast %add3A_789 : i32 to index
        %get3A_791 = arith.constant 32 : index
        %get3A_792 = tpu.vector_load %arg20[%get3A_790, %get3A_791] {strides = array<i32>} : memref<1280x64xbf16, #tpu.memory_space<vmem>>, vector<32xbf16>,
        %mul3A_793 = arith.mulf %get3A_792, %pack3A_773 : vector<32xbf16>
        %unpack3A_794 = tpu.unpack_subelements %mul3A_793, 0 {pack_format = #tpu.pack_format<interleaved>} : vector<32xbf16> -> vector<16xf32>
        %unpack3A_795 = tpu.unpack_subelements %mul3A_793, 1 {pack_format = #tpu.pack_format<interleaved>} : vector<32xbf16> -> vector<16xf32>
        %add3A_796 = arith.addf %add3A_768, %unpack3A_794 : vector<16xf32>
        %add3A_797 = arith.addf %add3A_769, %unpack3A_795 : vector<16xf32>
        %broadcast_in_dim3A_798 = arith.constant 14 : i32
        %broadcast_in_dim3A_799 = vector.broadcast %broadcast_in_dim3A_798 : i32 to vector<16xi32>
        %gather3A_800 = tpu.vector_load_idx %arg16[%broadcast_in_dim3A, %broadcast_in_dim3A_799] : memref<80x16xf32, #tpu.memory_space<vmem>>[vector<16xi32>, vector<16xi32>], vector<16xf32>,
        %pack3A_801 = tpu.pack_subelements %gather3A_800, %gather3A_800 {pack_format = #tpu.pack_format<interleaved>, positions = array<i32: 0, 1>} : vector<16xf32>, vector<16xf32> -> vector<32xbf16>
        %mul3A_802 = arith.constant 16 : i32
        %mul3A_803 = arith.muli %add3A_400, %mul3A_802 : i32
        %add3A_804 = arith.constant 14 : i32
        %add3A_805 = arith.addi %mul3A_803, %add3A_804 : i32
        %get3A_806 = arith.index_cast %add3A_805 : i32 to index
        %get3A_807 = arith.constant 0 : index
        %get3A_808 = tpu.vector_load %arg20[%get3A_806, %get3A_807] {strides = array<i32>} : memref<1280x64xbf16, #tpu.memory_space<vmem>>, vector<32xbf16>,
        %mul3A_809 = arith.mulf %get3A_808, %pack3A_801 : vector<32xbf16>
        %unpack3A_810 = tpu.unpack_subelements %mul3A_809, 0 {pack_format = #tpu.pack_format<interleaved>} : vector<32xbf16> -> vector<16xf32>
        %unpack3A_811 = tpu.unpack_subelements %mul3A_809, 1 {pack_format = #tpu.pack_format<interleaved>} : vector<32xbf16> -> vector<16xf32>
        %add3A_812 = arith.addf %add3A_784, %unpack3A_810 : vector<16xf32>
        %add3A_813 = arith.addf %add3A_785, %unpack3A_811 : vector<16xf32>
        %mul3A_814 = arith.constant 16 : i32
        %mul3A_815 = arith.muli %add3A_400, %mul3A_814 : i32
        %add3A_816 = arith.constant 14 : i32
        %add3A_817 = arith.addi %mul3A_815, %add3A_816 : i32
        %get3A_818 = arith.index_cast %add3A_817 : i32 to index
        %get3A_819 = arith.constant 32 : index
        %get3A_820 = tpu.vector_load %arg20[%get3A_818, %get3A_819] {strides = array<i32>} : memref<1280x64xbf16, #tpu.memory_space<vmem>>, vector<32xbf16>,
        %mul3A_821 = arith.mulf %get3A_820, %pack3A_801 : vector<32xbf16>
        %unpack3A_822 = tpu.unpack_subelements %mul3A_821, 0 {pack_format = #tpu.pack_format<interleaved>} : vector<32xbf16> -> vector<16xf32>
        %unpack3A_823 = tpu.unpack_subelements %mul3A_821, 1 {pack_format = #tpu.pack_format<interleaved>} : vector<32xbf16> -> vector<16xf32>
        %add3A_824 = arith.addf %add3A_796, %unpack3A_822 : vector<16xf32>
        %add3A_825 = arith.addf %add3A_797, %unpack3A_823 : vector<16xf32>
        %broadcast_in_dim3A_826 = arith.constant 15 : i32
        %broadcast_in_dim3A_827 = vector.broadcast %broadcast_in_dim3A_826 : i32 to vector<16xi32>
        %gather3A_828 = tpu.vector_load_idx %arg16[%broadcast_in_dim3A, %broadcast_in_dim3A_827] : memref<80x16xf32, #tpu.memory_space<vmem>>[vector<16xi32>, vector<16xi32>], vector<16xf32>,
        %pack3A_829 = tpu.pack_subelements %gather3A_828, %gather3A_828 {pack_format = #tpu.pack_format<interleaved>, positions = array<i32: 0, 1>} : vector<16xf32>, vector<16xf32> -> vector<32xbf16>
        %mul3A_830 = arith.constant 16 : i32
        %mul3A_831 = arith.muli %add3A_400, %mul3A_830 : i32
        %add3A_832 = arith.constant 15 : i32
        %add3A_833 = arith.addi %mul3A_831, %add3A_832 : i32
        %get3A_834 = arith.index_cast %add3A_833 : i32 to index
        %get3A_835 = arith.constant 0 : index
        %get3A_836 = tpu.vector_load %arg20[%get3A_834, %get3A_835] {strides = array<i32>} : memref<1280x64xbf16, #tpu.memory_space<vmem>>, vector<32xbf16>,
        %mul3A_837 = arith.mulf %get3A_836, %pack3A_829 : vector<32xbf16>
        %unpack3A_838 = tpu.unpack_subelements %mul3A_837, 0 {pack_format = #tpu.pack_format<interleaved>} : vector<32xbf16> -> vector<16xf32>
        %unpack3A_839 = tpu.unpack_subelements %mul3A_837, 1 {pack_format = #tpu.pack_format<interleaved>} : vector<32xbf16> -> vector<16xf32>
        %add3A_840 = arith.addf %add3A_812, %unpack3A_838 : vector<16xf32>
        %add3A_841 = arith.addf %add3A_813, %unpack3A_839 : vector<16xf32>
        %mul3A_842 = arith.constant 16 : i32
        %mul3A_843 = arith.muli %add3A_400, %mul3A_842 : i32
        %add3A_844 = arith.constant 15 : i32
        %add3A_845 = arith.addi %mul3A_843, %add3A_844 : i32
        %get3A_846 = arith.index_cast %add3A_845 : i32 to index
        %get3A_847 = arith.constant 32 : index
        %get3A_848 = tpu.vector_load %arg20[%get3A_846, %get3A_847] {strides = array<i32>} : memref<1280x64xbf16, #tpu.memory_space<vmem>>, vector<32xbf16>,
        %mul3A_849 = arith.mulf %get3A_848, %pack3A_829 : vector<32xbf16>
        %unpack3A_850 = tpu.unpack_subelements %mul3A_849, 0 {pack_format = #tpu.pack_format<interleaved>} : vector<32xbf16> -> vector<16xf32>
        %unpack3A_851 = tpu.unpack_subelements %mul3A_849, 1 {pack_format = #tpu.pack_format<interleaved>} : vector<32xbf16> -> vector<16xf32>
        %add3A_852 = arith.addf %add3A_824, %unpack3A_850 : vector<16xf32>
        %add3A_853 = arith.addf %add3A_825, %unpack3A_851 : vector<16xf32>
        %add3A_854 = arith.constant 0 : i32
        %add3A_855 = vector.broadcast %add3A_854 : i32 to vector<16xi32>
        %add3A_856 = arith.addi %add3A_855, %mul3A_5 : vector<16xi32>
        %mul3A_857 = arith.mulf %add3A_840, %gather3A : vector<16xf32>
        tpu.vector_store_idx %arg22[%broadcast_in_dim3A, %add3A_856], %mul3A_857 : memref<80x64xf32, #tpu.memory_space<vmem>>[vector<16xi32>, vector<16xi32>], vector<16xf32>,
        %add3A_858 = arith.constant 0 : i32
        %add3A_859 = vector.broadcast %add3A_858 : i32 to vector<16xi32>
        %add3A_860 = arith.addi %add3A_859, %add3A_8 : vector<16xi32>
        %mul3A_861 = arith.mulf %add3A_841, %gather3A : vector<16xf32>
        tpu.vector_store_idx %arg22[%broadcast_in_dim3A, %add3A_860], %mul3A_861 : memref<80x64xf32, #tpu.memory_space<vmem>>[vector<16xi32>, vector<16xi32>], vector<16xf32>,
        %add3A_862 = arith.constant 32 : i32
        %add3A_863 = vector.broadcast %add3A_862 : i32 to vector<16xi32>
        %add3A_864 = arith.addi %add3A_863, %mul3A_5 : vector<16xi32>
        %mul3A_865 = arith.mulf %add3A_852, %gather3A : vector<16xf32>
        tpu.vector_store_idx %arg22[%broadcast_in_dim3A, %add3A_864], %mul3A_865 : memref<80x64xf32, #tpu.memory_space<vmem>>[vector<16xi32>, vector<16xi32>], vector<16xf32>,
        %add3A_866 = arith.constant 32 : i32
        %add3A_867 = vector.broadcast %add3A_866 : i32 to vector<16xi32>
        %add3A_868 = arith.addi %add3A_867, %add3A_8 : vector<16xi32>
        %mul3A_869 = arith.mulf %add3A_853, %gather3A : vector<16xf32>
        tpu.vector_store_idx %arg22[%broadcast_in_dim3A, %add3A_868], %mul3A_869 : memref<80x64xf32, #tpu.memory_space<vmem>>[vector<16xi32>, vector<16xi32>], vector<16xf32>,
      }
      %scan3A_388 = arith.constant 80 : i32
      %mul3A_389 = arith.constant 80 : i32
      %mul3A_390 = arith.muli %add3A_270, %mul3A_389 : i32
      %add3A_391 = arith.addi %mul3A_2, %mul3A_390 : i32
      %dma_start3A_392 = arith.constant 0 : i32
      %dma_start3A_393 = tpu.memref_slice %arg6[%add3A_391, %dma_start3A_392] : memref<81920x64xf32, #tpu.memory_space<hbm>> -> memref<80x64xf32, #tpu.memory_space<hbm>>
      %dma_start3A_394 = arith.constant 0 : i32
      %dma_start3A_395 = tpu.memref_slice %arg6[%add3A_391, %dma_start3A_394] : memref<81920x64xf32, #tpu.memory_space<hbm>> -> memref<80x64xf32, #tpu.memory_space<hbm>>
      tpu.enqueue_dma source(%arg22 : memref<80x64xf32, #tpu.memory_space<vmem>>) target(%dma_start3A_395 : memref<80x64xf32, #tpu.memory_space<hbm>>) target_semaphore(%arg30 : memref<!tpu.dma_semaphore, #tpu.memory_space<semaphore_mem>>)
    }
    %scan3A_128 = arith.constant 16 : i32
    %dma_wait3A_129 = arith.constant 0 : i32
    %dma_wait3A_130 = arith.constant 0 : i32
    %dma_wait3A_131 = tpu.memref_slice %arg6[%dma_wait3A_129, %dma_wait3A_130] : memref<81920x64xf32, #tpu.memory_space<hbm>> -> memref<80x64xf32, #tpu.memory_space<hbm>>
    %dma_wait3A_132 = arith.constant 0 : i32
    %dma_wait3A_133 = arith.constant 0 : i32
    %dma_wait3A_134 = tpu.memref_slice %arg6[%dma_wait3A_132, %dma_wait3A_133] : memref<81920x64xf32, #tpu.memory_space<hbm>> -> memref<80x64xf32, #tpu.memory_space<hbm>>
    tpu.wait_dma2 semaphore(%arg29 : memref<!tpu.dma_semaphore, #tpu.memory_space<semaphore_mem>>) src(%arg21 : memref<80x64xf32, #tpu.memory_space<vmem>>) dst(%dma_wait3A_134 : memref<80x64xf32, #tpu.memory_space<hbm>>)
    %dma_wait3A_135 = arith.constant 0 : i32
    %dma_wait3A_136 = arith.constant 0 : i32
    %dma_wait3A_137 = tpu.memref_slice %arg6[%dma_wait3A_135, %dma_wait3A_136] : memref<81920x64xf32, #tpu.memory_space<hbm>> -> memref<80x64xf32, #tpu.memory_space<hbm>>
    %dma_wait3A_138 = arith.constant 0 : i32
    %dma_wait3A_139 = arith.constant 0 : i32
    %dma_wait3A_140 = tpu.memref_slice %arg6[%dma_wait3A_138, %dma_wait3A_139] : memref<81920x64xf32, #tpu.memory_space<hbm>> -> memref<80x64xf32, #tpu.memory_space<hbm>>
    tpu.wait_dma2 semaphore(%arg30 : memref<!tpu.dma_semaphore, #tpu.memory_space<semaphore_mem>>) src(%arg22 : memref<80x64xf32, #tpu.memory_space<vmem>>) dst(%dma_wait3A_140 : memref<80x64xf32, #tpu.memory_space<hbm>>)
    return
  }
}

</mosaic_0001>

<sc_bundles>
// kernel: kernel.3.cloned.1.call-start
scs
__scs_entry_jumppad:
0x0: {  	(pc) =	sbr.rel $0x88, $3  }
0x1: {  	(tag) =	ssettag $0x0;
	lr =	simm.s32 $0x1  }
0x2: {  	[smem:$0x3F9D] =	sst lr;
	_ =	strace $0xD0000000  }
0x3: {  	_ = 	snop  }
0x4: {  	_ = 	snop  }
0x5: {  	_ = 	snop  }
0x6: {  	_ = 	snop  }
0x7: {  	_ = 	snop  }
__scs_overlays_trampoline_lowered:
0x8: {  	[smem:$0x3FAC] =	sst s0  }
0x9: {  	[smem:$0x3FAD] =	sst s1  }
0xa: {  	[smem:$0x3FAE] =	sst s2  }
0xb: {  	[smem:$0x3FAF] =	sst s3  }
0xc: {  	[smem:$0x3FB0] =	sst s4  }
0xd: {  	[smem:$0x3FB1] =	sst s5  }
0xe: {  	[smem:$0x3FB2] =	sst s6  }
0xf: {  	[smem:$0x3FB3] =	sst s7  }
0x10: {  	[smem:$0x3FB4] =	sst s8  }
0x11: {  	[smem:$0x3FB5] =	sst s9;
	s0 =	simm.s32 @!p0 $0x0  }
0x12: {  	s1 =	sld [smem:$0x3F9B];
	s0 =	simm.s32 @p0 $0x1  }
0x13: {  	[smem:$0x3FB6] =	sst s0;
	s0 =	simm.s32 @!p1 $0x0  }
0x14: {  	s2 =	sld [smem:$0x3F9A];
	s0 =	simm.s32 @p1 $0x1  }
0x15: {  	[smem:$0x3FB7] =	sst s0;
	s0 =	simm.s32 @!p2 $0x0  }
0x16: {  	s3 =	sld [smem:$0x3FDB];
	s0 =	simm.s32 @p2 $0x1  }
0x17: {  	s4 =	simm.s32 $0x1BF5;
	[smem:$0x3FB9] =	sst s0  }
0x18: {  	s0 =	sld [smem:$0x3F9C];
	_ =	swait.ge [sflag:s4], $0x0  }
0x19: {  	s7 =	sld [smem:$0x3F9D]  }
0x1a: {  	s8 =	sadd.s32 $0xFFFFE003, lr  }
0x1b: {  	s9 =	sadd.s32 $0xFFFFFEF7, lr;
	s5 =	simm.s32 $0xFFFFFFFF;
	p2 =	slt.u32 s8, $0xFFFFF086  }
0x1c: {  	p1 =	slt.u32 s9, $0xF7A;
	s5 =	simm.s32 @!p2 $0x0  }
0x1d: {  	s5 =	simm.s32 @p1 $0x1;
	p0 =	seq.s32 s7, s2  }
0x1e: {  	s7 =	smul.u32 @!p0 $0xF7A, s2;
	p2 =	seq.s32 @!p0 s5, $0x0  }
0x1f: {  	s9 =	smul.u32 $0xF7A, s1;
	s8 =	simm.s32 @!p0 $0x1BF5;
	p2 =	por !p2, p0  }
0x20: {  	[sflag:s8] =	ssyncset.s32 @!p0 $0xFFFFF086;
	s6 =	sadd.s32 @!p0 s3, s7;
	s7 =	simm.s32 @!p0 $0x108  }
0x21: {  	s3 =	sadd.s32 s3, s9;
	s6 =	sadd.s32 @!p0 $0x88, s6;
	s7 =	simm.s32 @p2 $0x1082  }
0x22: {  	[simem:s7], [sflag:s8] =	dma.local @!p0 [hbm:s6], $0xF7A  }
0x23: {  	s9 =	sor.u32 $0xD0000000, s2;
	s6 =	simm.s32 $0x108;
	_ =	swait.ge @!p0 [sflag:s8], $0x0  }
0x24: {  	s3 =	sadd.s32 $0x88, s3;
	s6 =	simm.s32 @!p1 $0x1082;
	[sflag:s4] =	ssyncset.s32 $0xFFFFF086  }
0x25: {  	[simem:s6], [sflag:s4] =	dma.local [hbm:s3], $0xF7A  }
0x26: {  	[smem:$0x3F9D] =	sst s1;
	(tag) =	ssettag s2;
	_ =	strace s9  }
0x27: {  	s1 =	sld [smem:$0x3FAD]  }
0x28: {  	s2 =	sld [smem:$0x3FAE]  }
0x29: {  	s4 =	sld [smem:$0x3FB0]  }
0x2a: {  	p0 =	seq.s32 s5, $0x0;
	s5 =	sld [smem:$0x3FB1]  }
0x2b: {  	s6 =	sld [smem:$0x3FB2]  }
0x2c: {  	s7 =	sld [smem:$0x3FB3]  }
0x2d: {  	s3 =	simm.s32 $0x108;
	s8 =	sld [smem:$0x3FB4]  }
0x2e: {  	s3 =	simm.s32 @!p0 $0x1082;
	s9 =	sld [smem:$0x3FB5]  }
0x2f: {  	lr =	sadd.s32 s0, s3;
	s0 =	sld [smem:$0x3FAC]  }
0x30: {  	s3 =	sld [smem:$0x3FAF]  }
0x31: {  	[smem:$0x3FB8] =	sst s10  }
0x32: {  	s10 =	sld [smem:$0x3FB6];
	_ =	sdelay $0x3  }
0x33: {  	p0 =	seq.s32 s10, $0x1;
	s10 =	sld [smem:$0x3FB8];
	_ =	sdelay $0x3  }
0x34: {  	[smem:$0x3FB8] =	sst s10  }
0x35: {  	s10 =	sld [smem:$0x3FB7];
	_ =	sdelay $0x3  }
0x36: {  	p1 =	seq.s32 s10, $0x1;
	s10 =	sld [smem:$0x3FB8];
	_ =	sdelay $0x3  }
0x37: {  	[smem:$0x3FB8] =	sst s10  }
0x38: {  	s10 =	sld [smem:$0x3FB9]  }
0x39: {  	_ = 	snop;
	(pc) =	sbr.ind lr, $3  }
0x3a: {  	_ = 	snop  }
0x3b: {  	_ = 	snop  }
0x3c: {  	p2 =	seq.s32 s10, $0x1;
	s10 =	sld [smem:$0x3FB8]  }
0x3d: {  	_ =	shalt  }
0x3e: {  	_ =	shalt  }
0x3f: {  	_ =	shalt  }
0x40: {  	_ =	shalt  }
0x41: {  	_ =	shalt  }
0x42: {  	_ =	shalt  }
0x43: {  	_ =	shalt  }
0x44: {  	_ =	shalt  }
0x45: {  	_ =	shalt  }
0x46: {  	_ =	shalt  }
0x47: {  	_ =	shalt  }
0x48: {  	_ =	shalt  }
0x49: {  	_ =	shalt  }
0x4a: {  	_ =	shalt  }
0x4b: {  	_ =	shalt  }
0x4c: {  	_ =	shalt  }
0x4d: {  	_ =	shalt  }
0x4e: {  	_ =	shalt  }
0x4f: {  	_ =	shalt  }
0x50: {  	_ =	shalt  }
0x51: {  	_ =	shalt  }
0x52: {  	_ =	shalt  }
0x53: {  	_ =	shalt  }
0x54: {  	_ =	shalt  }
0x55: {  	_ =	shalt  }
0x56: {  	_ =	shalt  }
0x57: {  	_ =	shalt  }
0x58: {  	_ =	shalt  }
0x59: {  	_ =	shalt  }
0x5a: {  	_ =	shalt  }
0x5b: {  	_ =	shalt  }
0x5c: {  	_ =	shalt  }
0x5d: {  	_ =	shalt  }
0x5e: {  	_ =	shalt  }
0x5f: {  	_ =	shalt  }
0x60: {  	_ =	shalt  }
0x61: {  	_ =	shalt  }
0x62: {  	_ =	shalt  }
0x63: {  	_ =	shalt  }
0x64: {  	_ =	shalt  }
0x65: {  	_ =	shalt  }
0x66: {  	_ =	shalt  }
0x67: {  	_ =	shalt  }
0x68: {  	_ =	shalt  }
0x69: {  	_ =	shalt  }
0x6a: {  	_ =	shalt  }
0x6b: {  	_ =	shalt  }
0x6c: {  	_ =	shalt  }
0x6d: {  	_ =	shalt  }
0x6e: {  	_ =	shalt  }
0x6f: {  	_ =	shalt  }
0x70: {  	_ =	shalt  }
0x71: {  	_ =	shalt  }
0x72: {  	_ =	shalt  }
0x73: {  	_ =	shalt  }
0x74: {  	_ =	shalt  }
0x75: {  	_ =	shalt  }
0x76: {  	_ =	shalt  }
0x77: {  	_ =	shalt  }
0x78: {  	_ =	shalt  }
0x79: {  	_ =	shalt  }
0x7a: {  	_ =	shalt  }
0x7b: {  	_ =	shalt  }
0x7c: {  	_ =	shalt  }
0x7d: {  	_ =	shalt  }
0x7e: {  	_ =	shalt  }
0x7f: {  	_ =	shalt  }
0x80: {  	_ =	shalt  }
0x81: {  	_ =	shalt  }
0x82: {  	_ =	shalt  }
0x83: {  	_ =	shalt  }
0x84: {  	_ =	shalt  }
0x85: {  	_ =	shalt  }
0x86: {  	_ =	shalt  }
0x87: {  	_ =	shalt  }
.Lfunc_end0:
.L_simem_size_0:
called_computation_lowered:
.L_overlay_start_0:
0x88: {  	s2 =	sld [smem:$0x3FD9]  }
0x89: {  	s3 =	sld [smem:$0x3FFE];
	_ =	sdelay $0x1  }
0x8a: {  	s1 =	srdreg.scid  }
0x8b: {  	s0 =	sand.u32 $0x1, s1  }
0x8c: {  	s17 =	sshll.u32 s0, $0xA;
	s2 =	sadd.s32 s3, s2  }
0x8d: {  	s2 =	sadd.s32 s2, s17  }
0x8e: {  	[smem:$0x3FC4] =	sst s2  }
0x8f: {  	_ = 	snop  }
0x90: {  	s2 =	sld [smem:$0x3FD0];
	(tm) =	ssettm $0x1  }
0x91: {  	s18 =	sld [smem:$0x3FFB];
	_ =	sdelay $0x3  }
0x92: {  	_ =	strace s18  }
0x93: {  	s3 =	sld [smem:$0x3FFC];
	_ =	sdelay $0x3  }
0x94: {  	_ =	strace s3  }
0x95: {  	s3 =	sld [smem:$0x3FFD];
	_ =	sdelay $0x3  }
0x96: {  	_ =	strace s3  }
0x97: {  	_ =	strace $0x8FFFFFFF  }
0x98: {  	s19 =	sld [smem:$0x3FDB];
	_ =	sdelay $0x1  }
0x99: {  	s4 =	simm.s32 $_scs_section_size  }
0x9a: {  	s5 =	simm.s32 $_size__tile_overlayer_lowered;
	s6 =	simm.s32 $_tile_overlayer_lowered  }
0x9b: {  	s22 =	simm.s32 $0x1BFF;
	s21 =	sshll.u32 s6, $0x1;
	s3 =	sadd.s32 s4, s19  }
0x9c: {  	s7 =	simm.s32 $0x0;
	s20 =	sshll.u32 s5, $0x1;
	s5 =	sadd.s32 s21, s3  }
0x9d: {  	[timem:s7], [sflag:s22] =	dma.local [hbm:s5], s20  }
0x9e: {  	_ =	swait.ge [sflag:s22], s20  }
0x9f: {  	s4 =	ssub.s32 $0x0, s20;
	[sflag:s22] =	ssyncset.done $0x0  }
0xa0: {  	[sflag:s22] =	ssyncadd.s32 s4;
	_ =	sdelay $0x1  }
0xa1: {  	s23 =	simm.s32 $0x1B8B  }
0xa2: {  	_ =	swait.ge [sflag:s23], $0x1  }
0xa3: {  	[sflag:s23] =	ssyncset.done $0x0  }
0xa4: {  	s25 =	simm.s32 $0x1B8E;
	s24 =	sld [smem:$0x3FFE];
	[sflag:s23] =	ssyncadd.s32 $0xFFFFFFFF  }
0xa5: {  	s26 =	simm.s32 $execute0_lowered;
	[smem:$0x3FD2] =	sst s25  }
0xa6: {  	s5 =	sshll.u32 s26, $0x1;
	_ =	strace $0x80000046;
	[dreg:$0x1] =	wrdreg $0xFFFFFFFF  }
0xa7: {  	s28 =	simm.s32 $_size_execute0_lowered;
	s3 =	sadd.s32 s3, s5;
	[dreg:$0x0] =	wrdreg $0x0  }
0xa8: {  	s5 =	sshll.u32 s28, $0x1;
	[dreg:$0x2] =	wrdreg s3  }
0xa9: {  	[dreg:$0x3] =	wrdreg s5  }
0xaa: {  	[dreg:$0x4] =	wrdreg $0xC0  }
0xab: {  	_ =	task [dreg:s7], $0x5FFFF  }
0xac: {  	[dreg:$0x1] =	wrdreg $0xFFFFFFFF  }
0xad: {  	[dreg:$0x0] =	wrdreg $0x60  }
0xae: {  	[dreg:$0x2] =	wrdreg s24  }
0xaf: {  	[dreg:$0x3] =	wrdreg s2  }
0xb0: {  	[dreg:$0x4] =	wrdreg $0x9  }
0xb1: {  	_ =	task.clear_ibuf [dreg:s7], $0x5FFFF;
	_ =	strace $0x90000046  }
0xb2: {  	s29 =	simm.s32 $0x9;
	_ =	strace $0x80000048  }
0xb3: {  	_ =	swait.ge [sflag:s29], $0x1  }
0xb4: {  	[sflag:s29] =	ssyncadd.s32 $0xFFFFFFFF  }
0xb5: {  	_ =	strace $0x90000048  }
0xb6: {  	_ =	sfence  }
0xb7: {  	s30 =	sld [smem:$0x0];
	_ =	sdelay $0x2  }
0xb8: {  	s31 =	sshll.u32 s1, $0xD;
	s1 =	sshrl.u32 s1, $0x2  }
0xb9: {  	s3 =	sand.u32 $0x4000, s31;
	s1 =	sadd.s32 s1, s30  }
0xba: {  	s0 =	sor.u32 s3, s0;
	s1 =	sshll.u32 s1, $0x11  }
0xbb: {  	s0 =	sor.u32 s1, s0  }
0xbc: {  	s0 =	sadd.s32 $0x8F2B, s0  }
0xbd: {  	[sflag:s0] =	ssyncadd.remote.s32 $0x1  }
0xbe: {  	_ =	sfence.sel $0xFFFF  }
0xbf: {  	[dreg:$0x0] =	wrdreg $0xFFFFFFFF;
	(pc) =	sbr.abs _section_cstart, $3  }
0xc0: {  	[dreg:$0x1] =	wrdreg $0xFFFFFFFF  }
0xc1: {  	_ =	task.clear_ibuf [dreg:s7], $0x2FFFF;
	_ =	strace $0x9FFFFFFF  }
0xc2: {  	(tm) =	ssettm $0x7FFFFFFF  }
0xc3: {  	_ =	shalt  }
tec
execute0_lowered:
.L_overlay_start_1:
0x0: {  	(tag) =	ssettag $0x1  }
0x1: {  	s0 =	rddreg [dreg:$0x0]  }
0x2: {  	s2 =	rddreg [dreg:$0x1]  }
0x3: {  	s3 =	simm.s32 $0x0;
	s1 =	srdreg.scid;
	s12 =	stileid.u32  }
0x4: {  	s20 =	simm.s32 $0x50;
	s16 =	simm.s32 $0x15940;
	s19 =	simm.s32 $0x5  }
0x5: {  	s28 =	simm.s32 $0x16940;
	s29 =	simm.s32 $0x6;
	s30 =	simm.s32 $0x28F0  }
0x6: {  	s31 =	simm.s32 $0x17D40;
	[smem:$0x7FF] =	sst s3;
	s1 =	sand.u32 $0x1, s1  }
0x7: {  	s5 =	sshll.u32 s12, $0x1;
	s6 =	sadd.s32 $0x21AA00, s0;
	s9 =	smul.u32 $0x14000, s12  }
0x8: {  	s4 =	sadd.s32 $0x63200, s0;
	s8 =	sadd.s32 $0x1E9C00, s0;
	s22 =	smul.u32 $0x1400, s12  }
0x9: {  	_ =	strace $0x80000047;
	s21 =	ssub.s32 $0x2, s1;
	s14 =	smul.u32 $0xA000, s1  }
0xa: {  	s7 =	sor.u32 s1, s5;
	s1 =	smul.u32 $0xA00, s1;
	s10 =	sshrl.u32 s21, $0x1  }
0xb: {  	s5 =	sadd.s32 $0x1600, s0;
	s7 =	smul.u32 $0xA00, s7;
	s0 =	ssub.s32 s21, s10  }
0xc: {  	s25 =	sadd.s32 s14, s9;
	s26 =	sadd.s32 s1, s22;
	s21 =	simm.s32 $0x4  }
0xd: {  	s22 =	simm.s32 $0x23A0;
	s10 =	simm.s32 $0x0;
	s11 =	sshrl.u32 s7, $0x3  }
0xe: {  	s12 =	sor.u32 $0xF0, s7;
	s24 =	sor.u32 $0x140, s7;
	[dreg:$0x8] =	wrdreg s25  }
0xf: {  	s13 =	sor.u32 $0x50, s7;
	s0 =	smax.u32 s0, $0x1;
	[dreg:$0x6] =	wrdreg s24  }
0x10: {  	s17 =	sor.u32 $0x50, s26;
	s11 =	sadd.s32 s4, s11;
	[dreg:$0x7] =	wrdreg s0  }
0x11: {  	v0 =	vlaneseq.u32;
	s25 =	simm.s32 $0x80;
	s0 =	sor.u32 $0xA0, s26;
	[dreg:$0x3] =	wrdreg s11  }
0x12: {  	v1 =	vmul.u32 $0x2, v0;
	s24 =	simm.s32 $0x1EA0;
	s23 =	sadd.s32 $0xA, s11;
	[dreg:$0x9] =	wrdreg s0  }
0x13: {  	v2 =	vmul.u32 $0x10, v0;
	s26 =	simm.s32 $0x28A0;
	s11 =	sadd.s32 $0x14, s11;
	[dreg:$0x4] =	wrdreg s23  }
0x14: {  	v3 =	vor.u32 $0x1, v1;
	v4 =	vor.u32 $0x20, v1;
	v5 =	vor.u32 $0x21, v1;
	s0 =	simm.s32 $0x2;
	[dreg:$0x5] =	wrdreg s11;
	s23 =	simm.s32 $0x3  }
.LBB2_1:
0x15: {  	[dreg:$0xa] =	wrdreg s10  }
0x16: {  	s1 =	rddreg [dreg:$0x3];
	s9 =	simm.s32 $0x9  }
0x17: {  	[tilespmem:s3], [sflag:$0x9] =	stream.linear.gather [hbm4b:s1+s3], $0x50, $0x38;
	[tilespmem:$0x19140] =	vst v63  }
0x18: {  	_ =	swait.ge [sflag:s9], $0x50  }
0x19: {  	[sflag:s9] =	ssyncset.done $0x0  }
0x1a: {  	s14 =	simm.s32 $0xA0;
	[sflag:s9] =	ssyncadd.s32 $0xFFFFFFB0  }
0x1b: {  	[tilespmem:s14], [sflag:$0x3] =	stream.indirect.gather [hbm4b:s6+s20], $0x10, s3, s20, $0xb8;
	[tilespmem:$0x19140] =	vst v63  }
0x1c: {  	s15 =	simm.s32 $0x14A0  }
0x1d: {  	[tilespmem:s15], [sflag:$0x3] =	stream.indirect.gather [hbm4b:s8+s20], $0x10, s3, s20, $0xb8;
	[tilespmem:$0x19140] =	vst v63  }
0x1e: {  	s18 =	rddreg [dreg:$0x4]  }
0x1f: {  	[tilespmem:s20], [sflag:$0x9] =	stream.linear.gather [hbm4b:s18+s3], $0x50, $0x38;
	[tilespmem:$0x19140] =	vst v63  }
0x20: {  	_ =	swait.ge [sflag:s9], $0x50  }
0x21: {  	[sflag:s9] =	ssyncset.done $0x0  }
0x22: {  	[sflag:s9] =	ssyncadd.s32 $0xFFFFFFB0  }
0x23: {  	_ =	swait.ge [sflag:s23], $0x500  }
0x24: {  	[sflag:s23] =	ssyncset.done $0x0  }
0x25: {  	[sflag:s23] =	ssyncadd.s32 $0xFFFFFB00  }
0x26: {  	_ =	swait.ge [sflag:s23], $0x500  }
0x27: {  	[sflag:s23] =	ssyncset.done $0x0  }
0x28: {  	s1 =	simm.s32 $0x0;
	[sflag:s23] =	ssyncadd.s32 $0xFFFFFB00  }
0x29: {  	v6 =	vld [tilespmem:s1+$0x14A0]  }
0x2a: {  	v7 =	vld [tilespmem:s1+$0xA0];
	_ =	sdelay $0x1  }
0x2b: {  	s10 =	rddreg [dreg:$0x8]  }
0x2c: {  	s9 =	simm.s32 $0x40;
	v8 =	vor.u32 s10, v0  }
.LBB2_2:
0x2d: {  	s11 =	sshra.s32 s9, $0x2;
	p0 =	sne.s32 s9, $0x13C0;
	s9 =	sadd.s32 $0x40, s9;
	[tilespmem:s1+$0x1EA0] =	vst v6;
	v8 =	vand.u32 $0xE7FF, v8;
	vm0 =	vgt.f32 v6, $0.0e+00  }
.Ltmp0:
0x2e: {  	v6 =	vld [tilespmem:s11+$0x14A0];
	v8 =	vsel vm0, v7, v8;
	(pc) =	sbr.rel @p0 .LBB2_2-.Ltmp0, $3  }
0x2f: {  	v7 =	vld [tilespmem:s11+$0xA0];
	[tilespmem:s1+$0xAA0] =	vst v8;
	s1 =	smov.u32 s11;
	_ =	sdelay $0x1  }
0x30: {  	s10 =	sadd.s32 $0x10, s10  }
0x31: {  	v8 =	vor.u32 s10, v0  }
0x32: {  	s9 =	simm.s32 $0x0  }
0x33: {  	v9 =	vmov s9  }
0x34: {  	v9 =	vshll.u32 v9, $0x4  }
0x35: {  	v9 =	vor.u32 v2, v9;
	_ =	sdelay $0x1  }
0x36: {  	v8 =	vand.u32 $0xE7FF, v8;
	vm0 =	vgt.f32 v6, $0.0e+00;
	v10 =	vor.u32 $0x1, v9  }
0x37: {  	[tilespmem:s1+$0x1EA0] =	vst v6;
	v6 =	vsel vm0, v7, v8  }
0x38: {  	[tilespmem:s1+$0xAA0] =	vst v6;
	v6 =	vor.u32 $0x2, v9  }
0x39: {  	v7 =	vld.idx.msk [tilespmem:v9+s24+$0x0], $0xffff  }
0x3a: {  	v8 =	vor.u32 $0x3, v9  }
0x3b: {  	v10 =	vld.idx.msk [tilespmem:v10+s24+$0x0], $0xffff  }
0x3c: {  	v11 =	vor.u32 $0x4, v9  }
0x3d: {  	v6 =	vld.idx.msk [tilespmem:v6+s24+$0x0], $0xffff  }
0x3e: {  	v12 =	vor.u32 $0x5, v9;
	v7 =	vadd.f32 $0.0e+00, v7  }
0x3f: {  	v8 =	vld.idx.msk [tilespmem:v8+s24+$0x0], $0xffff  }
0x40: {  	v13 =	vor.u32 $0x6, v9;
	v7 =	vadd.f32 v10, v7  }
0x41: {  	v32 =	vld.idx.msk [tilespmem:v11+s24+$0x0], $0xffff  }
0x42: {  	v33 =	vor.u32 $0x7, v9;
	v6 =	vadd.f32 v6, v7  }
0x43: {  	v7 =	vld.idx.msk [tilespmem:v12+s24+$0x0], $0xffff  }
0x44: {  	v34 =	vor.u32 $0x8, v9;
	v6 =	vadd.f32 v8, v6  }
0x45: {  	v8 =	vld.idx.msk [tilespmem:v13+s24+$0x0], $0xffff  }
0x46: {  	v35 =	vor.u32 $0x9, v9;
	v6 =	vadd.f32 v32, v6  }
0x47: {  	v36 =	vld.idx.msk [tilespmem:v33+s24+$0x0], $0xffff  }
0x48: {  	v37 =	vor.u32 $0xA, v9;
	v6 =	vadd.f32 v7, v6  }
0x49: {  	v7 =	vld.idx.msk [tilespmem:v34+s24+$0x0], $0xffff  }
0x4a: {  	v38 =	vor.u32 $0xB, v9;
	v6 =	vadd.f32 v8, v6  }
0x4b: {  	v8 =	vld.idx.msk [tilespmem:v35+s24+$0x0], $0xffff  }
0x4c: {  	v39 =	vor.u32 $0xC, v9;
	v6 =	vadd.f32 v36, v6  }
0x4d: {  	v40 =	vld.idx.msk [tilespmem:v37+s24+$0x0], $0xffff  }
0x4e: {  	v41 =	vor.u32 $0xD, v9;
	v6 =	vadd.f32 v7, v6  }
0x4f: {  	v7 =	vld.idx.msk [tilespmem:v38+s24+$0x0], $0xffff  }
0x50: {  	v42 =	vor.u32 $0xE, v9;
	v6 =	vadd.f32 v8, v6  }
0x51: {  	v8 =	vld.idx.msk [tilespmem:v39+s24+$0x0], $0xffff  }
0x52: {  	v9 =	vor.u32 $0xF, v9;
	v6 =	vadd.f32 v40, v6  }
0x53: {  	v43 =	vld.idx.msk [tilespmem:v41+s24+$0x0], $0xffff  }
0x54: {  	v6 =	vadd.f32 v7, v6  }
0x55: {  	v7 =	vld.idx.msk [tilespmem:v42+s24+$0x0], $0xffff  }
0x56: {  	v6 =	vadd.f32 v8, v6  }
0x57: {  	v8 =	vld.idx.msk [tilespmem:v9+s24+$0x0], $0xffff  }
0x58: {  	v6 =	vadd.f32 v43, v6;
	_ =	sdelay $0x1  }
0x59: {  	v6 =	vadd.f32 v7, v6;
	_ =	sdelay $0x1  }
0x5a: {  	v6 =	vadd.f32 v8, v6;
	_ =	sdelay $0x1  }
0x5b: {  	v6 =	vmax.f32 v6, $1.000000000e+00  }
0x5c: {  	(erf) = vrcp.f32 v6;
	_ =	sdelay $0x2  }
0x5d: {  	s15 =	simm.s32 $0x10  }
0x5e: {  	v6 =	vmov s15  }
0x5f: {  	v6 =	vshll.u32 v6, $0x4  }
0x60: {  	v6 =	vor.u32 v2, v6;
	_ =	sdelay $0x1  }
0x61: {  	v7 =	vor.u32 $0x1, v6  }
0x62: {  	s1 =	simm.s32 $0x28A0;
	v8 =	vpop (erf)  }
0x63: {  	v44 =	vor.u32 $0x2, v6;
	[tilespmem:s1+$0x0] =	vst v8  }
0x64: {  	v8 =	vld.idx.msk [tilespmem:v6+s24+$0x0], $0xffff  }
0x65: {  	v45 =	vor.u32 $0x3, v6  }
0x66: {  	v7 =	vld.idx.msk [tilespmem:v7+s24+$0x0], $0xffff  }
0x67: {  	v46 =	vor.u32 $0x4, v6  }
0x68: {  	v9 =	vld.idx.msk [tilespmem:v44+s24+$0x0], $0xffff  }
0x69: {  	v47 =	vor.u32 $0x5, v6;
	v8 =	vadd.f32 $0.0e+00, v8  }
0x6a: {  	v10 =	vld.idx.msk [tilespmem:v45+s24+$0x0], $0xffff  }
0x6b: {  	v48 =	vor.u32 $0x6, v6;
	v7 =	vadd.f32 v7, v8  }
0x6c: {  	v8 =	vld.idx.msk [tilespmem:v46+s24+$0x0], $0xffff  }
0x6d: {  	v49 =	vor.u32 $0x7, v6;
	v7 =	vadd.f32 v9, v7  }
0x6e: {  	v50 =	vld.idx.msk [tilespmem:v47+s24+$0x0], $0xffff  }
0x6f: {  	v51 =	vor.u32 $0x8, v6;
	v7 =	vadd.f32 v10, v7  }
0x70: {  	v52 =	vld.idx.msk [tilespmem:v48+s24+$0x0], $0xffff  }
0x71: {  	v53 =	vor.u32 $0x9, v6;
	v7 =	vadd.f32 v8, v7  }
0x72: {  	v8 =	vld.idx.msk [tilespmem:v49+s24+$0x0], $0xffff  }
0x73: {  	v54 =	vor.u32 $0xA, v6;
	v7 =	vadd.f32 v50, v7  }
0x74: {  	v55 =	vld.idx.msk [tilespmem:v51+s24+$0x0], $0xffff  }
0x75: {  	v56 =	vor.u32 $0xB, v6;
	v7 =	vadd.f32 v52, v7  }
0x76: {  	v57 =	vld.idx.msk [tilespmem:v53+s24+$0x0], $0xffff  }
0x77: {  	v58 =	vor.u32 $0xC, v6;
	v7 =	vadd.f32 v8, v7  }
0x78: {  	v8 =	vld.idx.msk [tilespmem:v54+s24+$0x0], $0xffff  }
0x79: {  	v59 =	vor.u32 $0xD, v6;
	v7 =	vadd.f32 v55, v7  }
0x7a: {  	v60 =	vld.idx.msk [tilespmem:v56+s24+$0x0], $0xffff  }
0x7b: {  	v61 =	vor.u32 $0xE, v6;
	v7 =	vadd.f32 v57, v7  }
0x7c: {  	v62 =	vld.idx.msk [tilespmem:v58+s24+$0x0], $0xffff  }
0x7d: {  	v6 =	vor.u32 $0xF, v6;
	v7 =	vadd.f32 v8, v7  }
0x7e: {  	v8 =	vld.idx.msk [tilespmem:v59+s24+$0x0], $0xffff  }
0x7f: {  	v7 =	vadd.f32 v60, v7  }
0x80: {  	v63 =	vld.idx.msk [tilespmem:v61+s24+$0x0], $0xffff  }
0x81: {  	v7 =	vadd.f32 v62, v7  }
0x82: {  	v6 =	vld.idx.msk [tilespmem:v6+s24+$0x0], $0xffff  }
0x83: {  	v7 =	vadd.f32 v8, v7;
	_ =	sdelay $0x1  }
0x84: {  	v7 =	vadd.f32 v63, v7;
	_ =	sdelay $0x1  }
0x85: {  	v6 =	vadd.f32 v6, v7;
	_ =	sdelay $0x1  }
0x86: {  	v6 =	vmax.f32 v6, $1.000000000e+00  }
0x87: {  	(erf) = vrcp.f32 v6;
	_ =	sdelay $0x2  }
0x88: {  	s18 =	simm.s32 $0x20  }
0x89: {  	s10 =	simm.s32 $0x30;
	v6 =	vmov s18  }
.LBB2_4:
0x8a: {  	p0 =	sne.s32 s10, $0x40;
	v6 =	vshll.u32 v6, $0x4  }
0x8b: {  	v6 =	vor.u32 v2, v6;
	_ =	sdelay $0x1  }
0x8c: {  	v7 =	vor.u32 $0x1, v6  }
0x8d: {  	s1 =	sadd.s32 $0x10, s1;
	v8 =	vpop (erf)  }
0x8e: {  	v9 =	vor.u32 $0x2, v6;
	[tilespmem:s1+$0x0] =	vst v8  }
0x8f: {  	v8 =	vld.idx.msk [tilespmem:v6+s24+$0x0], $0xffff  }
0x90: {  	v10 =	vor.u32 $0x3, v6  }
0x91: {  	v7 =	vld.idx.msk [tilespmem:v7+s24+$0x0], $0xffff  }
0x92: {  	v11 =	vor.u32 $0x4, v6  }
0x93: {  	v9 =	vld.idx.msk [tilespmem:v9+s24+$0x0], $0xffff  }
0x94: {  	v12 =	vor.u32 $0x5, v6  }
0x95: {  	v8 =	vadd.f32 $0.0e+00, v8;
	v10 =	vld.idx.msk [tilespmem:v10+s24+$0x0], $0xffff  }
0x96: {  	v13 =	vor.u32 $0x6, v6  }
0x97: {  	v7 =	vadd.f32 v7, v8;
	v8 =	vld.idx.msk [tilespmem:v11+s24+$0x0], $0xffff  }
0x98: {  	v11 =	vor.u32 $0x7, v6  }
0x99: {  	v7 =	vadd.f32 v9, v7;
	v9 =	vld.idx.msk [tilespmem:v12+s24+$0x0], $0xffff  }
0x9a: {  	v12 =	vor.u32 $0x8, v6  }
0x9b: {  	v7 =	vadd.f32 v10, v7;
	v10 =	vld.idx.msk [tilespmem:v13+s24+$0x0], $0xffff  }
0x9c: {  	v13 =	vor.u32 $0x9, v6  }
0x9d: {  	v7 =	vadd.f32 v8, v7;
	v8 =	vld.idx.msk [tilespmem:v11+s24+$0x0], $0xffff  }
0x9e: {  	v11 =	vor.u32 $0xA, v6  }
0x9f: {  	v7 =	vadd.f32 v9, v7;
	v9 =	vld.idx.msk [tilespmem:v12+s24+$0x0], $0xffff  }
0xa0: {  	v12 =	vor.u32 $0xB, v6  }
0xa1: {  	v7 =	vadd.f32 v10, v7;
	v10 =	vld.idx.msk [tilespmem:v13+s24+$0x0], $0xffff  }
0xa2: {  	v13 =	vor.u32 $0xC, v6  }
0xa3: {  	v7 =	vadd.f32 v8, v7;
	v8 =	vld.idx.msk [tilespmem:v11+s24+$0x0], $0xffff  }
0xa4: {  	v11 =	vor.u32 $0xD, v6  }
0xa5: {  	v7 =	vadd.f32 v9, v7;
	v9 =	vld.idx.msk [tilespmem:v12+s24+$0x0], $0xffff  }
0xa6: {  	v12 =	vor.u32 $0xE, v6  }
0xa7: {  	v7 =	vadd.f32 v10, v7;
	v10 =	vld.idx.msk [tilespmem:v13+s24+$0x0], $0xffff  }
0xa8: {  	v6 =	vor.u32 $0xF, v6  }
0xa9: {  	v7 =	vadd.f32 v8, v7;
	v8 =	vld.idx.msk [tilespmem:v11+s24+$0x0], $0xffff;
	_ =	sdelay $0x1  }
0xaa: {  	v7 =	vadd.f32 v9, v7;
	v9 =	vld.idx.msk [tilespmem:v12+s24+$0x0], $0xffff;
	_ =	sdelay $0x1  }
0xab: {  	v7 =	vadd.f32 v10, v7;
	v6 =	vld.idx.msk [tilespmem:v6+s24+$0x0], $0xffff;
	_ =	sdelay $0x1  }
0xac: {  	v7 =	vadd.f32 v8, v7;
	_ =	sdelay $0x1  }
0xad: {  	v7 =	vadd.f32 v9, v7;
	_ =	sdelay $0x1  }
0xae: {  	v6 =	vadd.f32 v6, v7;
	_ =	sdelay $0x1  }
0xaf: {  	v6 =	vmax.f32 v6, $1.000000000e+00  }
.Ltmp1:
0xb0: {  	(erf) = vrcp.f32 v6;
	(pc) =	sbr.rel @p0 .LBB2_4-.Ltmp1, $2  }
0xb1: {  	_ =	sdelay $0x2  }
0xb2: {  	v6 =	vmov s10;
	s10 =	sadd.s32 $0x10, s10  }
0xb3: {  	v6 =	vshll.u32 v6, $0x4  }
0xb4: {  	v6 =	vor.u32 v2, v6;
	_ =	sdelay $0x1  }
0xb5: {  	v7 =	vor.u32 $0x1, v6  }
0xb6: {  	s1 =	sadd.s32 $0x10, s1;
	v8 =	vpop (erf)  }
0xb7: {  	v9 =	vor.u32 $0x2, v6;
	[tilespmem:s1+$0x0] =	vst v8  }
0xb8: {  	v8 =	vld.idx.msk [tilespmem:v6+s24+$0x0], $0xffff  }
0xb9: {  	v10 =	vor.u32 $0x3, v6  }
0xba: {  	v7 =	vld.idx.msk [tilespmem:v7+s24+$0x0], $0xffff  }
0xbb: {  	v11 =	vor.u32 $0x4, v6  }
0xbc: {  	v9 =	vld.idx.msk [tilespmem:v9+s24+$0x0], $0xffff  }
0xbd: {  	v12 =	vor.u32 $0x5, v6;
	v8 =	vadd.f32 $0.0e+00, v8  }
0xbe: {  	v10 =	vld.idx.msk [tilespmem:v10+s24+$0x0], $0xffff  }
0xbf: {  	v13 =	vor.u32 $0x6, v6;
	v7 =	vadd.f32 v7, v8  }
0xc0: {  	v45 =	vld.idx.msk [tilespmem:v11+s24+$0x0], $0xffff  }
0xc1: {  	v46 =	vor.u32 $0x7, v6;
	v7 =	vadd.f32 v9, v7  }
0xc2: {  	v47 =	vld.idx.msk [tilespmem:v12+s24+$0x0], $0xffff  }
0xc3: {  	v48 =	vor.u32 $0x8, v6;
	v7 =	vadd.f32 v10, v7  }
0xc4: {  	v49 =	vld.idx.msk [tilespmem:v13+s24+$0x0], $0xffff  }
0xc5: {  	v50 =	vor.u32 $0x9, v6;
	v7 =	vadd.f32 v45, v7  }
0xc6: {  	v51 =	vld.idx.msk [tilespmem:v46+s24+$0x0], $0xffff  }
0xc7: {  	v52 =	vor.u32 $0xA, v6;
	v7 =	vadd.f32 v47, v7  }
0xc8: {  	v53 =	vld.idx.msk [tilespmem:v48+s24+$0x0], $0xffff  }
0xc9: {  	v54 =	vor.u32 $0xB, v6;
	v7 =	vadd.f32 v49, v7  }
0xca: {  	v55 =	vld.idx.msk [tilespmem:v50+s24+$0x0], $0xffff  }
0xcb: {  	v56 =	vor.u32 $0xC, v6;
	v7 =	vadd.f32 v51, v7  }
0xcc: {  	v57 =	vld.idx.msk [tilespmem:v52+s24+$0x0], $0xffff  }
0xcd: {  	v58 =	vor.u32 $0xD, v6;
	v7 =	vadd.f32 v53, v7  }
0xce: {  	v59 =	vld.idx.msk [tilespmem:v54+s24+$0x0], $0xffff  }
0xcf: {  	v60 =	vor.u32 $0xE, v6;
	v7 =	vadd.f32 v55, v7  }
0xd0: {  	v61 =	vld.idx.msk [tilespmem:v56+s24+$0x0], $0xffff  }
0xd1: {  	v6 =	vor.u32 $0xF, v6;
	v7 =	vadd.f32 v57, v7  }
0xd2: {  	v62 =	vld.idx.msk [tilespmem:v58+s24+$0x0], $0xffff  }
0xd3: {  	v7 =	vadd.f32 v59, v7  }
0xd4: {  	v63 =	vld.idx.msk [tilespmem:v60+s24+$0x0], $0xffff  }
0xd5: {  	v7 =	vadd.f32 v61, v7  }
0xd6: {  	v6 =	vld.idx.msk [tilespmem:v6+s24+$0x0], $0xffff  }
0xd7: {  	v7 =	vadd.f32 v62, v7;
	_ =	sdelay $0x1  }
0xd8: {  	v7 =	vadd.f32 v63, v7;
	_ =	sdelay $0x1  }
0xd9: {  	v6 =	vadd.f32 v6, v7;
	_ =	sdelay $0x1  }
0xda: {  	v6 =	vmax.f32 v6, $1.000000000e+00  }
0xdb: {  	(erf) = vrcp.f32 v6;
	_ =	sdelay $0x8  }
0xdc: {  	s1 =	sadd.s32 $0x10, s1;
	v6 =	vpop (erf)  }
0xdd: {  	s10 =	simm.s32 $0xAA0;
	s9 =	simm.s32 $0x2940;
	[tilespmem:s1+$0x0] =	vst v6  }
0xde: {  	[tilespmem:s9], [sflag:$0x5] =	stream.indirect.gather [hbm4b:s5+s25], $0x20, s10, s25, $0xb8;
	[tilespmem:$0x19140] =	vst v63  }
0xdf: {  	s11 =	simm.s32 $0xB20;
	s14 =	simm.s32 $0x3940  }
0xe0: {  	[tilespmem:s14], [sflag:$0x5] =	stream.indirect.gather [hbm4b:s5+s25], $0x20, s11, s25, $0xb8;
	[tilespmem:$0x19140] =	vst v63  }
0xe1: {  	s15 =	simm.s32 $0xBA0;
	s18 =	simm.s32 $0x4940  }
0xe2: {  	[tilespmem:s18], [sflag:$0x5] =	stream.indirect.gather [hbm4b:s5+s25], $0x20, s15, s25, $0xb8;
	[tilespmem:$0x19140] =	vst v63  }
0xe3: {  	s9 =	simm.s32 $0xC20;
	s10 =	simm.s32 $0x5940  }
0xe4: {  	[tilespmem:s10], [sflag:$0x5] =	stream.indirect.gather [hbm4b:s5+s25], $0x20, s9, s25, $0xb8;
	[tilespmem:$0x19140] =	vst v63  }
0xe5: {  	s11 =	simm.s32 $0xCA0;
	s14 =	simm.s32 $0x6940  }
0xe6: {  	[tilespmem:s14], [sflag:$0x5] =	stream.indirect.gather [hbm4b:s5+s25], $0x20, s11, s25, $0xb8;
	[tilespmem:$0x19140] =	vst v63  }
0xe7: {  	s15 =	simm.s32 $0xD20;
	s18 =	simm.s32 $0x7940  }
0xe8: {  	[tilespmem:s18], [sflag:$0x5] =	stream.indirect.gather [hbm4b:s5+s25], $0x20, s15, s25, $0xb8;
	[tilespmem:$0x19140] =	vst v63  }
0xe9: {  	s9 =	simm.s32 $0xDA0;
	s10 =	simm.s32 $0x8940  }
0xea: {  	[tilespmem:s10], [sflag:$0x5] =	stream.indirect.gather [hbm4b:s5+s25], $0x20, s9, s25, $0xb8;
	[tilespmem:$0x19140] =	vst v63  }
0xeb: {  	s11 =	simm.s32 $0xE20;
	s14 =	simm.s32 $0x9940  }
0xec: {  	[tilespmem:s14], [sflag:$0x5] =	stream.indirect.gather [hbm4b:s5+s25], $0x20, s11, s25, $0xb8;
	[tilespmem:$0x19140] =	vst v63  }
0xed: {  	s15 =	simm.s32 $0xEA0;
	s18 =	simm.s32 $0xA940  }
0xee: {  	[tilespmem:s18], [sflag:$0x5] =	stream.indirect.gather [hbm4b:s5+s25], $0x20, s15, s25, $0xb8;
	[tilespmem:$0x19140] =	vst v63  }
0xef: {  	s10 =	simm.s32 $0xF20;
	s11 =	simm.s32 $0xB940  }
0xf0: {  	[tilespmem:s11], [sflag:$0x5] =	stream.indirect.gather [hbm4b:s5+s25], $0x20, s10, s25, $0xb8;
	[tilespmem:$0x19140] =	vst v63  }
0xf1: {  	s1 =	simm.s32 $0x0;
	s14 =	rddreg [dreg:$0x5]  }
0xf2: {  	[tilespmem:s1], [sflag:$0x1] =	stream.linear.gather [hbm4b:s14+s1], $0x50, $0x38;
	[tilespmem:$0x19140] =	vst v63  }
0xf3: {  	s15 =	simm.s32 $0x5A0  }
0xf4: {  	[tilespmem:s15], [sflag:$0x4] =	stream.indirect.gather [hbm4b:s6+s20], $0x10, s20, s20, $0xb8;
	[tilespmem:$0x19140] =	vst v63  }
0xf5: {  	s18 =	simm.s32 $0x19A0  }
0xf6: {  	[tilespmem:s18], [sflag:$0x4] =	stream.indirect.gather [hbm4b:s8+s20], $0x10, s20, s20, $0xb8;
	[tilespmem:$0x19140] =	vst v63  }
.LBB2_6:
0xf7: {  	_ =	swait.ge [sflag:s21], $0x500;
	p1 =	seq.s32 s1, $0xF  }
0xf8: {  	[sflag:s21] =	ssyncset.done $0x0;
	s18 =	smul.u32 @!p1 $0xA0, s1  }
0xf9: {  	[sflag:s21] =	ssyncadd.s32 $0xFFFFFB00  }
0xfa: {  	_ =	swait.ge [sflag:s21], $0x500;
	s9 =	sadd.s32 @!p1 s18, s12  }
0xfb: {  	s10 =	simm.s32 @!p1 $0x0;
	[sflag:s21] =	ssyncset.done $0x0;
	s9 =	sshrl.u32 @!p1 s9, $0x3  }
0xfc: {  	s11 =	simm.s32 @!p1 $0x50;
	[sflag:s21] =	ssyncadd.s32 $0xFFFFFB00;
	s9 =	sadd.s32 @!p1 s4, s9  }
0xfd: {  	[tilespmem:s11], [sflag:$0x2] =	stream.linear.gather @!p1 [hbm4b:s9+s10], $0x50, $0x38;
	[tilespmem:$0x19140] =	vst v63  }
0xfe: {  	s9 =	simm.s32 $0x0  }
0xff: {  	v6 =	vld [tilespmem:s9+$0x19A0]  }
0x100: {  	s18 =	simm.s32 @p1 $0x960;
	v7 =	vld [tilespmem:s9+$0x5A0]  }
0x101: {  	s15 =	sadd.s32 s18, s17  }
0x102: {  	s10 =	sshll.u32 s15, $0x4  }
0x103: {  	s14 =	sadd.s32 s18, s13;
	s11 =	simm.s32 $0x40;
	v8 =	vor.u32 s10, v0  }
.LBB2_7:
0x104: {  	s15 =	sshra.s32 s11, $0x2;
	p0 =	sne.s32 s11, $0x13C0;
	s11 =	sadd.s32 $0x40, s11;
	[tilespmem:s9+$0x23A0] =	vst v6;
	v8 =	vand.u32 $0xFFFF, v8;
	vm0 =	vgt.f32 v6, $0.0e+00  }
.Ltmp2:
0x105: {  	v6 =	vld [tilespmem:s15+$0x19A0];
	v8 =	vsel vm0, v7, v8;
	(pc) =	sbr.rel @p0 .LBB2_7-.Ltmp2, $3  }
0x106: {  	v7 =	vld [tilespmem:s15+$0x5A0];
	[tilespmem:s9+$0xFA0] =	vst v8;
	s9 =	smov.u32 s15;
	_ =	sdelay $0x1  }
0x107: {  	s10 =	sadd.s32 $0x10, s10  }
0x108: {  	v8 =	vor.u32 s10, v0  }
0x109: {  	s10 =	simm.s32 $0x0  }
0x10a: {  	v9 =	vmov s10  }
0x10b: {  	v9 =	vshll.u32 v9, $0x4  }
0x10c: {  	v9 =	vor.u32 v2, v9;
	_ =	sdelay $0x1  }
0x10d: {  	v8 =	vand.u32 $0xFFFF, v8;
	vm0 =	vgt.f32 v6, $0.0e+00;
	v10 =	vor.u32 $0x1, v9  }
0x10e: {  	[tilespmem:s9+$0x23A0] =	vst v6;
	v6 =	vsel vm0, v7, v8  }
0x10f: {  	[tilespmem:s9+$0xFA0] =	vst v6;
	v6 =	vor.u32 $0x2, v9  }
0x110: {  	v7 =	vld.idx.msk [tilespmem:v9+s22+$0x0], $0xffff  }
0x111: {  	v8 =	vor.u32 $0x3, v9  }
0x112: {  	v10 =	vld.idx.msk [tilespmem:v10+s22+$0x0], $0xffff  }
0x113: {  	v11 =	vor.u32 $0x4, v9  }
0x114: {  	v6 =	vld.idx.msk [tilespmem:v6+s22+$0x0], $0xffff  }
0x115: {  	v12 =	vor.u32 $0x5, v9;
	v7 =	vadd.f32 $0.0e+00, v7  }
0x116: {  	v8 =	vld.idx.msk [tilespmem:v8+s22+$0x0], $0xffff  }
0x117: {  	v13 =	vor.u32 $0x6, v9;
	v7 =	vadd.f32 v10, v7  }
0x118: {  	v32 =	vld.idx.msk [tilespmem:v11+s22+$0x0], $0xffff  }
0x119: {  	v33 =	vor.u32 $0x7, v9;
	v6 =	vadd.f32 v6, v7  }
0x11a: {  	v7 =	vld.idx.msk [tilespmem:v12+s22+$0x0], $0xffff  }
0x11b: {  	v34 =	vor.u32 $0x8, v9;
	v6 =	vadd.f32 v8, v6  }
0x11c: {  	v8 =	vld.idx.msk [tilespmem:v13+s22+$0x0], $0xffff  }
0x11d: {  	v35 =	vor.u32 $0x9, v9;
	v6 =	vadd.f32 v32, v6  }
0x11e: {  	v36 =	vld.idx.msk [tilespmem:v33+s22+$0x0], $0xffff  }
0x11f: {  	v37 =	vor.u32 $0xA, v9;
	v6 =	vadd.f32 v7, v6  }
0x120: {  	v7 =	vld.idx.msk [tilespmem:v34+s22+$0x0], $0xffff  }
0x121: {  	v38 =	vor.u32 $0xB, v9;
	v6 =	vadd.f32 v8, v6  }
0x122: {  	v8 =	vld.idx.msk [tilespmem:v35+s22+$0x0], $0xffff  }
0x123: {  	v39 =	vor.u32 $0xC, v9;
	v6 =	vadd.f32 v36, v6  }
0x124: {  	v40 =	vld.idx.msk [tilespmem:v37+s22+$0x0], $0xffff  }
0x125: {  	v41 =	vor.u32 $0xD, v9;
	v6 =	vadd.f32 v7, v6  }
0x126: {  	v7 =	vld.idx.msk [tilespmem:v38+s22+$0x0], $0xffff  }
0x127: {  	v42 =	vor.u32 $0xE, v9;
	v6 =	vadd.f32 v8, v6  }
0x128: {  	v8 =	vld.idx.msk [tilespmem:v39+s22+$0x0], $0xffff  }
0x129: {  	v9 =	vor.u32 $0xF, v9;
	v6 =	vadd.f32 v40, v6  }
0x12a: {  	v43 =	vld.idx.msk [tilespmem:v41+s22+$0x0], $0xffff  }
0x12b: {  	v6 =	vadd.f32 v7, v6  }
0x12c: {  	v7 =	vld.idx.msk [tilespmem:v42+s22+$0x0], $0xffff  }
0x12d: {  	v6 =	vadd.f32 v8, v6  }
0x12e: {  	v8 =	vld.idx.msk [tilespmem:v9+s22+$0x0], $0xffff  }
0x12f: {  	v6 =	vadd.f32 v43, v6;
	_ =	sdelay $0x1  }
0x130: {  	v6 =	vadd.f32 v7, v6;
	_ =	sdelay $0x1  }
0x131: {  	v6 =	vadd.f32 v8, v6;
	_ =	sdelay $0x1  }
0x132: {  	v6 =	vmax.f32 v6, $1.000000000e+00  }
0x133: {  	(erf) = vrcp.f32 v6;
	_ =	sdelay $0x2  }
0x134: {  	s11 =	simm.s32 $0x10  }
0x135: {  	v6 =	vmov s11  }
0x136: {  	v6 =	vshll.u32 v6, $0x4  }
0x137: {  	v6 =	vor.u32 v2, v6;
	_ =	sdelay $0x1  }
0x138: {  	v7 =	vor.u32 $0x1, v6  }
0x139: {  	s10 =	simm.s32 $0x28F0;
	v8 =	vpop (erf)  }
0x13a: {  	v44 =	vor.u32 $0x2, v6;
	[tilespmem:s10+$0x0] =	vst v8  }
0x13b: {  	v8 =	vld.idx.msk [tilespmem:v6+s22+$0x0], $0xffff  }
0x13c: {  	v45 =	vor.u32 $0x3, v6  }
0x13d: {  	v7 =	vld.idx.msk [tilespmem:v7+s22+$0x0], $0xffff  }
0x13e: {  	v46 =	vor.u32 $0x4, v6  }
0x13f: {  	v9 =	vld.idx.msk [tilespmem:v44+s22+$0x0], $0xffff  }
0x140: {  	v47 =	vor.u32 $0x5, v6;
	v8 =	vadd.f32 $0.0e+00, v8  }
0x141: {  	v10 =	vld.idx.msk [tilespmem:v45+s22+$0x0], $0xffff  }
0x142: {  	v48 =	vor.u32 $0x6, v6;
	v7 =	vadd.f32 v7, v8  }
0x143: {  	v8 =	vld.idx.msk [tilespmem:v46+s22+$0x0], $0xffff  }
0x144: {  	v49 =	vor.u32 $0x7, v6;
	v7 =	vadd.f32 v9, v7  }
0x145: {  	v50 =	vld.idx.msk [tilespmem:v47+s22+$0x0], $0xffff  }
0x146: {  	v51 =	vor.u32 $0x8, v6;
	v7 =	vadd.f32 v10, v7  }
0x147: {  	v52 =	vld.idx.msk [tilespmem:v48+s22+$0x0], $0xffff  }
0x148: {  	v53 =	vor.u32 $0x9, v6;
	v7 =	vadd.f32 v8, v7  }
0x149: {  	v8 =	vld.idx.msk [tilespmem:v49+s22+$0x0], $0xffff  }
0x14a: {  	v54 =	vor.u32 $0xA, v6;
	v7 =	vadd.f32 v50, v7  }
0x14b: {  	v55 =	vld.idx.msk [tilespmem:v51+s22+$0x0], $0xffff  }
0x14c: {  	v56 =	vor.u32 $0xB, v6;
	v7 =	vadd.f32 v52, v7  }
0x14d: {  	v57 =	vld.idx.msk [tilespmem:v53+s22+$0x0], $0xffff  }
0x14e: {  	v58 =	vor.u32 $0xC, v6;
	v7 =	vadd.f32 v8, v7  }
0x14f: {  	v8 =	vld.idx.msk [tilespmem:v54+s22+$0x0], $0xffff  }
0x150: {  	v59 =	vor.u32 $0xD, v6;
	v7 =	vadd.f32 v55, v7  }
0x151: {  	v60 =	vld.idx.msk [tilespmem:v56+s22+$0x0], $0xffff  }
0x152: {  	v61 =	vor.u32 $0xE, v6;
	v7 =	vadd.f32 v57, v7  }
0x153: {  	v62 =	vld.idx.msk [tilespmem:v58+s22+$0x0], $0xffff  }
0x154: {  	v6 =	vor.u32 $0xF, v6;
	v7 =	vadd.f32 v8, v7  }
0x155: {  	v8 =	vld.idx.msk [tilespmem:v59+s22+$0x0], $0xffff  }
0x156: {  	v7 =	vadd.f32 v60, v7  }
0x157: {  	v63 =	vld.idx.msk [tilespmem:v61+s22+$0x0], $0xffff  }
0x158: {  	v7 =	vadd.f32 v62, v7  }
0x159: {  	v6 =	vld.idx.msk [tilespmem:v6+s22+$0x0], $0xffff  }
0x15a: {  	v7 =	vadd.f32 v8, v7;
	_ =	sdelay $0x1  }
0x15b: {  	v7 =	vadd.f32 v63, v7;
	_ =	sdelay $0x1  }
0x15c: {  	v6 =	vadd.f32 v6, v7;
	_ =	sdelay $0x1  }
0x15d: {  	v6 =	vmax.f32 v6, $1.000000000e+00  }
0x15e: {  	(erf) = vrcp.f32 v6;
	_ =	sdelay $0x2  }
0x15f: {  	s15 =	simm.s32 $0x20  }
0x160: {  	s11 =	simm.s32 $0x30;
	v6 =	vmov s15  }
.LBB2_9:
0x161: {  	p0 =	sne.s32 s11, $0x40;
	v6 =	vshll.u32 v6, $0x4  }
0x162: {  	v6 =	vor.u32 v2, v6;
	_ =	sdelay $0x1  }
0x163: {  	v7 =	vor.u32 $0x1, v6  }
0x164: {  	s10 =	sadd.s32 $0x10, s10;
	v8 =	vpop (erf)  }
0x165: {  	v9 =	vor.u32 $0x2, v6;
	[tilespmem:s10+$0x0] =	vst v8  }
0x166: {  	v8 =	vld.idx.msk [tilespmem:v6+s22+$0x0], $0xffff  }
0x167: {  	v10 =	vor.u32 $0x3, v6  }
0x168: {  	v7 =	vld.idx.msk [tilespmem:v7+s22+$0x0], $0xffff  }
0x169: {  	v11 =	vor.u32 $0x4, v6  }
0x16a: {  	v9 =	vld.idx.msk [tilespmem:v9+s22+$0x0], $0xffff  }
0x16b: {  	v12 =	vor.u32 $0x5, v6  }
0x16c: {  	v8 =	vadd.f32 $0.0e+00, v8;
	v10 =	vld.idx.msk [tilespmem:v10+s22+$0x0], $0xffff  }
0x16d: {  	v13 =	vor.u32 $0x6, v6  }
0x16e: {  	v7 =	vadd.f32 v7, v8;
	v8 =	vld.idx.msk [tilespmem:v11+s22+$0x0], $0xffff  }
0x16f: {  	v11 =	vor.u32 $0x7, v6  }
0x170: {  	v7 =	vadd.f32 v9, v7;
	v9 =	vld.idx.msk [tilespmem:v12+s22+$0x0], $0xffff  }
0x171: {  	v12 =	vor.u32 $0x8, v6  }
0x172: {  	v7 =	vadd.f32 v10, v7;
	v10 =	vld.idx.msk [tilespmem:v13+s22+$0x0], $0xffff  }
0x173: {  	v13 =	vor.u32 $0x9, v6  }
0x174: {  	v7 =	vadd.f32 v8, v7;
	v8 =	vld.idx.msk [tilespmem:v11+s22+$0x0], $0xffff  }
0x175: {  	v11 =	vor.u32 $0xA, v6  }
0x176: {  	v7 =	vadd.f32 v9, v7;
	v9 =	vld.idx.msk [tilespmem:v12+s22+$0x0], $0xffff  }
0x177: {  	v12 =	vor.u32 $0xB, v6  }
0x178: {  	v7 =	vadd.f32 v10, v7;
	v10 =	vld.idx.msk [tilespmem:v13+s22+$0x0], $0xffff  }
0x179: {  	v13 =	vor.u32 $0xC, v6  }
0x17a: {  	v7 =	vadd.f32 v8, v7;
	v8 =	vld.idx.msk [tilespmem:v11+s22+$0x0], $0xffff  }
0x17b: {  	v11 =	vor.u32 $0xD, v6  }
0x17c: {  	v7 =	vadd.f32 v9, v7;
	v9 =	vld.idx.msk [tilespmem:v12+s22+$0x0], $0xffff  }
0x17d: {  	v12 =	vor.u32 $0xE, v6  }
0x17e: {  	v7 =	vadd.f32 v10, v7;
	v10 =	vld.idx.msk [tilespmem:v13+s22+$0x0], $0xffff  }
0x17f: {  	v6 =	vor.u32 $0xF, v6  }
0x180: {  	v7 =	vadd.f32 v8, v7;
	v8 =	vld.idx.msk [tilespmem:v11+s22+$0x0], $0xffff;
	_ =	sdelay $0x1  }
0x181: {  	v7 =	vadd.f32 v9, v7;
	v9 =	vld.idx.msk [tilespmem:v12+s22+$0x0], $0xffff;
	_ =	sdelay $0x1  }
0x182: {  	v7 =	vadd.f32 v10, v7;
	v6 =	vld.idx.msk [tilespmem:v6+s22+$0x0], $0xffff;
	_ =	sdelay $0x1  }
0x183: {  	v7 =	vadd.f32 v8, v7;
	_ =	sdelay $0x1  }
0x184: {  	v7 =	vadd.f32 v9, v7;
	_ =	sdelay $0x1  }
0x185: {  	v6 =	vadd.f32 v6, v7;
	_ =	sdelay $0x1  }
0x186: {  	v6 =	vmax.f32 v6, $1.000000000e+00  }
.Ltmp3:
0x187: {  	(erf) = vrcp.f32 v6;
	(pc) =	sbr.rel @p0 .LBB2_9-.Ltmp3, $2  }
0x188: {  	_ =	sdelay $0x2  }
0x189: {  	v6 =	vmov s11;
	s11 =	sadd.s32 $0x10, s11  }
0x18a: {  	v6 =	vshll.u32 v6, $0x4  }
0x18b: {  	v6 =	vor.u32 v2, v6;
	_ =	sdelay $0x1  }
0x18c: {  	v7 =	vor.u32 $0x1, v6  }
0x18d: {  	s9 =	sadd.s32 $0x10, s10;
	v8 =	vpop (erf)  }
0x18e: {  	v9 =	vor.u32 $0x2, v6;
	[tilespmem:s9+$0x0] =	vst v8  }
0x18f: {  	v8 =	vld.idx.msk [tilespmem:v6+s22+$0x0], $0xffff  }
0x190: {  	v10 =	vor.u32 $0x3, v6  }
0x191: {  	v7 =	vld.idx.msk [tilespmem:v7+s22+$0x0], $0xffff  }
0x192: {  	v11 =	vor.u32 $0x4, v6  }
0x193: {  	v9 =	vld.idx.msk [tilespmem:v9+s22+$0x0], $0xffff  }
0x194: {  	v12 =	vor.u32 $0x5, v6;
	v8 =	vadd.f32 $0.0e+00, v8  }
0x195: {  	v10 =	vld.idx.msk [tilespmem:v10+s22+$0x0], $0xffff  }
0x196: {  	v13 =	vor.u32 $0x6, v6;
	v7 =	vadd.f32 v7, v8  }
0x197: {  	v8 =	vld.idx.msk [tilespmem:v11+s22+$0x0], $0xffff  }
0x198: {  	v11 =	vor.u32 $0x7, v6;
	v7 =	vadd.f32 v9, v7  }
0x199: {  	v9 =	vld.idx.msk [tilespmem:v12+s22+$0x0], $0xffff  }
0x19a: {  	v12 =	vor.u32 $0x8, v6;
	v7 =	vadd.f32 v10, v7  }
0x19b: {  	v10 =	vld.idx.msk [tilespmem:v13+s22+$0x0], $0xffff  }
0x19c: {  	v13 =	vor.u32 $0x9, v6;
	v7 =	vadd.f32 v8, v7  }
0x19d: {  	v8 =	vld.idx.msk [tilespmem:v11+s22+$0x0], $0xffff  }
0x19e: {  	v11 =	vor.u32 $0xA, v6;
	v7 =	vadd.f32 v9, v7  }
0x19f: {  	v9 =	vld.idx.msk [tilespmem:v12+s22+$0x0], $0xffff  }
0x1a0: {  	v12 =	vor.u32 $0xB, v6;
	v7 =	vadd.f32 v10, v7  }
0x1a1: {  	v10 =	vld.idx.msk [tilespmem:v13+s22+$0x0], $0xffff  }
0x1a2: {  	v13 =	vor.u32 $0xC, v6;
	v7 =	vadd.f32 v8, v7  }
0x1a3: {  	v8 =	vld.idx.msk [tilespmem:v11+s22+$0x0], $0xffff  }
0x1a4: {  	v11 =	vor.u32 $0xD, v6;
	v7 =	vadd.f32 v9, v7  }
0x1a5: {  	v9 =	vld.idx.msk [tilespmem:v12+s22+$0x0], $0xffff  }
0x1a6: {  	v12 =	vor.u32 $0xE, v6;
	v7 =	vadd.f32 v10, v7  }
0x1a7: {  	v10 =	vld.idx.msk [tilespmem:v13+s22+$0x0], $0xffff  }
0x1a8: {  	v6 =	vor.u32 $0xF, v6;
	v7 =	vadd.f32 v8, v7  }
0x1a9: {  	v8 =	vld.idx.msk [tilespmem:v11+s22+$0x0], $0xffff  }
0x1aa: {  	v7 =	vadd.f32 v9, v7  }
0x1ab: {  	v9 =	vld.idx.msk [tilespmem:v12+s22+$0x0], $0xffff  }
0x1ac: {  	v7 =	vadd.f32 v10, v7  }
0x1ad: {  	v6 =	vld.idx.msk [tilespmem:v6+s22+$0x0], $0xffff  }
0x1ae: {  	v7 =	vadd.f32 v8, v7;
	_ =	sdelay $0x1  }
0x1af: {  	v7 =	vadd.f32 v9, v7;
	_ =	sdelay $0x1  }
0x1b0: {  	v6 =	vadd.f32 v6, v7;
	_ =	sdelay $0x1  }
0x1b1: {  	v6 =	vmax.f32 v6, $1.000000000e+00  }
0x1b2: {  	(erf) = vrcp.f32 v6;
	_ =	sdelay $0x8  }
0x1b3: {  	s9 =	sadd.s32 $0x10, s9;
	v6 =	vpop (erf)  }
0x1b4: {  	s11 =	simm.s32 $0xFA0;
	s15 =	simm.s32 $0xC940;
	[tilespmem:s9+$0x0] =	vst v6  }
0x1b5: {  	[tilespmem:s15], [sflag:$0x6] =	stream.indirect.gather [hbm4b:s5+s25], $0x20, s11, s25, $0xb8;
	[tilespmem:$0x19140] =	vst v63  }
0x1b6: {  	s11 =	simm.s32 $0x1020;
	s15 =	simm.s32 $0xD940  }
0x1b7: {  	[tilespmem:s15], [sflag:$0x6] =	stream.indirect.gather [hbm4b:s5+s25], $0x20, s11, s25, $0xb8;
	[tilespmem:$0x19140] =	vst v63  }
0x1b8: {  	s11 =	simm.s32 $0x10A0;
	s15 =	simm.s32 $0xE940  }
0x1b9: {  	[tilespmem:s15], [sflag:$0x6] =	stream.indirect.gather [hbm4b:s5+s25], $0x20, s11, s25, $0xb8;
	[tilespmem:$0x19140] =	vst v63  }
0x1ba: {  	s11 =	simm.s32 $0x1120;
	s15 =	simm.s32 $0xF940  }
0x1bb: {  	[tilespmem:s15], [sflag:$0x6] =	stream.indirect.gather [hbm4b:s5+s25], $0x20, s11, s25, $0xb8;
	[tilespmem:$0x19140] =	vst v63  }
0x1bc: {  	s11 =	simm.s32 $0x11A0;
	s15 =	simm.s32 $0x10940  }
0x1bd: {  	[tilespmem:s15], [sflag:$0x6] =	stream.indirect.gather [hbm4b:s5+s25], $0x20, s11, s25, $0xb8;
	[tilespmem:$0x19140] =	vst v63  }
0x1be: {  	s11 =	simm.s32 $0x1220;
	s15 =	simm.s32 $0x11940  }
0x1bf: {  	[tilespmem:s15], [sflag:$0x6] =	stream.indirect.gather [hbm4b:s5+s25], $0x20, s11, s25, $0xb8;
	[tilespmem:$0x19140] =	vst v63  }
0x1c0: {  	s11 =	simm.s32 $0x12A0;
	s15 =	simm.s32 $0x12940  }
0x1c1: {  	[tilespmem:s15], [sflag:$0x6] =	stream.indirect.gather [hbm4b:s5+s25], $0x20, s11, s25, $0xb8;
	[tilespmem:$0x19140] =	vst v63  }
0x1c2: {  	s11 =	simm.s32 $0x1320;
	s15 =	simm.s32 $0x13940  }
0x1c3: {  	[tilespmem:s15], [sflag:$0x6] =	stream.indirect.gather [hbm4b:s5+s25], $0x20, s11, s25, $0xb8;
	[tilespmem:$0x19140] =	vst v63  }
0x1c4: {  	s11 =	simm.s32 $0x13A0;
	s15 =	simm.s32 $0x14940  }
0x1c5: {  	[tilespmem:s15], [sflag:$0x6] =	stream.indirect.gather [hbm4b:s5+s25], $0x20, s11, s25, $0xb8;
	[tilespmem:$0x19140] =	vst v63  }
0x1c6: {  	s9 =	simm.s32 @!p1 $0x1;
	s11 =	simm.s32 $0x1420  }
0x1c7: {  	[tilespmem:s16], [sflag:$0x6] =	stream.indirect.gather [hbm4b:s5+s25], $0x20, s11, s25, $0xb8;
	[tilespmem:$0x19140] =	vst v63  }
0x1c8: {  	_ =	swait.ge @!p1 [sflag:s9], $0x50  }
0x1c9: {  	s10 =	simm.s32 @!p1 $0x0;
	[sflag:s9] =	ssyncset.done @!p1 $0x0  }
0x1ca: {  	s11 =	simm.s32 @!p1 $0xA0;
	[sflag:s9] =	ssyncadd.s32 @!p1 $0xFFFFFFB0;
	s9 =	simm.s32 @!p1 $0x50  }
0x1cb: {  	[tilespmem:s11], [sflag:$0x3] =	stream.indirect.gather @!p1 [hbm4b:s6+s9], $0x10, s10, s9, $0xb8;
	[tilespmem:$0x19140] =	vst v63  }
0x1cc: {  	s11 =	simm.s32 @!p1 $0x14A0  }
0x1cd: {  	[tilespmem:s11], [sflag:$0x3] =	stream.indirect.gather @!p1 [hbm4b:s8+s9], $0x10, s10, s9, $0xb8;
	[tilespmem:$0x19140] =	vst v63  }
0x1ce: {  	_ =	swait.ge [sflag:s19], $0x1000  }
0x1cf: {  	[sflag:s19] =	ssyncset.done $0x0  }
0x1d0: {  	[sflag:s19] =	ssyncadd.s32 $0xFFFFF000  }
0x1d1: {  	_ =	swait.ge [sflag:s19], $0x1000  }
0x1d2: {  	[sflag:s19] =	ssyncset.done $0x0  }
0x1d3: {  	[sflag:s19] =	ssyncadd.s32 $0xFFFFF000  }
0x1d4: {  	_ =	swait.ge [sflag:s19], $0x1000  }
0x1d5: {  	[sflag:s19] =	ssyncset.done $0x0  }
0x1d6: {  	[sflag:s19] =	ssyncadd.s32 $0xFFFFF000  }
0x1d7: {  	_ =	swait.ge [sflag:s19], $0x1000  }
0x1d8: {  	[sflag:s19] =	ssyncset.done $0x0  }
0x1d9: {  	[sflag:s19] =	ssyncadd.s32 $0xFFFFF000  }
0x1da: {  	_ =	swait.ge [sflag:s19], $0x1000  }
0x1db: {  	[sflag:s19] =	ssyncset.done $0x0  }
0x1dc: {  	[sflag:s19] =	ssyncadd.s32 $0xFFFFF000  }
0x1dd: {  	_ =	swait.ge [sflag:s19], $0x1000  }
0x1de: {  	[sflag:s19] =	ssyncset.done $0x0  }
0x1df: {  	[sflag:s19] =	ssyncadd.s32 $0xFFFFF000  }
0x1e0: {  	_ =	swait.ge [sflag:s19], $0x1000  }
0x1e1: {  	[sflag:s19] =	ssyncset.done $0x0  }
0x1e2: {  	[sflag:s19] =	ssyncadd.s32 $0xFFFFF000  }
0x1e3: {  	_ =	swait.ge [sflag:s19], $0x1000  }
0x1e4: {  	[sflag:s19] =	ssyncset.done $0x0  }
0x1e5: {  	[sflag:s19] =	ssyncadd.s32 $0xFFFFF000  }
0x1e6: {  	_ =	swait.ge [sflag:s19], $0x1000  }
0x1e7: {  	[sflag:s19] =	ssyncset.done $0x0  }
0x1e8: {  	[sflag:s19] =	ssyncadd.s32 $0xFFFFF000  }
0x1e9: {  	_ =	swait.ge [sflag:s19], $0x1000  }
0x1ea: {  	p0 =	seq.s32 s1, $0x0;
	[sflag:s19] =	ssyncset.done $0x0  }
0x1eb: {  	s15 =	simm.s32 $0x0;
	s9 =	simm.s32 @!p0 $0x7;
	[sflag:s19] =	ssyncadd.s32 $0xFFFFF000  }
0x1ec: {  	v7 =	vmov s15;
	_ =	swait.ge @!p0 [sflag:s9], $0x1400  }
0x1ed: {  	v8 =	vshll.u32 v7, $0x4;
	[sflag:s9] =	ssyncset.done @!p0 $0x0  }
0x1ee: {  	v6 =	vor.u32 $0x7, v8;
	s10 =	simm.s32 $0x2A40;
	[sflag:s9] =	ssyncadd.s32 @!p0 $0xFFFFEC00  }
0x1ef: {  	v9 =	vor.u32 $0x1, v8;
	v10 =	vld [tilespmem:s10+$0xFFFFFFF0]  }
0x1f0: {  	v11 =	vld [tilespmem:s10+$0xFFFFFF10]  }
0x1f1: {  	v13 =	vor.u32 $0x2, v8;
	v12 =	vld [tilespmem:s10+$0xFFFFFF00]  }
0x1f2: {  	v18 =	vor.u32 $0x4, v8;
	v16 =	vld.idx.msk [tilespmem:v8+s24+$0x0], $0xffff  }
0x1f3: {  	v21 =	vor.u32 $0x5, v8;
	v17 =	vld.idx.msk [tilespmem:v6+s24+$0x0], $0xffff  }
0x1f4: {  	v22 =	vor.u32 $0x6, v8;
	v19 =	vld.idx.msk [tilespmem:v9+s24+$0x0], $0xffff  }
0x1f5: {  	v24 =	vld [tilespmem:s10+$0xFFFFFFE0]  }
0x1f6: {  	v13 =	vld.idx.msk [tilespmem:v13+s24+$0x0], $0xffff  }
0x1f7: {  	v23 =	vor.u32 $0x8, v8;
	v18 =	vld.idx.msk [tilespmem:v18+s24+$0x0], $0xffff  }
0x1f8: {  	v21 =	vld.idx.msk [tilespmem:v21+s24+$0x0], $0xffff  }
0x1f9: {  	v22 =	vld.idx.msk [tilespmem:v22+s24+$0x0], $0xffff  }
0x1fa: {  	v20 =	vor.u32 $0x3, v8;
	v26 =	vor.u32 $0x9, v8;
	v25 =	vld [tilespmem:s10+$0xFFFFFF20]  }
0x1fb: {  	v27 =	vor.u32 $0xA, v8;
	v28 =	vor.u32 $0xB, v8;
	v15 =	vor.u32 $0xC, v8;
	v54 =	vld [tilespmem:s10+$0xFFFFFFA0]  }
0x1fc: {  	v14 =	vor.u32 $0xD, v8;
	v6 =	vshll.u32 v7, $0x6;
	v9 =	vor.u32 $0xE, v8;
	v23 =	vld.idx.msk [tilespmem:v23+s24+$0x0], $0xffff  }
0x1fd: {  	v8 =	vor.u32 $0xF, v8;
	v16 =	vpack.i.f32.bf16 v16, v16;
	v13 =	vpack.i.f32.bf16 v13, v13  }
0x1fe: {  	v21 =	vpack.i.f32.bf16 v21, v21;
	v18 =	vpack.i.f32.bf16 v18, v18;
	v22 =	vpack.i.f32.bf16 v22, v22  }
0x1ff: {  	v29 =	vld [tilespmem:s10+$0xFFFFFF50];
	v12 =	vmul.bf16 v12, v16;
	v11 =	vmul.bf16 v11, v16;
	v16 =	vpack.i.f32.bf16 v17, v17  }
0x200: {  	v17 =	vpack.i.f32.bf16 v19, v19;
	v19 =	vld.idx.msk [tilespmem:v20+s24+$0x0], $0xffff;
	v56 =	vmul.bf16 v54, v21;
	v20 =	vmul.bf16 v24, v16  }
0x201: {  	v31 =	vld [tilespmem:s10+$0xFFFFFF70];
	v23 =	vpack.i.f32.bf16 v23, v23;
	v10 =	vmul.bf16 v10, v16;
	v25 =	vmul.bf16 v25, v17  }
0x202: {  	v24 =	vld [tilespmem:s10+$0xFFFFFF30];
	v16 =	vunpack.i.l.bf16.f32 v12;
	v30 =	vunpack.i.u.bf16.f32 v11;
	v12 =	vunpack.i.u.bf16.f32 v12  }
0x203: {  	v32 =	vld [tilespmem:s10+$0xFFFFFF40];
	v11 =	vunpack.i.l.bf16.f32 v11;
	v57 =	vunpack.i.l.bf16.f32 v56;
	v16 =	vadd.f32 $0.0e+00, v16  }
0x204: {  	v35 =	vld [tilespmem:s10+$0xFFFFFF60];
	v33 =	vunpack.i.u.bf16.f32 v10;
	v30 =	vadd.f32 $0.0e+00, v30;
	v34 =	vunpack.i.l.bf16.f32 v25  }
0x205: {  	v12 =	vadd.f32 $0.0e+00, v12;
	v25 =	vunpack.i.u.bf16.f32 v25;
	v11 =	vadd.f32 $0.0e+00, v11  }
0x206: {  	v50 =	vunpack.i.u.bf16.f32 v20;
	v20 =	vunpack.i.l.bf16.f32 v20;
	v16 =	vadd.f32 v34, v16  }
0x207: {  	v19 =	vpack.i.f32.bf16 v19, v19;
	v17 =	vmul.bf16 v24, v17;
	v24 =	vmul.bf16 v29, v13  }
0x208: {  	v52 =	vld [tilespmem:s10+$0xFFFFFF90];
	v12 =	vadd.f32 v25, v12;
	v25 =	vmul.bf16 v31, v19;
	v13 =	vmul.bf16 v32, v13  }
0x209: {  	v36 =	vld [tilespmem:s10+$0xFFFFFF80];
	v19 =	vmul.bf16 v35, v19;
	v51 =	vunpack.i.u.bf16.f32 v17;
	v17 =	vunpack.i.l.bf16.f32 v17  }
0x20a: {  	v38 =	vld [tilespmem:s10+$0xFFFFFFB0];
	v53 =	vunpack.i.l.bf16.f32 v24;
	v55 =	vunpack.i.l.bf16.f32 v13;
	v24 =	vunpack.i.u.bf16.f32 v24  }
0x20b: {  	v13 =	vunpack.i.u.bf16.f32 v13;
	v37 =	vunpack.i.u.bf16.f32 v19;
	v19 =	vunpack.i.l.bf16.f32 v19  }
0x20c: {  	v30 =	vadd.f32 v51, v30;
	v12 =	vadd.f32 v13, v12;
	v13 =	vunpack.i.u.bf16.f32 v25  }
0x20d: {  	v16 =	vadd.f32 v55, v16;
	v25 =	vunpack.i.l.bf16.f32 v25;
	v11 =	vadd.f32 v17, v11  }
0x20e: {  	v17 =	vmul.bf16 v36, v18;
	v18 =	vmul.bf16 v52, v18;
	v24 =	vadd.f32 v24, v30  }
0x20f: {  	v12 =	vadd.f32 v37, v12;
	v16 =	vadd.f32 v19, v16;
	v19 =	vmul.bf16 v38, v21;
	v21 =	vld [tilespmem:s10+$0xFFFFFFC0]  }
0x210: {  	v58 =	vld [tilespmem:s10+$0xFFFFFFD0];
	v11 =	vadd.f32 v53, v11;
	v30 =	vunpack.i.u.bf16.f32 v56;
	v60 =	vunpack.i.u.bf16.f32 v18  }
0x211: {  	v13 =	vadd.f32 v13, v24;
	v24 =	vunpack.i.u.bf16.f32 v17;
	v17 =	vunpack.i.l.bf16.f32 v17  }
0x212: {  	v18 =	vunpack.i.l.bf16.f32 v18;
	v11 =	vadd.f32 v25, v11;
	v16 =	vadd.f32 v17, v16  }
0x213: {  	v59 =	vunpack.i.l.bf16.f32 v19;
	v12 =	vadd.f32 v24, v12;
	v24 =	vld.idx.msk [tilespmem:v26+s24+$0x0], $0xffff;
	v13 =	vadd.f32 v60, v13  }
0x214: {  	v11 =	vadd.f32 v18, v11;
	v18 =	vunpack.i.u.bf16.f32 v19;
	v17 =	vmul.bf16 v21, v22;
	v21 =	vld [tilespmem:s10+$0x0]  }
0x215: {  	v19 =	vmul.bf16 v58, v22;
	v12 =	vadd.f32 v30, v12;
	v22 =	vld [tilespmem:s10+$0x10];
	v16 =	vadd.f32 v57, v16  }
0x216: {  	v25 =	vld [tilespmem:s10+$0x30];
	v13 =	vadd.f32 v18, v13;
	v11 =	vadd.f32 v59, v11;
	v18 =	vunpack.i.u.bf16.f32 v17  }
0x217: {  	v17 =	vunpack.i.l.bf16.f32 v17;
	v12 =	vadd.f32 v18, v12;
	v18 =	vunpack.i.u.bf16.f32 v19  }
0x218: {  	v16 =	vadd.f32 v17, v16;
	v17 =	vunpack.i.l.bf16.f32 v19;
	v13 =	vadd.f32 v18, v13  }
0x219: {  	v10 =	vunpack.i.l.bf16.f32 v10;
	v19 =	vld [tilespmem:s10+$0x20];
	v11 =	vadd.f32 v17, v11;
	v12 =	vadd.f32 v50, v12  }
0x21a: {  	v18 =	vmul.bf16 v21, v23;
	v17 =	vmul.bf16 v22, v23;
	v23 =	vpack.i.f32.bf16 v24, v24  }
0x21b: {  	v21 =	vld.idx.msk [tilespmem:v27+s24+$0x0], $0xffff;
	v16 =	vadd.f32 v20, v16;
	v13 =	vadd.f32 v33, v13;
	v25 =	vmul.bf16 v25, v23  }
0x21c: {  	v22 =	vld [tilespmem:s10+$0x50];
	v11 =	vadd.f32 v10, v11;
	v20 =	vunpack.i.u.bf16.f32 v18;
	v18 =	vunpack.i.l.bf16.f32 v18  }
0x21d: {  	v24 =	vld.idx.msk [tilespmem:v28+s24+$0x0], $0xffff;
	v20 =	vadd.f32 v20, v12;
	v12 =	vunpack.i.u.bf16.f32 v17;
	v17 =	vunpack.i.l.bf16.f32 v17  }
0x21e: {  	v27 =	vadd.f32 v18, v16;
	v18 =	vmul.bf16 v19, v23;
	v23 =	vld [tilespmem:s10+$0x40];
	v16 =	vunpack.i.u.bf16.f32 v25  }
0x21f: {  	v61 =	vld [tilespmem:s10+$0x60];
	v26 =	vadd.f32 v12, v13;
	v13 =	vor.u32 v1, v6;
	v12 =	vor.u32 v3, v6  }
0x220: {  	v15 =	vld.idx.msk [tilespmem:v15+s24+$0x0], $0xffff;
	v62 =	vadd.f32 v17, v11;
	v21 =	vpack.i.f32.bf16 v21, v21;
	v63 =	vunpack.i.u.bf16.f32 v18  }
0x221: {  	v19 =	vmul.bf16 v22, v21;
	v22 =	vunpack.i.l.bf16.f32 v25;
	v17 =	vadd.f32 v16, v26;
	v16 =	vld [tilespmem:s10+$0x70]  }
0x222: {  	v10 =	vld [tilespmem:s10+$0x80];
	v25 =	vunpack.i.l.bf16.f32 v18;
	v20 =	vadd.f32 v63, v20;
	v26 =	vadd.f32 v22, v62  }
0x223: {  	v18 =	vld.idx.msk [tilespmem:v14+s24+$0x0], $0xffff;
	v22 =	vpack.i.f32.bf16 v24, v24;
	v23 =	vmul.bf16 v23, v21;
	v21 =	vunpack.i.l.bf16.f32 v19  }
0x224: {  	s15 =	simm.s32 $0x2A40;
	s11 =	simm.s32 $0x1;
	v11 =	vld [tilespmem:s10+$0x90];
	v24 =	vadd.f32 v25, v27;
	v14 =	vadd.f32 v21, v26;
	v21 =	vmul.bf16 v61, v22  }
.LBB2_11:
0x225: {  	p2 =	sne.s32 s11, $0x4F  }
0x226: {  	v25 =	vunpack.i.l.bf16.f32 v23;
	v19 =	vunpack.i.u.bf16.f32 v19;
	v16 =	vmul.bf16 v16, v22;
	v22 =	vld [tilespmem:s10+$0xB0];
	s15 =	sadd.s32 $0x200, s15;
	s9 =	smov.u32 s11;
	s11 =	sadd.s32 $0x1, s11  }
0x227: {  	v23 =	vunpack.i.u.bf16.f32 v23;
	v24 =	vadd.f32 v25, v24;
	v17 =	vadd.f32 v19, v17;
	v19 =	vld [tilespmem:s10+$0xA0]  }
0x228: {  	v20 =	vadd.f32 v23, v20;
	v23 =	vunpack.i.l.bf16.f32 v21;
	v18 =	vpack.i.f32.bf16 v18, v18;
	v9 =	vld.idx.msk [tilespmem:v9+s24+$0x0], $0xffff  }
0x229: {  	v15 =	vpack.i.f32.bf16 v15, v15;
	v21 =	vunpack.i.u.bf16.f32 v21;
	v23 =	vadd.f32 v23, v24;
	v24 =	vld [tilespmem:s10+$0xD0]  }
0x22a: {  	v20 =	vadd.f32 v21, v20;
	v21 =	vunpack.i.u.bf16.f32 v16;
	v16 =	vunpack.i.l.bf16.f32 v16;
	v8 =	vld.idx.msk [tilespmem:v8+s24+$0x0], $0xffff  }
0x22b: {  	v10 =	vmul.bf16 v10, v15;
	v11 =	vmul.bf16 v11, v15;
	v14 =	vadd.f32 v16, v14  }
0x22c: {  	v15 =	vadd.f32 v21, v17;
	v17 =	vmul.bf16 v22, v18;
	v16 =	vmul.bf16 v19, v18;
	v18 =	vld [tilespmem:s10+$0xE0]  }
0x22d: {  	v21 =	vunpack.i.l.bf16.f32 v11;
	v19 =	vunpack.i.u.bf16.f32 v10;
	v10 =	vunpack.i.l.bf16.f32 v10;
	v22 =	vld [tilespmem:s10+$0xC0]  }
0x22e: {  	v11 =	vunpack.i.u.bf16.f32 v11;
	v14 =	vadd.f32 v21, v14;
	v9 =	vpack.i.f32.bf16 v9, v9;
	v21 =	vld [tilespmem:s10+$0xF0];
	s10 =	smov.u32 s15  }
0x22f: {  	v19 =	vadd.f32 v19, v20;
	v20 =	vunpack.i.l.bf16.f32 v17;
	v24 =	vmul.bf16 v24, v9  }
0x230: {  	v25 =	vunpack.i.u.bf16.f32 v16;
	v14 =	vadd.f32 v20, v14;
	v8 =	vpack.i.f32.bf16 v8, v8  }
0x231: {  	v16 =	vunpack.i.l.bf16.f32 v16;
	v19 =	vadd.f32 v25, v19;
	v18 =	vmul.bf16 v18, v8  }
0x232: {  	v10 =	vadd.f32 v10, v23;
	v20 =	vunpack.i.l.bf16.f32 v24;
	v9 =	vmul.bf16 v22, v9  }
0x233: {  	v11 =	vadd.f32 v11, v15;
	v14 =	vadd.f32 v20, v14;
	v8 =	vmul.bf16 v21, v8  }
0x234: {  	v15 =	vunpack.i.u.bf16.f32 v17;
	v10 =	vadd.f32 v16, v10;
	v7 =	vld.idx.msk [tilespmem:v7+s26+$0x0], $0xffff;
	v16 =	vunpack.i.u.bf16.f32 v9  }
0x235: {  	v11 =	vadd.f32 v15, v11;
	v15 =	vadd.f32 v16, v19;
	v16 =	vunpack.i.u.bf16.f32 v18  }
0x236: {  	v17 =	vunpack.i.u.bf16.f32 v24;
	v9 =	vunpack.i.l.bf16.f32 v9;
	v19 =	vunpack.i.l.bf16.f32 v8  }
0x237: {  	v9 =	vadd.f32 v9, v10;
	v10 =	vadd.f32 v17, v11;
	v11 =	vunpack.i.l.bf16.f32 v18  }
0x238: {  	v8 =	vunpack.i.u.bf16.f32 v8;
	v14 =	vadd.f32 v19, v14;
	v15 =	vadd.f32 v16, v15  }
0x239: {  	v9 =	vadd.f32 v11, v9;
	v8 =	vadd.f32 v8, v10;
	v10 =	vor.u32 v4, v6  }
0x23a: {  	v11 =	vor.u32 v5, v6  }
0x23b: {  	v6 =	vmul.f32 v9, v7;
	v9 =	vmul.f32 v15, v7  }
0x23c: {  	v14 =	vmul.f32 v14, v7;
	v8 =	vmul.f32 v8, v7  }
0x23d: {  	[tilespmem:v13+s28+$0x0] =	vst.idx.msk $0xffff, v6  }
0x23e: {  	[tilespmem:v12+s28+$0x0] =	vst.idx.msk $0xffff, v9  }
0x23f: {  	v7 =	vmov s9;
	[tilespmem:v10+s28+$0x0] =	vst.idx.msk $0xffff, v14  }
0x240: {  	v6 =	vshll.u32 v7, $0x6;
	v10 =	vshll.u32 v7, $0x4;
	[tilespmem:v11+s28+$0x0] =	vst.idx.msk $0xffff, v8  }
0x241: {  	v11 =	vor.u32 $0x1, v10;
	v17 =	vor.u32 $0x2, v10;
	v18 =	vor.u32 $0x7, v10;
	v19 =	vld [tilespmem:s15+$0xFFFFFFF0]  }
0x242: {  	v21 =	vor.u32 $0x4, v10;
	v22 =	vor.u32 $0x5, v10;
	v23 =	vor.u32 $0x6, v10;
	v20 =	vld [tilespmem:s15+$0xFFFFFF20]  }
0x243: {  	v25 =	vor.u32 $0x8, v10;
	v16 =	vor.u32 $0x9, v10;
	v13 =	vor.u32 $0xA, v10;
	v24 =	vld [tilespmem:s15+$0xFFFFFF10]  }
0x244: {  	v12 =	vor.u32 $0xB, v10;
	v15 =	vor.u32 $0xC, v10;
	v14 =	vor.u32 $0xD, v10;
	v26 =	vld [tilespmem:s15+$0xFFFFFF00]  }
0x245: {  	v9 =	vor.u32 $0xE, v10;
	v8 =	vor.u32 $0xF, v10;
	v27 =	vld.idx.msk [tilespmem:v10+s24+$0x0], $0xffff  }
0x246: {  	v18 =	vld.idx.msk [tilespmem:v18+s24+$0x0], $0xffff  }
0x247: {  	v11 =	vld.idx.msk [tilespmem:v11+s24+$0x0], $0xffff  }
0x248: {  	v28 =	vor.u32 $0x3, v10;
	v29 =	vld [tilespmem:s15+$0xFFFFFFE0]  }
0x249: {  	v17 =	vld.idx.msk [tilespmem:v17+s24+$0x0], $0xffff  }
0x24a: {  	v10 =	vld [tilespmem:s15+$0x80]  }
0x24b: {  	v27 =	vpack.i.f32.bf16 v27, v27;
	v30 =	vld [tilespmem:s15+$0xFFFFFF50]  }
0x24c: {  	v26 =	vmul.bf16 v26, v27;
	v24 =	vmul.bf16 v24, v27;
	v18 =	vpack.i.f32.bf16 v18, v18;
	v27 =	vld [tilespmem:s15+$0xFFFFFF40]  }
0x24d: {  	v31 =	vpack.i.f32.bf16 v11, v11;
	v28 =	vld.idx.msk [tilespmem:v28+s24+$0x0], $0xffff;
	v29 =	vmul.bf16 v29, v18;
	v18 =	vmul.bf16 v19, v18  }
0x24e: {  	v11 =	vunpack.i.l.bf16.f32 v26;
	v19 =	vunpack.i.u.bf16.f32 v24;
	v20 =	vmul.bf16 v20, v31;
	v32 =	vld [tilespmem:s15+$0xFFFFFF30]  }
0x24f: {  	v26 =	vunpack.i.u.bf16.f32 v26;
	v11 =	vadd.f32 $0.0e+00, v11;
	v33 =	vld [tilespmem:s15+$0xFFFFFF70];
	v34 =	vunpack.i.u.bf16.f32 v18  }
0x250: {  	v19 =	vadd.f32 $0.0e+00, v19;
	v35 =	vunpack.i.u.bf16.f32 v20;
	v20 =	vunpack.i.l.bf16.f32 v20;
	v36 =	vld [tilespmem:s15+$0xFFFFFF60]  }
0x251: {  	v24 =	vunpack.i.l.bf16.f32 v24;
	v26 =	vadd.f32 $0.0e+00, v26;
	v20 =	vadd.f32 v20, v11;
	v21 =	vld.idx.msk [tilespmem:v21+s24+$0x0], $0xffff  }
0x252: {  	v24 =	vadd.f32 $0.0e+00, v24;
	v17 =	vpack.i.f32.bf16 v17, v17;
	v11 =	vld [tilespmem:s15+$0x90]  }
0x253: {  	v26 =	vadd.f32 v35, v26;
	v28 =	vpack.i.f32.bf16 v28, v28;
	v31 =	vmul.bf16 v32, v31;
	v22 =	vld.idx.msk [tilespmem:v22+s24+$0x0], $0xffff  }
0x254: {  	v30 =	vmul.bf16 v30, v17;
	v32 =	vmul.bf16 v33, v28;
	v33 =	vunpack.i.u.bf16.f32 v29  }
0x255: {  	v17 =	vmul.bf16 v27, v17;
	v35 =	vunpack.i.u.bf16.f32 v31;
	v27 =	vld [tilespmem:s15+$0xFFFFFF90]  }
0x256: {  	v37 =	vunpack.i.l.bf16.f32 v30;
	v31 =	vunpack.i.l.bf16.f32 v31;
	v28 =	vmul.bf16 v36, v28;
	v36 =	vld [tilespmem:s15+$0xFFFFFFA0]  }
0x257: {  	v30 =	vunpack.i.u.bf16.f32 v30;
	v19 =	vadd.f32 v35, v19;
	v35 =	vunpack.i.l.bf16.f32 v17;
	v38 =	vld [tilespmem:s15+$0xFFFFFF80]  }
0x258: {  	v17 =	vunpack.i.u.bf16.f32 v17;
	v39 =	vunpack.i.u.bf16.f32 v28;
	v28 =	vunpack.i.l.bf16.f32 v28;
	v40 =	vld [tilespmem:s15+$0xFFFFFFB0]  }
0x259: {  	v17 =	vadd.f32 v17, v26;
	v26 =	vunpack.i.u.bf16.f32 v32;
	v22 =	vpack.i.f32.bf16 v22, v22;
	v23 =	vld.idx.msk [tilespmem:v23+s24+$0x0], $0xffff  }
0x25a: {  	v20 =	vadd.f32 v35, v20;
	v19 =	vadd.f32 v30, v19;
	v30 =	vunpack.i.l.bf16.f32 v32  }
0x25b: {  	v21 =	vpack.i.f32.bf16 v21, v21;
	v17 =	vadd.f32 v39, v17;
	v32 =	vmul.bf16 v36, v22  }
0x25c: {  	v24 =	vadd.f32 v31, v24;
	v31 =	vmul.bf16 v38, v21;
	v21 =	vmul.bf16 v27, v21  }
0x25d: {  	v20 =	vadd.f32 v28, v20;
	v28 =	vunpack.i.l.bf16.f32 v29;
	v22 =	vmul.bf16 v40, v22;
	v27 =	vld [tilespmem:s15+$0xFFFFFFC0]  }
0x25e: {  	v19 =	vadd.f32 v26, v19;
	v29 =	vunpack.i.l.bf16.f32 v32;
	v26 =	vunpack.i.u.bf16.f32 v31;
	v35 =	vld [tilespmem:s15+$0xFFFFFFD0]  }
0x25f: {  	v24 =	vadd.f32 v37, v24;
	v32 =	vunpack.i.u.bf16.f32 v32;
	v36 =	vunpack.i.l.bf16.f32 v22;
	v25 =	vld.idx.msk [tilespmem:v25+s24+$0x0], $0xffff  }
0x260: {  	v31 =	vunpack.i.l.bf16.f32 v31;
	v37 =	vunpack.i.u.bf16.f32 v21;
	v21 =	vunpack.i.l.bf16.f32 v21  }
0x261: {  	v24 =	vadd.f32 v30, v24;
	v23 =	vpack.i.f32.bf16 v23, v23;
	v19 =	vadd.f32 v37, v19  }
0x262: {  	v20 =	vadd.f32 v31, v20;
	v17 =	vadd.f32 v26, v17;
	v26 =	vmul.bf16 v27, v23;
	v27 =	vld [tilespmem:s15+$0x0]  }
0x263: {  	v21 =	vadd.f32 v21, v24;
	v22 =	vunpack.i.u.bf16.f32 v22;
	v23 =	vmul.bf16 v35, v23;
	v16 =	vld.idx.msk [tilespmem:v16+s24+$0x0], $0xffff  }
0x264: {  	v17 =	vadd.f32 v32, v17;
	v19 =	vadd.f32 v22, v19;
	v22 =	vunpack.i.u.bf16.f32 v26;
	v24 =	vld [tilespmem:s15+$0x10]  }
0x265: {  	v20 =	vadd.f32 v29, v20;
	v26 =	vunpack.i.l.bf16.f32 v26;
	v25 =	vpack.i.f32.bf16 v25, v25  }
0x266: {  	v21 =	vadd.f32 v36, v21;
	v17 =	vadd.f32 v22, v17;
	v22 =	vunpack.i.u.bf16.f32 v23;
	v29 =	vld [tilespmem:s15+$0x30]  }
0x267: {  	v18 =	vunpack.i.l.bf16.f32 v18;
	v20 =	vadd.f32 v26, v20;
	v19 =	vadd.f32 v22, v19;
	v13 =	vld.idx.msk [tilespmem:v13+s24+$0x0], $0xffff  }
0x268: {  	v22 =	vunpack.i.l.bf16.f32 v23;
	v17 =	vadd.f32 v33, v17;
	v23 =	vmul.bf16 v27, v25;
	v26 =	vld [tilespmem:s15+$0x20]  }
0x269: {  	v21 =	vadd.f32 v22, v21;
	v19 =	vadd.f32 v34, v19;
	v22 =	vmul.bf16 v24, v25  }
0x26a: {  	v20 =	vadd.f32 v28, v20;
	v24 =	vunpack.i.u.bf16.f32 v23;
	v23 =	vunpack.i.l.bf16.f32 v23;
	v25 =	vld [tilespmem:s15+$0x50]  }
0x26b: {  	v27 =	vpack.i.f32.bf16 v16, v16;
	v24 =	vadd.f32 v24, v17;
	v17 =	vunpack.i.u.bf16.f32 v22;
	v28 =	vld.idx.msk [tilespmem:v12+s24+$0x0], $0xffff  }
0x26c: {  	v22 =	vunpack.i.l.bf16.f32 v22;
	v29 =	vmul.bf16 v29, v27;
	v17 =	vadd.f32 v17, v19;
	v16 =	vld [tilespmem:s15+$0x70]  }
0x26d: {  	v18 =	vadd.f32 v18, v21;
	v21 =	vadd.f32 v23, v20;
	v20 =	vmul.bf16 v26, v27;
	v23 =	vld [tilespmem:s15+$0x40]  }
0x26e: {  	v12 =	vor.u32 v3, v6;
	v26 =	vpack.i.f32.bf16 v13, v13;
	v13 =	vor.u32 v1, v6;
	v27 =	vld [tilespmem:s15+$0x60]  }
.Ltmp4:
0x26f: {  	v22 =	vadd.f32 v22, v18;
	v18 =	vunpack.i.u.bf16.f32 v29;
	v19 =	vmul.bf16 v25, v26;
	v15 =	vld.idx.msk [tilespmem:v15+s24+$0x0], $0xffff;
	(pc) =	sbr.rel @p2 .LBB2_11-.Ltmp4, $4  }
0x270: {  	v29 =	vunpack.i.l.bf16.f32 v29;
	v17 =	vadd.f32 v18, v17;
	v25 =	vunpack.i.u.bf16.f32 v20;
	v18 =	vld.idx.msk [tilespmem:v14+s24+$0x0], $0xffff  }
0x271: {  	v29 =	vadd.f32 v29, v22;
	v14 =	vunpack.i.l.bf16.f32 v20;
	v22 =	vpack.i.f32.bf16 v28, v28  }
0x272: {  	v20 =	vadd.f32 v25, v24;
	v25 =	vunpack.i.l.bf16.f32 v19;
	v23 =	vmul.bf16 v23, v26  }
0x273: {  	v24 =	vadd.f32 v14, v21;
	v14 =	vadd.f32 v25, v29;
	v21 =	vmul.bf16 v27, v22  }
0x274: {  	_ =	sdelay $0x1  }
0x275: {  	v25 =	vunpack.i.l.bf16.f32 v23;
	v37 =	vld [tilespmem:s10+$0xB0]  }
0x276: {  	v19 =	vunpack.i.u.bf16.f32 v19;
	v38 =	vunpack.i.u.bf16.f32 v23;
	v16 =	vmul.bf16 v16, v22;
	v39 =	vld [tilespmem:s10+$0xA0]  }
0x277: {  	v9 =	vld.idx.msk [tilespmem:v9+s24+$0x0], $0xffff;
	v15 =	vpack.i.f32.bf16 v15, v15;
	v62 =	vor.u32 v4, v6;
	v24 =	vadd.f32 v25, v24  }
0x278: {  	v42 =	vld [tilespmem:s10+$0xD0];
	v6 =	vor.u32 v5, v6;
	v17 =	vadd.f32 v19, v17;
	v20 =	vadd.f32 v38, v20  }
0x279: {  	v8 =	vld.idx.msk [tilespmem:v8+s24+$0x0], $0xffff;
	v40 =	vunpack.i.l.bf16.f32 v21;
	v18 =	vpack.i.f32.bf16 v18, v18;
	v41 =	vunpack.i.u.bf16.f32 v21  }
0x27a: {  	v47 =	vld [tilespmem:s10+$0xE0];
	v10 =	vmul.bf16 v10, v15;
	v11 =	vmul.bf16 v11, v15;
	v43 =	vunpack.i.u.bf16.f32 v16  }
0x27b: {  	v50 =	vld [tilespmem:s10+$0xC0];
	v16 =	vunpack.i.l.bf16.f32 v16;
	v22 =	vadd.f32 v40, v24;
	v20 =	vadd.f32 v41, v20  }
0x27c: {  	v53 =	vld [tilespmem:s10+$0xF0];
	v14 =	vadd.f32 v16, v14;
	v44 =	vadd.f32 v43, v17;
	v48 =	vunpack.i.u.bf16.f32 v10  }
0x27d: {  	v10 =	vunpack.i.l.bf16.f32 v10;
	v49 =	vunpack.i.l.bf16.f32 v11;
	v11 =	vunpack.i.u.bf16.f32 v11  }
0x27e: {  	v45 =	vmul.bf16 v39, v18;
	v46 =	vmul.bf16 v37, v18;
	v14 =	vadd.f32 v49, v14  }
0x27f: {  	v9 =	vpack.i.f32.bf16 v9, v9;
	v19 =	vadd.f32 v48, v20;
	v8 =	vpack.i.f32.bf16 v8, v8  }
0x280: {  	v10 =	vadd.f32 v10, v22;
	v21 =	vmul.bf16 v42, v9;
	v18 =	vmul.bf16 v47, v8  }
0x281: {  	v11 =	vadd.f32 v11, v44;
	v9 =	vmul.bf16 v50, v9;
	v8 =	vmul.bf16 v53, v8  }
0x282: {  	v51 =	vunpack.i.l.bf16.f32 v46;
	v52 =	vunpack.i.u.bf16.f32 v45;
	v16 =	vunpack.i.l.bf16.f32 v45  }
0x283: {  	v55 =	vunpack.i.u.bf16.f32 v46;
	v14 =	vadd.f32 v51, v14;
	v10 =	vadd.f32 v16, v10  }
0x284: {  	v7 =	vld.idx.msk [tilespmem:v7+s26+$0x0], $0xffff;
	v19 =	vadd.f32 v52, v19;
	v56 =	vunpack.i.u.bf16.f32 v9;
	v9 =	vunpack.i.l.bf16.f32 v9  }
0x285: {  	v54 =	vunpack.i.l.bf16.f32 v21;
	v11 =	vadd.f32 v55, v11;
	v9 =	vadd.f32 v9, v10  }
0x286: {  	v58 =	vunpack.i.u.bf16.f32 v18;
	v60 =	vunpack.i.l.bf16.f32 v18;
	v57 =	vadd.f32 v56, v19  }
0x287: {  	v59 =	vunpack.i.u.bf16.f32 v21;
	v14 =	vadd.f32 v54, v14;
	v9 =	vadd.f32 v60, v9  }
0x288: {  	v61 =	vunpack.i.l.bf16.f32 v8;
	v11 =	vadd.f32 v59, v11;
	v10 =	vadd.f32 v58, v57  }
0x289: {  	v8 =	vunpack.i.u.bf16.f32 v8;
	v14 =	vadd.f32 v61, v14;
	v9 =	vmul.f32 v9, v7  }
0x28a: {  	v8 =	vadd.f32 v8, v11;
	v10 =	vmul.f32 v10, v7  }
.Ltmp5:
0x28b: {  	v63 =	vmul.f32 v14, v7;
	[tilespmem:v13+s28+$0x0] =	vst.idx.msk $0xffff, v9;
	(pc) =	sbr.rel @p1 .LBB2_18-.Ltmp5, $4  }
0x28c: {  	s9 =	sadd.s32 s7, s18;
	v7 =	vmul.f32 v8, v7;
	[tilespmem:v12+s28+$0x0] =	vst.idx.msk $0xffff, v10  }
0x28d: {  	s9 =	sshll.u32 s9, $0x3;
	[tilespmem:v62+s28+$0x0] =	vst.idx.msk $0xffff, v63  }
0x28e: {  	s9 =	sadd.s32 s2, s9;
	[tilespmem:v6+s28+$0x0] =	vst.idx.msk $0xffff, v7  }
0x28f: {  	[hbm4b:s9+s3] =	stream.linear.scatter [tilespmem:s28], [sflag:$0x7], $0x1400, $0x38;
	[tilespmem:$0x19140] =	vst v63  }
0x290: {  	_ =	swait.ge [sflag:s23], $0x500  }
0x291: {  	[sflag:s23] =	ssyncset.done $0x0  }
0x292: {  	[sflag:s23] =	ssyncadd.s32 $0xFFFFFB00  }
0x293: {  	_ =	swait.ge [sflag:s23], $0x500  }
0x294: {  	p1 =	sgt.u32 s1, $0xD;
	s9 =	rddreg [dreg:$0x6]  }
0x295: {  	s9 =	sadd.s32 @!p1 s18, s9  }
0x296: {  	[sflag:s23] =	ssyncset.done $0x0;
	s9 =	sshrl.u32 @!p1 s9, $0x3  }
0x297: {  	s10 =	simm.s32 @!p1 $0x0;
	[sflag:s23] =	ssyncadd.s32 $0xFFFFFB00;
	s9 =	sadd.s32 @!p1 s4, s9  }
0x298: {  	[tilespmem:s10], [sflag:$0x1] =	stream.linear.gather @!p1 [hbm4b:s9+s10], $0x50, $0x38;
	[tilespmem:$0x19140] =	vst v63  }
0x299: {  	s9 =	simm.s32 $0x0  }
0x29a: {  	v6 =	vld [tilespmem:s9+$0x14A0]  }
0x29b: {  	s15 =	rddreg [dreg:$0x9];
	v7 =	vld [tilespmem:s9+$0xA0]  }
0x29c: {  	s18 =	sadd.s32 s18, s15  }
0x29d: {  	s10 =	sshll.u32 s18, $0x4  }
0x29e: {  	s11 =	simm.s32 $0x0;
	s15 =	simm.s32 $0x40;
	v8 =	vor.u32 s10, v0  }
.LBB2_14:
0x29f: {  	s18 =	sshra.s32 s15, $0x2;
	p1 =	sne.s32 s15, $0x13C0;
	s15 =	sadd.s32 $0x40, s15;
	[tilespmem:s9+$0x1EA0] =	vst v6;
	v8 =	vand.u32 $0xFFFF, v8;
	vm0 =	vgt.f32 v6, $0.0e+00  }
.Ltmp6:
0x2a0: {  	v6 =	vld [tilespmem:s18+$0x14A0];
	v8 =	vsel vm0, v7, v8;
	(pc) =	sbr.rel @p1 .LBB2_14-.Ltmp6, $3  }
0x2a1: {  	v7 =	vld [tilespmem:s18+$0xA0];
	[tilespmem:s9+$0xAA0] =	vst v8;
	s9 =	smov.u32 s18;
	_ =	sdelay $0x1  }
0x2a2: {  	s10 =	sadd.s32 $0x10, s10  }
0x2a3: {  	v8 =	vor.u32 s10, v0  }
0x2a4: {  	v9 =	vmov s11  }
0x2a5: {  	v9 =	vshll.u32 v9, $0x4  }
0x2a6: {  	v9 =	vor.u32 v2, v9;
	_ =	sdelay $0x1  }
0x2a7: {  	v8 =	vand.u32 $0xFFFF, v8;
	vm0 =	vgt.f32 v6, $0.0e+00;
	v10 =	vor.u32 $0x1, v9  }
0x2a8: {  	[tilespmem:s9+$0x1EA0] =	vst v6;
	v6 =	vsel vm0, v7, v8  }
0x2a9: {  	[tilespmem:s9+$0xAA0] =	vst v6;
	v6 =	vor.u32 $0x2, v9  }
0x2aa: {  	v7 =	vld.idx.msk [tilespmem:v9+s24+$0x0], $0xffff  }
0x2ab: {  	v8 =	vor.u32 $0x3, v9  }
0x2ac: {  	v10 =	vld.idx.msk [tilespmem:v10+s24+$0x0], $0xffff  }
0x2ad: {  	v11 =	vor.u32 $0x4, v9  }
0x2ae: {  	v6 =	vld.idx.msk [tilespmem:v6+s24+$0x0], $0xffff  }
0x2af: {  	v12 =	vor.u32 $0x5, v9;
	v7 =	vadd.f32 $0.0e+00, v7  }
0x2b0: {  	v8 =	vld.idx.msk [tilespmem:v8+s24+$0x0], $0xffff  }
0x2b1: {  	v13 =	vor.u32 $0x6, v9;
	v7 =	vadd.f32 v10, v7  }
0x2b2: {  	v32 =	vld.idx.msk [tilespmem:v11+s24+$0x0], $0xffff  }
0x2b3: {  	v33 =	vor.u32 $0x7, v9;
	v6 =	vadd.f32 v6, v7  }
0x2b4: {  	v7 =	vld.idx.msk [tilespmem:v12+s24+$0x0], $0xffff  }
0x2b5: {  	v34 =	vor.u32 $0x8, v9;
	v6 =	vadd.f32 v8, v6  }
0x2b6: {  	v8 =	vld.idx.msk [tilespmem:v13+s24+$0x0], $0xffff  }
0x2b7: {  	v35 =	vor.u32 $0x9, v9;
	v6 =	vadd.f32 v32, v6  }
0x2b8: {  	v36 =	vld.idx.msk [tilespmem:v33+s24+$0x0], $0xffff  }
0x2b9: {  	v37 =	vor.u32 $0xA, v9;
	v6 =	vadd.f32 v7, v6  }
0x2ba: {  	v7 =	vld.idx.msk [tilespmem:v34+s24+$0x0], $0xffff  }
0x2bb: {  	v38 =	vor.u32 $0xB, v9;
	v6 =	vadd.f32 v8, v6  }
0x2bc: {  	v8 =	vld.idx.msk [tilespmem:v35+s24+$0x0], $0xffff  }
0x2bd: {  	v39 =	vor.u32 $0xC, v9;
	v6 =	vadd.f32 v36, v6  }
0x2be: {  	v40 =	vld.idx.msk [tilespmem:v37+s24+$0x0], $0xffff  }
0x2bf: {  	v41 =	vor.u32 $0xD, v9;
	v6 =	vadd.f32 v7, v6  }
0x2c0: {  	v7 =	vld.idx.msk [tilespmem:v38+s24+$0x0], $0xffff  }
0x2c1: {  	v42 =	vor.u32 $0xE, v9;
	v6 =	vadd.f32 v8, v6  }
0x2c2: {  	v8 =	vld.idx.msk [tilespmem:v39+s24+$0x0], $0xffff  }
0x2c3: {  	v9 =	vor.u32 $0xF, v9;
	v6 =	vadd.f32 v40, v6  }
0x2c4: {  	v43 =	vld.idx.msk [tilespmem:v41+s24+$0x0], $0xffff  }
0x2c5: {  	v6 =	vadd.f32 v7, v6  }
0x2c6: {  	v7 =	vld.idx.msk [tilespmem:v42+s24+$0x0], $0xffff  }
0x2c7: {  	v6 =	vadd.f32 v8, v6  }
0x2c8: {  	v8 =	vld.idx.msk [tilespmem:v9+s24+$0x0], $0xffff  }
0x2c9: {  	v6 =	vadd.f32 v43, v6;
	_ =	sdelay $0x1  }
0x2ca: {  	v6 =	vadd.f32 v7, v6;
	_ =	sdelay $0x1  }
0x2cb: {  	v6 =	vadd.f32 v8, v6;
	_ =	sdelay $0x1  }
0x2cc: {  	v6 =	vmax.f32 v6, $1.000000000e+00  }
0x2cd: {  	(erf) = vrcp.f32 v6;
	_ =	sdelay $0x2  }
0x2ce: {  	s15 =	simm.s32 $0x10  }
0x2cf: {  	v6 =	vmov s15  }
0x2d0: {  	v6 =	vshll.u32 v6, $0x4  }
0x2d1: {  	v6 =	vor.u32 v2, v6;
	_ =	sdelay $0x1  }
0x2d2: {  	v7 =	vor.u32 $0x1, v6  }
0x2d3: {  	s10 =	simm.s32 $0x28A0;
	v8 =	vpop (erf)  }
0x2d4: {  	v44 =	vor.u32 $0x2, v6;
	[tilespmem:s10+$0x0] =	vst v8  }
0x2d5: {  	v8 =	vld.idx.msk [tilespmem:v6+s24+$0x0], $0xffff  }
0x2d6: {  	v45 =	vor.u32 $0x3, v6  }
0x2d7: {  	v7 =	vld.idx.msk [tilespmem:v7+s24+$0x0], $0xffff  }
0x2d8: {  	v46 =	vor.u32 $0x4, v6  }
0x2d9: {  	v9 =	vld.idx.msk [tilespmem:v44+s24+$0x0], $0xffff  }
0x2da: {  	v47 =	vor.u32 $0x5, v6;
	v8 =	vadd.f32 $0.0e+00, v8  }
0x2db: {  	v10 =	vld.idx.msk [tilespmem:v45+s24+$0x0], $0xffff  }
0x2dc: {  	v48 =	vor.u32 $0x6, v6;
	v7 =	vadd.f32 v7, v8  }
0x2dd: {  	v8 =	vld.idx.msk [tilespmem:v46+s24+$0x0], $0xffff  }
0x2de: {  	v49 =	vor.u32 $0x7, v6;
	v7 =	vadd.f32 v9, v7  }
0x2df: {  	v50 =	vld.idx.msk [tilespmem:v47+s24+$0x0], $0xffff  }
0x2e0: {  	v51 =	vor.u32 $0x8, v6;
	v7 =	vadd.f32 v10, v7  }
0x2e1: {  	v52 =	vld.idx.msk [tilespmem:v48+s24+$0x0], $0xffff  }
0x2e2: {  	v53 =	vor.u32 $0x9, v6;
	v7 =	vadd.f32 v8, v7  }
0x2e3: {  	v8 =	vld.idx.msk [tilespmem:v49+s24+$0x0], $0xffff  }
0x2e4: {  	v54 =	vor.u32 $0xA, v6;
	v7 =	vadd.f32 v50, v7  }
0x2e5: {  	v55 =	vld.idx.msk [tilespmem:v51+s24+$0x0], $0xffff  }
0x2e6: {  	v56 =	vor.u32 $0xB, v6;
	v7 =	vadd.f32 v52, v7  }
0x2e7: {  	v57 =	vld.idx.msk [tilespmem:v53+s24+$0x0], $0xffff  }
0x2e8: {  	v58 =	vor.u32 $0xC, v6;
	v7 =	vadd.f32 v8, v7  }
0x2e9: {  	v8 =	vld.idx.msk [tilespmem:v54+s24+$0x0], $0xffff  }
0x2ea: {  	v59 =	vor.u32 $0xD, v6;
	v7 =	vadd.f32 v55, v7  }
0x2eb: {  	v60 =	vld.idx.msk [tilespmem:v56+s24+$0x0], $0xffff  }
0x2ec: {  	v61 =	vor.u32 $0xE, v6;
	v7 =	vadd.f32 v57, v7  }
0x2ed: {  	v62 =	vld.idx.msk [tilespmem:v58+s24+$0x0], $0xffff  }
0x2ee: {  	v6 =	vor.u32 $0xF, v6;
	v7 =	vadd.f32 v8, v7  }
0x2ef: {  	v8 =	vld.idx.msk [tilespmem:v59+s24+$0x0], $0xffff  }
0x2f0: {  	v7 =	vadd.f32 v60, v7  }
0x2f1: {  	v63 =	vld.idx.msk [tilespmem:v61+s24+$0x0], $0xffff  }
0x2f2: {  	v7 =	vadd.f32 v62, v7  }
0x2f3: {  	v6 =	vld.idx.msk [tilespmem:v6+s24+$0x0], $0xffff  }
0x2f4: {  	v7 =	vadd.f32 v8, v7;
	_ =	sdelay $0x1  }
0x2f5: {  	v7 =	vadd.f32 v63, v7;
	_ =	sdelay $0x1  }
0x2f6: {  	v6 =	vadd.f32 v6, v7;
	_ =	sdelay $0x1  }
0x2f7: {  	v6 =	vmax.f32 v6, $1.000000000e+00  }
0x2f8: {  	(erf) = vrcp.f32 v6;
	_ =	sdelay $0x2  }
0x2f9: {  	s18 =	simm.s32 $0x20  }
0x2fa: {  	s11 =	simm.s32 $0x30;
	v6 =	vmov s18  }
.LBB2_16:
0x2fb: {  	p1 =	sne.s32 s11, $0x40;
	v6 =	vshll.u32 v6, $0x4  }
0x2fc: {  	v6 =	vor.u32 v2, v6;
	_ =	sdelay $0x1  }
0x2fd: {  	v7 =	vor.u32 $0x1, v6  }
0x2fe: {  	s10 =	sadd.s32 $0x10, s10;
	v8 =	vpop (erf)  }
0x2ff: {  	v9 =	vor.u32 $0x2, v6;
	[tilespmem:s10+$0x0] =	vst v8  }
0x300: {  	v8 =	vld.idx.msk [tilespmem:v6+s24+$0x0], $0xffff  }
0x301: {  	v10 =	vor.u32 $0x3, v6  }
0x302: {  	v7 =	vld.idx.msk [tilespmem:v7+s24+$0x0], $0xffff  }
0x303: {  	v11 =	vor.u32 $0x4, v6  }
0x304: {  	v9 =	vld.idx.msk [tilespmem:v9+s24+$0x0], $0xffff  }
0x305: {  	v12 =	vor.u32 $0x5, v6  }
0x306: {  	v8 =	vadd.f32 $0.0e+00, v8;
	v10 =	vld.idx.msk [tilespmem:v10+s24+$0x0], $0xffff  }
0x307: {  	v13 =	vor.u32 $0x6, v6  }
0x308: {  	v7 =	vadd.f32 v7, v8;
	v8 =	vld.idx.msk [tilespmem:v11+s24+$0x0], $0xffff  }
0x309: {  	v11 =	vor.u32 $0x7, v6  }
0x30a: {  	v7 =	vadd.f32 v9, v7;
	v9 =	vld.idx.msk [tilespmem:v12+s24+$0x0], $0xffff  }
0x30b: {  	v12 =	vor.u32 $0x8, v6  }
0x30c: {  	v7 =	vadd.f32 v10, v7;
	v10 =	vld.idx.msk [tilespmem:v13+s24+$0x0], $0xffff  }
0x30d: {  	v13 =	vor.u32 $0x9, v6  }
0x30e: {  	v7 =	vadd.f32 v8, v7;
	v8 =	vld.idx.msk [tilespmem:v11+s24+$0x0], $0xffff  }
0x30f: {  	v11 =	vor.u32 $0xA, v6  }
0x310: {  	v7 =	vadd.f32 v9, v7;
	v9 =	vld.idx.msk [tilespmem:v12+s24+$0x0], $0xffff  }
0x311: {  	v12 =	vor.u32 $0xB, v6  }
0x312: {  	v7 =	vadd.f32 v10, v7;
	v10 =	vld.idx.msk [tilespmem:v13+s24+$0x0], $0xffff  }
0x313: {  	v13 =	vor.u32 $0xC, v6  }
0x314: {  	v7 =	vadd.f32 v8, v7;
	v8 =	vld.idx.msk [tilespmem:v11+s24+$0x0], $0xffff  }
0x315: {  	v11 =	vor.u32 $0xD, v6  }
0x316: {  	v7 =	vadd.f32 v9, v7;
	v9 =	vld.idx.msk [tilespmem:v12+s24+$0x0], $0xffff  }
0x317: {  	v12 =	vor.u32 $0xE, v6  }
0x318: {  	v7 =	vadd.f32 v10, v7;
	v10 =	vld.idx.msk [tilespmem:v13+s24+$0x0], $0xffff  }
0x319: {  	v6 =	vor.u32 $0xF, v6  }
0x31a: {  	v7 =	vadd.f32 v8, v7;
	v8 =	vld.idx.msk [tilespmem:v11+s24+$0x0], $0xffff;
	_ =	sdelay $0x1  }
0x31b: {  	v7 =	vadd.f32 v9, v7;
	v9 =	vld.idx.msk [tilespmem:v12+s24+$0x0], $0xffff;
	_ =	sdelay $0x1  }
0x31c: {  	v7 =	vadd.f32 v10, v7;
	v6 =	vld.idx.msk [tilespmem:v6+s24+$0x0], $0xffff;
	_ =	sdelay $0x1  }
0x31d: {  	v7 =	vadd.f32 v8, v7;
	_ =	sdelay $0x1  }
0x31e: {  	v7 =	vadd.f32 v9, v7;
	_ =	sdelay $0x1  }
0x31f: {  	v6 =	vadd.f32 v6, v7;
	_ =	sdelay $0x1  }
0x320: {  	v6 =	vmax.f32 v6, $1.000000000e+00  }
.Ltmp7:
0x321: {  	(erf) = vrcp.f32 v6;
	(pc) =	sbr.rel @p1 .LBB2_16-.Ltmp7, $2  }
0x322: {  	_ =	sdelay $0x2  }
0x323: {  	v6 =	vmov s11;
	s11 =	sadd.s32 $0x10, s11  }
0x324: {  	v6 =	vshll.u32 v6, $0x4  }
0x325: {  	v6 =	vor.u32 v2, v6;
	_ =	sdelay $0x1  }
0x326: {  	v7 =	vor.u32 $0x1, v6  }
0x327: {  	s9 =	sadd.s32 $0x10, s10;
	v8 =	vpop (erf)  }
0x328: {  	v9 =	vor.u32 $0x2, v6;
	[tilespmem:s9+$0x0] =	vst v8  }
0x329: {  	v8 =	vld.idx.msk [tilespmem:v6+s24+$0x0], $0xffff  }
0x32a: {  	v10 =	vor.u32 $0x3, v6  }
0x32b: {  	v7 =	vld.idx.msk [tilespmem:v7+s24+$0x0], $0xffff  }
0x32c: {  	v11 =	vor.u32 $0x4, v6  }
0x32d: {  	v9 =	vld.idx.msk [tilespmem:v9+s24+$0x0], $0xffff  }
0x32e: {  	v12 =	vor.u32 $0x5, v6;
	v8 =	vadd.f32 $0.0e+00, v8  }
0x32f: {  	v10 =	vld.idx.msk [tilespmem:v10+s24+$0x0], $0xffff  }
0x330: {  	v13 =	vor.u32 $0x6, v6;
	v7 =	vadd.f32 v7, v8  }
0x331: {  	v45 =	vld.idx.msk [tilespmem:v11+s24+$0x0], $0xffff  }
0x332: {  	v46 =	vor.u32 $0x7, v6;
	v7 =	vadd.f32 v9, v7  }
0x333: {  	v47 =	vld.idx.msk [tilespmem:v12+s24+$0x0], $0xffff  }
0x334: {  	v48 =	vor.u32 $0x8, v6;
	v7 =	vadd.f32 v10, v7  }
0x335: {  	v49 =	vld.idx.msk [tilespmem:v13+s24+$0x0], $0xffff  }
0x336: {  	v50 =	vor.u32 $0x9, v6;
	v7 =	vadd.f32 v45, v7  }
0x337: {  	v51 =	vld.idx.msk [tilespmem:v46+s24+$0x0], $0xffff  }
0x338: {  	v52 =	vor.u32 $0xA, v6;
	v7 =	vadd.f32 v47, v7  }
0x339: {  	v53 =	vld.idx.msk [tilespmem:v48+s24+$0x0], $0xffff  }
0x33a: {  	v54 =	vor.u32 $0xB, v6;
	v7 =	vadd.f32 v49, v7  }
0x33b: {  	v55 =	vld.idx.msk [tilespmem:v50+s24+$0x0], $0xffff  }
0x33c: {  	v56 =	vor.u32 $0xC, v6;
	v7 =	vadd.f32 v51, v7  }
0x33d: {  	v57 =	vld.idx.msk [tilespmem:v52+s24+$0x0], $0xffff  }
0x33e: {  	v58 =	vor.u32 $0xD, v6;
	v7 =	vadd.f32 v53, v7  }
0x33f: {  	v59 =	vld.idx.msk [tilespmem:v54+s24+$0x0], $0xffff  }
0x340: {  	v60 =	vor.u32 $0xE, v6;
	v7 =	vadd.f32 v55, v7  }
0x341: {  	v61 =	vld.idx.msk [tilespmem:v56+s24+$0x0], $0xffff  }
0x342: {  	v6 =	vor.u32 $0xF, v6;
	v7 =	vadd.f32 v57, v7  }
0x343: {  	v62 =	vld.idx.msk [tilespmem:v58+s24+$0x0], $0xffff  }
0x344: {  	v7 =	vadd.f32 v59, v7  }
0x345: {  	v63 =	vld.idx.msk [tilespmem:v60+s24+$0x0], $0xffff  }
0x346: {  	v7 =	vadd.f32 v61, v7  }
0x347: {  	v6 =	vld.idx.msk [tilespmem:v6+s24+$0x0], $0xffff  }
0x348: {  	v7 =	vadd.f32 v62, v7;
	_ =	sdelay $0x1  }
0x349: {  	v7 =	vadd.f32 v63, v7;
	_ =	sdelay $0x1  }
0x34a: {  	v6 =	vadd.f32 v6, v7;
	_ =	sdelay $0x1  }
0x34b: {  	v6 =	vmax.f32 v6, $1.000000000e+00  }
0x34c: {  	(erf) = vrcp.f32 v6;
	_ =	sdelay $0x8  }
0x34d: {  	s9 =	sadd.s32 $0x10, s9;
	v6 =	vpop (erf)  }
0x34e: {  	s15 =	simm.s32 $0xAA0;
	s18 =	simm.s32 $0x2940;
	[tilespmem:s9+$0x0] =	vst v6  }
0x34f: {  	[tilespmem:s18], [sflag:$0x5] =	stream.indirect.gather [hbm4b:s5+s25], $0x20, s15, s25, $0xb8;
	[tilespmem:$0x19140] =	vst v63  }
0x350: {  	s10 =	simm.s32 $0xB20;
	s11 =	simm.s32 $0x3940  }
0x351: {  	[tilespmem:s11], [sflag:$0x5] =	stream.indirect.gather [hbm4b:s5+s25], $0x20, s10, s25, $0xb8;
	[tilespmem:$0x19140] =	vst v63  }
0x352: {  	s15 =	simm.s32 $0xBA0;
	s18 =	simm.s32 $0x4940  }
0x353: {  	[tilespmem:s18], [sflag:$0x5] =	stream.indirect.gather [hbm4b:s5+s25], $0x20, s15, s25, $0xb8;
	[tilespmem:$0x19140] =	vst v63  }
0x354: {  	s10 =	simm.s32 $0xC20;
	s11 =	simm.s32 $0x5940  }
0x355: {  	[tilespmem:s11], [sflag:$0x5] =	stream.indirect.gather [hbm4b:s5+s25], $0x20, s10, s25, $0xb8;
	[tilespmem:$0x19140] =	vst v63  }
0x356: {  	s15 =	simm.s32 $0xCA0;
	s18 =	simm.s32 $0x6940  }
0x357: {  	[tilespmem:s18], [sflag:$0x5] =	stream.indirect.gather [hbm4b:s5+s25], $0x20, s15, s25, $0xb8;
	[tilespmem:$0x19140] =	vst v63  }
0x358: {  	s10 =	simm.s32 $0xD20;
	s11 =	simm.s32 $0x7940  }
0x359: {  	[tilespmem:s11], [sflag:$0x5] =	stream.indirect.gather [hbm4b:s5+s25], $0x20, s10, s25, $0xb8;
	[tilespmem:$0x19140] =	vst v63  }
0x35a: {  	s15 =	simm.s32 $0xDA0;
	s18 =	simm.s32 $0x8940  }
0x35b: {  	[tilespmem:s18], [sflag:$0x5] =	stream.indirect.gather [hbm4b:s5+s25], $0x20, s15, s25, $0xb8;
	[tilespmem:$0x19140] =	vst v63  }
0x35c: {  	s10 =	simm.s32 $0xE20;
	s11 =	simm.s32 $0x9940  }
0x35d: {  	[tilespmem:s11], [sflag:$0x5] =	stream.indirect.gather [hbm4b:s5+s25], $0x20, s10, s25, $0xb8;
	[tilespmem:$0x19140] =	vst v63  }
0x35e: {  	s15 =	simm.s32 $0xEA0;
	s18 =	simm.s32 $0xA940  }
0x35f: {  	[tilespmem:s18], [sflag:$0x5] =	stream.indirect.gather [hbm4b:s5+s25], $0x20, s15, s25, $0xb8;
	[tilespmem:$0x19140] =	vst v63  }
0x360: {  	s10 =	simm.s32 $0xF20;
	s11 =	simm.s32 $0xB940  }
0x361: {  	[tilespmem:s11], [sflag:$0x5] =	stream.indirect.gather [hbm4b:s5+s25], $0x20, s10, s25, $0xb8;
	[tilespmem:$0x19140] =	vst v63  }
0x362: {  	_ =	swait.ge [sflag:s0], $0x50  }
0x363: {  	[sflag:s0] =	ssyncset.done $0x0  }
0x364: {  	s15 =	simm.s32 $0x5A0;
	[sflag:s0] =	ssyncadd.s32 $0xFFFFFFB0  }
0x365: {  	[tilespmem:s15], [sflag:$0x4] =	stream.indirect.gather [hbm4b:s6+s20], $0x10, s20, s20, $0xb8;
	[tilespmem:$0x19140] =	vst v63  }
0x366: {  	s18 =	simm.s32 $0x19A0  }
0x367: {  	[tilespmem:s18], [sflag:$0x4] =	stream.indirect.gather [hbm4b:s8+s20], $0x10, s20, s20, $0xb8;
	[tilespmem:$0x19140] =	vst v63  }
.LBB2_18:
0x368: {  	_ =	swait.ge [sflag:s29], $0x1000  }
0x369: {  	[sflag:s29] =	ssyncset.done $0x0  }
0x36a: {  	[sflag:s29] =	ssyncadd.s32 $0xFFFFF000  }
0x36b: {  	_ =	swait.ge [sflag:s29], $0x1000  }
0x36c: {  	[sflag:s29] =	ssyncset.done $0x0  }
0x36d: {  	[sflag:s29] =	ssyncadd.s32 $0xFFFFF000  }
0x36e: {  	_ =	swait.ge [sflag:s29], $0x1000  }
0x36f: {  	[sflag:s29] =	ssyncset.done $0x0  }
0x370: {  	[sflag:s29] =	ssyncadd.s32 $0xFFFFF000  }
0x371: {  	_ =	swait.ge [sflag:s29], $0x1000  }
0x372: {  	[sflag:s29] =	ssyncset.done $0x0  }
0x373: {  	[sflag:s29] =	ssyncadd.s32 $0xFFFFF000  }
0x374: {  	_ =	swait.ge [sflag:s29], $0x1000  }
0x375: {  	[sflag:s29] =	ssyncset.done $0x0  }
0x376: {  	[sflag:s29] =	ssyncadd.s32 $0xFFFFF000  }
0x377: {  	_ =	swait.ge [sflag:s29], $0x1000  }
0x378: {  	[sflag:s29] =	ssyncset.done $0x0  }
0x379: {  	[sflag:s29] =	ssyncadd.s32 $0xFFFFF000  }
0x37a: {  	_ =	swait.ge [sflag:s29], $0x1000  }
0x37b: {  	[sflag:s29] =	ssyncset.done $0x0  }
0x37c: {  	[sflag:s29] =	ssyncadd.s32 $0xFFFFF000  }
0x37d: {  	_ =	swait.ge [sflag:s29], $0x1000  }
0x37e: {  	[sflag:s29] =	ssyncset.done $0x0  }
0x37f: {  	[sflag:s29] =	ssyncadd.s32 $0xFFFFF000  }
0x380: {  	_ =	swait.ge [sflag:s29], $0x1000  }
0x381: {  	[sflag:s29] =	ssyncset.done $0x0  }
0x382: {  	[sflag:s29] =	ssyncadd.s32 $0xFFFFF000  }
0x383: {  	_ =	swait.ge [sflag:s29], $0x1000  }
0x384: {  	[sflag:s29] =	ssyncset.done $0x0  }
0x385: {  	s9 =	simm.s32 @!p0 $0x8;
	s10 =	simm.s32 $0x0;
	[sflag:s29] =	ssyncadd.s32 $0xFFFFF000  }
0x386: {  	v7 =	vmov s10;
	_ =	swait.ge @!p0 [sflag:s9], $0x1400  }
0x387: {  	v8 =	vshll.u32 v7, $0x4;
	[sflag:s9] =	ssyncset.done @!p0 $0x0  }
0x388: {  	s10 =	simm.s32 $0xCA40;
	v6 =	vor.u32 $0x7, v8;
	[sflag:s9] =	ssyncadd.s32 @!p0 $0xFFFFEC00  }
0x389: {  	v9 =	vor.u32 $0x1, v8;
	v10 =	vld [tilespmem:s10+$0xFFFFFFF0]  }
0x38a: {  	v11 =	vld [tilespmem:s10+$0xFFFFFF10]  }
0x38b: {  	v13 =	vor.u32 $0x2, v8;
	v12 =	vld [tilespmem:s10+$0xFFFFFF00]  }
0x38c: {  	v18 =	vor.u32 $0x4, v8;
	v16 =	vld.idx.msk [tilespmem:v8+s22+$0x0], $0xffff  }
0x38d: {  	v21 =	vor.u32 $0x5, v8;
	v17 =	vld.idx.msk [tilespmem:v6+s22+$0x0], $0xffff  }
0x38e: {  	v22 =	vor.u32 $0x6, v8;
	v19 =	vld.idx.msk [tilespmem:v9+s22+$0x0], $0xffff  }
0x38f: {  	v24 =	vld [tilespmem:s10+$0xFFFFFFE0]  }
0x390: {  	v13 =	vld.idx.msk [tilespmem:v13+s22+$0x0], $0xffff  }
0x391: {  	v23 =	vor.u32 $0x8, v8;
	v18 =	vld.idx.msk [tilespmem:v18+s22+$0x0], $0xffff  }
0x392: {  	v21 =	vld.idx.msk [tilespmem:v21+s22+$0x0], $0xffff  }
0x393: {  	v22 =	vld.idx.msk [tilespmem:v22+s22+$0x0], $0xffff  }
0x394: {  	v20 =	vor.u32 $0x3, v8;
	v26 =	vor.u32 $0x9, v8;
	v25 =	vld [tilespmem:s10+$0xFFFFFF20]  }
0x395: {  	v27 =	vor.u32 $0xA, v8;
	v28 =	vor.u32 $0xB, v8;
	v15 =	vor.u32 $0xC, v8;
	v54 =	vld [tilespmem:s10+$0xFFFFFFA0]  }
0x396: {  	v14 =	vor.u32 $0xD, v8;
	v6 =	vshll.u32 v7, $0x6;
	v9 =	vor.u32 $0xE, v8;
	v23 =	vld.idx.msk [tilespmem:v23+s22+$0x0], $0xffff  }
0x397: {  	v8 =	vor.u32 $0xF, v8;
	v16 =	vpack.i.f32.bf16 v16, v16;
	v13 =	vpack.i.f32.bf16 v13, v13  }
0x398: {  	v21 =	vpack.i.f32.bf16 v21, v21;
	v18 =	vpack.i.f32.bf16 v18, v18;
	v22 =	vpack.i.f32.bf16 v22, v22  }
0x399: {  	v29 =	vld [tilespmem:s10+$0xFFFFFF50];
	v12 =	vmul.bf16 v12, v16;
	v11 =	vmul.bf16 v11, v16;
	v16 =	vpack.i.f32.bf16 v17, v17  }
0x39a: {  	v17 =	vpack.i.f32.bf16 v19, v19;
	v19 =	vld.idx.msk [tilespmem:v20+s22+$0x0], $0xffff;
	v56 =	vmul.bf16 v54, v21;
	v20 =	vmul.bf16 v24, v16  }
0x39b: {  	v31 =	vld [tilespmem:s10+$0xFFFFFF70];
	v23 =	vpack.i.f32.bf16 v23, v23;
	v10 =	vmul.bf16 v10, v16;
	v25 =	vmul.bf16 v25, v17  }
0x39c: {  	v24 =	vld [tilespmem:s10+$0xFFFFFF30];
	v16 =	vunpack.i.l.bf16.f32 v12;
	v30 =	vunpack.i.u.bf16.f32 v11;
	v12 =	vunpack.i.u.bf16.f32 v12  }
0x39d: {  	v32 =	vld [tilespmem:s10+$0xFFFFFF40];
	v11 =	vunpack.i.l.bf16.f32 v11;
	v57 =	vunpack.i.l.bf16.f32 v56;
	v16 =	vadd.f32 $0.0e+00, v16  }
0x39e: {  	v35 =	vld [tilespmem:s10+$0xFFFFFF60];
	v33 =	vunpack.i.u.bf16.f32 v10;
	v30 =	vadd.f32 $0.0e+00, v30;
	v34 =	vunpack.i.l.bf16.f32 v25  }
0x39f: {  	v12 =	vadd.f32 $0.0e+00, v12;
	v25 =	vunpack.i.u.bf16.f32 v25;
	v11 =	vadd.f32 $0.0e+00, v11  }
0x3a0: {  	v50 =	vunpack.i.u.bf16.f32 v20;
	v20 =	vunpack.i.l.bf16.f32 v20;
	v16 =	vadd.f32 v34, v16  }
0x3a1: {  	v19 =	vpack.i.f32.bf16 v19, v19;
	v17 =	vmul.bf16 v24, v17;
	v24 =	vmul.bf16 v29, v13  }
0x3a2: {  	v52 =	vld [tilespmem:s10+$0xFFFFFF90];
	v12 =	vadd.f32 v25, v12;
	v25 =	vmul.bf16 v31, v19;
	v13 =	vmul.bf16 v32, v13  }
0x3a3: {  	v36 =	vld [tilespmem:s10+$0xFFFFFF80];
	v19 =	vmul.bf16 v35, v19;
	v51 =	vunpack.i.u.bf16.f32 v17;
	v17 =	vunpack.i.l.bf16.f32 v17  }
0x3a4: {  	v38 =	vld [tilespmem:s10+$0xFFFFFFB0];
	v53 =	vunpack.i.l.bf16.f32 v24;
	v55 =	vunpack.i.l.bf16.f32 v13;
	v24 =	vunpack.i.u.bf16.f32 v24  }
0x3a5: {  	v13 =	vunpack.i.u.bf16.f32 v13;
	v37 =	vunpack.i.u.bf16.f32 v19;
	v19 =	vunpack.i.l.bf16.f32 v19  }
0x3a6: {  	v30 =	vadd.f32 v51, v30;
	v12 =	vadd.f32 v13, v12;
	v13 =	vunpack.i.u.bf16.f32 v25  }
0x3a7: {  	v16 =	vadd.f32 v55, v16;
	v25 =	vunpack.i.l.bf16.f32 v25;
	v11 =	vadd.f32 v17, v11  }
0x3a8: {  	v17 =	vmul.bf16 v36, v18;
	v18 =	vmul.bf16 v52, v18;
	v24 =	vadd.f32 v24, v30  }
0x3a9: {  	v12 =	vadd.f32 v37, v12;
	v16 =	vadd.f32 v19, v16;
	v19 =	vmul.bf16 v38, v21;
	v21 =	vld [tilespmem:s10+$0xFFFFFFC0]  }
0x3aa: {  	v58 =	vld [tilespmem:s10+$0xFFFFFFD0];
	v11 =	vadd.f32 v53, v11;
	v30 =	vunpack.i.u.bf16.f32 v56;
	v60 =	vunpack.i.u.bf16.f32 v18  }
0x3ab: {  	v13 =	vadd.f32 v13, v24;
	v24 =	vunpack.i.u.bf16.f32 v17;
	v17 =	vunpack.i.l.bf16.f32 v17  }
0x3ac: {  	v18 =	vunpack.i.l.bf16.f32 v18;
	v11 =	vadd.f32 v25, v11;
	v16 =	vadd.f32 v17, v16  }
0x3ad: {  	v59 =	vunpack.i.l.bf16.f32 v19;
	v12 =	vadd.f32 v24, v12;
	v24 =	vld.idx.msk [tilespmem:v26+s22+$0x0], $0xffff;
	v13 =	vadd.f32 v60, v13  }
0x3ae: {  	v11 =	vadd.f32 v18, v11;
	v18 =	vunpack.i.u.bf16.f32 v19;
	v17 =	vmul.bf16 v21, v22;
	v21 =	vld [tilespmem:s10+$0x0]  }
0x3af: {  	v19 =	vmul.bf16 v58, v22;
	v12 =	vadd.f32 v30, v12;
	v22 =	vld [tilespmem:s10+$0x10];
	v16 =	vadd.f32 v57, v16  }
0x3b0: {  	v25 =	vld [tilespmem:s10+$0x30];
	v13 =	vadd.f32 v18, v13;
	v11 =	vadd.f32 v59, v11;
	v18 =	vunpack.i.u.bf16.f32 v17  }
0x3b1: {  	v17 =	vunpack.i.l.bf16.f32 v17;
	v12 =	vadd.f32 v18, v12;
	v18 =	vunpack.i.u.bf16.f32 v19  }
0x3b2: {  	v16 =	vadd.f32 v17, v16;
	v17 =	vunpack.i.l.bf16.f32 v19;
	v13 =	vadd.f32 v18, v13  }
0x3b3: {  	v10 =	vunpack.i.l.bf16.f32 v10;
	v19 =	vld [tilespmem:s10+$0x20];
	v11 =	vadd.f32 v17, v11;
	v12 =	vadd.f32 v50, v12  }
0x3b4: {  	v18 =	vmul.bf16 v21, v23;
	v17 =	vmul.bf16 v22, v23;
	v23 =	vpack.i.f32.bf16 v24, v24  }
0x3b5: {  	v21 =	vld.idx.msk [tilespmem:v27+s22+$0x0], $0xffff;
	v16 =	vadd.f32 v20, v16;
	v13 =	vadd.f32 v33, v13;
	v25 =	vmul.bf16 v25, v23  }
0x3b6: {  	v22 =	vld [tilespmem:s10+$0x50];
	v11 =	vadd.f32 v10, v11;
	v20 =	vunpack.i.u.bf16.f32 v18;
	v18 =	vunpack.i.l.bf16.f32 v18  }
0x3b7: {  	v24 =	vld.idx.msk [tilespmem:v28+s22+$0x0], $0xffff;
	v20 =	vadd.f32 v20, v12;
	v12 =	vunpack.i.u.bf16.f32 v17;
	v17 =	vunpack.i.l.bf16.f32 v17  }
0x3b8: {  	v27 =	vadd.f32 v18, v16;
	v18 =	vmul.bf16 v19, v23;
	v23 =	vld [tilespmem:s10+$0x40];
	v16 =	vunpack.i.u.bf16.f32 v25  }
0x3b9: {  	v61 =	vld [tilespmem:s10+$0x60];
	v26 =	vadd.f32 v12, v13;
	v13 =	vor.u32 v1, v6;
	v12 =	vor.u32 v3, v6  }
0x3ba: {  	v15 =	vld.idx.msk [tilespmem:v15+s22+$0x0], $0xffff;
	v62 =	vadd.f32 v17, v11;
	v21 =	vpack.i.f32.bf16 v21, v21;
	v63 =	vunpack.i.u.bf16.f32 v18  }
0x3bb: {  	v19 =	vmul.bf16 v22, v21;
	v22 =	vunpack.i.l.bf16.f32 v25;
	v17 =	vadd.f32 v16, v26;
	v16 =	vld [tilespmem:s10+$0x70]  }
0x3bc: {  	v10 =	vld [tilespmem:s10+$0x80];
	v25 =	vunpack.i.l.bf16.f32 v18;
	v20 =	vadd.f32 v63, v20;
	v26 =	vadd.f32 v22, v62  }
0x3bd: {  	v18 =	vld.idx.msk [tilespmem:v14+s22+$0x0], $0xffff;
	v22 =	vpack.i.f32.bf16 v24, v24;
	v23 =	vmul.bf16 v23, v21;
	v21 =	vunpack.i.l.bf16.f32 v19  }
0x3be: {  	s11 =	simm.s32 $0x1;
	s15 =	simm.s32 $0xCA40;
	v11 =	vld [tilespmem:s10+$0x90];
	v24 =	vadd.f32 v25, v27;
	v14 =	vadd.f32 v21, v26;
	v21 =	vmul.bf16 v61, v22  }
.LBB2_19:
0x3bf: {  	p0 =	sne.s32 s11, $0x4F  }
0x3c0: {  	v25 =	vunpack.i.l.bf16.f32 v23;
	v19 =	vunpack.i.u.bf16.f32 v19;
	v16 =	vmul.bf16 v16, v22;
	v22 =	vld [tilespmem:s10+$0xB0];
	s15 =	sadd.s32 $0x200, s15;
	s9 =	smov.u32 s11;
	s11 =	sadd.s32 $0x1, s11  }
0x3c1: {  	v23 =	vunpack.i.u.bf16.f32 v23;
	v24 =	vadd.f32 v25, v24;
	v17 =	vadd.f32 v19, v17;
	v19 =	vld [tilespmem:s10+$0xA0]  }
0x3c2: {  	v20 =	vadd.f32 v23, v20;
	v23 =	vunpack.i.l.bf16.f32 v21;
	v18 =	vpack.i.f32.bf16 v18, v18;
	v9 =	vld.idx.msk [tilespmem:v9+s22+$0x0], $0xffff  }
0x3c3: {  	v15 =	vpack.i.f32.bf16 v15, v15;
	v21 =	vunpack.i.u.bf16.f32 v21;
	v23 =	vadd.f32 v23, v24;
	v24 =	vld [tilespmem:s10+$0xD0]  }
0x3c4: {  	v20 =	vadd.f32 v21, v20;
	v21 =	vunpack.i.u.bf16.f32 v16;
	v16 =	vunpack.i.l.bf16.f32 v16;
	v8 =	vld.idx.msk [tilespmem:v8+s22+$0x0], $0xffff  }
0x3c5: {  	v10 =	vmul.bf16 v10, v15;
	v11 =	vmul.bf16 v11, v15;
	v14 =	vadd.f32 v16, v14  }
0x3c6: {  	v15 =	vadd.f32 v21, v17;
	v17 =	vmul.bf16 v22, v18;
	v16 =	vmul.bf16 v19, v18;
	v18 =	vld [tilespmem:s10+$0xE0]  }
0x3c7: {  	v21 =	vunpack.i.l.bf16.f32 v11;
	v19 =	vunpack.i.u.bf16.f32 v10;
	v10 =	vunpack.i.l.bf16.f32 v10;
	v22 =	vld [tilespmem:s10+$0xC0]  }
0x3c8: {  	v11 =	vunpack.i.u.bf16.f32 v11;
	v14 =	vadd.f32 v21, v14;
	v9 =	vpack.i.f32.bf16 v9, v9;
	v21 =	vld [tilespmem:s10+$0xF0];
	s10 =	smov.u32 s15  }
0x3c9: {  	v19 =	vadd.f32 v19, v20;
	v20 =	vunpack.i.l.bf16.f32 v17;
	v24 =	vmul.bf16 v24, v9  }
0x3ca: {  	v25 =	vunpack.i.u.bf16.f32 v16;
	v14 =	vadd.f32 v20, v14;
	v8 =	vpack.i.f32.bf16 v8, v8  }
0x3cb: {  	v16 =	vunpack.i.l.bf16.f32 v16;
	v19 =	vadd.f32 v25, v19;
	v18 =	vmul.bf16 v18, v8  }
0x3cc: {  	v10 =	vadd.f32 v10, v23;
	v20 =	vunpack.i.l.bf16.f32 v24;
	v9 =	vmul.bf16 v22, v9  }
0x3cd: {  	v11 =	vadd.f32 v11, v15;
	v14 =	vadd.f32 v20, v14;
	v8 =	vmul.bf16 v21, v8  }
0x3ce: {  	v15 =	vunpack.i.u.bf16.f32 v17;
	v10 =	vadd.f32 v16, v10;
	v7 =	vld.idx.msk [tilespmem:v7+s30+$0x0], $0xffff;
	v16 =	vunpack.i.u.bf16.f32 v9  }
0x3cf: {  	v11 =	vadd.f32 v15, v11;
	v15 =	vadd.f32 v16, v19;
	v16 =	vunpack.i.u.bf16.f32 v18  }
0x3d0: {  	v17 =	vunpack.i.u.bf16.f32 v24;
	v9 =	vunpack.i.l.bf16.f32 v9;
	v19 =	vunpack.i.l.bf16.f32 v8  }
0x3d1: {  	v9 =	vadd.f32 v9, v10;
	v10 =	vadd.f32 v17, v11;
	v11 =	vunpack.i.l.bf16.f32 v18  }
0x3d2: {  	v8 =	vunpack.i.u.bf16.f32 v8;
	v14 =	vadd.f32 v19, v14;
	v15 =	vadd.f32 v16, v15  }
0x3d3: {  	v9 =	vadd.f32 v11, v9;
	v8 =	vadd.f32 v8, v10;
	v10 =	vor.u32 v4, v6  }
0x3d4: {  	v11 =	vor.u32 v5, v6  }
0x3d5: {  	v6 =	vmul.f32 v9, v7;
	v9 =	vmul.f32 v15, v7  }
0x3d6: {  	v14 =	vmul.f32 v14, v7;
	v8 =	vmul.f32 v8, v7  }
0x3d7: {  	[tilespmem:v13+s31+$0x0] =	vst.idx.msk $0xffff, v6  }
0x3d8: {  	[tilespmem:v12+s31+$0x0] =	vst.idx.msk $0xffff, v9  }
0x3d9: {  	v7 =	vmov s9;
	[tilespmem:v10+s31+$0x0] =	vst.idx.msk $0xffff, v14  }
0x3da: {  	v6 =	vshll.u32 v7, $0x6;
	v10 =	vshll.u32 v7, $0x4;
	[tilespmem:v11+s31+$0x0] =	vst.idx.msk $0xffff, v8  }
0x3db: {  	v11 =	vor.u32 $0x1, v10;
	v17 =	vor.u32 $0x2, v10;
	v18 =	vor.u32 $0x7, v10;
	v19 =	vld [tilespmem:s15+$0xFFFFFFF0]  }
0x3dc: {  	v21 =	vor.u32 $0x4, v10;
	v22 =	vor.u32 $0x5, v10;
	v23 =	vor.u32 $0x6, v10;
	v20 =	vld [tilespmem:s15+$0xFFFFFF20]  }
0x3dd: {  	v25 =	vor.u32 $0x8, v10;
	v16 =	vor.u32 $0x9, v10;
	v13 =	vor.u32 $0xA, v10;
	v24 =	vld [tilespmem:s15+$0xFFFFFF10]  }
0x3de: {  	v12 =	vor.u32 $0xB, v10;
	v15 =	vor.u32 $0xC, v10;
	v14 =	vor.u32 $0xD, v10;
	v26 =	vld [tilespmem:s15+$0xFFFFFF00]  }
0x3df: {  	v9 =	vor.u32 $0xE, v10;
	v8 =	vor.u32 $0xF, v10;
	v27 =	vld.idx.msk [tilespmem:v10+s22+$0x0], $0xffff  }
0x3e0: {  	v18 =	vld.idx.msk [tilespmem:v18+s22+$0x0], $0xffff  }
0x3e1: {  	v11 =	vld.idx.msk [tilespmem:v11+s22+$0x0], $0xffff  }
0x3e2: {  	v28 =	vor.u32 $0x3, v10;
	v29 =	vld [tilespmem:s15+$0xFFFFFFE0]  }
0x3e3: {  	v17 =	vld.idx.msk [tilespmem:v17+s22+$0x0], $0xffff  }
0x3e4: {  	v10 =	vld [tilespmem:s15+$0x80]  }
0x3e5: {  	v27 =	vpack.i.f32.bf16 v27, v27;
	v30 =	vld [tilespmem:s15+$0xFFFFFF50]  }
0x3e6: {  	v26 =	vmul.bf16 v26, v27;
	v24 =	vmul.bf16 v24, v27;
	v18 =	vpack.i.f32.bf16 v18, v18;
	v27 =	vld [tilespmem:s15+$0xFFFFFF40]  }
0x3e7: {  	v31 =	vpack.i.f32.bf16 v11, v11;
	v28 =	vld.idx.msk [tilespmem:v28+s22+$0x0], $0xffff;
	v29 =	vmul.bf16 v29, v18;
	v18 =	vmul.bf16 v19, v18  }
0x3e8: {  	v11 =	vunpack.i.l.bf16.f32 v26;
	v19 =	vunpack.i.u.bf16.f32 v24;
	v20 =	vmul.bf16 v20, v31;
	v32 =	vld [tilespmem:s15+$0xFFFFFF30]  }
0x3e9: {  	v26 =	vunpack.i.u.bf16.f32 v26;
	v11 =	vadd.f32 $0.0e+00, v11;
	v33 =	vld [tilespmem:s15+$0xFFFFFF70];
	v34 =	vunpack.i.u.bf16.f32 v18  }
0x3ea: {  	v19 =	vadd.f32 $0.0e+00, v19;
	v35 =	vunpack.i.u.bf16.f32 v20;
	v20 =	vunpack.i.l.bf16.f32 v20;
	v36 =	vld [tilespmem:s15+$0xFFFFFF60]  }
0x3eb: {  	v24 =	vunpack.i.l.bf16.f32 v24;
	v26 =	vadd.f32 $0.0e+00, v26;
	v20 =	vadd.f32 v20, v11;
	v21 =	vld.idx.msk [tilespmem:v21+s22+$0x0], $0xffff  }
0x3ec: {  	v24 =	vadd.f32 $0.0e+00, v24;
	v17 =	vpack.i.f32.bf16 v17, v17;
	v11 =	vld [tilespmem:s15+$0x90]  }
0x3ed: {  	v26 =	vadd.f32 v35, v26;
	v28 =	vpack.i.f32.bf16 v28, v28;
	v31 =	vmul.bf16 v32, v31;
	v22 =	vld.idx.msk [tilespmem:v22+s22+$0x0], $0xffff  }
0x3ee: {  	v30 =	vmul.bf16 v30, v17;
	v32 =	vmul.bf16 v33, v28;
	v33 =	vunpack.i.u.bf16.f32 v29  }
0x3ef: {  	v17 =	vmul.bf16 v27, v17;
	v35 =	vunpack.i.u.bf16.f32 v31;
	v27 =	vld [tilespmem:s15+$0xFFFFFF90]  }
0x3f0: {  	v37 =	vunpack.i.l.bf16.f32 v30;
	v31 =	vunpack.i.l.bf16.f32 v31;
	v28 =	vmul.bf16 v36, v28;
	v36 =	vld [tilespmem:s15+$0xFFFFFFA0]  }
0x3f1: {  	v30 =	vunpack.i.u.bf16.f32 v30;
	v19 =	vadd.f32 v35, v19;
	v35 =	vunpack.i.l.bf16.f32 v17;
	v38 =	vld [tilespmem:s15+$0xFFFFFF80]  }
0x3f2: {  	v17 =	vunpack.i.u.bf16.f32 v17;
	v39 =	vunpack.i.u.bf16.f32 v28;
	v28 =	vunpack.i.l.bf16.f32 v28;
	v40 =	vld [tilespmem:s15+$0xFFFFFFB0]  }
0x3f3: {  	v17 =	vadd.f32 v17, v26;
	v26 =	vunpack.i.u.bf16.f32 v32;
	v22 =	vpack.i.f32.bf16 v22, v22;
	v23 =	vld.idx.msk [tilespmem:v23+s22+$0x0], $0xffff  }
0x3f4: {  	v20 =	vadd.f32 v35, v20;
	v19 =	vadd.f32 v30, v19;
	v30 =	vunpack.i.l.bf16.f32 v32  }
0x3f5: {  	v21 =	vpack.i.f32.bf16 v21, v21;
	v17 =	vadd.f32 v39, v17;
	v32 =	vmul.bf16 v36, v22  }
0x3f6: {  	v24 =	vadd.f32 v31, v24;
	v31 =	vmul.bf16 v38, v21;
	v21 =	vmul.bf16 v27, v21  }
0x3f7: {  	v20 =	vadd.f32 v28, v20;
	v28 =	vunpack.i.l.bf16.f32 v29;
	v22 =	vmul.bf16 v40, v22;
	v27 =	vld [tilespmem:s15+$0xFFFFFFC0]  }
0x3f8: {  	v19 =	vadd.f32 v26, v19;
	v29 =	vunpack.i.l.bf16.f32 v32;
	v26 =	vunpack.i.u.bf16.f32 v31;
	v35 =	vld [tilespmem:s15+$0xFFFFFFD0]  }
0x3f9: {  	v24 =	vadd.f32 v37, v24;
	v32 =	vunpack.i.u.bf16.f32 v32;
	v36 =	vunpack.i.l.bf16.f32 v22;
	v25 =	vld.idx.msk [tilespmem:v25+s22+$0x0], $0xffff  }
0x3fa: {  	v31 =	vunpack.i.l.bf16.f32 v31;
	v37 =	vunpack.i.u.bf16.f32 v21;
	v21 =	vunpack.i.l.bf16.f32 v21  }
0x3fb: {  	v24 =	vadd.f32 v30, v24;
	v23 =	vpack.i.f32.bf16 v23, v23;
	v19 =	vadd.f32 v37, v19  }
0x3fc: {  	v20 =	vadd.f32 v31, v20;
	v17 =	vadd.f32 v26, v17;
	v26 =	vmul.bf16 v27, v23;
	v27 =	vld [tilespmem:s15+$0x0]  }
0x3fd: {  	v21 =	vadd.f32 v21, v24;
	v22 =	vunpack.i.u.bf16.f32 v22;
	v23 =	vmul.bf16 v35, v23;
	v16 =	vld.idx.msk [tilespmem:v16+s22+$0x0], $0xffff  }
0x3fe: {  	v17 =	vadd.f32 v32, v17;
	v19 =	vadd.f32 v22, v19;
	v22 =	vunpack.i.u.bf16.f32 v26;
	v24 =	vld [tilespmem:s15+$0x10]  }
0x3ff: {  	v20 =	vadd.f32 v29, v20;
	v26 =	vunpack.i.l.bf16.f32 v26;
	v25 =	vpack.i.f32.bf16 v25, v25  }
0x400: {  	v21 =	vadd.f32 v36, v21;
	v17 =	vadd.f32 v22, v17;
	v22 =	vunpack.i.u.bf16.f32 v23;
	v29 =	vld [tilespmem:s15+$0x30]  }
0x401: {  	v18 =	vunpack.i.l.bf16.f32 v18;
	v20 =	vadd.f32 v26, v20;
	v19 =	vadd.f32 v22, v19;
	v13 =	vld.idx.msk [tilespmem:v13+s22+$0x0], $0xffff  }
0x402: {  	v22 =	vunpack.i.l.bf16.f32 v23;
	v17 =	vadd.f32 v33, v17;
	v23 =	vmul.bf16 v27, v25;
	v26 =	vld [tilespmem:s15+$0x20]  }
0x403: {  	v21 =	vadd.f32 v22, v21;
	v19 =	vadd.f32 v34, v19;
	v22 =	vmul.bf16 v24, v25  }
0x404: {  	v20 =	vadd.f32 v28, v20;
	v24 =	vunpack.i.u.bf16.f32 v23;
	v23 =	vunpack.i.l.bf16.f32 v23;
	v25 =	vld [tilespmem:s15+$0x50]  }
0x405: {  	v27 =	vpack.i.f32.bf16 v16, v16;
	v24 =	vadd.f32 v24, v17;
	v17 =	vunpack.i.u.bf16.f32 v22;
	v28 =	vld.idx.msk [tilespmem:v12+s22+$0x0], $0xffff  }
0x406: {  	v22 =	vunpack.i.l.bf16.f32 v22;
	v29 =	vmul.bf16 v29, v27;
	v17 =	vadd.f32 v17, v19;
	v16 =	vld [tilespmem:s15+$0x70]  }
0x407: {  	v18 =	vadd.f32 v18, v21;
	v21 =	vadd.f32 v23, v20;
	v20 =	vmul.bf16 v26, v27;
	v23 =	vld [tilespmem:s15+$0x40]  }
0x408: {  	v12 =	vor.u32 v3, v6;
	v26 =	vpack.i.f32.bf16 v13, v13;
	v13 =	vor.u32 v1, v6;
	v27 =	vld [tilespmem:s15+$0x60]  }
.Ltmp8:
0x409: {  	v22 =	vadd.f32 v22, v18;
	v18 =	vunpack.i.u.bf16.f32 v29;
	v19 =	vmul.bf16 v25, v26;
	v15 =	vld.idx.msk [tilespmem:v15+s22+$0x0], $0xffff;
	(pc) =	sbr.rel @p0 .LBB2_19-.Ltmp8, $4  }
0x40a: {  	v29 =	vunpack.i.l.bf16.f32 v29;
	v17 =	vadd.f32 v18, v17;
	v25 =	vunpack.i.u.bf16.f32 v20;
	v18 =	vld.idx.msk [tilespmem:v14+s22+$0x0], $0xffff  }
0x40b: {  	v29 =	vadd.f32 v29, v22;
	v14 =	vunpack.i.l.bf16.f32 v20;
	v22 =	vpack.i.f32.bf16 v28, v28  }
0x40c: {  	v20 =	vadd.f32 v25, v24;
	v25 =	vunpack.i.l.bf16.f32 v19;
	v23 =	vmul.bf16 v23, v26  }
0x40d: {  	v24 =	vadd.f32 v14, v21;
	v14 =	vadd.f32 v25, v29;
	v21 =	vmul.bf16 v27, v22  }
0x40e: {  	_ =	sdelay $0x1  }
0x40f: {  	v25 =	vunpack.i.l.bf16.f32 v23;
	v37 =	vld [tilespmem:s10+$0xB0]  }
0x410: {  	v19 =	vunpack.i.u.bf16.f32 v19;
	v38 =	vunpack.i.u.bf16.f32 v23;
	v16 =	vmul.bf16 v16, v22;
	v39 =	vld [tilespmem:s10+$0xA0]  }
0x411: {  	v9 =	vld.idx.msk [tilespmem:v9+s22+$0x0], $0xffff;
	v15 =	vpack.i.f32.bf16 v15, v15;
	v62 =	vor.u32 v4, v6;
	v24 =	vadd.f32 v25, v24  }
0x412: {  	v42 =	vld [tilespmem:s10+$0xD0];
	v6 =	vor.u32 v5, v6;
	v17 =	vadd.f32 v19, v17;
	v20 =	vadd.f32 v38, v20  }
0x413: {  	v8 =	vld.idx.msk [tilespmem:v8+s22+$0x0], $0xffff;
	v40 =	vunpack.i.l.bf16.f32 v21;
	v18 =	vpack.i.f32.bf16 v18, v18;
	v41 =	vunpack.i.u.bf16.f32 v21  }
0x414: {  	v47 =	vld [tilespmem:s10+$0xE0];
	v10 =	vmul.bf16 v10, v15;
	v11 =	vmul.bf16 v11, v15;
	v43 =	vunpack.i.u.bf16.f32 v16  }
0x415: {  	v50 =	vld [tilespmem:s10+$0xC0];
	v16 =	vunpack.i.l.bf16.f32 v16;
	v22 =	vadd.f32 v40, v24;
	v20 =	vadd.f32 v41, v20  }
0x416: {  	v53 =	vld [tilespmem:s10+$0xF0];
	v14 =	vadd.f32 v16, v14;
	v44 =	vadd.f32 v43, v17;
	v48 =	vunpack.i.u.bf16.f32 v10  }
0x417: {  	v10 =	vunpack.i.l.bf16.f32 v10;
	v49 =	vunpack.i.l.bf16.f32 v11;
	v11 =	vunpack.i.u.bf16.f32 v11  }
0x418: {  	v45 =	vmul.bf16 v39, v18;
	v46 =	vmul.bf16 v37, v18;
	v14 =	vadd.f32 v49, v14  }
0x419: {  	v9 =	vpack.i.f32.bf16 v9, v9;
	v19 =	vadd.f32 v48, v20;
	v8 =	vpack.i.f32.bf16 v8, v8  }
0x41a: {  	v10 =	vadd.f32 v10, v22;
	v21 =	vmul.bf16 v42, v9;
	v18 =	vmul.bf16 v47, v8  }
0x41b: {  	v11 =	vadd.f32 v11, v44;
	v9 =	vmul.bf16 v50, v9;
	v8 =	vmul.bf16 v53, v8  }
0x41c: {  	v51 =	vunpack.i.l.bf16.f32 v46;
	v52 =	vunpack.i.u.bf16.f32 v45;
	v16 =	vunpack.i.l.bf16.f32 v45  }
0x41d: {  	v55 =	vunpack.i.u.bf16.f32 v46;
	v14 =	vadd.f32 v51, v14;
	v10 =	vadd.f32 v16, v10  }
0x41e: {  	v7 =	vld.idx.msk [tilespmem:v7+s30+$0x0], $0xffff;
	v19 =	vadd.f32 v52, v19;
	v56 =	vunpack.i.u.bf16.f32 v9;
	v9 =	vunpack.i.l.bf16.f32 v9  }
0x41f: {  	v54 =	vunpack.i.l.bf16.f32 v21;
	v11 =	vadd.f32 v55, v11;
	v9 =	vadd.f32 v9, v10  }
0x420: {  	v58 =	vunpack.i.u.bf16.f32 v18;
	v60 =	vunpack.i.l.bf16.f32 v18;
	v57 =	vadd.f32 v56, v19  }
0x421: {  	v59 =	vunpack.i.u.bf16.f32 v21;
	v14 =	vadd.f32 v54, v14;
	v9 =	vadd.f32 v60, v9  }
0x422: {  	v61 =	vunpack.i.l.bf16.f32 v8;
	v11 =	vadd.f32 v59, v11;
	v10 =	vadd.f32 v58, v57  }
0x423: {  	s1 =	sadd.s32 $0x1, s1;
	v8 =	vunpack.i.u.bf16.f32 v8;
	v14 =	vadd.f32 v61, v14;
	v9 =	vmul.f32 v9, v7  }
0x424: {  	p0 =	sne.s32 s1, $0x10;
	v8 =	vadd.f32 v8, v11;
	v10 =	vmul.f32 v10, v7  }
.Ltmp9:
0x425: {  	v63 =	vmul.f32 v14, v7;
	[tilespmem:v13+s31+$0x0] =	vst.idx.msk $0xffff, v9;
	(pc) =	sbr.rel @p0 .LBB2_6-.Ltmp9, $4  }
0x426: {  	s9 =	sshll.u32 s14, $0x3;
	v7 =	vmul.f32 v8, v7;
	[tilespmem:v12+s31+$0x0] =	vst.idx.msk $0xffff, v10  }
0x427: {  	s9 =	sand.u32 $0x1FFFFF80, s9;
	[tilespmem:v62+s31+$0x0] =	vst.idx.msk $0xffff, v63  }
0x428: {  	s9 =	sadd.s32 s2, s9;
	[tilespmem:v6+s31+$0x0] =	vst.idx.msk $0xffff, v7  }
0x429: {  	[hbm4b:s9+s3] =	stream.linear.scatter [tilespmem:s31], [sflag:$0x8], $0x1400, $0x38;
	[tilespmem:$0x19140] =	vst v63  }
0x42a: {  	s1 =	simm.s32 $0x7  }
0x42b: {  	_ =	swait.ge [sflag:s1], $0x1400  }
0x42c: {  	[sflag:s1] =	ssyncset.done $0x0  }
0x42d: {  	s9 =	simm.s32 $0x8;
	[sflag:s1] =	ssyncadd.s32 $0xFFFFEC00  }
0x42e: {  	_ =	swait.ge [sflag:s9], $0x1400  }
0x42f: {  	s10 =	rddreg [dreg:$0xa]  }
0x430: {  	s18 =	rddreg [dreg:$0x7];
	s10 =	sadd.s32 $0x1, s10  }
0x431: {  	p0 =	sne.s32 s10, s18  }
.Ltmp10:
0x432: {  	_ = 	snop;
	(pc) =	sbr.rel @p0 .LBB2_1-.Ltmp10, $3  }
0x433: {  	_ =	sdelay $0x1  }
0x434: {  	[sflag:s9] =	ssyncset.done $0x0  }
0x435: {  	[sflag:s9] =	ssyncadd.s32 $0xFFFFEC00  }
0x436: {  	_ =	sfence.sel $0x180000  }
0x437: {  	[bflag:$0x0] =	sbarrier.arrive $0xFFFF  }
0x438: {  	_ =	strace $0x90000047  }
0x439: {  	s0 =	stileid.u32;
	[bflag:$0x2] =	sbarrier.arrive $0xFFFF  }
0x43a: {  	p0 =	sne.s32 s0, $0x0;
	s0 =	rddreg [dreg:$0x2]  }
0x43b: {  	s0 =	sadd.s32 @!p0 $0x100000, s0  }
0x43c: {  	[sflag:s0] =	ssyncadd.tile.s32 @!p0 $0x1;
	_ =	shalt  }
.Lfunc_end2:
_tile_overlayer_lowered:
.L_overlay_start_2:
0x43d: {  	(tag) =	ssettag $0x2  }
0x43e: {  	s0 =	rddreg [dreg:$0x0];
	s2 =	stileid.u32  }
0x43f: {  	s1 =	rddreg [dreg:$0x1];
	p0 =	sne.s32 s2, $0x0  }
0x440: {  	s3 =	rddreg [dreg:$0x2];
	[bflag:$0x3] =	sbarrier.arrive $0xFFFF;
	s2 =	simm.s32 @!p0 $0x1C09  }
0x441: {  	[timem:s3], [sflag:s2] =	dma.local @!p0 [hbm:s0], s1  }
0x442: {  	s0 =	simm.s32 @!p0 $0x9  }
0x443: {  	_ =	swait.ge @!p0 [sflag:s0], s1  }
0x444: {  	s1 =	ssub.s32 @!p0 $0x0, s1;
	[sflag:s0] =	ssyncset.done @!p0 $0x0  }
0x445: {  	[sflag:s0] =	ssyncadd.s32 @!p0 s1  }
0x446: {  	[bflag:$0x3] =	sbarrier.arrive $0xFFFF  }
0x447: {  	_ =	shalt  }

</sc_bundles>
